<compile_context>
chip_gen: v7x
topology: tpu7x:2x2x1
jax: 0.10.2.dev20260603
libtpu: 0.0.44.dev20260713+nightly
codegen_flags: <defaults>
</compile_context>

<pallas_src>
import functools

import jax
import jax.numpy as jnp
from jax import lax
from jax.experimental import pallas as pl
from jax.experimental.pallas import tpu as pltpu
from jax.experimental.pallas import tpu_sc as plsc

N = 10000
E = 320000
FEAT = 128
HID = 128
EMB = 128

NC = 2
NS = 16
NW = NC * NS
EPW = E // NW
CHUNK = 50
NCHUNK = EPW // CHUNK
NSLOT = 4
NIT = NCHUNK // NSLOT
ACC_N = 10240
RPT = ACC_N // NS

NCHES = E // CHUNK


def _sc_agg_body(h_hbm, idx_hbm, zeros_hbm, out_hbm,
                 sring, dring, rows, acc_sh, isrc, idst, gsem, ssem):
    c = lax.axis_index("c")
    s = lax.axis_index("s")
    wb = (c * NS + s) * NCHUNK

    def six(j, k):
        pltpu.async_copy(idx_hbm.at[wb + j], sring.at[pl.ds(k, 1)],
                         isrc.at[k])

    def wsix(j, k):
        pltpu.make_async_copy(idx_hbm.at[wb + j], sring.at[pl.ds(k, 1)],
                              isrc.at[k]).wait()

    def dix(j, k):
        pltpu.async_copy(idx_hbm.at[NCHES + wb + j], dring.at[pl.ds(k, 1)],
                         idst.at[k])

    def wdix(j, k):
        pltpu.make_async_copy(idx_hbm.at[NCHES + wb + j],
                              dring.at[pl.ds(k, 1)], idst.at[k]).wait()

    def sg(j, k):
        pltpu.async_copy(h_hbm.at[sring.at[k]], rows.at[k], gsem.at[k])

    def wg(j, k):
        pltpu.make_async_copy(h_hbm.at[sring.at[k]], rows.at[k],
                              gsem.at[k]).wait()

    def ss(j, k):
        pltpu.async_copy(rows.at[k], acc_sh.at[dring.at[k]], ssem.at[k],
                         add=True)

    def ws(j, k):
        pltpu.make_async_copy(rows.at[k], acc_sh.at[dring.at[k]],
                              ssem.at[k]).wait()

    for k in range(NSLOT):
        six(k, k)
    dix(0, 0)
    dix(1, 1)
    wsix(0, 0)
    sg(0, 0)
    wsix(1, 1)
    sg(1, 1)
    pltpu.sync_copy(zeros_hbm, acc_sh.at[pl.ds(s * RPT, RPT)])
    plsc.subcore_barrier()

    def body(t, carry):
        for k in range(NSLOT):
            j = NSLOT * t + k
            wg(j, k)
            wdix(j, k)
            ss(j, k)

            @pl.when(t < NIT - 1)
            def _():
                six(j + NSLOT, k)

            kk = (k + 2) % NSLOT
            if k >= 2:
                ws(j - 2, kk)
                @pl.when(t < NIT - 1)
                def _():
                    dix(j + 2, kk)
                    wsix(j + 2, kk)
                    sg(j + 2, kk)
            else:
                @pl.when(t > 0)
                def _():
                    ws(j - 2, kk)
                dix(j + 2, kk)
                wsix(j + 2, kk)
                sg(j + 2, kk)
        return carry

    lax.fori_loop(0, NIT, body, 0)
    ws(NCHUNK - 2, 2)
    ws(NCHUNK - 1, 3)
    plsc.subcore_barrier()
    pltpu.sync_copy(acc_sh.at[pl.ds(s * RPT, RPT)],
                    out_hbm.at[c].at[pl.ds(s * RPT, RPT)])


@functools.cache
def _sc_agg_call():
    mesh = plsc.VectorSubcoreMesh(core_axis_name="c", subcore_axis_name="s",
                                  num_cores=NC, num_subcores=NS)
    return pl.kernel(
        _sc_agg_body,
        out_type=jax.ShapeDtypeStruct((NC, ACC_N, HID), jnp.float32),
        mesh=mesh,
        scratch_types=[
            pltpu.VMEM((NSLOT, CHUNK), jnp.int32),
            pltpu.VMEM((NSLOT, CHUNK), jnp.int32),
            pltpu.VMEM((NSLOT, CHUNK, HID), jnp.float32),
            pltpu.VMEM_SHARED((ACC_N, HID), jnp.float32),
            pltpu.SemaphoreType.DMA((NSLOT,)),
            pltpu.SemaphoreType.DMA((NSLOT,)),
            pltpu.SemaphoreType.DMA((NSLOT,)),
            pltpu.SemaphoreType.DMA((NSLOT,)),
        ],
    )


def _conv_body(h_ref, agg_ref, w1_ref, b1_ref, gnw_ref, gnb_ref, gnms_ref,
               w2_ref, b2_ref, out_ref):
    y = h_ref[...] + agg_ref[0, :N] + agg_ref[1, :N]
    z = jnp.dot(y, w1_ref[...], preferred_element_type=jnp.float32) + b1_ref[...]
    mean = jnp.mean(z, axis=0, keepdims=True)
    ctr = z - mean * gnms_ref[...]
    var = jnp.mean(ctr * ctr, axis=0, keepdims=True)
    zn = gnw_ref[...] * ctr * lax.rsqrt(var + 1e-5) + gnb_ref[...]
    zr = jnp.maximum(zn, 0.0)
    h2 = jnp.dot(zr, w2_ref[...], preferred_element_type=jnp.float32) + b2_ref[...]
    out_ref[...] = jnp.maximum(h2, 0.0)


_conv_call = pl.pallas_call(
    _conv_body,
    out_shape=jax.ShapeDtypeStruct((N, HID), jnp.float32),
)


def _convmlp_body(h_ref, agg_ref, w1_ref, b1_ref, gnw_ref, gnb_ref, gnms_ref,
                  w2_ref, b2_ref, x_ref, h1_ref, mw1_ref, mb1_ref, bnw_ref,
                  bnb_ref, mw2_ref, mb2_ref, out_ref):
    y = h_ref[...] + agg_ref[0, :N] + agg_ref[1, :N]
    z = jnp.dot(y, w1_ref[...], preferred_element_type=jnp.float32) + b1_ref[...]
    mean = jnp.mean(z, axis=0, keepdims=True)
    ctr = z - mean * gnms_ref[...]
    var = jnp.mean(ctr * ctr, axis=0, keepdims=True)
    zn = gnw_ref[...] * ctr * lax.rsqrt(var + 1e-5) + gnb_ref[...]
    zr = jnp.maximum(zn, 0.0)
    h3 = jnp.maximum(
        jnp.dot(zr, w2_ref[...], preferred_element_type=jnp.float32)
        + b2_ref[...], 0.0)
    z2 = (jnp.dot(x_ref[...], mw1_ref[0], preferred_element_type=jnp.float32)
          + jnp.dot(h1_ref[...], mw1_ref[1], preferred_element_type=jnp.float32)
          + jnp.dot(h_ref[...], mw1_ref[2], preferred_element_type=jnp.float32)
          + jnp.dot(h3, mw1_ref[3], preferred_element_type=jnp.float32)
          + mb1_ref[...])
    mean2 = jnp.mean(z2, axis=0, keepdims=True)
    ctr2 = z2 - mean2
    var2 = jnp.mean(ctr2 * ctr2, axis=0, keepdims=True)
    zn2 = bnw_ref[...] * ctr2 * lax.rsqrt(var2 + 1e-5) + bnb_ref[...]
    zr2 = jnp.maximum(zn2, 0.0)
    out_ref[...] = (jnp.dot(zr2, mw2_ref[...],
                            preferred_element_type=jnp.float32) + mb2_ref[...])


_convmlp_call = pl.pallas_call(
    _convmlp_body,
    out_shape=jax.ShapeDtypeStruct((N, EMB), jnp.float32),
)


def kernel(x, edge_index, params):
    idx3d = edge_index.reshape(2 * NCHES, 1, CHUNK)
    zeros = jnp.zeros((RPT, HID), jnp.float32)

    h = x
    hs = [x]
    for i in range(2):
        p = params['conv%d' % i]
        agg = _sc_agg_call()(h, idx3d, zeros)
        h = _conv_call(h, agg, p['W1'], p['b1'].reshape(1, HID),
                       p['gn_w'].reshape(1, HID), p['gn_b'].reshape(1, HID),
                       p['gn_ms'].reshape(1, HID), p['W2'],
                       p['b2'].reshape(1, HID))
        hs.append(h)

    p = params['conv2']
    m = params['mlp']
    agg = _sc_agg_call()(h, idx3d, zeros)
    return _convmlp_call(h, agg, p['W1'], p['b1'].reshape(1, HID),
                         p['gn_w'].reshape(1, HID), p['gn_b'].reshape(1, HID),
                         p['gn_ms'].reshape(1, HID), p['W2'],
                         p['b2'].reshape(1, HID), hs[0], hs[1],
                         m['W1'].reshape(4, HID, HID), m['b1'].reshape(1, HID),
                         m['bn_w'].reshape(1, HID), m['bn_b'].reshape(1, HID),
                         m['W2'], m['b2'].reshape(1, EMB))

# --- scband reference (transcript-rebuilt; emitter-appended) ---
"""Pipeline reference for scband-node-embedder-72507637891892 (READ-ONLY COPY).

The authoritative reference and input builder live on the scoring server;
editing this copy changes nothing except your own understanding.
"""

import jax, jax.numpy as jnp
import numpy as np

N = 10000
E = 320000
FEAT = 128
HID = 128
EMB = 128
NUM_CONVS = 3


def _glorot(key, shape):
    lim = np.sqrt(6.0 / (shape[0] + shape[1]))
    return jax.random.uniform(key, shape, jnp.float32, -lim, lim)


def setup_inputs(seed: int = 0) -> dict:
    key = jax.random.key(seed)
    ks = jax.random.split(key, 16)
    x = jax.random.normal(ks[0], (N, FEAT), jnp.float32)
    edge_index = jax.random.randint(ks[1], (2, E), 0, N, jnp.int32)
    params = {}
    k = 2
    for i in range(NUM_CONVS):
        in_dim = FEAT if i == 0 else HID
        params['conv%d' % i] = {
            'W1': _glorot(ks[k], (in_dim, HID)),
            'b1': jnp.zeros((HID,), jnp.float32),
            'gn_w': jnp.ones((HID,), jnp.float32),
            'gn_b': jnp.zeros((HID,), jnp.float32),
            'gn_ms': jnp.ones((HID,), jnp.float32),
            'W2': _glorot(ks[k + 1], (HID, HID)),
            'b2': jnp.zeros((HID,), jnp.float32),
        }
        k += 2
    pooled = FEAT + NUM_CONVS * HID
    params['mlp'] = {
        'W1': _glorot(ks[k], (pooled, HID)),
        'b1': jnp.zeros((HID,), jnp.float32),
        'bn_w': jnp.ones((HID,), jnp.float32),
        'bn_b': jnp.zeros((HID,), jnp.float32),
        'W2': _glorot(ks[k + 1], (HID, EMB)),
        'b2': jnp.zeros((EMB,), jnp.float32),
    }
    return {'x': x, 'edge_index': edge_index, 'params': params}


def _graph_norm(h, w, b, ms, eps=1e-5):
    # PyG GraphNorm over a single graph: mean-shift scaled by mean_scale, then var-normalize
    mean = jnp.mean(h, axis=0, keepdims=True)
    out = h - mean * ms
    var = jnp.mean(out * out, axis=0, keepdims=True)
    return w * out / jnp.sqrt(var + eps) + b


def _gin_conv(h, edge_index, p):
    src = edge_index[0]
    dst = edge_index[1]
    # sum aggregation of neighbor messages (gather + scatter-add)
    agg = jnp.zeros_like(h).at[dst].add(h[src])
    z = h + agg  # GINConv with eps=0: (1+eps)*x + aggr
    z = z @ p['W1'] + p['b1']
    z = _graph_norm(z, p['gn_w'], p['gn_b'], p['gn_ms'])
    z = jax.nn.relu(z)
    z = z @ p['W2'] + p['b2']
    return jax.nn.relu(z)


def _batch_norm(h, w, b, eps=1e-5):
    mean = jnp.mean(h, axis=0, keepdims=True)
    var = jnp.var(h, axis=0, keepdims=True)
    return w * (h - mean) / jnp.sqrt(var + eps) + b


def _forward(x, params, edge_index):
    h = x
    jump = [x]  # do_preprocess=False -> jump_xs starts with [X]
    for i in range(NUM_CONVS):
        h = _gin_conv(h, edge_index, params['conv%d' % i])
        jump.append(h)
    # JumpingKnowledge mode='cat'
    h = jnp.concatenate(jump, axis=1)
    # dropout p=0.0 -> identity
    m = params['mlp']
    z = h @ m['W1'] + m['b1']
    z = _batch_norm(z, m['bn_w'], m['bn_b'])
    z = jax.nn.relu(z)
    z = z @ m['W2'] + m['b2']
    return z


def reference(x, edge_index, params):
    return _forward(x, params, edge_index)

if __name__ == "__main__":
    import jax
    _d = setup_inputs()
    print(jax.jit(kernel)(*tuple(_d.values())))

</pallas_src>

<mosaic_0001>
#map = affine_map<(d0, d1) -> (0, 0)>
#map1 = affine_map<(d0, d1) -> (0, 0, 0)>
module attributes {stable_mosaic.version = 14 : i64} {
  func.func @_sc_agg_body(%arg0: i32, %arg1: i32, %arg2: memref<10000x128xf32, #tpu.memory_space<hbm>>, %arg3: memref<12800x1x50xi32, #tpu.memory_space<hbm>>, %arg4: memref<640x128xf32, #tpu.memory_space<hbm>>, %arg5: memref<2x10240x128xf32, #tpu.memory_space<hbm>>, %arg6: memref<4x50xi32, #tpu.memory_space<vmem>>, %arg7: memref<4x50xi32, #tpu.memory_space<vmem>>, %arg8: memref<4x50x128xf32, #tpu.memory_space<vmem>>, %arg9: memref<10240x128xf32, #tpu.memory_space<vmem_shared>>, %arg10: memref<4x!tpu.dma_semaphore, #tpu.memory_space<semaphore_mem>>, %arg11: memref<4x!tpu.dma_semaphore, #tpu.memory_space<semaphore_mem>>, %arg12: memref<4x!tpu.dma_semaphore, #tpu.memory_space<semaphore_mem>>, %arg13: memref<4x!tpu.dma_semaphore, #tpu.memory_space<semaphore_mem>>) attributes {dimension_semantics = [#tpu.dimension_semantics<core_parallel>, #tpu.dimension_semantics<subcore_parallel>], iteration_bounds = array<i64: 2, 16>, scalar_prefetch = 0 : i64, scratch_operands = 8 : i64, tpu.core_type = #tpu.core_type<sc_vector_subcore>, window_params = [{transform_indices = #map}, {transform_indices = #map1}, {transform_indices = #map}, {transform_indices = #map1}]} {
    %mul3A = arith.constant 16 : i32
    %mul3A_0 = arith.muli %arg0, %mul3A : i32
    %add3A = arith.addi %mul3A_0, %arg1 : i32
    %mul3A_1 = arith.constant 200 : i32
    %mul3A_2 = arith.muli %add3A, %mul3A_1 : i32
    %add3A_3 = arith.constant 0 : i32
    %add3A_4 = arith.addi %mul3A_2, %add3A_3 : i32
    %dma_start3A = arith.constant 0 : i32
    %dma_start3A_5 = arith.constant 0 : i32
    %dma_start3A_6 = arith.constant 0 : i32
    %dma_start3A_7 = tpu.memref_slice %arg6[%dma_start3A_5, %dma_start3A_6] : memref<4x50xi32, #tpu.memory_space<vmem>> -> memref<1x50xi32, #tpu.memory_space<vmem>>
    %dma_start3A_8 = arith.constant 0 : i32
    %dma_start3A_9 = arith.constant 0 : i32
    %dma_start3A_10 = tpu.memref_slice %arg3[%add3A_4, %dma_start3A_8, %dma_start3A_9] : memref<12800x1x50xi32, #tpu.memory_space<hbm>> -> memref<1x1x50xi32, #tpu.memory_space<hbm>>
    %dma_start3A_11 = tpu.memref_squeeze %dma_start3A_10 : memref<1x1x50xi32, #tpu.memory_space<hbm>> -> memref<1x50xi32, #tpu.memory_space<hbm>>
    %dma_start3A_12 = tpu.memref_slice %arg10[%dma_start3A] : memref<4x!tpu.dma_semaphore, #tpu.memory_space<semaphore_mem>> -> memref<1x!tpu.dma_semaphore, #tpu.memory_space<semaphore_mem>>
    %dma_start3A_13 = tpu.memref_squeeze %dma_start3A_12 : memref<1x!tpu.dma_semaphore, #tpu.memory_space<semaphore_mem>> -> memref<!tpu.dma_semaphore, #tpu.memory_space<semaphore_mem>>
    %dma_start3A_14 = arith.constant 0 : i32
    %dma_start3A_15 = arith.constant 0 : i32
    %dma_start3A_16 = tpu.memref_slice %arg6[%dma_start3A_14, %dma_start3A_15] : memref<4x50xi32, #tpu.memory_space<vmem>> -> memref<1x50xi32, #tpu.memory_space<vmem>>
    %dma_start3A_17 = arith.constant 0 : i32
    %dma_start3A_18 = arith.constant 0 : i32
    %dma_start3A_19 = tpu.memref_slice %arg3[%add3A_4, %dma_start3A_17, %dma_start3A_18] : memref<12800x1x50xi32, #tpu.memory_space<hbm>> -> memref<1x1x50xi32, #tpu.memory_space<hbm>>
    %dma_start3A_20 = tpu.memref_squeeze %dma_start3A_19 : memref<1x1x50xi32, #tpu.memory_space<hbm>> -> memref<1x50xi32, #tpu.memory_space<hbm>>
    tpu.enqueue_dma source(%dma_start3A_20 : memref<1x50xi32, #tpu.memory_space<hbm>>) target(%dma_start3A_16 : memref<1x50xi32, #tpu.memory_space<vmem>>) target_semaphore(%dma_start3A_13 : memref<!tpu.dma_semaphore, #tpu.memory_space<semaphore_mem>>)
    %add3A_21 = arith.constant 1 : i32
    %add3A_22 = arith.addi %mul3A_2, %add3A_21 : i32
    %dma_start3A_23 = arith.constant 1 : i32
    %dma_start3A_24 = arith.constant 1 : i32
    %dma_start3A_25 = arith.constant 0 : i32
    %dma_start3A_26 = tpu.memref_slice %arg6[%dma_start3A_24, %dma_start3A_25] : memref<4x50xi32, #tpu.memory_space<vmem>> -> memref<1x50xi32, #tpu.memory_space<vmem>>
    %dma_start3A_27 = arith.constant 0 : i32
    %dma_start3A_28 = arith.constant 0 : i32
    %dma_start3A_29 = tpu.memref_slice %arg3[%add3A_22, %dma_start3A_27, %dma_start3A_28] : memref<12800x1x50xi32, #tpu.memory_space<hbm>> -> memref<1x1x50xi32, #tpu.memory_space<hbm>>
    %dma_start3A_30 = tpu.memref_squeeze %dma_start3A_29 : memref<1x1x50xi32, #tpu.memory_space<hbm>> -> memref<1x50xi32, #tpu.memory_space<hbm>>
    %dma_start3A_31 = tpu.memref_slice %arg10[%dma_start3A_23] : memref<4x!tpu.dma_semaphore, #tpu.memory_space<semaphore_mem>> -> memref<1x!tpu.dma_semaphore, #tpu.memory_space<semaphore_mem>>
    %dma_start3A_32 = tpu.memref_squeeze %dma_start3A_31 : memref<1x!tpu.dma_semaphore, #tpu.memory_space<semaphore_mem>> -> memref<!tpu.dma_semaphore, #tpu.memory_space<semaphore_mem>>
    %dma_start3A_33 = arith.constant 1 : i32
    %dma_start3A_34 = arith.constant 0 : i32
    %dma_start3A_35 = tpu.memref_slice %arg6[%dma_start3A_33, %dma_start3A_34] : memref<4x50xi32, #tpu.memory_space<vmem>> -> memref<1x50xi32, #tpu.memory_space<vmem>>
    %dma_start3A_36 = arith.constant 0 : i32
    %dma_start3A_37 = arith.constant 0 : i32
    %dma_start3A_38 = tpu.memref_slice %arg3[%add3A_22, %dma_start3A_36, %dma_start3A_37] : memref<12800x1x50xi32, #tpu.memory_space<hbm>> -> memref<1x1x50xi32, #tpu.memory_space<hbm>>
    %dma_start3A_39 = tpu.memref_squeeze %dma_start3A_38 : memref<1x1x50xi32, #tpu.memory_space<hbm>> -> memref<1x50xi32, #tpu.memory_space<hbm>>
    tpu.enqueue_dma source(%dma_start3A_39 : memref<1x50xi32, #tpu.memory_space<hbm>>) target(%dma_start3A_35 : memref<1x50xi32, #tpu.memory_space<vmem>>) target_semaphore(%dma_start3A_32 : memref<!tpu.dma_semaphore, #tpu.memory_space<semaphore_mem>>)
    %add3A_40 = arith.constant 2 : i32
    %add3A_41 = arith.addi %mul3A_2, %add3A_40 : i32
    %dma_start3A_42 = arith.constant 2 : i32
    %dma_start3A_43 = arith.constant 2 : i32
    %dma_start3A_44 = arith.constant 0 : i32
    %dma_start3A_45 = tpu.memref_slice %arg6[%dma_start3A_43, %dma_start3A_44] : memref<4x50xi32, #tpu.memory_space<vmem>> -> memref<1x50xi32, #tpu.memory_space<vmem>>
    %dma_start3A_46 = arith.constant 0 : i32
    %dma_start3A_47 = arith.constant 0 : i32
    %dma_start3A_48 = tpu.memref_slice %arg3[%add3A_41, %dma_start3A_46, %dma_start3A_47] : memref<12800x1x50xi32, #tpu.memory_space<hbm>> -> memref<1x1x50xi32, #tpu.memory_space<hbm>>
    %dma_start3A_49 = tpu.memref_squeeze %dma_start3A_48 : memref<1x1x50xi32, #tpu.memory_space<hbm>> -> memref<1x50xi32, #tpu.memory_space<hbm>>
    %dma_start3A_50 = tpu.memref_slice %arg10[%dma_start3A_42] : memref<4x!tpu.dma_semaphore, #tpu.memory_space<semaphore_mem>> -> memref<1x!tpu.dma_semaphore, #tpu.memory_space<semaphore_mem>>
    %dma_start3A_51 = tpu.memref_squeeze %dma_start3A_50 : memref<1x!tpu.dma_semaphore, #tpu.memory_space<semaphore_mem>> -> memref<!tpu.dma_semaphore, #tpu.memory_space<semaphore_mem>>
    %dma_start3A_52 = arith.constant 2 : i32
    %dma_start3A_53 = arith.constant 0 : i32
    %dma_start3A_54 = tpu.memref_slice %arg6[%dma_start3A_52, %dma_start3A_53] : memref<4x50xi32, #tpu.memory_space<vmem>> -> memref<1x50xi32, #tpu.memory_space<vmem>>
    %dma_start3A_55 = arith.constant 0 : i32
    %dma_start3A_56 = arith.constant 0 : i32
    %dma_start3A_57 = tpu.memref_slice %arg3[%add3A_41, %dma_start3A_55, %dma_start3A_56] : memref<12800x1x50xi32, #tpu.memory_space<hbm>> -> memref<1x1x50xi32, #tpu.memory_space<hbm>>
    %dma_start3A_58 = tpu.memref_squeeze %dma_start3A_57 : memref<1x1x50xi32, #tpu.memory_space<hbm>> -> memref<1x50xi32, #tpu.memory_space<hbm>>
    tpu.enqueue_dma source(%dma_start3A_58 : memref<1x50xi32, #tpu.memory_space<hbm>>) target(%dma_start3A_54 : memref<1x50xi32, #tpu.memory_space<vmem>>) target_semaphore(%dma_start3A_51 : memref<!tpu.dma_semaphore, #tpu.memory_space<semaphore_mem>>)
    %add3A_59 = arith.constant 3 : i32
    %add3A_60 = arith.addi %mul3A_2, %add3A_59 : i32
    %dma_start3A_61 = arith.constant 3 : i32
    %dma_start3A_62 = arith.constant 3 : i32
    %dma_start3A_63 = arith.constant 0 : i32
    %dma_start3A_64 = tpu.memref_slice %arg6[%dma_start3A_62, %dma_start3A_63] : memref<4x50xi32, #tpu.memory_space<vmem>> -> memref<1x50xi32, #tpu.memory_space<vmem>>
    %dma_start3A_65 = arith.constant 0 : i32
    %dma_start3A_66 = arith.constant 0 : i32
    %dma_start3A_67 = tpu.memref_slice %arg3[%add3A_60, %dma_start3A_65, %dma_start3A_66] : memref<12800x1x50xi32, #tpu.memory_space<hbm>> -> memref<1x1x50xi32, #tpu.memory_space<hbm>>
    %dma_start3A_68 = tpu.memref_squeeze %dma_start3A_67 : memref<1x1x50xi32, #tpu.memory_space<hbm>> -> memref<1x50xi32, #tpu.memory_space<hbm>>
    %dma_start3A_69 = tpu.memref_slice %arg10[%dma_start3A_61] : memref<4x!tpu.dma_semaphore, #tpu.memory_space<semaphore_mem>> -> memref<1x!tpu.dma_semaphore, #tpu.memory_space<semaphore_mem>>
    %dma_start3A_70 = tpu.memref_squeeze %dma_start3A_69 : memref<1x!tpu.dma_semaphore, #tpu.memory_space<semaphore_mem>> -> memref<!tpu.dma_semaphore, #tpu.memory_space<semaphore_mem>>
    %dma_start3A_71 = arith.constant 3 : i32
    %dma_start3A_72 = arith.constant 0 : i32
    %dma_start3A_73 = tpu.memref_slice %arg6[%dma_start3A_71, %dma_start3A_72] : memref<4x50xi32, #tpu.memory_space<vmem>> -> memref<1x50xi32, #tpu.memory_space<vmem>>
    %dma_start3A_74 = arith.constant 0 : i32
    %dma_start3A_75 = arith.constant 0 : i32
    %dma_start3A_76 = tpu.memref_slice %arg3[%add3A_60, %dma_start3A_74, %dma_start3A_75] : memref<12800x1x50xi32, #tpu.memory_space<hbm>> -> memref<1x1x50xi32, #tpu.memory_space<hbm>>
    %dma_start3A_77 = tpu.memref_squeeze %dma_start3A_76 : memref<1x1x50xi32, #tpu.memory_space<hbm>> -> memref<1x50xi32, #tpu.memory_space<hbm>>
    tpu.enqueue_dma source(%dma_start3A_77 : memref<1x50xi32, #tpu.memory_space<hbm>>) target(%dma_start3A_73 : memref<1x50xi32, #tpu.memory_space<vmem>>) target_semaphore(%dma_start3A_70 : memref<!tpu.dma_semaphore, #tpu.memory_space<semaphore_mem>>)
    %add3A_78 = arith.constant 6400 : i32
    %add3A_79 = arith.addi %add3A_78, %mul3A_2 : i32
    %add3A_80 = arith.constant 0 : i32
    %add3A_81 = arith.addi %add3A_79, %add3A_80 : i32
    %dma_start3A_82 = arith.constant 0 : i32
    %dma_start3A_83 = arith.constant 0 : i32
    %dma_start3A_84 = arith.constant 0 : i32
    %dma_start3A_85 = tpu.memref_slice %arg7[%dma_start3A_83, %dma_start3A_84] : memref<4x50xi32, #tpu.memory_space<vmem>> -> memref<1x50xi32, #tpu.memory_space<vmem>>
    %dma_start3A_86 = arith.constant 0 : i32
    %dma_start3A_87 = arith.constant 0 : i32
    %dma_start3A_88 = tpu.memref_slice %arg3[%add3A_81, %dma_start3A_86, %dma_start3A_87] : memref<12800x1x50xi32, #tpu.memory_space<hbm>> -> memref<1x1x50xi32, #tpu.memory_space<hbm>>
    %dma_start3A_89 = tpu.memref_squeeze %dma_start3A_88 : memref<1x1x50xi32, #tpu.memory_space<hbm>> -> memref<1x50xi32, #tpu.memory_space<hbm>>
    %dma_start3A_90 = tpu.memref_slice %arg11[%dma_start3A_82] : memref<4x!tpu.dma_semaphore, #tpu.memory_space<semaphore_mem>> -> memref<1x!tpu.dma_semaphore, #tpu.memory_space<semaphore_mem>>
    %dma_start3A_91 = tpu.memref_squeeze %dma_start3A_90 : memref<1x!tpu.dma_semaphore, #tpu.memory_space<semaphore_mem>> -> memref<!tpu.dma_semaphore, #tpu.memory_space<semaphore_mem>>
    %dma_start3A_92 = arith.constant 0 : i32
    %dma_start3A_93 = arith.constant 0 : i32
    %dma_start3A_94 = tpu.memref_slice %arg7[%dma_start3A_92, %dma_start3A_93] : memref<4x50xi32, #tpu.memory_space<vmem>> -> memref<1x50xi32, #tpu.memory_space<vmem>>
    %dma_start3A_95 = arith.constant 0 : i32
    %dma_start3A_96 = arith.constant 0 : i32
    %dma_start3A_97 = tpu.memref_slice %arg3[%add3A_81, %dma_start3A_95, %dma_start3A_96] : memref<12800x1x50xi32, #tpu.memory_space<hbm>> -> memref<1x1x50xi32, #tpu.memory_space<hbm>>
    %dma_start3A_98 = tpu.memref_squeeze %dma_start3A_97 : memref<1x1x50xi32, #tpu.memory_space<hbm>> -> memref<1x50xi32, #tpu.memory_space<hbm>>
    tpu.enqueue_dma source(%dma_start3A_98 : memref<1x50xi32, #tpu.memory_space<hbm>>) target(%dma_start3A_94 : memref<1x50xi32, #tpu.memory_space<vmem>>) target_semaphore(%dma_start3A_91 : memref<!tpu.dma_semaphore, #tpu.memory_space<semaphore_mem>>)
    %add3A_99 = arith.constant 6400 : i32
    %add3A_100 = arith.addi %add3A_99, %mul3A_2 : i32
    %add3A_101 = arith.constant 1 : i32
    %add3A_102 = arith.addi %add3A_100, %add3A_101 : i32
    %dma_start3A_103 = arith.constant 1 : i32
    %dma_start3A_104 = arith.constant 1 : i32
    %dma_start3A_105 = arith.constant 0 : i32
    %dma_start3A_106 = tpu.memref_slice %arg7[%dma_start3A_104, %dma_start3A_105] : memref<4x50xi32, #tpu.memory_space<vmem>> -> memref<1x50xi32, #tpu.memory_space<vmem>>
    %dma_start3A_107 = arith.constant 0 : i32
    %dma_start3A_108 = arith.constant 0 : i32
    %dma_start3A_109 = tpu.memref_slice %arg3[%add3A_102, %dma_start3A_107, %dma_start3A_108] : memref<12800x1x50xi32, #tpu.memory_space<hbm>> -> memref<1x1x50xi32, #tpu.memory_space<hbm>>
    %dma_start3A_110 = tpu.memref_squeeze %dma_start3A_109 : memref<1x1x50xi32, #tpu.memory_space<hbm>> -> memref<1x50xi32, #tpu.memory_space<hbm>>
    %dma_start3A_111 = tpu.memref_slice %arg11[%dma_start3A_103] : memref<4x!tpu.dma_semaphore, #tpu.memory_space<semaphore_mem>> -> memref<1x!tpu.dma_semaphore, #tpu.memory_space<semaphore_mem>>
    %dma_start3A_112 = tpu.memref_squeeze %dma_start3A_111 : memref<1x!tpu.dma_semaphore, #tpu.memory_space<semaphore_mem>> -> memref<!tpu.dma_semaphore, #tpu.memory_space<semaphore_mem>>
    %dma_start3A_113 = arith.constant 1 : i32
    %dma_start3A_114 = arith.constant 0 : i32
    %dma_start3A_115 = tpu.memref_slice %arg7[%dma_start3A_113, %dma_start3A_114] : memref<4x50xi32, #tpu.memory_space<vmem>> -> memref<1x50xi32, #tpu.memory_space<vmem>>
    %dma_start3A_116 = arith.constant 0 : i32
    %dma_start3A_117 = arith.constant 0 : i32
    %dma_start3A_118 = tpu.memref_slice %arg3[%add3A_102, %dma_start3A_116, %dma_start3A_117] : memref<12800x1x50xi32, #tpu.memory_space<hbm>> -> memref<1x1x50xi32, #tpu.memory_space<hbm>>
    %dma_start3A_119 = tpu.memref_squeeze %dma_start3A_118 : memref<1x1x50xi32, #tpu.memory_space<hbm>> -> memref<1x50xi32, #tpu.memory_space<hbm>>
    tpu.enqueue_dma source(%dma_start3A_119 : memref<1x50xi32, #tpu.memory_space<hbm>>) target(%dma_start3A_115 : memref<1x50xi32, #tpu.memory_space<vmem>>) target_semaphore(%dma_start3A_112 : memref<!tpu.dma_semaphore, #tpu.memory_space<semaphore_mem>>)
    %add3A_120 = arith.constant 0 : i32
    %add3A_121 = arith.addi %mul3A_2, %add3A_120 : i32
    %dma_wait3A = arith.constant 0 : i32
    %dma_wait3A_122 = arith.constant 0 : i32
    %dma_wait3A_123 = arith.constant 0 : i32
    %dma_wait3A_124 = tpu.memref_slice %arg6[%dma_wait3A_122, %dma_wait3A_123] : memref<4x50xi32, #tpu.memory_space<vmem>> -> memref<1x50xi32, #tpu.memory_space<vmem>>
    %dma_wait3A_125 = arith.constant 0 : i32
    %dma_wait3A_126 = arith.constant 0 : i32
    %dma_wait3A_127 = tpu.memref_slice %arg3[%add3A_121, %dma_wait3A_125, %dma_wait3A_126] : memref<12800x1x50xi32, #tpu.memory_space<hbm>> -> memref<1x1x50xi32, #tpu.memory_space<hbm>>
    %dma_wait3A_128 = tpu.memref_squeeze %dma_wait3A_127 : memref<1x1x50xi32, #tpu.memory_space<hbm>> -> memref<1x50xi32, #tpu.memory_space<hbm>>
    %dma_wait3A_129 = tpu.memref_slice %arg10[%dma_wait3A] : memref<4x!tpu.dma_semaphore, #tpu.memory_space<semaphore_mem>> -> memref<1x!tpu.dma_semaphore, #tpu.memory_space<semaphore_mem>>
    %dma_wait3A_130 = tpu.memref_squeeze %dma_wait3A_129 : memref<1x!tpu.dma_semaphore, #tpu.memory_space<semaphore_mem>> -> memref<!tpu.dma_semaphore, #tpu.memory_space<semaphore_mem>>
    %dma_wait3A_131 = arith.constant 0 : i32
    %dma_wait3A_132 = arith.constant 0 : i32
    %dma_wait3A_133 = tpu.memref_slice %arg6[%dma_wait3A_131, %dma_wait3A_132] : memref<4x50xi32, #tpu.memory_space<vmem>> -> memref<1x50xi32, #tpu.memory_space<vmem>>
    %dma_wait3A_134 = arith.constant 0 : i32
    %dma_wait3A_135 = arith.constant 0 : i32
    %dma_wait3A_136 = tpu.memref_slice %arg3[%add3A_121, %dma_wait3A_134, %dma_wait3A_135] : memref<12800x1x50xi32, #tpu.memory_space<hbm>> -> memref<1x1x50xi32, #tpu.memory_space<hbm>>
    %dma_wait3A_137 = tpu.memref_squeeze %dma_wait3A_136 : memref<1x1x50xi32, #tpu.memory_space<hbm>> -> memref<1x50xi32, #tpu.memory_space<hbm>>
    tpu.wait_dma2 semaphore(%dma_wait3A_130 : memref<!tpu.dma_semaphore, #tpu.memory_space<semaphore_mem>>) src(%dma_wait3A_137 : memref<1x50xi32, #tpu.memory_space<hbm>>) dst(%dma_wait3A_133 : memref<1x50xi32, #tpu.memory_space<vmem>>)
    %dma_start3A_138 = arith.constant 0 : i32
    %dma_start3A_139 = arith.constant 0 : i32
    %dma_start3A_140 = arith.constant 0 : i32
    %dma_start3A_141 = arith.constant 0 : i32
    %dma_start3A_142 = arith.constant 0 : i32
    %dma_start3A_143 = tpu.memref_slice %arg8[%dma_start3A_139, %dma_start3A_141, %dma_start3A_142] : memref<4x50x128xf32, #tpu.memory_space<vmem>> -> memref<1x50x128xf32, #tpu.memory_space<vmem>>
    %dma_start3A_144 = tpu.memref_squeeze %dma_start3A_143 : memref<1x50x128xf32, #tpu.memory_space<vmem>> -> memref<50x128xf32, #tpu.memory_space<vmem>>
    %dma_start3A_145 = arith.constant 0 : i32
    %dma_start3A_146 = tpu.memref_slice %arg6[%dma_start3A_138, %dma_start3A_145] : memref<4x50xi32, #tpu.memory_space<vmem>> -> memref<1x50xi32, #tpu.memory_space<vmem>>
    %dma_start3A_147 = tpu.memref_squeeze %dma_start3A_146 : memref<1x50xi32, #tpu.memory_space<vmem>> -> memref<50xi32, #tpu.memory_space<vmem>>
    %dma_start3A_148 = arith.constant 0 : i32
    %dma_start3A_149 = arith.constant 0 : i32
    %dma_start3A_150 = tpu.memref_slice %arg2[%dma_start3A_148, %dma_start3A_149] : memref<10000x128xf32, #tpu.memory_space<hbm>> -> memref<10000x128xf32, #tpu.memory_space<hbm>>
    %dma_start3A_151 = tpu.memref_slice %arg12[%dma_start3A_140] : memref<4x!tpu.dma_semaphore, #tpu.memory_space<semaphore_mem>> -> memref<1x!tpu.dma_semaphore, #tpu.memory_space<semaphore_mem>>
    %dma_start3A_152 = tpu.memref_squeeze %dma_start3A_151 : memref<1x!tpu.dma_semaphore, #tpu.memory_space<semaphore_mem>> -> memref<!tpu.dma_semaphore, #tpu.memory_space<semaphore_mem>>
    tpu.enqueue_indirect_dma source(%dma_start3A_150 : memref<10000x128xf32, #tpu.memory_space<hbm>>) target(%dma_start3A_144 : memref<50x128xf32, #tpu.memory_space<vmem>>) offsets(%dma_start3A_147 : memref<50xi32, #tpu.memory_space<vmem>>) semaphore(%dma_start3A_152 : memref<!tpu.dma_semaphore, #tpu.memory_space<semaphore_mem>>)
    %add3A_153 = arith.constant 1 : i32
    %add3A_154 = arith.addi %mul3A_2, %add3A_153 : i32
    %dma_wait3A_155 = arith.constant 1 : i32
    %dma_wait3A_156 = arith.constant 1 : i32
    %dma_wait3A_157 = arith.constant 0 : i32
    %dma_wait3A_158 = tpu.memref_slice %arg6[%dma_wait3A_156, %dma_wait3A_157] : memref<4x50xi32, #tpu.memory_space<vmem>> -> memref<1x50xi32, #tpu.memory_space<vmem>>
    %dma_wait3A_159 = arith.constant 0 : i32
    %dma_wait3A_160 = arith.constant 0 : i32
    %dma_wait3A_161 = tpu.memref_slice %arg3[%add3A_154, %dma_wait3A_159, %dma_wait3A_160] : memref<12800x1x50xi32, #tpu.memory_space<hbm>> -> memref<1x1x50xi32, #tpu.memory_space<hbm>>
    %dma_wait3A_162 = tpu.memref_squeeze %dma_wait3A_161 : memref<1x1x50xi32, #tpu.memory_space<hbm>> -> memref<1x50xi32, #tpu.memory_space<hbm>>
    %dma_wait3A_163 = tpu.memref_slice %arg10[%dma_wait3A_155] : memref<4x!tpu.dma_semaphore, #tpu.memory_space<semaphore_mem>> -> memref<1x!tpu.dma_semaphore, #tpu.memory_space<semaphore_mem>>
    %dma_wait3A_164 = tpu.memref_squeeze %dma_wait3A_163 : memref<1x!tpu.dma_semaphore, #tpu.memory_space<semaphore_mem>> -> memref<!tpu.dma_semaphore, #tpu.memory_space<semaphore_mem>>
    %dma_wait3A_165 = arith.constant 1 : i32
    %dma_wait3A_166 = arith.constant 0 : i32
    %dma_wait3A_167 = tpu.memref_slice %arg6[%dma_wait3A_165, %dma_wait3A_166] : memref<4x50xi32, #tpu.memory_space<vmem>> -> memref<1x50xi32, #tpu.memory_space<vmem>>
    %dma_wait3A_168 = arith.constant 0 : i32
    %dma_wait3A_169 = arith.constant 0 : i32
    %dma_wait3A_170 = tpu.memref_slice %arg3[%add3A_154, %dma_wait3A_168, %dma_wait3A_169] : memref<12800x1x50xi32, #tpu.memory_space<hbm>> -> memref<1x1x50xi32, #tpu.memory_space<hbm>>
    %dma_wait3A_171 = tpu.memref_squeeze %dma_wait3A_170 : memref<1x1x50xi32, #tpu.memory_space<hbm>> -> memref<1x50xi32, #tpu.memory_space<hbm>>
    tpu.wait_dma2 semaphore(%dma_wait3A_164 : memref<!tpu.dma_semaphore, #tpu.memory_space<semaphore_mem>>) src(%dma_wait3A_171 : memref<1x50xi32, #tpu.memory_space<hbm>>) dst(%dma_wait3A_167 : memref<1x50xi32, #tpu.memory_space<vmem>>)
    %dma_start3A_172 = arith.constant 1 : i32
    %dma_start3A_173 = arith.constant 1 : i32
    %dma_start3A_174 = arith.constant 1 : i32
    %dma_start3A_175 = arith.constant 0 : i32
    %dma_start3A_176 = arith.constant 0 : i32
    %dma_start3A_177 = tpu.memref_slice %arg8[%dma_start3A_173, %dma_start3A_175, %dma_start3A_176] : memref<4x50x128xf32, #tpu.memory_space<vmem>> -> memref<1x50x128xf32, #tpu.memory_space<vmem>>
    %dma_start3A_178 = tpu.memref_squeeze %dma_start3A_177 : memref<1x50x128xf32, #tpu.memory_space<vmem>> -> memref<50x128xf32, #tpu.memory_space<vmem>>
    %dma_start3A_179 = arith.constant 0 : i32
    %dma_start3A_180 = tpu.memref_slice %arg6[%dma_start3A_172, %dma_start3A_179] : memref<4x50xi32, #tpu.memory_space<vmem>> -> memref<1x50xi32, #tpu.memory_space<vmem>>
    %dma_start3A_181 = tpu.memref_squeeze %dma_start3A_180 : memref<1x50xi32, #tpu.memory_space<vmem>> -> memref<50xi32, #tpu.memory_space<vmem>>
    %dma_start3A_182 = arith.constant 0 : i32
    %dma_start3A_183 = arith.constant 0 : i32
    %dma_start3A_184 = tpu.memref_slice %arg2[%dma_start3A_182, %dma_start3A_183] : memref<10000x128xf32, #tpu.memory_space<hbm>> -> memref<10000x128xf32, #tpu.memory_space<hbm>>
    %dma_start3A_185 = tpu.memref_slice %arg12[%dma_start3A_174] : memref<4x!tpu.dma_semaphore, #tpu.memory_space<semaphore_mem>> -> memref<1x!tpu.dma_semaphore, #tpu.memory_space<semaphore_mem>>
    %dma_start3A_186 = tpu.memref_squeeze %dma_start3A_185 : memref<1x!tpu.dma_semaphore, #tpu.memory_space<semaphore_mem>> -> memref<!tpu.dma_semaphore, #tpu.memory_space<semaphore_mem>>
    tpu.enqueue_indirect_dma source(%dma_start3A_184 : memref<10000x128xf32, #tpu.memory_space<hbm>>) target(%dma_start3A_178 : memref<50x128xf32, #tpu.memory_space<vmem>>) offsets(%dma_start3A_181 : memref<50xi32, #tpu.memory_space<vmem>>) semaphore(%dma_start3A_186 : memref<!tpu.dma_semaphore, #tpu.memory_space<semaphore_mem>>)
    %mul3A_187 = arith.constant 640 : i32
    %mul3A_188 = arith.muli %arg1, %mul3A_187 : i32
    "tpu.region"() ({
      %run_scoped3A = tpu.sem_alloc : memref<!tpu.dma_semaphore, #tpu.memory_space<semaphore_mem>>
      %dma_start3A_229 = arith.constant 0 : i32
      %dma_start3A_230 = tpu.memref_slice %arg9[%mul3A_188, %dma_start3A_229] : memref<10240x128xf32, #tpu.memory_space<vmem_shared>> -> memref<640x128xf32, #tpu.memory_space<vmem_shared>>
      tpu.enqueue_dma source(%arg4 : memref<640x128xf32, #tpu.memory_space<hbm>>) target(%dma_start3A_230 : memref<640x128xf32, #tpu.memory_space<vmem_shared>>) target_semaphore(%run_scoped3A : memref<!tpu.dma_semaphore, #tpu.memory_space<semaphore_mem>>)
      %dma_wait3A_231 = arith.constant 0 : i32
      %dma_wait3A_232 = tpu.memref_slice %arg9[%mul3A_188, %dma_wait3A_231] : memref<10240x128xf32, #tpu.memory_space<vmem_shared>> -> memref<640x128xf32, #tpu.memory_space<vmem_shared>>
      tpu.wait_dma2 semaphore(%run_scoped3A : memref<!tpu.dma_semaphore, #tpu.memory_space<semaphore_mem>>) src(%arg4 : memref<640x128xf32, #tpu.memory_space<hbm>>) dst(%dma_wait3A_232 : memref<640x128xf32, #tpu.memory_space<vmem_shared>>)
      tpu.yield
    }) : () -> ()
    %barrier3A = arith.constant 0 : index
    tpu.barrier barrier_id(%barrier3A)
    %scan3A = arith.constant 0 : i32
    %scan3A_189 = arith.constant 0 : i32
    %scan3A_190 = arith.constant 50 : i32
    %scan3A_191 = arith.addi %scan3A_189, %scan3A_190 : i32
    %scan3A_192 = arith.constant 1 : i32
    scf.for %scan3A_229 = %scan3A_189 to %scan3A_191 step %scan3A_192  : i32 {
      %mul3A_230 = arith.constant 4 : i32
      %mul3A_231 = arith.muli %mul3A_230, %scan3A_229 : i32
      %add3A_232 = arith.constant 0 : i32
      %add3A_233 = arith.addi %mul3A_231, %add3A_232 : i32
      %dma_wait3A_234 = arith.constant 0 : i32
      %dma_wait3A_235 = arith.constant 0 : i32
      %dma_wait3A_236 = arith.constant 0 : i32
      %dma_wait3A_237 = arith.constant 0 : i32
      %dma_wait3A_238 = arith.constant 0 : i32
      %dma_wait3A_239 = tpu.memref_slice %arg8[%dma_wait3A_235, %dma_wait3A_237, %dma_wait3A_238] : memref<4x50x128xf32, #tpu.memory_space<vmem>> -> memref<1x50x128xf32, #tpu.memory_space<vmem>>
      %dma_wait3A_240 = tpu.memref_squeeze %dma_wait3A_239 : memref<1x50x128xf32, #tpu.memory_space<vmem>> -> memref<50x128xf32, #tpu.memory_space<vmem>>
      %dma_wait3A_241 = arith.constant 0 : i32
      %dma_wait3A_242 = tpu.memref_slice %arg6[%dma_wait3A_234, %dma_wait3A_241] : memref<4x50xi32, #tpu.memory_space<vmem>> -> memref<1x50xi32, #tpu.memory_space<vmem>>
      %dma_wait3A_243 = tpu.memref_squeeze %dma_wait3A_242 : memref<1x50xi32, #tpu.memory_space<vmem>> -> memref<50xi32, #tpu.memory_space<vmem>>
      %dma_wait3A_244 = arith.constant 0 : i32
      %dma_wait3A_245 = arith.constant 0 : i32
      %dma_wait3A_246 = tpu.memref_slice %arg2[%dma_wait3A_244, %dma_wait3A_245] : memref<10000x128xf32, #tpu.memory_space<hbm>> -> memref<10000x128xf32, #tpu.memory_space<hbm>>
      %dma_wait3A_247 = tpu.memref_slice %arg12[%dma_wait3A_236] : memref<4x!tpu.dma_semaphore, #tpu.memory_space<semaphore_mem>> -> memref<1x!tpu.dma_semaphore, #tpu.memory_space<semaphore_mem>>
      %dma_wait3A_248 = tpu.memref_squeeze %dma_wait3A_247 : memref<1x!tpu.dma_semaphore, #tpu.memory_space<semaphore_mem>> -> memref<!tpu.dma_semaphore, #tpu.memory_space<semaphore_mem>>
      tpu.wait_indirect_dma semaphore(%dma_wait3A_248 : memref<!tpu.dma_semaphore, #tpu.memory_space<semaphore_mem>>) src(%dma_wait3A_246 : memref<10000x128xf32, #tpu.memory_space<hbm>>) dst(%dma_wait3A_240 : memref<50x128xf32, #tpu.memory_space<vmem>>)
      %add3A_249 = arith.constant 6400 : i32
      %add3A_250 = arith.addi %add3A_249, %mul3A_2 : i32
      %add3A_251 = arith.addi %add3A_250, %add3A_233 : i32
      %dma_wait3A_252 = arith.constant 0 : i32
      %dma_wait3A_253 = arith.constant 0 : i32
      %dma_wait3A_254 = arith.constant 0 : i32
      %dma_wait3A_255 = tpu.memref_slice %arg7[%dma_wait3A_253, %dma_wait3A_254] : memref<4x50xi32, #tpu.memory_space<vmem>> -> memref<1x50xi32, #tpu.memory_space<vmem>>
      %dma_wait3A_256 = arith.constant 0 : i32
      %dma_wait3A_257 = arith.constant 0 : i32
      %dma_wait3A_258 = tpu.memref_slice %arg3[%add3A_251, %dma_wait3A_256, %dma_wait3A_257] : memref<12800x1x50xi32, #tpu.memory_space<hbm>> -> memref<1x1x50xi32, #tpu.memory_space<hbm>>
      %dma_wait3A_259 = tpu.memref_squeeze %dma_wait3A_258 : memref<1x1x50xi32, #tpu.memory_space<hbm>> -> memref<1x50xi32, #tpu.memory_space<hbm>>
      %dma_wait3A_260 = tpu.memref_slice %arg11[%dma_wait3A_252] : memref<4x!tpu.dma_semaphore, #tpu.memory_space<semaphore_mem>> -> memref<1x!tpu.dma_semaphore, #tpu.memory_space<semaphore_mem>>
      %dma_wait3A_261 = tpu.memref_squeeze %dma_wait3A_260 : memref<1x!tpu.dma_semaphore, #tpu.memory_space<semaphore_mem>> -> memref<!tpu.dma_semaphore, #tpu.memory_space<semaphore_mem>>
      %dma_wait3A_262 = arith.constant 0 : i32
      %dma_wait3A_263 = arith.constant 0 : i32
      %dma_wait3A_264 = tpu.memref_slice %arg7[%dma_wait3A_262, %dma_wait3A_263] : memref<4x50xi32, #tpu.memory_space<vmem>> -> memref<1x50xi32, #tpu.memory_space<vmem>>
      %dma_wait3A_265 = arith.constant 0 : i32
      %dma_wait3A_266 = arith.constant 0 : i32
      %dma_wait3A_267 = tpu.memref_slice %arg3[%add3A_251, %dma_wait3A_265, %dma_wait3A_266] : memref<12800x1x50xi32, #tpu.memory_space<hbm>> -> memref<1x1x50xi32, #tpu.memory_space<hbm>>
      %dma_wait3A_268 = tpu.memref_squeeze %dma_wait3A_267 : memref<1x1x50xi32, #tpu.memory_space<hbm>> -> memref<1x50xi32, #tpu.memory_space<hbm>>
      tpu.wait_dma2 semaphore(%dma_wait3A_261 : memref<!tpu.dma_semaphore, #tpu.memory_space<semaphore_mem>>) src(%dma_wait3A_268 : memref<1x50xi32, #tpu.memory_space<hbm>>) dst(%dma_wait3A_264 : memref<1x50xi32, #tpu.memory_space<vmem>>)
      %dma_start3A_269 = arith.constant 0 : i32
      %dma_start3A_270 = arith.constant 0 : i32
      %dma_start3A_271 = arith.constant 0 : i32
      %dma_start3A_272 = arith.constant 0 : i32
      %dma_start3A_273 = arith.constant 0 : i32
      %dma_start3A_274 = tpu.memref_slice %arg8[%dma_start3A_269, %dma_start3A_272, %dma_start3A_273] : memref<4x50x128xf32, #tpu.memory_space<vmem>> -> memref<1x50x128xf32, #tpu.memory_space<vmem>>
      %dma_start3A_275 = tpu.memref_squeeze %dma_start3A_274 : memref<1x50x128xf32, #tpu.memory_space<vmem>> -> memref<50x128xf32, #tpu.memory_space<vmem>>
      %dma_start3A_276 = arith.constant 0 : i32
      %dma_start3A_277 = tpu.memref_slice %arg7[%dma_start3A_270, %dma_start3A_276] : memref<4x50xi32, #tpu.memory_space<vmem>> -> memref<1x50xi32, #tpu.memory_space<vmem>>
      %dma_start3A_278 = tpu.memref_squeeze %dma_start3A_277 : memref<1x50xi32, #tpu.memory_space<vmem>> -> memref<50xi32, #tpu.memory_space<vmem>>
      %dma_start3A_279 = arith.constant 0 : i32
      %dma_start3A_280 = arith.constant 0 : i32
      %dma_start3A_281 = tpu.memref_slice %arg9[%dma_start3A_279, %dma_start3A_280] : memref<10240x128xf32, #tpu.memory_space<vmem_shared>> -> memref<10240x128xf32, #tpu.memory_space<vmem_shared>>
      %dma_start3A_282 = tpu.memref_slice %arg13[%dma_start3A_271] : memref<4x!tpu.dma_semaphore, #tpu.memory_space<semaphore_mem>> -> memref<1x!tpu.dma_semaphore, #tpu.memory_space<semaphore_mem>>
      %dma_start3A_283 = tpu.memref_squeeze %dma_start3A_282 : memref<1x!tpu.dma_semaphore, #tpu.memory_space<semaphore_mem>> -> memref<!tpu.dma_semaphore, #tpu.memory_space<semaphore_mem>>
      tpu.enqueue_indirect_dma source(%dma_start3A_275 : memref<50x128xf32, #tpu.memory_space<vmem>>) target(%dma_start3A_281 : memref<10240x128xf32, #tpu.memory_space<vmem_shared>>) offsets(%dma_start3A_278 : memref<50xi32, #tpu.memory_space<vmem>>) semaphore(%dma_start3A_283 : memref<!tpu.dma_semaphore, #tpu.memory_space<semaphore_mem>>) {add = true}
      %lt3A = arith.constant 49 : i32
      %lt3A_284 = arith.cmpi slt, %scan3A_229, %lt3A : i32
      %convert_element_type3A = arith.extui %lt3A_284 : i1 to i32
      %cond3A = arith.constant 0 : i32
      %cond3A_285 = arith.cmpi ne, %convert_element_type3A, %cond3A : i32
      scf.if %cond3A_285 {
        %add3A_633 = arith.constant 4 : i32
        %add3A_634 = arith.addi %add3A_233, %add3A_633 : i32
        %add3A_635 = arith.addi %mul3A_2, %add3A_634 : i32
        %dma_start3A_636 = arith.constant 0 : i32
        %dma_start3A_637 = arith.constant 0 : i32
        %dma_start3A_638 = arith.constant 0 : i32
        %dma_start3A_639 = tpu.memref_slice %arg6[%dma_start3A_637, %dma_start3A_638] : memref<4x50xi32, #tpu.memory_space<vmem>> -> memref<1x50xi32, #tpu.memory_space<vmem>>
        %dma_start3A_640 = arith.constant 0 : i32
        %dma_start3A_641 = arith.constant 0 : i32
        %dma_start3A_642 = tpu.memref_slice %arg3[%add3A_635, %dma_start3A_640, %dma_start3A_641] : memref<12800x1x50xi32, #tpu.memory_space<hbm>> -> memref<1x1x50xi32, #tpu.memory_space<hbm>>
        %dma_start3A_643 = tpu.memref_squeeze %dma_start3A_642 : memref<1x1x50xi32, #tpu.memory_space<hbm>> -> memref<1x50xi32, #tpu.memory_space<hbm>>
        %dma_start3A_644 = tpu.memref_slice %arg10[%dma_start3A_636] : memref<4x!tpu.dma_semaphore, #tpu.memory_space<semaphore_mem>> -> memref<1x!tpu.dma_semaphore, #tpu.memory_space<semaphore_mem>>
        %dma_start3A_645 = tpu.memref_squeeze %dma_start3A_644 : memref<1x!tpu.dma_semaphore, #tpu.memory_space<semaphore_mem>> -> memref<!tpu.dma_semaphore, #tpu.memory_space<semaphore_mem>>
        %dma_start3A_646 = arith.constant 0 : i32
        %dma_start3A_647 = arith.constant 0 : i32
        %dma_start3A_648 = tpu.memref_slice %arg6[%dma_start3A_646, %dma_start3A_647] : memref<4x50xi32, #tpu.memory_space<vmem>> -> memref<1x50xi32, #tpu.memory_space<vmem>>
        %dma_start3A_649 = arith.constant 0 : i32
        %dma_start3A_650 = arith.constant 0 : i32
        %dma_start3A_651 = tpu.memref_slice %arg3[%add3A_635, %dma_start3A_649, %dma_start3A_650] : memref<12800x1x50xi32, #tpu.memory_space<hbm>> -> memref<1x1x50xi32, #tpu.memory_space<hbm>>
        %dma_start3A_652 = tpu.memref_squeeze %dma_start3A_651 : memref<1x1x50xi32, #tpu.memory_space<hbm>> -> memref<1x50xi32, #tpu.memory_space<hbm>>
        tpu.enqueue_dma source(%dma_start3A_652 : memref<1x50xi32, #tpu.memory_space<hbm>>) target(%dma_start3A_648 : memref<1x50xi32, #tpu.memory_space<vmem>>) target_semaphore(%dma_start3A_645 : memref<!tpu.dma_semaphore, #tpu.memory_space<semaphore_mem>>)
      } else {
      }
      %gt3A = arith.constant 0 : i32
      %gt3A_286 = arith.cmpi sgt, %scan3A_229, %gt3A : i32
      %convert_element_type3A_287 = arith.extui %gt3A_286 : i1 to i32
      %cond3A_288 = arith.constant 0 : i32
      %cond3A_289 = arith.cmpi ne, %convert_element_type3A_287, %cond3A_288 : i32
      scf.if %cond3A_289 {
        %sub3A_633 = arith.constant 2 : i32
        %sub3A_634 = arith.subi %add3A_233, %sub3A_633 : i32
        %dma_wait3A_635 = arith.constant 2 : i32
        %dma_wait3A_636 = arith.constant 2 : i32
        %dma_wait3A_637 = arith.constant 2 : i32
        %dma_wait3A_638 = arith.constant 0 : i32
        %dma_wait3A_639 = arith.constant 0 : i32
        %dma_wait3A_640 = tpu.memref_slice %arg8[%dma_wait3A_635, %dma_wait3A_638, %dma_wait3A_639] : memref<4x50x128xf32, #tpu.memory_space<vmem>> -> memref<1x50x128xf32, #tpu.memory_space<vmem>>
        %dma_wait3A_641 = tpu.memref_squeeze %dma_wait3A_640 : memref<1x50x128xf32, #tpu.memory_space<vmem>> -> memref<50x128xf32, #tpu.memory_space<vmem>>
        %dma_wait3A_642 = arith.constant 0 : i32
        %dma_wait3A_643 = tpu.memref_slice %arg7[%dma_wait3A_636, %dma_wait3A_642] : memref<4x50xi32, #tpu.memory_space<vmem>> -> memref<1x50xi32, #tpu.memory_space<vmem>>
        %dma_wait3A_644 = tpu.memref_squeeze %dma_wait3A_643 : memref<1x50xi32, #tpu.memory_space<vmem>> -> memref<50xi32, #tpu.memory_space<vmem>>
        %dma_wait3A_645 = arith.constant 0 : i32
        %dma_wait3A_646 = arith.constant 0 : i32
        %dma_wait3A_647 = tpu.memref_slice %arg9[%dma_wait3A_645, %dma_wait3A_646] : memref<10240x128xf32, #tpu.memory_space<vmem_shared>> -> memref<10240x128xf32, #tpu.memory_space<vmem_shared>>
        %dma_wait3A_648 = tpu.memref_slice %arg13[%dma_wait3A_637] : memref<4x!tpu.dma_semaphore, #tpu.memory_space<semaphore_mem>> -> memref<1x!tpu.dma_semaphore, #tpu.memory_space<semaphore_mem>>
        %dma_wait3A_649 = tpu.memref_squeeze %dma_wait3A_648 : memref<1x!tpu.dma_semaphore, #tpu.memory_space<semaphore_mem>> -> memref<!tpu.dma_semaphore, #tpu.memory_space<semaphore_mem>>
        tpu.wait_indirect_dma semaphore(%dma_wait3A_649 : memref<!tpu.dma_semaphore, #tpu.memory_space<semaphore_mem>>) src(%dma_wait3A_641 : memref<50x128xf32, #tpu.memory_space<vmem>>) dst(%dma_wait3A_647 : memref<10240x128xf32, #tpu.memory_space<vmem_shared>>)
      } else {
      }
      %add3A_290 = arith.constant 2 : i32
      %add3A_291 = arith.addi %add3A_233, %add3A_290 : i32
      %add3A_292 = arith.constant 6400 : i32
      %add3A_293 = arith.addi %add3A_292, %mul3A_2 : i32
      %add3A_294 = arith.addi %add3A_293, %add3A_291 : i32
      %dma_start3A_295 = arith.constant 2 : i32
      %dma_start3A_296 = arith.constant 2 : i32
      %dma_start3A_297 = arith.constant 0 : i32
      %dma_start3A_298 = tpu.memref_slice %arg7[%dma_start3A_296, %dma_start3A_297] : memref<4x50xi32, #tpu.memory_space<vmem>> -> memref<1x50xi32, #tpu.memory_space<vmem>>
      %dma_start3A_299 = arith.constant 0 : i32
      %dma_start3A_300 = arith.constant 0 : i32
      %dma_start3A_301 = tpu.memref_slice %arg3[%add3A_294, %dma_start3A_299, %dma_start3A_300] : memref<12800x1x50xi32, #tpu.memory_space<hbm>> -> memref<1x1x50xi32, #tpu.memory_space<hbm>>
      %dma_start3A_302 = tpu.memref_squeeze %dma_start3A_301 : memref<1x1x50xi32, #tpu.memory_space<hbm>> -> memref<1x50xi32, #tpu.memory_space<hbm>>
      %dma_start3A_303 = tpu.memref_slice %arg11[%dma_start3A_295] : memref<4x!tpu.dma_semaphore, #tpu.memory_space<semaphore_mem>> -> memref<1x!tpu.dma_semaphore, #tpu.memory_space<semaphore_mem>>
      %dma_start3A_304 = tpu.memref_squeeze %dma_start3A_303 : memref<1x!tpu.dma_semaphore, #tpu.memory_space<semaphore_mem>> -> memref<!tpu.dma_semaphore, #tpu.memory_space<semaphore_mem>>
      %dma_start3A_305 = arith.constant 2 : i32
      %dma_start3A_306 = arith.constant 0 : i32
      %dma_start3A_307 = tpu.memref_slice %arg7[%dma_start3A_305, %dma_start3A_306] : memref<4x50xi32, #tpu.memory_space<vmem>> -> memref<1x50xi32, #tpu.memory_space<vmem>>
      %dma_start3A_308 = arith.constant 0 : i32
      %dma_start3A_309 = arith.constant 0 : i32
      %dma_start3A_310 = tpu.memref_slice %arg3[%add3A_294, %dma_start3A_308, %dma_start3A_309] : memref<12800x1x50xi32, #tpu.memory_space<hbm>> -> memref<1x1x50xi32, #tpu.memory_space<hbm>>
      %dma_start3A_311 = tpu.memref_squeeze %dma_start3A_310 : memref<1x1x50xi32, #tpu.memory_space<hbm>> -> memref<1x50xi32, #tpu.memory_space<hbm>>
      tpu.enqueue_dma source(%dma_start3A_311 : memref<1x50xi32, #tpu.memory_space<hbm>>) target(%dma_start3A_307 : memref<1x50xi32, #tpu.memory_space<vmem>>) target_semaphore(%dma_start3A_304 : memref<!tpu.dma_semaphore, #tpu.memory_space<semaphore_mem>>)
      %add3A_312 = arith.constant 2 : i32
      %add3A_313 = arith.addi %add3A_233, %add3A_312 : i32
      %add3A_314 = arith.addi %mul3A_2, %add3A_313 : i32
      %dma_wait3A_315 = arith.constant 2 : i32
      %dma_wait3A_316 = arith.constant 2 : i32
      %dma_wait3A_317 = arith.constant 0 : i32
      %dma_wait3A_318 = tpu.memref_slice %arg6[%dma_wait3A_316, %dma_wait3A_317] : memref<4x50xi32, #tpu.memory_space<vmem>> -> memref<1x50xi32, #tpu.memory_space<vmem>>
      %dma_wait3A_319 = arith.constant 0 : i32
      %dma_wait3A_320 = arith.constant 0 : i32
      %dma_wait3A_321 = tpu.memref_slice %arg3[%add3A_314, %dma_wait3A_319, %dma_wait3A_320] : memref<12800x1x50xi32, #tpu.memory_space<hbm>> -> memref<1x1x50xi32, #tpu.memory_space<hbm>>
      %dma_wait3A_322 = tpu.memref_squeeze %dma_wait3A_321 : memref<1x1x50xi32, #tpu.memory_space<hbm>> -> memref<1x50xi32, #tpu.memory_space<hbm>>
      %dma_wait3A_323 = tpu.memref_slice %arg10[%dma_wait3A_315] : memref<4x!tpu.dma_semaphore, #tpu.memory_space<semaphore_mem>> -> memref<1x!tpu.dma_semaphore, #tpu.memory_space<semaphore_mem>>
      %dma_wait3A_324 = tpu.memref_squeeze %dma_wait3A_323 : memref<1x!tpu.dma_semaphore, #tpu.memory_space<semaphore_mem>> -> memref<!tpu.dma_semaphore, #tpu.memory_space<semaphore_mem>>
      %dma_wait3A_325 = arith.constant 2 : i32
      %dma_wait3A_326 = arith.constant 0 : i32
      %dma_wait3A_327 = tpu.memref_slice %arg6[%dma_wait3A_325, %dma_wait3A_326] : memref<4x50xi32, #tpu.memory_space<vmem>> -> memref<1x50xi32, #tpu.memory_space<vmem>>
      %dma_wait3A_328 = arith.constant 0 : i32
      %dma_wait3A_329 = arith.constant 0 : i32
      %dma_wait3A_330 = tpu.memref_slice %arg3[%add3A_314, %dma_wait3A_328, %dma_wait3A_329] : memref<12800x1x50xi32, #tpu.memory_space<hbm>> -> memref<1x1x50xi32, #tpu.memory_space<hbm>>
      %dma_wait3A_331 = tpu.memref_squeeze %dma_wait3A_330 : memref<1x1x50xi32, #tpu.memory_space<hbm>> -> memref<1x50xi32, #tpu.memory_space<hbm>>
      tpu.wait_dma2 semaphore(%dma_wait3A_324 : memref<!tpu.dma_semaphore, #tpu.memory_space<semaphore_mem>>) src(%dma_wait3A_331 : memref<1x50xi32, #tpu.memory_space<hbm>>) dst(%dma_wait3A_327 : memref<1x50xi32, #tpu.memory_space<vmem>>)
      %add3A_332 = arith.constant 2 : i32
      %add3A_333 = arith.addi %add3A_233, %add3A_332 : i32
      %dma_start3A_334 = arith.constant 2 : i32
      %dma_start3A_335 = arith.constant 2 : i32
      %dma_start3A_336 = arith.constant 2 : i32
      %dma_start3A_337 = arith.constant 0 : i32
      %dma_start3A_338 = arith.constant 0 : i32
      %dma_start3A_339 = tpu.memref_slice %arg8[%dma_start3A_335, %dma_start3A_337, %dma_start3A_338] : memref<4x50x128xf32, #tpu.memory_space<vmem>> -> memref<1x50x128xf32, #tpu.memory_space<vmem>>
      %dma_start3A_340 = tpu.memref_squeeze %dma_start3A_339 : memref<1x50x128xf32, #tpu.memory_space<vmem>> -> memref<50x128xf32, #tpu.memory_space<vmem>>
      %dma_start3A_341 = arith.constant 0 : i32
      %dma_start3A_342 = tpu.memref_slice %arg6[%dma_start3A_334, %dma_start3A_341] : memref<4x50xi32, #tpu.memory_space<vmem>> -> memref<1x50xi32, #tpu.memory_space<vmem>>
      %dma_start3A_343 = tpu.memref_squeeze %dma_start3A_342 : memref<1x50xi32, #tpu.memory_space<vmem>> -> memref<50xi32, #tpu.memory_space<vmem>>
      %dma_start3A_344 = arith.constant 0 : i32
      %dma_start3A_345 = arith.constant 0 : i32
      %dma_start3A_346 = tpu.memref_slice %arg2[%dma_start3A_344, %dma_start3A_345] : memref<10000x128xf32, #tpu.memory_space<hbm>> -> memref<10000x128xf32, #tpu.memory_space<hbm>>
      %dma_start3A_347 = tpu.memref_slice %arg12[%dma_start3A_336] : memref<4x!tpu.dma_semaphore, #tpu.memory_space<semaphore_mem>> -> memref<1x!tpu.dma_semaphore, #tpu.memory_space<semaphore_mem>>
      %dma_start3A_348 = tpu.memref_squeeze %dma_start3A_347 : memref<1x!tpu.dma_semaphore, #tpu.memory_space<semaphore_mem>> -> memref<!tpu.dma_semaphore, #tpu.memory_space<semaphore_mem>>
      tpu.enqueue_indirect_dma source(%dma_start3A_346 : memref<10000x128xf32, #tpu.memory_space<hbm>>) target(%dma_start3A_340 : memref<50x128xf32, #tpu.memory_space<vmem>>) offsets(%dma_start3A_343 : memref<50xi32, #tpu.memory_space<vmem>>) semaphore(%dma_start3A_348 : memref<!tpu.dma_semaphore, #tpu.memory_space<semaphore_mem>>)
      %mul3A_349 = arith.constant 4 : i32
      %mul3A_350 = arith.muli %mul3A_349, %scan3A_229 : i32
      %add3A_351 = arith.constant 1 : i32
      %add3A_352 = arith.addi %mul3A_350, %add3A_351 : i32
      %dma_wait3A_353 = arith.constant 1 : i32
      %dma_wait3A_354 = arith.constant 1 : i32
      %dma_wait3A_355 = arith.constant 1 : i32
      %dma_wait3A_356 = arith.constant 0 : i32
      %dma_wait3A_357 = arith.constant 0 : i32
      %dma_wait3A_358 = tpu.memref_slice %arg8[%dma_wait3A_354, %dma_wait3A_356, %dma_wait3A_357] : memref<4x50x128xf32, #tpu.memory_space<vmem>> -> memref<1x50x128xf32, #tpu.memory_space<vmem>>
      %dma_wait3A_359 = tpu.memref_squeeze %dma_wait3A_358 : memref<1x50x128xf32, #tpu.memory_space<vmem>> -> memref<50x128xf32, #tpu.memory_space<vmem>>
      %dma_wait3A_360 = arith.constant 0 : i32
      %dma_wait3A_361 = tpu.memref_slice %arg6[%dma_wait3A_353, %dma_wait3A_360] : memref<4x50xi32, #tpu.memory_space<vmem>> -> memref<1x50xi32, #tpu.memory_space<vmem>>
      %dma_wait3A_362 = tpu.memref_squeeze %dma_wait3A_361 : memref<1x50xi32, #tpu.memory_space<vmem>> -> memref<50xi32, #tpu.memory_space<vmem>>
      %dma_wait3A_363 = arith.constant 0 : i32
      %dma_wait3A_364 = arith.constant 0 : i32
      %dma_wait3A_365 = tpu.memref_slice %arg2[%dma_wait3A_363, %dma_wait3A_364] : memref<10000x128xf32, #tpu.memory_space<hbm>> -> memref<10000x128xf32, #tpu.memory_space<hbm>>
      %dma_wait3A_366 = tpu.memref_slice %arg12[%dma_wait3A_355] : memref<4x!tpu.dma_semaphore, #tpu.memory_space<semaphore_mem>> -> memref<1x!tpu.dma_semaphore, #tpu.memory_space<semaphore_mem>>
      %dma_wait3A_367 = tpu.memref_squeeze %dma_wait3A_366 : memref<1x!tpu.dma_semaphore, #tpu.memory_space<semaphore_mem>> -> memref<!tpu.dma_semaphore, #tpu.memory_space<semaphore_mem>>
      tpu.wait_indirect_dma semaphore(%dma_wait3A_367 : memref<!tpu.dma_semaphore, #tpu.memory_space<semaphore_mem>>) src(%dma_wait3A_365 : memref<10000x128xf32, #tpu.memory_space<hbm>>) dst(%dma_wait3A_359 : memref<50x128xf32, #tpu.memory_space<vmem>>)
      %add3A_368 = arith.constant 6400 : i32
      %add3A_369 = arith.addi %add3A_368, %mul3A_2 : i32
      %add3A_370 = arith.addi %add3A_369, %add3A_352 : i32
      %dma_wait3A_371 = arith.constant 1 : i32
      %dma_wait3A_372 = arith.constant 1 : i32
      %dma_wait3A_373 = arith.constant 0 : i32
      %dma_wait3A_374 = tpu.memref_slice %arg7[%dma_wait3A_372, %dma_wait3A_373] : memref<4x50xi32, #tpu.memory_space<vmem>> -> memref<1x50xi32, #tpu.memory_space<vmem>>
      %dma_wait3A_375 = arith.constant 0 : i32
      %dma_wait3A_376 = arith.constant 0 : i32
      %dma_wait3A_377 = tpu.memref_slice %arg3[%add3A_370, %dma_wait3A_375, %dma_wait3A_376] : memref<12800x1x50xi32, #tpu.memory_space<hbm>> -> memref<1x1x50xi32, #tpu.memory_space<hbm>>
      %dma_wait3A_378 = tpu.memref_squeeze %dma_wait3A_377 : memref<1x1x50xi32, #tpu.memory_space<hbm>> -> memref<1x50xi32, #tpu.memory_space<hbm>>
      %dma_wait3A_379 = tpu.memref_slice %arg11[%dma_wait3A_371] : memref<4x!tpu.dma_semaphore, #tpu.memory_space<semaphore_mem>> -> memref<1x!tpu.dma_semaphore, #tpu.memory_space<semaphore_mem>>
      %dma_wait3A_380 = tpu.memref_squeeze %dma_wait3A_379 : memref<1x!tpu.dma_semaphore, #tpu.memory_space<semaphore_mem>> -> memref<!tpu.dma_semaphore, #tpu.memory_space<semaphore_mem>>
      %dma_wait3A_381 = arith.constant 1 : i32
      %dma_wait3A_382 = arith.constant 0 : i32
      %dma_wait3A_383 = tpu.memref_slice %arg7[%dma_wait3A_381, %dma_wait3A_382] : memref<4x50xi32, #tpu.memory_space<vmem>> -> memref<1x50xi32, #tpu.memory_space<vmem>>
      %dma_wait3A_384 = arith.constant 0 : i32
      %dma_wait3A_385 = arith.constant 0 : i32
      %dma_wait3A_386 = tpu.memref_slice %arg3[%add3A_370, %dma_wait3A_384, %dma_wait3A_385] : memref<12800x1x50xi32, #tpu.memory_space<hbm>> -> memref<1x1x50xi32, #tpu.memory_space<hbm>>
      %dma_wait3A_387 = tpu.memref_squeeze %dma_wait3A_386 : memref<1x1x50xi32, #tpu.memory_space<hbm>> -> memref<1x50xi32, #tpu.memory_space<hbm>>
      tpu.wait_dma2 semaphore(%dma_wait3A_380 : memref<!tpu.dma_semaphore, #tpu.memory_space<semaphore_mem>>) src(%dma_wait3A_387 : memref<1x50xi32, #tpu.memory_space<hbm>>) dst(%dma_wait3A_383 : memref<1x50xi32, #tpu.memory_space<vmem>>)
      %dma_start3A_388 = arith.constant 1 : i32
      %dma_start3A_389 = arith.constant 1 : i32
      %dma_start3A_390 = arith.constant 1 : i32
      %dma_start3A_391 = arith.constant 0 : i32
      %dma_start3A_392 = arith.constant 0 : i32
      %dma_start3A_393 = tpu.memref_slice %arg8[%dma_start3A_388, %dma_start3A_391, %dma_start3A_392] : memref<4x50x128xf32, #tpu.memory_space<vmem>> -> memref<1x50x128xf32, #tpu.memory_space<vmem>>
      %dma_start3A_394 = tpu.memref_squeeze %dma_start3A_393 : memref<1x50x128xf32, #tpu.memory_space<vmem>> -> memref<50x128xf32, #tpu.memory_space<vmem>>
      %dma_start3A_395 = arith.constant 0 : i32
      %dma_start3A_396 = tpu.memref_slice %arg7[%dma_start3A_389, %dma_start3A_395] : memref<4x50xi32, #tpu.memory_space<vmem>> -> memref<1x50xi32, #tpu.memory_space<vmem>>
      %dma_start3A_397 = tpu.memref_squeeze %dma_start3A_396 : memref<1x50xi32, #tpu.memory_space<vmem>> -> memref<50xi32, #tpu.memory_space<vmem>>
      %dma_start3A_398 = arith.constant 0 : i32
      %dma_start3A_399 = arith.constant 0 : i32
      %dma_start3A_400 = tpu.memref_slice %arg9[%dma_start3A_398, %dma_start3A_399] : memref<10240x128xf32, #tpu.memory_space<vmem_shared>> -> memref<10240x128xf32, #tpu.memory_space<vmem_shared>>
      %dma_start3A_401 = tpu.memref_slice %arg13[%dma_start3A_390] : memref<4x!tpu.dma_semaphore, #tpu.memory_space<semaphore_mem>> -> memref<1x!tpu.dma_semaphore, #tpu.memory_space<semaphore_mem>>
      %dma_start3A_402 = tpu.memref_squeeze %dma_start3A_401 : memref<1x!tpu.dma_semaphore, #tpu.memory_space<semaphore_mem>> -> memref<!tpu.dma_semaphore, #tpu.memory_space<semaphore_mem>>
      tpu.enqueue_indirect_dma source(%dma_start3A_394 : memref<50x128xf32, #tpu.memory_space<vmem>>) target(%dma_start3A_400 : memref<10240x128xf32, #tpu.memory_space<vmem_shared>>) offsets(%dma_start3A_397 : memref<50xi32, #tpu.memory_space<vmem>>) semaphore(%dma_start3A_402 : memref<!tpu.dma_semaphore, #tpu.memory_space<semaphore_mem>>) {add = true}
      %lt3A_403 = arith.constant 49 : i32
      %lt3A_404 = arith.cmpi slt, %scan3A_229, %lt3A_403 : i32
      %convert_element_type3A_405 = arith.extui %lt3A_404 : i1 to i32
      %cond3A_406 = arith.constant 0 : i32
      %cond3A_407 = arith.cmpi ne, %convert_element_type3A_405, %cond3A_406 : i32
      scf.if %cond3A_407 {
        %add3A_633 = arith.constant 4 : i32
        %add3A_634 = arith.addi %add3A_352, %add3A_633 : i32
        %add3A_635 = arith.addi %mul3A_2, %add3A_634 : i32
        %dma_start3A_636 = arith.constant 1 : i32
        %dma_start3A_637 = arith.constant 1 : i32
        %dma_start3A_638 = arith.constant 0 : i32
        %dma_start3A_639 = tpu.memref_slice %arg6[%dma_start3A_637, %dma_start3A_638] : memref<4x50xi32, #tpu.memory_space<vmem>> -> memref<1x50xi32, #tpu.memory_space<vmem>>
        %dma_start3A_640 = arith.constant 0 : i32
        %dma_start3A_641 = arith.constant 0 : i32
        %dma_start3A_642 = tpu.memref_slice %arg3[%add3A_635, %dma_start3A_640, %dma_start3A_641] : memref<12800x1x50xi32, #tpu.memory_space<hbm>> -> memref<1x1x50xi32, #tpu.memory_space<hbm>>
        %dma_start3A_643 = tpu.memref_squeeze %dma_start3A_642 : memref<1x1x50xi32, #tpu.memory_space<hbm>> -> memref<1x50xi32, #tpu.memory_space<hbm>>
        %dma_start3A_644 = tpu.memref_slice %arg10[%dma_start3A_636] : memref<4x!tpu.dma_semaphore, #tpu.memory_space<semaphore_mem>> -> memref<1x!tpu.dma_semaphore, #tpu.memory_space<semaphore_mem>>
        %dma_start3A_645 = tpu.memref_squeeze %dma_start3A_644 : memref<1x!tpu.dma_semaphore, #tpu.memory_space<semaphore_mem>> -> memref<!tpu.dma_semaphore, #tpu.memory_space<semaphore_mem>>
        %dma_start3A_646 = arith.constant 1 : i32
        %dma_start3A_647 = arith.constant 0 : i32
        %dma_start3A_648 = tpu.memref_slice %arg6[%dma_start3A_646, %dma_start3A_647] : memref<4x50xi32, #tpu.memory_space<vmem>> -> memref<1x50xi32, #tpu.memory_space<vmem>>
        %dma_start3A_649 = arith.constant 0 : i32
        %dma_start3A_650 = arith.constant 0 : i32
        %dma_start3A_651 = tpu.memref_slice %arg3[%add3A_635, %dma_start3A_649, %dma_start3A_650] : memref<12800x1x50xi32, #tpu.memory_space<hbm>> -> memref<1x1x50xi32, #tpu.memory_space<hbm>>
        %dma_start3A_652 = tpu.memref_squeeze %dma_start3A_651 : memref<1x1x50xi32, #tpu.memory_space<hbm>> -> memref<1x50xi32, #tpu.memory_space<hbm>>
        tpu.enqueue_dma source(%dma_start3A_652 : memref<1x50xi32, #tpu.memory_space<hbm>>) target(%dma_start3A_648 : memref<1x50xi32, #tpu.memory_space<vmem>>) target_semaphore(%dma_start3A_645 : memref<!tpu.dma_semaphore, #tpu.memory_space<semaphore_mem>>)
      } else {
      }
      %gt3A_408 = arith.constant 0 : i32
      %gt3A_409 = arith.cmpi sgt, %scan3A_229, %gt3A_408 : i32
      %convert_element_type3A_410 = arith.extui %gt3A_409 : i1 to i32
      %cond3A_411 = arith.constant 0 : i32
      %cond3A_412 = arith.cmpi ne, %convert_element_type3A_410, %cond3A_411 : i32
      scf.if %cond3A_412 {
        %sub3A_633 = arith.constant 2 : i32
        %sub3A_634 = arith.subi %add3A_352, %sub3A_633 : i32
        %dma_wait3A_635 = arith.constant 3 : i32
        %dma_wait3A_636 = arith.constant 3 : i32
        %dma_wait3A_637 = arith.constant 3 : i32
        %dma_wait3A_638 = arith.constant 0 : i32
        %dma_wait3A_639 = arith.constant 0 : i32
        %dma_wait3A_640 = tpu.memref_slice %arg8[%dma_wait3A_635, %dma_wait3A_638, %dma_wait3A_639] : memref<4x50x128xf32, #tpu.memory_space<vmem>> -> memref<1x50x128xf32, #tpu.memory_space<vmem>>
        %dma_wait3A_641 = tpu.memref_squeeze %dma_wait3A_640 : memref<1x50x128xf32, #tpu.memory_space<vmem>> -> memref<50x128xf32, #tpu.memory_space<vmem>>
        %dma_wait3A_642 = arith.constant 0 : i32
        %dma_wait3A_643 = tpu.memref_slice %arg7[%dma_wait3A_636, %dma_wait3A_642] : memref<4x50xi32, #tpu.memory_space<vmem>> -> memref<1x50xi32, #tpu.memory_space<vmem>>
        %dma_wait3A_644 = tpu.memref_squeeze %dma_wait3A_643 : memref<1x50xi32, #tpu.memory_space<vmem>> -> memref<50xi32, #tpu.memory_space<vmem>>
        %dma_wait3A_645 = arith.constant 0 : i32
        %dma_wait3A_646 = arith.constant 0 : i32
        %dma_wait3A_647 = tpu.memref_slice %arg9[%dma_wait3A_645, %dma_wait3A_646] : memref<10240x128xf32, #tpu.memory_space<vmem_shared>> -> memref<10240x128xf32, #tpu.memory_space<vmem_shared>>
        %dma_wait3A_648 = tpu.memref_slice %arg13[%dma_wait3A_637] : memref<4x!tpu.dma_semaphore, #tpu.memory_space<semaphore_mem>> -> memref<1x!tpu.dma_semaphore, #tpu.memory_space<semaphore_mem>>
        %dma_wait3A_649 = tpu.memref_squeeze %dma_wait3A_648 : memref<1x!tpu.dma_semaphore, #tpu.memory_space<semaphore_mem>> -> memref<!tpu.dma_semaphore, #tpu.memory_space<semaphore_mem>>
        tpu.wait_indirect_dma semaphore(%dma_wait3A_649 : memref<!tpu.dma_semaphore, #tpu.memory_space<semaphore_mem>>) src(%dma_wait3A_641 : memref<50x128xf32, #tpu.memory_space<vmem>>) dst(%dma_wait3A_647 : memref<10240x128xf32, #tpu.memory_space<vmem_shared>>)
      } else {
      }
      %add3A_413 = arith.constant 2 : i32
      %add3A_414 = arith.addi %add3A_352, %add3A_413 : i32
      %add3A_415 = arith.constant 6400 : i32
      %add3A_416 = arith.addi %add3A_415, %mul3A_2 : i32
      %add3A_417 = arith.addi %add3A_416, %add3A_414 : i32
      %dma_start3A_418 = arith.constant 3 : i32
      %dma_start3A_419 = arith.constant 3 : i32
      %dma_start3A_420 = arith.constant 0 : i32
      %dma_start3A_421 = tpu.memref_slice %arg7[%dma_start3A_419, %dma_start3A_420] : memref<4x50xi32, #tpu.memory_space<vmem>> -> memref<1x50xi32, #tpu.memory_space<vmem>>
      %dma_start3A_422 = arith.constant 0 : i32
      %dma_start3A_423 = arith.constant 0 : i32
      %dma_start3A_424 = tpu.memref_slice %arg3[%add3A_417, %dma_start3A_422, %dma_start3A_423] : memref<12800x1x50xi32, #tpu.memory_space<hbm>> -> memref<1x1x50xi32, #tpu.memory_space<hbm>>
      %dma_start3A_425 = tpu.memref_squeeze %dma_start3A_424 : memref<1x1x50xi32, #tpu.memory_space<hbm>> -> memref<1x50xi32, #tpu.memory_space<hbm>>
      %dma_start3A_426 = tpu.memref_slice %arg11[%dma_start3A_418] : memref<4x!tpu.dma_semaphore, #tpu.memory_space<semaphore_mem>> -> memref<1x!tpu.dma_semaphore, #tpu.memory_space<semaphore_mem>>
      %dma_start3A_427 = tpu.memref_squeeze %dma_start3A_426 : memref<1x!tpu.dma_semaphore, #tpu.memory_space<semaphore_mem>> -> memref<!tpu.dma_semaphore, #tpu.memory_space<semaphore_mem>>
      %dma_start3A_428 = arith.constant 3 : i32
      %dma_start3A_429 = arith.constant 0 : i32
      %dma_start3A_430 = tpu.memref_slice %arg7[%dma_start3A_428, %dma_start3A_429] : memref<4x50xi32, #tpu.memory_space<vmem>> -> memref<1x50xi32, #tpu.memory_space<vmem>>
      %dma_start3A_431 = arith.constant 0 : i32
      %dma_start3A_432 = arith.constant 0 : i32
      %dma_start3A_433 = tpu.memref_slice %arg3[%add3A_417, %dma_start3A_431, %dma_start3A_432] : memref<12800x1x50xi32, #tpu.memory_space<hbm>> -> memref<1x1x50xi32, #tpu.memory_space<hbm>>
      %dma_start3A_434 = tpu.memref_squeeze %dma_start3A_433 : memref<1x1x50xi32, #tpu.memory_space<hbm>> -> memref<1x50xi32, #tpu.memory_space<hbm>>
      tpu.enqueue_dma source(%dma_start3A_434 : memref<1x50xi32, #tpu.memory_space<hbm>>) target(%dma_start3A_430 : memref<1x50xi32, #tpu.memory_space<vmem>>) target_semaphore(%dma_start3A_427 : memref<!tpu.dma_semaphore, #tpu.memory_space<semaphore_mem>>)
      %add3A_435 = arith.constant 2 : i32
      %add3A_436 = arith.addi %add3A_352, %add3A_435 : i32
      %add3A_437 = arith.addi %mul3A_2, %add3A_436 : i32
      %dma_wait3A_438 = arith.constant 3 : i32
      %dma_wait3A_439 = arith.constant 3 : i32
      %dma_wait3A_440 = arith.constant 0 : i32
      %dma_wait3A_441 = tpu.memref_slice %arg6[%dma_wait3A_439, %dma_wait3A_440] : memref<4x50xi32, #tpu.memory_space<vmem>> -> memref<1x50xi32, #tpu.memory_space<vmem>>
      %dma_wait3A_442 = arith.constant 0 : i32
      %dma_wait3A_443 = arith.constant 0 : i32
      %dma_wait3A_444 = tpu.memref_slice %arg3[%add3A_437, %dma_wait3A_442, %dma_wait3A_443] : memref<12800x1x50xi32, #tpu.memory_space<hbm>> -> memref<1x1x50xi32, #tpu.memory_space<hbm>>
      %dma_wait3A_445 = tpu.memref_squeeze %dma_wait3A_444 : memref<1x1x50xi32, #tpu.memory_space<hbm>> -> memref<1x50xi32, #tpu.memory_space<hbm>>
      %dma_wait3A_446 = tpu.memref_slice %arg10[%dma_wait3A_438] : memref<4x!tpu.dma_semaphore, #tpu.memory_space<semaphore_mem>> -> memref<1x!tpu.dma_semaphore, #tpu.memory_space<semaphore_mem>>
      %dma_wait3A_447 = tpu.memref_squeeze %dma_wait3A_446 : memref<1x!tpu.dma_semaphore, #tpu.memory_space<semaphore_mem>> -> memref<!tpu.dma_semaphore, #tpu.memory_space<semaphore_mem>>
      %dma_wait3A_448 = arith.constant 3 : i32
      %dma_wait3A_449 = arith.constant 0 : i32
      %dma_wait3A_450 = tpu.memref_slice %arg6[%dma_wait3A_448, %dma_wait3A_449] : memref<4x50xi32, #tpu.memory_space<vmem>> -> memref<1x50xi32, #tpu.memory_space<vmem>>
      %dma_wait3A_451 = arith.constant 0 : i32
      %dma_wait3A_452 = arith.constant 0 : i32
      %dma_wait3A_453 = tpu.memref_slice %arg3[%add3A_437, %dma_wait3A_451, %dma_wait3A_452] : memref<12800x1x50xi32, #tpu.memory_space<hbm>> -> memref<1x1x50xi32, #tpu.memory_space<hbm>>
      %dma_wait3A_454 = tpu.memref_squeeze %dma_wait3A_453 : memref<1x1x50xi32, #tpu.memory_space<hbm>> -> memref<1x50xi32, #tpu.memory_space<hbm>>
      tpu.wait_dma2 semaphore(%dma_wait3A_447 : memref<!tpu.dma_semaphore, #tpu.memory_space<semaphore_mem>>) src(%dma_wait3A_454 : memref<1x50xi32, #tpu.memory_space<hbm>>) dst(%dma_wait3A_450 : memref<1x50xi32, #tpu.memory_space<vmem>>)
      %add3A_455 = arith.constant 2 : i32
      %add3A_456 = arith.addi %add3A_352, %add3A_455 : i32
      %dma_start3A_457 = arith.constant 3 : i32
      %dma_start3A_458 = arith.constant 3 : i32
      %dma_start3A_459 = arith.constant 3 : i32
      %dma_start3A_460 = arith.constant 0 : i32
      %dma_start3A_461 = arith.constant 0 : i32
      %dma_start3A_462 = tpu.memref_slice %arg8[%dma_start3A_458, %dma_start3A_460, %dma_start3A_461] : memref<4x50x128xf32, #tpu.memory_space<vmem>> -> memref<1x50x128xf32, #tpu.memory_space<vmem>>
      %dma_start3A_463 = tpu.memref_squeeze %dma_start3A_462 : memref<1x50x128xf32, #tpu.memory_space<vmem>> -> memref<50x128xf32, #tpu.memory_space<vmem>>
      %dma_start3A_464 = arith.constant 0 : i32
      %dma_start3A_465 = tpu.memref_slice %arg6[%dma_start3A_457, %dma_start3A_464] : memref<4x50xi32, #tpu.memory_space<vmem>> -> memref<1x50xi32, #tpu.memory_space<vmem>>
      %dma_start3A_466 = tpu.memref_squeeze %dma_start3A_465 : memref<1x50xi32, #tpu.memory_space<vmem>> -> memref<50xi32, #tpu.memory_space<vmem>>
      %dma_start3A_467 = arith.constant 0 : i32
      %dma_start3A_468 = arith.constant 0 : i32
      %dma_start3A_469 = tpu.memref_slice %arg2[%dma_start3A_467, %dma_start3A_468] : memref<10000x128xf32, #tpu.memory_space<hbm>> -> memref<10000x128xf32, #tpu.memory_space<hbm>>
      %dma_start3A_470 = tpu.memref_slice %arg12[%dma_start3A_459] : memref<4x!tpu.dma_semaphore, #tpu.memory_space<semaphore_mem>> -> memref<1x!tpu.dma_semaphore, #tpu.memory_space<semaphore_mem>>
      %dma_start3A_471 = tpu.memref_squeeze %dma_start3A_470 : memref<1x!tpu.dma_semaphore, #tpu.memory_space<semaphore_mem>> -> memref<!tpu.dma_semaphore, #tpu.memory_space<semaphore_mem>>
      tpu.enqueue_indirect_dma source(%dma_start3A_469 : memref<10000x128xf32, #tpu.memory_space<hbm>>) target(%dma_start3A_463 : memref<50x128xf32, #tpu.memory_space<vmem>>) offsets(%dma_start3A_466 : memref<50xi32, #tpu.memory_space<vmem>>) semaphore(%dma_start3A_471 : memref<!tpu.dma_semaphore, #tpu.memory_space<semaphore_mem>>)
      %mul3A_472 = arith.constant 4 : i32
      %mul3A_473 = arith.muli %mul3A_472, %scan3A_229 : i32
      %add3A_474 = arith.constant 2 : i32
      %add3A_475 = arith.addi %mul3A_473, %add3A_474 : i32
      %dma_wait3A_476 = arith.constant 2 : i32
      %dma_wait3A_477 = arith.constant 2 : i32
      %dma_wait3A_478 = arith.constant 2 : i32
      %dma_wait3A_479 = arith.constant 0 : i32
      %dma_wait3A_480 = arith.constant 0 : i32
      %dma_wait3A_481 = tpu.memref_slice %arg8[%dma_wait3A_477, %dma_wait3A_479, %dma_wait3A_480] : memref<4x50x128xf32, #tpu.memory_space<vmem>> -> memref<1x50x128xf32, #tpu.memory_space<vmem>>
      %dma_wait3A_482 = tpu.memref_squeeze %dma_wait3A_481 : memref<1x50x128xf32, #tpu.memory_space<vmem>> -> memref<50x128xf32, #tpu.memory_space<vmem>>
      %dma_wait3A_483 = arith.constant 0 : i32
      %dma_wait3A_484 = tpu.memref_slice %arg6[%dma_wait3A_476, %dma_wait3A_483] : memref<4x50xi32, #tpu.memory_space<vmem>> -> memref<1x50xi32, #tpu.memory_space<vmem>>
      %dma_wait3A_485 = tpu.memref_squeeze %dma_wait3A_484 : memref<1x50xi32, #tpu.memory_space<vmem>> -> memref<50xi32, #tpu.memory_space<vmem>>
      %dma_wait3A_486 = arith.constant 0 : i32
      %dma_wait3A_487 = arith.constant 0 : i32
      %dma_wait3A_488 = tpu.memref_slice %arg2[%dma_wait3A_486, %dma_wait3A_487] : memref<10000x128xf32, #tpu.memory_space<hbm>> -> memref<10000x128xf32, #tpu.memory_space<hbm>>
      %dma_wait3A_489 = tpu.memref_slice %arg12[%dma_wait3A_478] : memref<4x!tpu.dma_semaphore, #tpu.memory_space<semaphore_mem>> -> memref<1x!tpu.dma_semaphore, #tpu.memory_space<semaphore_mem>>
      %dma_wait3A_490 = tpu.memref_squeeze %dma_wait3A_489 : memref<1x!tpu.dma_semaphore, #tpu.memory_space<semaphore_mem>> -> memref<!tpu.dma_semaphore, #tpu.memory_space<semaphore_mem>>
      tpu.wait_indirect_dma semaphore(%dma_wait3A_490 : memref<!tpu.dma_semaphore, #tpu.memory_space<semaphore_mem>>) src(%dma_wait3A_488 : memref<10000x128xf32, #tpu.memory_space<hbm>>) dst(%dma_wait3A_482 : memref<50x128xf32, #tpu.memory_space<vmem>>)
      %add3A_491 = arith.constant 6400 : i32
      %add3A_492 = arith.addi %add3A_491, %mul3A_2 : i32
      %add3A_493 = arith.addi %add3A_492, %add3A_475 : i32
      %dma_wait3A_494 = arith.constant 2 : i32
      %dma_wait3A_495 = arith.constant 2 : i32
      %dma_wait3A_496 = arith.constant 0 : i32
      %dma_wait3A_497 = tpu.memref_slice %arg7[%dma_wait3A_495, %dma_wait3A_496] : memref<4x50xi32, #tpu.memory_space<vmem>> -> memref<1x50xi32, #tpu.memory_space<vmem>>
      %dma_wait3A_498 = arith.constant 0 : i32
      %dma_wait3A_499 = arith.constant 0 : i32
      %dma_wait3A_500 = tpu.memref_slice %arg3[%add3A_493, %dma_wait3A_498, %dma_wait3A_499] : memref<12800x1x50xi32, #tpu.memory_space<hbm>> -> memref<1x1x50xi32, #tpu.memory_space<hbm>>
      %dma_wait3A_501 = tpu.memref_squeeze %dma_wait3A_500 : memref<1x1x50xi32, #tpu.memory_space<hbm>> -> memref<1x50xi32, #tpu.memory_space<hbm>>
      %dma_wait3A_502 = tpu.memref_slice %arg11[%dma_wait3A_494] : memref<4x!tpu.dma_semaphore, #tpu.memory_space<semaphore_mem>> -> memref<1x!tpu.dma_semaphore, #tpu.memory_space<semaphore_mem>>
      %dma_wait3A_503 = tpu.memref_squeeze %dma_wait3A_502 : memref<1x!tpu.dma_semaphore, #tpu.memory_space<semaphore_mem>> -> memref<!tpu.dma_semaphore, #tpu.memory_space<semaphore_mem>>
      %dma_wait3A_504 = arith.constant 2 : i32
      %dma_wait3A_505 = arith.constant 0 : i32
      %dma_wait3A_506 = tpu.memref_slice %arg7[%dma_wait3A_504, %dma_wait3A_505] : memref<4x50xi32, #tpu.memory_space<vmem>> -> memref<1x50xi32, #tpu.memory_space<vmem>>
      %dma_wait3A_507 = arith.constant 0 : i32
      %dma_wait3A_508 = arith.constant 0 : i32
      %dma_wait3A_509 = tpu.memref_slice %arg3[%add3A_493, %dma_wait3A_507, %dma_wait3A_508] : memref<12800x1x50xi32, #tpu.memory_space<hbm>> -> memref<1x1x50xi32, #tpu.memory_space<hbm>>
      %dma_wait3A_510 = tpu.memref_squeeze %dma_wait3A_509 : memref<1x1x50xi32, #tpu.memory_space<hbm>> -> memref<1x50xi32, #tpu.memory_space<hbm>>
      tpu.wait_dma2 semaphore(%dma_wait3A_503 : memref<!tpu.dma_semaphore, #tpu.memory_space<semaphore_mem>>) src(%dma_wait3A_510 : memref<1x50xi32, #tpu.memory_space<hbm>>) dst(%dma_wait3A_506 : memref<1x50xi32, #tpu.memory_space<vmem>>)
      %dma_start3A_511 = arith.constant 2 : i32
      %dma_start3A_512 = arith.constant 2 : i32
      %dma_start3A_513 = arith.constant 2 : i32
      %dma_start3A_514 = arith.constant 0 : i32
      %dma_start3A_515 = arith.constant 0 : i32
      %dma_start3A_516 = tpu.memref_slice %arg8[%dma_start3A_511, %dma_start3A_514, %dma_start3A_515] : memref<4x50x128xf32, #tpu.memory_space<vmem>> -> memref<1x50x128xf32, #tpu.memory_space<vmem>>
      %dma_start3A_517 = tpu.memref_squeeze %dma_start3A_516 : memref<1x50x128xf32, #tpu.memory_space<vmem>> -> memref<50x128xf32, #tpu.memory_space<vmem>>
      %dma_start3A_518 = arith.constant 0 : i32
      %dma_start3A_519 = tpu.memref_slice %arg7[%dma_start3A_512, %dma_start3A_518] : memref<4x50xi32, #tpu.memory_space<vmem>> -> memref<1x50xi32, #tpu.memory_space<vmem>>
      %dma_start3A_520 = tpu.memref_squeeze %dma_start3A_519 : memref<1x50xi32, #tpu.memory_space<vmem>> -> memref<50xi32, #tpu.memory_space<vmem>>
      %dma_start3A_521 = arith.constant 0 : i32
      %dma_start3A_522 = arith.constant 0 : i32
      %dma_start3A_523 = tpu.memref_slice %arg9[%dma_start3A_521, %dma_start3A_522] : memref<10240x128xf32, #tpu.memory_space<vmem_shared>> -> memref<10240x128xf32, #tpu.memory_space<vmem_shared>>
      %dma_start3A_524 = tpu.memref_slice %arg13[%dma_start3A_513] : memref<4x!tpu.dma_semaphore, #tpu.memory_space<semaphore_mem>> -> memref<1x!tpu.dma_semaphore, #tpu.memory_space<semaphore_mem>>
      %dma_start3A_525 = tpu.memref_squeeze %dma_start3A_524 : memref<1x!tpu.dma_semaphore, #tpu.memory_space<semaphore_mem>> -> memref<!tpu.dma_semaphore, #tpu.memory_space<semaphore_mem>>
      tpu.enqueue_indirect_dma source(%dma_start3A_517 : memref<50x128xf32, #tpu.memory_space<vmem>>) target(%dma_start3A_523 : memref<10240x128xf32, #tpu.memory_space<vmem_shared>>) offsets(%dma_start3A_520 : memref<50xi32, #tpu.memory_space<vmem>>) semaphore(%dma_start3A_525 : memref<!tpu.dma_semaphore, #tpu.memory_space<semaphore_mem>>) {add = true}
      %lt3A_526 = arith.constant 49 : i32
      %lt3A_527 = arith.cmpi slt, %scan3A_229, %lt3A_526 : i32
      %convert_element_type3A_528 = arith.extui %lt3A_527 : i1 to i32
      %cond3A_529 = arith.constant 0 : i32
      %cond3A_530 = arith.cmpi ne, %convert_element_type3A_528, %cond3A_529 : i32
      scf.if %cond3A_530 {
        %add3A_633 = arith.constant 4 : i32
        %add3A_634 = arith.addi %add3A_475, %add3A_633 : i32
        %add3A_635 = arith.addi %mul3A_2, %add3A_634 : i32
        %dma_start3A_636 = arith.constant 2 : i32
        %dma_start3A_637 = arith.constant 2 : i32
        %dma_start3A_638 = arith.constant 0 : i32
        %dma_start3A_639 = tpu.memref_slice %arg6[%dma_start3A_637, %dma_start3A_638] : memref<4x50xi32, #tpu.memory_space<vmem>> -> memref<1x50xi32, #tpu.memory_space<vmem>>
        %dma_start3A_640 = arith.constant 0 : i32
        %dma_start3A_641 = arith.constant 0 : i32
        %dma_start3A_642 = tpu.memref_slice %arg3[%add3A_635, %dma_start3A_640, %dma_start3A_641] : memref<12800x1x50xi32, #tpu.memory_space<hbm>> -> memref<1x1x50xi32, #tpu.memory_space<hbm>>
        %dma_start3A_643 = tpu.memref_squeeze %dma_start3A_642 : memref<1x1x50xi32, #tpu.memory_space<hbm>> -> memref<1x50xi32, #tpu.memory_space<hbm>>
        %dma_start3A_644 = tpu.memref_slice %arg10[%dma_start3A_636] : memref<4x!tpu.dma_semaphore, #tpu.memory_space<semaphore_mem>> -> memref<1x!tpu.dma_semaphore, #tpu.memory_space<semaphore_mem>>
        %dma_start3A_645 = tpu.memref_squeeze %dma_start3A_644 : memref<1x!tpu.dma_semaphore, #tpu.memory_space<semaphore_mem>> -> memref<!tpu.dma_semaphore, #tpu.memory_space<semaphore_mem>>
        %dma_start3A_646 = arith.constant 2 : i32
        %dma_start3A_647 = arith.constant 0 : i32
        %dma_start3A_648 = tpu.memref_slice %arg6[%dma_start3A_646, %dma_start3A_647] : memref<4x50xi32, #tpu.memory_space<vmem>> -> memref<1x50xi32, #tpu.memory_space<vmem>>
        %dma_start3A_649 = arith.constant 0 : i32
        %dma_start3A_650 = arith.constant 0 : i32
        %dma_start3A_651 = tpu.memref_slice %arg3[%add3A_635, %dma_start3A_649, %dma_start3A_650] : memref<12800x1x50xi32, #tpu.memory_space<hbm>> -> memref<1x1x50xi32, #tpu.memory_space<hbm>>
        %dma_start3A_652 = tpu.memref_squeeze %dma_start3A_651 : memref<1x1x50xi32, #tpu.memory_space<hbm>> -> memref<1x50xi32, #tpu.memory_space<hbm>>
        tpu.enqueue_dma source(%dma_start3A_652 : memref<1x50xi32, #tpu.memory_space<hbm>>) target(%dma_start3A_648 : memref<1x50xi32, #tpu.memory_space<vmem>>) target_semaphore(%dma_start3A_645 : memref<!tpu.dma_semaphore, #tpu.memory_space<semaphore_mem>>)
      } else {
      }
      %sub3A = arith.constant 2 : i32
      %sub3A_531 = arith.subi %add3A_475, %sub3A : i32
      %dma_wait3A_532 = arith.constant 0 : i32
      %dma_wait3A_533 = arith.constant 0 : i32
      %dma_wait3A_534 = arith.constant 0 : i32
      %dma_wait3A_535 = arith.constant 0 : i32
      %dma_wait3A_536 = arith.constant 0 : i32
      %dma_wait3A_537 = tpu.memref_slice %arg8[%dma_wait3A_532, %dma_wait3A_535, %dma_wait3A_536] : memref<4x50x128xf32, #tpu.memory_space<vmem>> -> memref<1x50x128xf32, #tpu.memory_space<vmem>>
      %dma_wait3A_538 = tpu.memref_squeeze %dma_wait3A_537 : memref<1x50x128xf32, #tpu.memory_space<vmem>> -> memref<50x128xf32, #tpu.memory_space<vmem>>
      %dma_wait3A_539 = arith.constant 0 : i32
      %dma_wait3A_540 = tpu.memref_slice %arg7[%dma_wait3A_533, %dma_wait3A_539] : memref<4x50xi32, #tpu.memory_space<vmem>> -> memref<1x50xi32, #tpu.memory_space<vmem>>
      %dma_wait3A_541 = tpu.memref_squeeze %dma_wait3A_540 : memref<1x50xi32, #tpu.memory_space<vmem>> -> memref<50xi32, #tpu.memory_space<vmem>>
      %dma_wait3A_542 = arith.constant 0 : i32
      %dma_wait3A_543 = arith.constant 0 : i32
      %dma_wait3A_544 = tpu.memref_slice %arg9[%dma_wait3A_542, %dma_wait3A_543] : memref<10240x128xf32, #tpu.memory_space<vmem_shared>> -> memref<10240x128xf32, #tpu.memory_space<vmem_shared>>
      %dma_wait3A_545 = tpu.memref_slice %arg13[%dma_wait3A_534] : memref<4x!tpu.dma_semaphore, #tpu.memory_space<semaphore_mem>> -> memref<1x!tpu.dma_semaphore, #tpu.memory_space<semaphore_mem>>
      %dma_wait3A_546 = tpu.memref_squeeze %dma_wait3A_545 : memref<1x!tpu.dma_semaphore, #tpu.memory_space<semaphore_mem>> -> memref<!tpu.dma_semaphore, #tpu.memory_space<semaphore_mem>>
      tpu.wait_indirect_dma semaphore(%dma_wait3A_546 : memref<!tpu.dma_semaphore, #tpu.memory_space<semaphore_mem>>) src(%dma_wait3A_538 : memref<50x128xf32, #tpu.memory_space<vmem>>) dst(%dma_wait3A_544 : memref<10240x128xf32, #tpu.memory_space<vmem_shared>>)
      %lt3A_547 = arith.constant 49 : i32
      %lt3A_548 = arith.cmpi slt, %scan3A_229, %lt3A_547 : i32
      %convert_element_type3A_549 = arith.extui %lt3A_548 : i1 to i32
      %cond3A_550 = arith.constant 0 : i32
      %cond3A_551 = arith.cmpi ne, %convert_element_type3A_549, %cond3A_550 : i32
      scf.if %cond3A_551 {
        %add3A_633 = arith.constant 2 : i32
        %add3A_634 = arith.addi %add3A_475, %add3A_633 : i32
        %add3A_635 = arith.constant 6400 : i32
        %add3A_636 = arith.addi %add3A_635, %mul3A_2 : i32
        %add3A_637 = arith.addi %add3A_636, %add3A_634 : i32
        %dma_start3A_638 = arith.constant 0 : i32
        %dma_start3A_639 = arith.constant 0 : i32
        %dma_start3A_640 = arith.constant 0 : i32
        %dma_start3A_641 = tpu.memref_slice %arg7[%dma_start3A_639, %dma_start3A_640] : memref<4x50xi32, #tpu.memory_space<vmem>> -> memref<1x50xi32, #tpu.memory_space<vmem>>
        %dma_start3A_642 = arith.constant 0 : i32
        %dma_start3A_643 = arith.constant 0 : i32
        %dma_start3A_644 = tpu.memref_slice %arg3[%add3A_637, %dma_start3A_642, %dma_start3A_643] : memref<12800x1x50xi32, #tpu.memory_space<hbm>> -> memref<1x1x50xi32, #tpu.memory_space<hbm>>
        %dma_start3A_645 = tpu.memref_squeeze %dma_start3A_644 : memref<1x1x50xi32, #tpu.memory_space<hbm>> -> memref<1x50xi32, #tpu.memory_space<hbm>>
        %dma_start3A_646 = tpu.memref_slice %arg11[%dma_start3A_638] : memref<4x!tpu.dma_semaphore, #tpu.memory_space<semaphore_mem>> -> memref<1x!tpu.dma_semaphore, #tpu.memory_space<semaphore_mem>>
        %dma_start3A_647 = tpu.memref_squeeze %dma_start3A_646 : memref<1x!tpu.dma_semaphore, #tpu.memory_space<semaphore_mem>> -> memref<!tpu.dma_semaphore, #tpu.memory_space<semaphore_mem>>
        %dma_start3A_648 = arith.constant 0 : i32
        %dma_start3A_649 = arith.constant 0 : i32
        %dma_start3A_650 = tpu.memref_slice %arg7[%dma_start3A_648, %dma_start3A_649] : memref<4x50xi32, #tpu.memory_space<vmem>> -> memref<1x50xi32, #tpu.memory_space<vmem>>
        %dma_start3A_651 = arith.constant 0 : i32
        %dma_start3A_652 = arith.constant 0 : i32
        %dma_start3A_653 = tpu.memref_slice %arg3[%add3A_637, %dma_start3A_651, %dma_start3A_652] : memref<12800x1x50xi32, #tpu.memory_space<hbm>> -> memref<1x1x50xi32, #tpu.memory_space<hbm>>
        %dma_start3A_654 = tpu.memref_squeeze %dma_start3A_653 : memref<1x1x50xi32, #tpu.memory_space<hbm>> -> memref<1x50xi32, #tpu.memory_space<hbm>>
        tpu.enqueue_dma source(%dma_start3A_654 : memref<1x50xi32, #tpu.memory_space<hbm>>) target(%dma_start3A_650 : memref<1x50xi32, #tpu.memory_space<vmem>>) target_semaphore(%dma_start3A_647 : memref<!tpu.dma_semaphore, #tpu.memory_space<semaphore_mem>>)
        %add3A_655 = arith.constant 2 : i32
        %add3A_656 = arith.addi %add3A_475, %add3A_655 : i32
        %add3A_657 = arith.addi %mul3A_2, %add3A_656 : i32
        %dma_wait3A_658 = arith.constant 0 : i32
        %dma_wait3A_659 = arith.constant 0 : i32
        %dma_wait3A_660 = arith.constant 0 : i32
        %dma_wait3A_661 = tpu.memref_slice %arg6[%dma_wait3A_659, %dma_wait3A_660] : memref<4x50xi32, #tpu.memory_space<vmem>> -> memref<1x50xi32, #tpu.memory_space<vmem>>
        %dma_wait3A_662 = arith.constant 0 : i32
        %dma_wait3A_663 = arith.constant 0 : i32
        %dma_wait3A_664 = tpu.memref_slice %arg3[%add3A_657, %dma_wait3A_662, %dma_wait3A_663] : memref<12800x1x50xi32, #tpu.memory_space<hbm>> -> memref<1x1x50xi32, #tpu.memory_space<hbm>>
        %dma_wait3A_665 = tpu.memref_squeeze %dma_wait3A_664 : memref<1x1x50xi32, #tpu.memory_space<hbm>> -> memref<1x50xi32, #tpu.memory_space<hbm>>
        %dma_wait3A_666 = tpu.memref_slice %arg10[%dma_wait3A_658] : memref<4x!tpu.dma_semaphore, #tpu.memory_space<semaphore_mem>> -> memref<1x!tpu.dma_semaphore, #tpu.memory_space<semaphore_mem>>
        %dma_wait3A_667 = tpu.memref_squeeze %dma_wait3A_666 : memref<1x!tpu.dma_semaphore, #tpu.memory_space<semaphore_mem>> -> memref<!tpu.dma_semaphore, #tpu.memory_space<semaphore_mem>>
        %dma_wait3A_668 = arith.constant 0 : i32
        %dma_wait3A_669 = arith.constant 0 : i32
        %dma_wait3A_670 = tpu.memref_slice %arg6[%dma_wait3A_668, %dma_wait3A_669] : memref<4x50xi32, #tpu.memory_space<vmem>> -> memref<1x50xi32, #tpu.memory_space<vmem>>
        %dma_wait3A_671 = arith.constant 0 : i32
        %dma_wait3A_672 = arith.constant 0 : i32
        %dma_wait3A_673 = tpu.memref_slice %arg3[%add3A_657, %dma_wait3A_671, %dma_wait3A_672] : memref<12800x1x50xi32, #tpu.memory_space<hbm>> -> memref<1x1x50xi32, #tpu.memory_space<hbm>>
        %dma_wait3A_674 = tpu.memref_squeeze %dma_wait3A_673 : memref<1x1x50xi32, #tpu.memory_space<hbm>> -> memref<1x50xi32, #tpu.memory_space<hbm>>
        tpu.wait_dma2 semaphore(%dma_wait3A_667 : memref<!tpu.dma_semaphore, #tpu.memory_space<semaphore_mem>>) src(%dma_wait3A_674 : memref<1x50xi32, #tpu.memory_space<hbm>>) dst(%dma_wait3A_670 : memref<1x50xi32, #tpu.memory_space<vmem>>)
        %add3A_675 = arith.constant 2 : i32
        %add3A_676 = arith.addi %add3A_475, %add3A_675 : i32
        %dma_start3A_677 = arith.constant 0 : i32
        %dma_start3A_678 = arith.constant 0 : i32
        %dma_start3A_679 = arith.constant 0 : i32
        %dma_start3A_680 = arith.constant 0 : i32
        %dma_start3A_681 = arith.constant 0 : i32
        %dma_start3A_682 = tpu.memref_slice %arg8[%dma_start3A_678, %dma_start3A_680, %dma_start3A_681] : memref<4x50x128xf32, #tpu.memory_space<vmem>> -> memref<1x50x128xf32, #tpu.memory_space<vmem>>
        %dma_start3A_683 = tpu.memref_squeeze %dma_start3A_682 : memref<1x50x128xf32, #tpu.memory_space<vmem>> -> memref<50x128xf32, #tpu.memory_space<vmem>>
        %dma_start3A_684 = arith.constant 0 : i32
        %dma_start3A_685 = tpu.memref_slice %arg6[%dma_start3A_677, %dma_start3A_684] : memref<4x50xi32, #tpu.memory_space<vmem>> -> memref<1x50xi32, #tpu.memory_space<vmem>>
        %dma_start3A_686 = tpu.memref_squeeze %dma_start3A_685 : memref<1x50xi32, #tpu.memory_space<vmem>> -> memref<50xi32, #tpu.memory_space<vmem>>
        %dma_start3A_687 = arith.constant 0 : i32
        %dma_start3A_688 = arith.constant 0 : i32
        %dma_start3A_689 = tpu.memref_slice %arg2[%dma_start3A_687, %dma_start3A_688] : memref<10000x128xf32, #tpu.memory_space<hbm>> -> memref<10000x128xf32, #tpu.memory_space<hbm>>
        %dma_start3A_690 = tpu.memref_slice %arg12[%dma_start3A_679] : memref<4x!tpu.dma_semaphore, #tpu.memory_space<semaphore_mem>> -> memref<1x!tpu.dma_semaphore, #tpu.memory_space<semaphore_mem>>
        %dma_start3A_691 = tpu.memref_squeeze %dma_start3A_690 : memref<1x!tpu.dma_semaphore, #tpu.memory_space<semaphore_mem>> -> memref<!tpu.dma_semaphore, #tpu.memory_space<semaphore_mem>>
        tpu.enqueue_indirect_dma source(%dma_start3A_689 : memref<10000x128xf32, #tpu.memory_space<hbm>>) target(%dma_start3A_683 : memref<50x128xf32, #tpu.memory_space<vmem>>) offsets(%dma_start3A_686 : memref<50xi32, #tpu.memory_space<vmem>>) semaphore(%dma_start3A_691 : memref<!tpu.dma_semaphore, #tpu.memory_space<semaphore_mem>>)
      } else {
      }
      %mul3A_552 = arith.constant 4 : i32
      %mul3A_553 = arith.muli %mul3A_552, %scan3A_229 : i32
      %add3A_554 = arith.constant 3 : i32
      %add3A_555 = arith.addi %mul3A_553, %add3A_554 : i32
      %dma_wait3A_556 = arith.constant 3 : i32
      %dma_wait3A_557 = arith.constant 3 : i32
      %dma_wait3A_558 = arith.constant 3 : i32
      %dma_wait3A_559 = arith.constant 0 : i32
      %dma_wait3A_560 = arith.constant 0 : i32
      %dma_wait3A_561 = tpu.memref_slice %arg8[%dma_wait3A_557, %dma_wait3A_559, %dma_wait3A_560] : memref<4x50x128xf32, #tpu.memory_space<vmem>> -> memref<1x50x128xf32, #tpu.memory_space<vmem>>
      %dma_wait3A_562 = tpu.memref_squeeze %dma_wait3A_561 : memref<1x50x128xf32, #tpu.memory_space<vmem>> -> memref<50x128xf32, #tpu.memory_space<vmem>>
      %dma_wait3A_563 = arith.constant 0 : i32
      %dma_wait3A_564 = tpu.memref_slice %arg6[%dma_wait3A_556, %dma_wait3A_563] : memref<4x50xi32, #tpu.memory_space<vmem>> -> memref<1x50xi32, #tpu.memory_space<vmem>>
      %dma_wait3A_565 = tpu.memref_squeeze %dma_wait3A_564 : memref<1x50xi32, #tpu.memory_space<vmem>> -> memref<50xi32, #tpu.memory_space<vmem>>
      %dma_wait3A_566 = arith.constant 0 : i32
      %dma_wait3A_567 = arith.constant 0 : i32
      %dma_wait3A_568 = tpu.memref_slice %arg2[%dma_wait3A_566, %dma_wait3A_567] : memref<10000x128xf32, #tpu.memory_space<hbm>> -> memref<10000x128xf32, #tpu.memory_space<hbm>>
      %dma_wait3A_569 = tpu.memref_slice %arg12[%dma_wait3A_558] : memref<4x!tpu.dma_semaphore, #tpu.memory_space<semaphore_mem>> -> memref<1x!tpu.dma_semaphore, #tpu.memory_space<semaphore_mem>>
      %dma_wait3A_570 = tpu.memref_squeeze %dma_wait3A_569 : memref<1x!tpu.dma_semaphore, #tpu.memory_space<semaphore_mem>> -> memref<!tpu.dma_semaphore, #tpu.memory_space<semaphore_mem>>
      tpu.wait_indirect_dma semaphore(%dma_wait3A_570 : memref<!tpu.dma_semaphore, #tpu.memory_space<semaphore_mem>>) src(%dma_wait3A_568 : memref<10000x128xf32, #tpu.memory_space<hbm>>) dst(%dma_wait3A_562 : memref<50x128xf32, #tpu.memory_space<vmem>>)
      %add3A_571 = arith.constant 6400 : i32
      %add3A_572 = arith.addi %add3A_571, %mul3A_2 : i32
      %add3A_573 = arith.addi %add3A_572, %add3A_555 : i32
      %dma_wait3A_574 = arith.constant 3 : i32
      %dma_wait3A_575 = arith.constant 3 : i32
      %dma_wait3A_576 = arith.constant 0 : i32
      %dma_wait3A_577 = tpu.memref_slice %arg7[%dma_wait3A_575, %dma_wait3A_576] : memref<4x50xi32, #tpu.memory_space<vmem>> -> memref<1x50xi32, #tpu.memory_space<vmem>>
      %dma_wait3A_578 = arith.constant 0 : i32
      %dma_wait3A_579 = arith.constant 0 : i32
      %dma_wait3A_580 = tpu.memref_slice %arg3[%add3A_573, %dma_wait3A_578, %dma_wait3A_579] : memref<12800x1x50xi32, #tpu.memory_space<hbm>> -> memref<1x1x50xi32, #tpu.memory_space<hbm>>
      %dma_wait3A_581 = tpu.memref_squeeze %dma_wait3A_580 : memref<1x1x50xi32, #tpu.memory_space<hbm>> -> memref<1x50xi32, #tpu.memory_space<hbm>>
      %dma_wait3A_582 = tpu.memref_slice %arg11[%dma_wait3A_574] : memref<4x!tpu.dma_semaphore, #tpu.memory_space<semaphore_mem>> -> memref<1x!tpu.dma_semaphore, #tpu.memory_space<semaphore_mem>>
      %dma_wait3A_583 = tpu.memref_squeeze %dma_wait3A_582 : memref<1x!tpu.dma_semaphore, #tpu.memory_space<semaphore_mem>> -> memref<!tpu.dma_semaphore, #tpu.memory_space<semaphore_mem>>
      %dma_wait3A_584 = arith.constant 3 : i32
      %dma_wait3A_585 = arith.constant 0 : i32
      %dma_wait3A_586 = tpu.memref_slice %arg7[%dma_wait3A_584, %dma_wait3A_585] : memref<4x50xi32, #tpu.memory_space<vmem>> -> memref<1x50xi32, #tpu.memory_space<vmem>>
      %dma_wait3A_587 = arith.constant 0 : i32
      %dma_wait3A_588 = arith.constant 0 : i32
      %dma_wait3A_589 = tpu.memref_slice %arg3[%add3A_573, %dma_wait3A_587, %dma_wait3A_588] : memref<12800x1x50xi32, #tpu.memory_space<hbm>> -> memref<1x1x50xi32, #tpu.memory_space<hbm>>
      %dma_wait3A_590 = tpu.memref_squeeze %dma_wait3A_589 : memref<1x1x50xi32, #tpu.memory_space<hbm>> -> memref<1x50xi32, #tpu.memory_space<hbm>>
      tpu.wait_dma2 semaphore(%dma_wait3A_583 : memref<!tpu.dma_semaphore, #tpu.memory_space<semaphore_mem>>) src(%dma_wait3A_590 : memref<1x50xi32, #tpu.memory_space<hbm>>) dst(%dma_wait3A_586 : memref<1x50xi32, #tpu.memory_space<vmem>>)
      %dma_start3A_591 = arith.constant 3 : i32
      %dma_start3A_592 = arith.constant 3 : i32
      %dma_start3A_593 = arith.constant 3 : i32
      %dma_start3A_594 = arith.constant 0 : i32
      %dma_start3A_595 = arith.constant 0 : i32
      %dma_start3A_596 = tpu.memref_slice %arg8[%dma_start3A_591, %dma_start3A_594, %dma_start3A_595] : memref<4x50x128xf32, #tpu.memory_space<vmem>> -> memref<1x50x128xf32, #tpu.memory_space<vmem>>
      %dma_start3A_597 = tpu.memref_squeeze %dma_start3A_596 : memref<1x50x128xf32, #tpu.memory_space<vmem>> -> memref<50x128xf32, #tpu.memory_space<vmem>>
      %dma_start3A_598 = arith.constant 0 : i32
      %dma_start3A_599 = tpu.memref_slice %arg7[%dma_start3A_592, %dma_start3A_598] : memref<4x50xi32, #tpu.memory_space<vmem>> -> memref<1x50xi32, #tpu.memory_space<vmem>>
      %dma_start3A_600 = tpu.memref_squeeze %dma_start3A_599 : memref<1x50xi32, #tpu.memory_space<vmem>> -> memref<50xi32, #tpu.memory_space<vmem>>
      %dma_start3A_601 = arith.constant 0 : i32
      %dma_start3A_602 = arith.constant 0 : i32
      %dma_start3A_603 = tpu.memref_slice %arg9[%dma_start3A_601, %dma_start3A_602] : memref<10240x128xf32, #tpu.memory_space<vmem_shared>> -> memref<10240x128xf32, #tpu.memory_space<vmem_shared>>
      %dma_start3A_604 = tpu.memref_slice %arg13[%dma_start3A_593] : memref<4x!tpu.dma_semaphore, #tpu.memory_space<semaphore_mem>> -> memref<1x!tpu.dma_semaphore, #tpu.memory_space<semaphore_mem>>
      %dma_start3A_605 = tpu.memref_squeeze %dma_start3A_604 : memref<1x!tpu.dma_semaphore, #tpu.memory_space<semaphore_mem>> -> memref<!tpu.dma_semaphore, #tpu.memory_space<semaphore_mem>>
      tpu.enqueue_indirect_dma source(%dma_start3A_597 : memref<50x128xf32, #tpu.memory_space<vmem>>) target(%dma_start3A_603 : memref<10240x128xf32, #tpu.memory_space<vmem_shared>>) offsets(%dma_start3A_600 : memref<50xi32, #tpu.memory_space<vmem>>) semaphore(%dma_start3A_605 : memref<!tpu.dma_semaphore, #tpu.memory_space<semaphore_mem>>) {add = true}
      %lt3A_606 = arith.constant 49 : i32
      %lt3A_607 = arith.cmpi slt, %scan3A_229, %lt3A_606 : i32
      %convert_element_type3A_608 = arith.extui %lt3A_607 : i1 to i32
      %cond3A_609 = arith.constant 0 : i32
      %cond3A_610 = arith.cmpi ne, %convert_element_type3A_608, %cond3A_609 : i32
      scf.if %cond3A_610 {
        %add3A_633 = arith.constant 4 : i32
        %add3A_634 = arith.addi %add3A_555, %add3A_633 : i32
        %add3A_635 = arith.addi %mul3A_2, %add3A_634 : i32
        %dma_start3A_636 = arith.constant 3 : i32
        %dma_start3A_637 = arith.constant 3 : i32
        %dma_start3A_638 = arith.constant 0 : i32
        %dma_start3A_639 = tpu.memref_slice %arg6[%dma_start3A_637, %dma_start3A_638] : memref<4x50xi32, #tpu.memory_space<vmem>> -> memref<1x50xi32, #tpu.memory_space<vmem>>
        %dma_start3A_640 = arith.constant 0 : i32
        %dma_start3A_641 = arith.constant 0 : i32
        %dma_start3A_642 = tpu.memref_slice %arg3[%add3A_635, %dma_start3A_640, %dma_start3A_641] : memref<12800x1x50xi32, #tpu.memory_space<hbm>> -> memref<1x1x50xi32, #tpu.memory_space<hbm>>
        %dma_start3A_643 = tpu.memref_squeeze %dma_start3A_642 : memref<1x1x50xi32, #tpu.memory_space<hbm>> -> memref<1x50xi32, #tpu.memory_space<hbm>>
        %dma_start3A_644 = tpu.memref_slice %arg10[%dma_start3A_636] : memref<4x!tpu.dma_semaphore, #tpu.memory_space<semaphore_mem>> -> memref<1x!tpu.dma_semaphore, #tpu.memory_space<semaphore_mem>>
        %dma_start3A_645 = tpu.memref_squeeze %dma_start3A_644 : memref<1x!tpu.dma_semaphore, #tpu.memory_space<semaphore_mem>> -> memref<!tpu.dma_semaphore, #tpu.memory_space<semaphore_mem>>
        %dma_start3A_646 = arith.constant 3 : i32
        %dma_start3A_647 = arith.constant 0 : i32
        %dma_start3A_648 = tpu.memref_slice %arg6[%dma_start3A_646, %dma_start3A_647] : memref<4x50xi32, #tpu.memory_space<vmem>> -> memref<1x50xi32, #tpu.memory_space<vmem>>
        %dma_start3A_649 = arith.constant 0 : i32
        %dma_start3A_650 = arith.constant 0 : i32
        %dma_start3A_651 = tpu.memref_slice %arg3[%add3A_635, %dma_start3A_649, %dma_start3A_650] : memref<12800x1x50xi32, #tpu.memory_space<hbm>> -> memref<1x1x50xi32, #tpu.memory_space<hbm>>
        %dma_start3A_652 = tpu.memref_squeeze %dma_start3A_651 : memref<1x1x50xi32, #tpu.memory_space<hbm>> -> memref<1x50xi32, #tpu.memory_space<hbm>>
        tpu.enqueue_dma source(%dma_start3A_652 : memref<1x50xi32, #tpu.memory_space<hbm>>) target(%dma_start3A_648 : memref<1x50xi32, #tpu.memory_space<vmem>>) target_semaphore(%dma_start3A_645 : memref<!tpu.dma_semaphore, #tpu.memory_space<semaphore_mem>>)
      } else {
      }
      %sub3A_611 = arith.constant 2 : i32
      %sub3A_612 = arith.subi %add3A_555, %sub3A_611 : i32
      %dma_wait3A_613 = arith.constant 1 : i32
      %dma_wait3A_614 = arith.constant 1 : i32
      %dma_wait3A_615 = arith.constant 1 : i32
      %dma_wait3A_616 = arith.constant 0 : i32
      %dma_wait3A_617 = arith.constant 0 : i32
      %dma_wait3A_618 = tpu.memref_slice %arg8[%dma_wait3A_613, %dma_wait3A_616, %dma_wait3A_617] : memref<4x50x128xf32, #tpu.memory_space<vmem>> -> memref<1x50x128xf32, #tpu.memory_space<vmem>>
      %dma_wait3A_619 = tpu.memref_squeeze %dma_wait3A_618 : memref<1x50x128xf32, #tpu.memory_space<vmem>> -> memref<50x128xf32, #tpu.memory_space<vmem>>
      %dma_wait3A_620 = arith.constant 0 : i32
      %dma_wait3A_621 = tpu.memref_slice %arg7[%dma_wait3A_614, %dma_wait3A_620] : memref<4x50xi32, #tpu.memory_space<vmem>> -> memref<1x50xi32, #tpu.memory_space<vmem>>
      %dma_wait3A_622 = tpu.memref_squeeze %dma_wait3A_621 : memref<1x50xi32, #tpu.memory_space<vmem>> -> memref<50xi32, #tpu.memory_space<vmem>>
      %dma_wait3A_623 = arith.constant 0 : i32
      %dma_wait3A_624 = arith.constant 0 : i32
      %dma_wait3A_625 = tpu.memref_slice %arg9[%dma_wait3A_623, %dma_wait3A_624] : memref<10240x128xf32, #tpu.memory_space<vmem_shared>> -> memref<10240x128xf32, #tpu.memory_space<vmem_shared>>
      %dma_wait3A_626 = tpu.memref_slice %arg13[%dma_wait3A_615] : memref<4x!tpu.dma_semaphore, #tpu.memory_space<semaphore_mem>> -> memref<1x!tpu.dma_semaphore, #tpu.memory_space<semaphore_mem>>
      %dma_wait3A_627 = tpu.memref_squeeze %dma_wait3A_626 : memref<1x!tpu.dma_semaphore, #tpu.memory_space<semaphore_mem>> -> memref<!tpu.dma_semaphore, #tpu.memory_space<semaphore_mem>>
      tpu.wait_indirect_dma semaphore(%dma_wait3A_627 : memref<!tpu.dma_semaphore, #tpu.memory_space<semaphore_mem>>) src(%dma_wait3A_619 : memref<50x128xf32, #tpu.memory_space<vmem>>) dst(%dma_wait3A_625 : memref<10240x128xf32, #tpu.memory_space<vmem_shared>>)
      %lt3A_628 = arith.constant 49 : i32
      %lt3A_629 = arith.cmpi slt, %scan3A_229, %lt3A_628 : i32
      %convert_element_type3A_630 = arith.extui %lt3A_629 : i1 to i32
      %cond3A_631 = arith.constant 0 : i32
      %cond3A_632 = arith.cmpi ne, %convert_element_type3A_630, %cond3A_631 : i32
      scf.if %cond3A_632 {
        %add3A_633 = arith.constant 2 : i32
        %add3A_634 = arith.addi %add3A_555, %add3A_633 : i32
        %add3A_635 = arith.constant 6400 : i32
        %add3A_636 = arith.addi %add3A_635, %mul3A_2 : i32
        %add3A_637 = arith.addi %add3A_636, %add3A_634 : i32
        %dma_start3A_638 = arith.constant 1 : i32
        %dma_start3A_639 = arith.constant 1 : i32
        %dma_start3A_640 = arith.constant 0 : i32
        %dma_start3A_641 = tpu.memref_slice %arg7[%dma_start3A_639, %dma_start3A_640] : memref<4x50xi32, #tpu.memory_space<vmem>> -> memref<1x50xi32, #tpu.memory_space<vmem>>
        %dma_start3A_642 = arith.constant 0 : i32
        %dma_start3A_643 = arith.constant 0 : i32
        %dma_start3A_644 = tpu.memref_slice %arg3[%add3A_637, %dma_start3A_642, %dma_start3A_643] : memref<12800x1x50xi32, #tpu.memory_space<hbm>> -> memref<1x1x50xi32, #tpu.memory_space<hbm>>
        %dma_start3A_645 = tpu.memref_squeeze %dma_start3A_644 : memref<1x1x50xi32, #tpu.memory_space<hbm>> -> memref<1x50xi32, #tpu.memory_space<hbm>>
        %dma_start3A_646 = tpu.memref_slice %arg11[%dma_start3A_638] : memref<4x!tpu.dma_semaphore, #tpu.memory_space<semaphore_mem>> -> memref<1x!tpu.dma_semaphore, #tpu.memory_space<semaphore_mem>>
        %dma_start3A_647 = tpu.memref_squeeze %dma_start3A_646 : memref<1x!tpu.dma_semaphore, #tpu.memory_space<semaphore_mem>> -> memref<!tpu.dma_semaphore, #tpu.memory_space<semaphore_mem>>
        %dma_start3A_648 = arith.constant 1 : i32
        %dma_start3A_649 = arith.constant 0 : i32
        %dma_start3A_650 = tpu.memref_slice %arg7[%dma_start3A_648, %dma_start3A_649] : memref<4x50xi32, #tpu.memory_space<vmem>> -> memref<1x50xi32, #tpu.memory_space<vmem>>
        %dma_start3A_651 = arith.constant 0 : i32
        %dma_start3A_652 = arith.constant 0 : i32
        %dma_start3A_653 = tpu.memref_slice %arg3[%add3A_637, %dma_start3A_651, %dma_start3A_652] : memref<12800x1x50xi32, #tpu.memory_space<hbm>> -> memref<1x1x50xi32, #tpu.memory_space<hbm>>
        %dma_start3A_654 = tpu.memref_squeeze %dma_start3A_653 : memref<1x1x50xi32, #tpu.memory_space<hbm>> -> memref<1x50xi32, #tpu.memory_space<hbm>>
        tpu.enqueue_dma source(%dma_start3A_654 : memref<1x50xi32, #tpu.memory_space<hbm>>) target(%dma_start3A_650 : memref<1x50xi32, #tpu.memory_space<vmem>>) target_semaphore(%dma_start3A_647 : memref<!tpu.dma_semaphore, #tpu.memory_space<semaphore_mem>>)
        %add3A_655 = arith.constant 2 : i32
        %add3A_656 = arith.addi %add3A_555, %add3A_655 : i32
        %add3A_657 = arith.addi %mul3A_2, %add3A_656 : i32
        %dma_wait3A_658 = arith.constant 1 : i32
        %dma_wait3A_659 = arith.constant 1 : i32
        %dma_wait3A_660 = arith.constant 0 : i32
        %dma_wait3A_661 = tpu.memref_slice %arg6[%dma_wait3A_659, %dma_wait3A_660] : memref<4x50xi32, #tpu.memory_space<vmem>> -> memref<1x50xi32, #tpu.memory_space<vmem>>
        %dma_wait3A_662 = arith.constant 0 : i32
        %dma_wait3A_663 = arith.constant 0 : i32
        %dma_wait3A_664 = tpu.memref_slice %arg3[%add3A_657, %dma_wait3A_662, %dma_wait3A_663] : memref<12800x1x50xi32, #tpu.memory_space<hbm>> -> memref<1x1x50xi32, #tpu.memory_space<hbm>>
        %dma_wait3A_665 = tpu.memref_squeeze %dma_wait3A_664 : memref<1x1x50xi32, #tpu.memory_space<hbm>> -> memref<1x50xi32, #tpu.memory_space<hbm>>
        %dma_wait3A_666 = tpu.memref_slice %arg10[%dma_wait3A_658] : memref<4x!tpu.dma_semaphore, #tpu.memory_space<semaphore_mem>> -> memref<1x!tpu.dma_semaphore, #tpu.memory_space<semaphore_mem>>
        %dma_wait3A_667 = tpu.memref_squeeze %dma_wait3A_666 : memref<1x!tpu.dma_semaphore, #tpu.memory_space<semaphore_mem>> -> memref<!tpu.dma_semaphore, #tpu.memory_space<semaphore_mem>>
        %dma_wait3A_668 = arith.constant 1 : i32
        %dma_wait3A_669 = arith.constant 0 : i32
        %dma_wait3A_670 = tpu.memref_slice %arg6[%dma_wait3A_668, %dma_wait3A_669] : memref<4x50xi32, #tpu.memory_space<vmem>> -> memref<1x50xi32, #tpu.memory_space<vmem>>
        %dma_wait3A_671 = arith.constant 0 : i32
        %dma_wait3A_672 = arith.constant 0 : i32
        %dma_wait3A_673 = tpu.memref_slice %arg3[%add3A_657, %dma_wait3A_671, %dma_wait3A_672] : memref<12800x1x50xi32, #tpu.memory_space<hbm>> -> memref<1x1x50xi32, #tpu.memory_space<hbm>>
        %dma_wait3A_674 = tpu.memref_squeeze %dma_wait3A_673 : memref<1x1x50xi32, #tpu.memory_space<hbm>> -> memref<1x50xi32, #tpu.memory_space<hbm>>
        tpu.wait_dma2 semaphore(%dma_wait3A_667 : memref<!tpu.dma_semaphore, #tpu.memory_space<semaphore_mem>>) src(%dma_wait3A_674 : memref<1x50xi32, #tpu.memory_space<hbm>>) dst(%dma_wait3A_670 : memref<1x50xi32, #tpu.memory_space<vmem>>)
        %add3A_675 = arith.constant 2 : i32
        %add3A_676 = arith.addi %add3A_555, %add3A_675 : i32
        %dma_start3A_677 = arith.constant 1 : i32
        %dma_start3A_678 = arith.constant 1 : i32
        %dma_start3A_679 = arith.constant 1 : i32
        %dma_start3A_680 = arith.constant 0 : i32
        %dma_start3A_681 = arith.constant 0 : i32
        %dma_start3A_682 = tpu.memref_slice %arg8[%dma_start3A_678, %dma_start3A_680, %dma_start3A_681] : memref<4x50x128xf32, #tpu.memory_space<vmem>> -> memref<1x50x128xf32, #tpu.memory_space<vmem>>
        %dma_start3A_683 = tpu.memref_squeeze %dma_start3A_682 : memref<1x50x128xf32, #tpu.memory_space<vmem>> -> memref<50x128xf32, #tpu.memory_space<vmem>>
        %dma_start3A_684 = arith.constant 0 : i32
        %dma_start3A_685 = tpu.memref_slice %arg6[%dma_start3A_677, %dma_start3A_684] : memref<4x50xi32, #tpu.memory_space<vmem>> -> memref<1x50xi32, #tpu.memory_space<vmem>>
        %dma_start3A_686 = tpu.memref_squeeze %dma_start3A_685 : memref<1x50xi32, #tpu.memory_space<vmem>> -> memref<50xi32, #tpu.memory_space<vmem>>
        %dma_start3A_687 = arith.constant 0 : i32
        %dma_start3A_688 = arith.constant 0 : i32
        %dma_start3A_689 = tpu.memref_slice %arg2[%dma_start3A_687, %dma_start3A_688] : memref<10000x128xf32, #tpu.memory_space<hbm>> -> memref<10000x128xf32, #tpu.memory_space<hbm>>
        %dma_start3A_690 = tpu.memref_slice %arg12[%dma_start3A_679] : memref<4x!tpu.dma_semaphore, #tpu.memory_space<semaphore_mem>> -> memref<1x!tpu.dma_semaphore, #tpu.memory_space<semaphore_mem>>
        %dma_start3A_691 = tpu.memref_squeeze %dma_start3A_690 : memref<1x!tpu.dma_semaphore, #tpu.memory_space<semaphore_mem>> -> memref<!tpu.dma_semaphore, #tpu.memory_space<semaphore_mem>>
        tpu.enqueue_indirect_dma source(%dma_start3A_689 : memref<10000x128xf32, #tpu.memory_space<hbm>>) target(%dma_start3A_683 : memref<50x128xf32, #tpu.memory_space<vmem>>) offsets(%dma_start3A_686 : memref<50xi32, #tpu.memory_space<vmem>>) semaphore(%dma_start3A_691 : memref<!tpu.dma_semaphore, #tpu.memory_space<semaphore_mem>>)
      } else {
      }
    }
    %scan3A_193 = arith.constant 50 : i32
    %dma_wait3A_194 = arith.constant 2 : i32
    %dma_wait3A_195 = arith.constant 2 : i32
    %dma_wait3A_196 = arith.constant 2 : i32
    %dma_wait3A_197 = arith.constant 0 : i32
    %dma_wait3A_198 = arith.constant 0 : i32
    %dma_wait3A_199 = tpu.memref_slice %arg8[%dma_wait3A_194, %dma_wait3A_197, %dma_wait3A_198] : memref<4x50x128xf32, #tpu.memory_space<vmem>> -> memref<1x50x128xf32, #tpu.memory_space<vmem>>
    %dma_wait3A_200 = tpu.memref_squeeze %dma_wait3A_199 : memref<1x50x128xf32, #tpu.memory_space<vmem>> -> memref<50x128xf32, #tpu.memory_space<vmem>>
    %dma_wait3A_201 = arith.constant 0 : i32
    %dma_wait3A_202 = tpu.memref_slice %arg7[%dma_wait3A_195, %dma_wait3A_201] : memref<4x50xi32, #tpu.memory_space<vmem>> -> memref<1x50xi32, #tpu.memory_space<vmem>>
    %dma_wait3A_203 = tpu.memref_squeeze %dma_wait3A_202 : memref<1x50xi32, #tpu.memory_space<vmem>> -> memref<50xi32, #tpu.memory_space<vmem>>
    %dma_wait3A_204 = arith.constant 0 : i32
    %dma_wait3A_205 = arith.constant 0 : i32
    %dma_wait3A_206 = tpu.memref_slice %arg9[%dma_wait3A_204, %dma_wait3A_205] : memref<10240x128xf32, #tpu.memory_space<vmem_shared>> -> memref<10240x128xf32, #tpu.memory_space<vmem_shared>>
    %dma_wait3A_207 = tpu.memref_slice %arg13[%dma_wait3A_196] : memref<4x!tpu.dma_semaphore, #tpu.memory_space<semaphore_mem>> -> memref<1x!tpu.dma_semaphore, #tpu.memory_space<semaphore_mem>>
    %dma_wait3A_208 = tpu.memref_squeeze %dma_wait3A_207 : memref<1x!tpu.dma_semaphore, #tpu.memory_space<semaphore_mem>> -> memref<!tpu.dma_semaphore, #tpu.memory_space<semaphore_mem>>
    tpu.wait_indirect_dma semaphore(%dma_wait3A_208 : memref<!tpu.dma_semaphore, #tpu.memory_space<semaphore_mem>>) src(%dma_wait3A_200 : memref<50x128xf32, #tpu.memory_space<vmem>>) dst(%dma_wait3A_206 : memref<10240x128xf32, #tpu.memory_space<vmem_shared>>)
    %dma_wait3A_209 = arith.constant 3 : i32
    %dma_wait3A_210 = arith.constant 3 : i32
    %dma_wait3A_211 = arith.constant 3 : i32
    %dma_wait3A_212 = arith.constant 0 : i32
    %dma_wait3A_213 = arith.constant 0 : i32
    %dma_wait3A_214 = tpu.memref_slice %arg8[%dma_wait3A_209, %dma_wait3A_212, %dma_wait3A_213] : memref<4x50x128xf32, #tpu.memory_space<vmem>> -> memref<1x50x128xf32, #tpu.memory_space<vmem>>
    %dma_wait3A_215 = tpu.memref_squeeze %dma_wait3A_214 : memref<1x50x128xf32, #tpu.memory_space<vmem>> -> memref<50x128xf32, #tpu.memory_space<vmem>>
    %dma_wait3A_216 = arith.constant 0 : i32
    %dma_wait3A_217 = tpu.memref_slice %arg7[%dma_wait3A_210, %dma_wait3A_216] : memref<4x50xi32, #tpu.memory_space<vmem>> -> memref<1x50xi32, #tpu.memory_space<vmem>>
    %dma_wait3A_218 = tpu.memref_squeeze %dma_wait3A_217 : memref<1x50xi32, #tpu.memory_space<vmem>> -> memref<50xi32, #tpu.memory_space<vmem>>
    %dma_wait3A_219 = arith.constant 0 : i32
    %dma_wait3A_220 = arith.constant 0 : i32
    %dma_wait3A_221 = tpu.memref_slice %arg9[%dma_wait3A_219, %dma_wait3A_220] : memref<10240x128xf32, #tpu.memory_space<vmem_shared>> -> memref<10240x128xf32, #tpu.memory_space<vmem_shared>>
    %dma_wait3A_222 = tpu.memref_slice %arg13[%dma_wait3A_211] : memref<4x!tpu.dma_semaphore, #tpu.memory_space<semaphore_mem>> -> memref<1x!tpu.dma_semaphore, #tpu.memory_space<semaphore_mem>>
    %dma_wait3A_223 = tpu.memref_squeeze %dma_wait3A_222 : memref<1x!tpu.dma_semaphore, #tpu.memory_space<semaphore_mem>> -> memref<!tpu.dma_semaphore, #tpu.memory_space<semaphore_mem>>
    tpu.wait_indirect_dma semaphore(%dma_wait3A_223 : memref<!tpu.dma_semaphore, #tpu.memory_space<semaphore_mem>>) src(%dma_wait3A_215 : memref<50x128xf32, #tpu.memory_space<vmem>>) dst(%dma_wait3A_221 : memref<10240x128xf32, #tpu.memory_space<vmem_shared>>)
    %barrier3A_224 = arith.constant 0 : index
    tpu.barrier barrier_id(%barrier3A_224)
    %mul3A_225 = arith.constant 640 : i32
    %mul3A_226 = arith.muli %arg1, %mul3A_225 : i32
    %mul3A_227 = arith.constant 640 : i32
    %mul3A_228 = arith.muli %arg1, %mul3A_227 : i32
    "tpu.region"() ({
      %run_scoped3A = tpu.sem_alloc : memref<!tpu.dma_semaphore, #tpu.memory_space<semaphore_mem>>
      %dma_start3A_229 = arith.constant 0 : i32
      %dma_start3A_230 = arith.constant 0 : i32
      %dma_start3A_231 = tpu.memref_slice %arg5[%arg0, %dma_start3A_229, %dma_start3A_230] : memref<2x10240x128xf32, #tpu.memory_space<hbm>> -> memref<1x10240x128xf32, #tpu.memory_space<hbm>>
      %dma_start3A_232 = tpu.memref_squeeze %dma_start3A_231 : memref<1x10240x128xf32, #tpu.memory_space<hbm>> -> memref<10240x128xf32, #tpu.memory_space<hbm>>
      %dma_start3A_233 = arith.constant 0 : i32
      %dma_start3A_234 = tpu.memref_slice %dma_start3A_232[%mul3A_228, %dma_start3A_233] : memref<10240x128xf32, #tpu.memory_space<hbm>> -> memref<640x128xf32, #tpu.memory_space<hbm>>
      %dma_start3A_235 = arith.constant 0 : i32
      %dma_start3A_236 = tpu.memref_slice %arg9[%mul3A_226, %dma_start3A_235] : memref<10240x128xf32, #tpu.memory_space<vmem_shared>> -> memref<640x128xf32, #tpu.memory_space<vmem_shared>>
      tpu.enqueue_dma source(%dma_start3A_236 : memref<640x128xf32, #tpu.memory_space<vmem_shared>>) target(%dma_start3A_234 : memref<640x128xf32, #tpu.memory_space<hbm>>) target_semaphore(%run_scoped3A : memref<!tpu.dma_semaphore, #tpu.memory_space<semaphore_mem>>)
      %dma_wait3A_237 = arith.constant 0 : i32
      %dma_wait3A_238 = arith.constant 0 : i32
      %dma_wait3A_239 = tpu.memref_slice %arg5[%arg0, %dma_wait3A_237, %dma_wait3A_238] : memref<2x10240x128xf32, #tpu.memory_space<hbm>> -> memref<1x10240x128xf32, #tpu.memory_space<hbm>>
      %dma_wait3A_240 = tpu.memref_squeeze %dma_wait3A_239 : memref<1x10240x128xf32, #tpu.memory_space<hbm>> -> memref<10240x128xf32, #tpu.memory_space<hbm>>
      %dma_wait3A_241 = arith.constant 0 : i32
      %dma_wait3A_242 = tpu.memref_slice %dma_wait3A_240[%mul3A_228, %dma_wait3A_241] : memref<10240x128xf32, #tpu.memory_space<hbm>> -> memref<640x128xf32, #tpu.memory_space<hbm>>
      %dma_wait3A_243 = arith.constant 0 : i32
      %dma_wait3A_244 = tpu.memref_slice %arg9[%mul3A_226, %dma_wait3A_243] : memref<10240x128xf32, #tpu.memory_space<vmem_shared>> -> memref<640x128xf32, #tpu.memory_space<vmem_shared>>
      tpu.wait_dma2 semaphore(%run_scoped3A : memref<!tpu.dma_semaphore, #tpu.memory_space<semaphore_mem>>) src(%dma_wait3A_244 : memref<640x128xf32, #tpu.memory_space<vmem_shared>>) dst(%dma_wait3A_242 : memref<640x128xf32, #tpu.memory_space<hbm>>)
      tpu.yield
    }) : () -> ()
    return
  }
}

#map = affine_map<(d0, d1) -> (0, 0)>
#map1 = affine_map<(d0, d1) -> (0, 0, 0)>
module attributes {stable_mosaic.version = 14 : i64} {
  func.func @_sc_agg_body(%arg0: i32, %arg1: i32, %arg2: memref<10000x128xf32, #tpu.memory_space<hbm>>, %arg3: memref<12800x1x50xi32, #tpu.memory_space<hbm>>, %arg4: memref<640x128xf32, #tpu.memory_space<hbm>>, %arg5: memref<2x10240x128xf32, #tpu.memory_space<hbm>>, %arg6: memref<4x50xi32, #tpu.memory_space<vmem>>, %arg7: memref<4x50xi32, #tpu.memory_space<vmem>>, %arg8: memref<4x50x128xf32, #tpu.memory_space<vmem>>, %arg9: memref<10240x128xf32, #tpu.memory_space<vmem_shared>>, %arg10: memref<4x!tpu.dma_semaphore, #tpu.memory_space<semaphore_mem>>, %arg11: memref<4x!tpu.dma_semaphore, #tpu.memory_space<semaphore_mem>>, %arg12: memref<4x!tpu.dma_semaphore, #tpu.memory_space<semaphore_mem>>, %arg13: memref<4x!tpu.dma_semaphore, #tpu.memory_space<semaphore_mem>>) attributes {dimension_semantics = [#tpu.dimension_semantics<core_parallel>, #tpu.dimension_semantics<subcore_parallel>], iteration_bounds = array<i64: 2, 16>, scalar_prefetch = 0 : i64, scratch_operands = 8 : i64, tpu.core_type = #tpu.core_type<sc_vector_subcore>, window_params = [{transform_indices = #map}, {transform_indices = #map1}, {transform_indices = #map}, {transform_indices = #map1}]} {
    %mul3A = arith.constant 16 : i32
    %mul3A_0 = arith.muli %arg0, %mul3A : i32
    %add3A = arith.addi %mul3A_0, %arg1 : i32
    %mul3A_1 = arith.constant 200 : i32
    %mul3A_2 = arith.muli %add3A, %mul3A_1 : i32
    %add3A_3 = arith.constant 0 : i32
    %add3A_4 = arith.addi %mul3A_2, %add3A_3 : i32
    %dma_start3A = arith.constant 0 : i32
    %dma_start3A_5 = arith.constant 0 : i32
    %dma_start3A_6 = arith.constant 0 : i32
    %dma_start3A_7 = tpu.memref_slice %arg6[%dma_start3A_5, %dma_start3A_6] : memref<4x50xi32, #tpu.memory_space<vmem>> -> memref<1x50xi32, #tpu.memory_space<vmem>>
    %dma_start3A_8 = arith.constant 0 : i32
    %dma_start3A_9 = arith.constant 0 : i32
    %dma_start3A_10 = tpu.memref_slice %arg3[%add3A_4, %dma_start3A_8, %dma_start3A_9] : memref<12800x1x50xi32, #tpu.memory_space<hbm>> -> memref<1x1x50xi32, #tpu.memory_space<hbm>>
    %dma_start3A_11 = tpu.memref_squeeze %dma_start3A_10 : memref<1x1x50xi32, #tpu.memory_space<hbm>> -> memref<1x50xi32, #tpu.memory_space<hbm>>
    %dma_start3A_12 = tpu.memref_slice %arg10[%dma_start3A] : memref<4x!tpu.dma_semaphore, #tpu.memory_space<semaphore_mem>> -> memref<1x!tpu.dma_semaphore, #tpu.memory_space<semaphore_mem>>
    %dma_start3A_13 = tpu.memref_squeeze %dma_start3A_12 : memref<1x!tpu.dma_semaphore, #tpu.memory_space<semaphore_mem>> -> memref<!tpu.dma_semaphore, #tpu.memory_space<semaphore_mem>>
    %dma_start3A_14 = arith.constant 0 : i32
    %dma_start3A_15 = arith.constant 0 : i32
    %dma_start3A_16 = tpu.memref_slice %arg6[%dma_start3A_14, %dma_start3A_15] : memref<4x50xi32, #tpu.memory_space<vmem>> -> memref<1x50xi32, #tpu.memory_space<vmem>>
    %dma_start3A_17 = arith.constant 0 : i32
    %dma_start3A_18 = arith.constant 0 : i32
    %dma_start3A_19 = tpu.memref_slice %arg3[%add3A_4, %dma_start3A_17, %dma_start3A_18] : memref<12800x1x50xi32, #tpu.memory_space<hbm>> -> memref<1x1x50xi32, #tpu.memory_space<hbm>>
    %dma_start3A_20 = tpu.memref_squeeze %dma_start3A_19 : memref<1x1x50xi32, #tpu.memory_space<hbm>> -> memref<1x50xi32, #tpu.memory_space<hbm>>
    tpu.enqueue_dma source(%dma_start3A_20 : memref<1x50xi32, #tpu.memory_space<hbm>>) target(%dma_start3A_16 : memref<1x50xi32, #tpu.memory_space<vmem>>) target_semaphore(%dma_start3A_13 : memref<!tpu.dma_semaphore, #tpu.memory_space<semaphore_mem>>)
    %add3A_21 = arith.constant 1 : i32
    %add3A_22 = arith.addi %mul3A_2, %add3A_21 : i32
    %dma_start3A_23 = arith.constant 1 : i32
    %dma_start3A_24 = arith.constant 1 : i32
    %dma_start3A_25 = arith.constant 0 : i32
    %dma_start3A_26 = tpu.memref_slice %arg6[%dma_start3A_24, %dma_start3A_25] : memref<4x50xi32, #tpu.memory_space<vmem>> -> memref<1x50xi32, #tpu.memory_space<vmem>>
    %dma_start3A_27 = arith.constant 0 : i32
    %dma_start3A_28 = arith.constant 0 : i32
    %dma_start3A_29 = tpu.memref_slice %arg3[%add3A_22, %dma_start3A_27, %dma_start3A_28] : memref<12800x1x50xi32, #tpu.memory_space<hbm>> -> memref<1x1x50xi32, #tpu.memory_space<hbm>>
    %dma_start3A_30 = tpu.memref_squeeze %dma_start3A_29 : memref<1x1x50xi32, #tpu.memory_space<hbm>> -> memref<1x50xi32, #tpu.memory_space<hbm>>
    %dma_start3A_31 = tpu.memref_slice %arg10[%dma_start3A_23] : memref<4x!tpu.dma_semaphore, #tpu.memory_space<semaphore_mem>> -> memref<1x!tpu.dma_semaphore, #tpu.memory_space<semaphore_mem>>
    %dma_start3A_32 = tpu.memref_squeeze %dma_start3A_31 : memref<1x!tpu.dma_semaphore, #tpu.memory_space<semaphore_mem>> -> memref<!tpu.dma_semaphore, #tpu.memory_space<semaphore_mem>>
    %dma_start3A_33 = arith.constant 1 : i32
    %dma_start3A_34 = arith.constant 0 : i32
    %dma_start3A_35 = tpu.memref_slice %arg6[%dma_start3A_33, %dma_start3A_34] : memref<4x50xi32, #tpu.memory_space<vmem>> -> memref<1x50xi32, #tpu.memory_space<vmem>>
    %dma_start3A_36 = arith.constant 0 : i32
    %dma_start3A_37 = arith.constant 0 : i32
    %dma_start3A_38 = tpu.memref_slice %arg3[%add3A_22, %dma_start3A_36, %dma_start3A_37] : memref<12800x1x50xi32, #tpu.memory_space<hbm>> -> memref<1x1x50xi32, #tpu.memory_space<hbm>>
    %dma_start3A_39 = tpu.memref_squeeze %dma_start3A_38 : memref<1x1x50xi32, #tpu.memory_space<hbm>> -> memref<1x50xi32, #tpu.memory_space<hbm>>
    tpu.enqueue_dma source(%dma_start3A_39 : memref<1x50xi32, #tpu.memory_space<hbm>>) target(%dma_start3A_35 : memref<1x50xi32, #tpu.memory_space<vmem>>) target_semaphore(%dma_start3A_32 : memref<!tpu.dma_semaphore, #tpu.memory_space<semaphore_mem>>)
    %add3A_40 = arith.constant 2 : i32
    %add3A_41 = arith.addi %mul3A_2, %add3A_40 : i32
    %dma_start3A_42 = arith.constant 2 : i32
    %dma_start3A_43 = arith.constant 2 : i32
    %dma_start3A_44 = arith.constant 0 : i32
    %dma_start3A_45 = tpu.memref_slice %arg6[%dma_start3A_43, %dma_start3A_44] : memref<4x50xi32, #tpu.memory_space<vmem>> -> memref<1x50xi32, #tpu.memory_space<vmem>>
    %dma_start3A_46 = arith.constant 0 : i32
    %dma_start3A_47 = arith.constant 0 : i32
    %dma_start3A_48 = tpu.memref_slice %arg3[%add3A_41, %dma_start3A_46, %dma_start3A_47] : memref<12800x1x50xi32, #tpu.memory_space<hbm>> -> memref<1x1x50xi32, #tpu.memory_space<hbm>>
    %dma_start3A_49 = tpu.memref_squeeze %dma_start3A_48 : memref<1x1x50xi32, #tpu.memory_space<hbm>> -> memref<1x50xi32, #tpu.memory_space<hbm>>
    %dma_start3A_50 = tpu.memref_slice %arg10[%dma_start3A_42] : memref<4x!tpu.dma_semaphore, #tpu.memory_space<semaphore_mem>> -> memref<1x!tpu.dma_semaphore, #tpu.memory_space<semaphore_mem>>
    %dma_start3A_51 = tpu.memref_squeeze %dma_start3A_50 : memref<1x!tpu.dma_semaphore, #tpu.memory_space<semaphore_mem>> -> memref<!tpu.dma_semaphore, #tpu.memory_space<semaphore_mem>>
    %dma_start3A_52 = arith.constant 2 : i32
    %dma_start3A_53 = arith.constant 0 : i32
    %dma_start3A_54 = tpu.memref_slice %arg6[%dma_start3A_52, %dma_start3A_53] : memref<4x50xi32, #tpu.memory_space<vmem>> -> memref<1x50xi32, #tpu.memory_space<vmem>>
    %dma_start3A_55 = arith.constant 0 : i32
    %dma_start3A_56 = arith.constant 0 : i32
    %dma_start3A_57 = tpu.memref_slice %arg3[%add3A_41, %dma_start3A_55, %dma_start3A_56] : memref<12800x1x50xi32, #tpu.memory_space<hbm>> -> memref<1x1x50xi32, #tpu.memory_space<hbm>>
    %dma_start3A_58 = tpu.memref_squeeze %dma_start3A_57 : memref<1x1x50xi32, #tpu.memory_space<hbm>> -> memref<1x50xi32, #tpu.memory_space<hbm>>
    tpu.enqueue_dma source(%dma_start3A_58 : memref<1x50xi32, #tpu.memory_space<hbm>>) target(%dma_start3A_54 : memref<1x50xi32, #tpu.memory_space<vmem>>) target_semaphore(%dma_start3A_51 : memref<!tpu.dma_semaphore, #tpu.memory_space<semaphore_mem>>)
    %add3A_59 = arith.constant 3 : i32
    %add3A_60 = arith.addi %mul3A_2, %add3A_59 : i32
    %dma_start3A_61 = arith.constant 3 : i32
    %dma_start3A_62 = arith.constant 3 : i32
    %dma_start3A_63 = arith.constant 0 : i32
    %dma_start3A_64 = tpu.memref_slice %arg6[%dma_start3A_62, %dma_start3A_63] : memref<4x50xi32, #tpu.memory_space<vmem>> -> memref<1x50xi32, #tpu.memory_space<vmem>>
    %dma_start3A_65 = arith.constant 0 : i32
    %dma_start3A_66 = arith.constant 0 : i32
    %dma_start3A_67 = tpu.memref_slice %arg3[%add3A_60, %dma_start3A_65, %dma_start3A_66] : memref<12800x1x50xi32, #tpu.memory_space<hbm>> -> memref<1x1x50xi32, #tpu.memory_space<hbm>>
    %dma_start3A_68 = tpu.memref_squeeze %dma_start3A_67 : memref<1x1x50xi32, #tpu.memory_space<hbm>> -> memref<1x50xi32, #tpu.memory_space<hbm>>
    %dma_start3A_69 = tpu.memref_slice %arg10[%dma_start3A_61] : memref<4x!tpu.dma_semaphore, #tpu.memory_space<semaphore_mem>> -> memref<1x!tpu.dma_semaphore, #tpu.memory_space<semaphore_mem>>
    %dma_start3A_70 = tpu.memref_squeeze %dma_start3A_69 : memref<1x!tpu.dma_semaphore, #tpu.memory_space<semaphore_mem>> -> memref<!tpu.dma_semaphore, #tpu.memory_space<semaphore_mem>>
    %dma_start3A_71 = arith.constant 3 : i32
    %dma_start3A_72 = arith.constant 0 : i32
    %dma_start3A_73 = tpu.memref_slice %arg6[%dma_start3A_71, %dma_start3A_72] : memref<4x50xi32, #tpu.memory_space<vmem>> -> memref<1x50xi32, #tpu.memory_space<vmem>>
    %dma_start3A_74 = arith.constant 0 : i32
    %dma_start3A_75 = arith.constant 0 : i32
    %dma_start3A_76 = tpu.memref_slice %arg3[%add3A_60, %dma_start3A_74, %dma_start3A_75] : memref<12800x1x50xi32, #tpu.memory_space<hbm>> -> memref<1x1x50xi32, #tpu.memory_space<hbm>>
    %dma_start3A_77 = tpu.memref_squeeze %dma_start3A_76 : memref<1x1x50xi32, #tpu.memory_space<hbm>> -> memref<1x50xi32, #tpu.memory_space<hbm>>
    tpu.enqueue_dma source(%dma_start3A_77 : memref<1x50xi32, #tpu.memory_space<hbm>>) target(%dma_start3A_73 : memref<1x50xi32, #tpu.memory_space<vmem>>) target_semaphore(%dma_start3A_70 : memref<!tpu.dma_semaphore, #tpu.memory_space<semaphore_mem>>)
    %add3A_78 = arith.constant 6400 : i32
    %add3A_79 = arith.addi %add3A_78, %mul3A_2 : i32
    %add3A_80 = arith.constant 0 : i32
    %add3A_81 = arith.addi %add3A_79, %add3A_80 : i32
    %dma_start3A_82 = arith.constant 0 : i32
    %dma_start3A_83 = arith.constant 0 : i32
    %dma_start3A_84 = arith.constant 0 : i32
    %dma_start3A_85 = tpu.memref_slice %arg7[%dma_start3A_83, %dma_start3A_84] : memref<4x50xi32, #tpu.memory_space<vmem>> -> memref<1x50xi32, #tpu.memory_space<vmem>>
    %dma_start3A_86 = arith.constant 0 : i32
    %dma_start3A_87 = arith.constant 0 : i32
    %dma_start3A_88 = tpu.memref_slice %arg3[%add3A_81, %dma_start3A_86, %dma_start3A_87] : memref<12800x1x50xi32, #tpu.memory_space<hbm>> -> memref<1x1x50xi32, #tpu.memory_space<hbm>>
    %dma_start3A_89 = tpu.memref_squeeze %dma_start3A_88 : memref<1x1x50xi32, #tpu.memory_space<hbm>> -> memref<1x50xi32, #tpu.memory_space<hbm>>
    %dma_start3A_90 = tpu.memref_slice %arg11[%dma_start3A_82] : memref<4x!tpu.dma_semaphore, #tpu.memory_space<semaphore_mem>> -> memref<1x!tpu.dma_semaphore, #tpu.memory_space<semaphore_mem>>
    %dma_start3A_91 = tpu.memref_squeeze %dma_start3A_90 : memref<1x!tpu.dma_semaphore, #tpu.memory_space<semaphore_mem>> -> memref<!tpu.dma_semaphore, #tpu.memory_space<semaphore_mem>>
    %dma_start3A_92 = arith.constant 0 : i32
    %dma_start3A_93 = arith.constant 0 : i32
    %dma_start3A_94 = tpu.memref_slice %arg7[%dma_start3A_92, %dma_start3A_93] : memref<4x50xi32, #tpu.memory_space<vmem>> -> memref<1x50xi32, #tpu.memory_space<vmem>>
    %dma_start3A_95 = arith.constant 0 : i32
    %dma_start3A_96 = arith.constant 0 : i32
    %dma_start3A_97 = tpu.memref_slice %arg3[%add3A_81, %dma_start3A_95, %dma_start3A_96] : memref<12800x1x50xi32, #tpu.memory_space<hbm>> -> memref<1x1x50xi32, #tpu.memory_space<hbm>>
    %dma_start3A_98 = tpu.memref_squeeze %dma_start3A_97 : memref<1x1x50xi32, #tpu.memory_space<hbm>> -> memref<1x50xi32, #tpu.memory_space<hbm>>
    tpu.enqueue_dma source(%dma_start3A_98 : memref<1x50xi32, #tpu.memory_space<hbm>>) target(%dma_start3A_94 : memref<1x50xi32, #tpu.memory_space<vmem>>) target_semaphore(%dma_start3A_91 : memref<!tpu.dma_semaphore, #tpu.memory_space<semaphore_mem>>)
    %add3A_99 = arith.constant 6400 : i32
    %add3A_100 = arith.addi %add3A_99, %mul3A_2 : i32
    %add3A_101 = arith.constant 1 : i32
    %add3A_102 = arith.addi %add3A_100, %add3A_101 : i32
    %dma_start3A_103 = arith.constant 1 : i32
    %dma_start3A_104 = arith.constant 1 : i32
    %dma_start3A_105 = arith.constant 0 : i32
    %dma_start3A_106 = tpu.memref_slice %arg7[%dma_start3A_104, %dma_start3A_105] : memref<4x50xi32, #tpu.memory_space<vmem>> -> memref<1x50xi32, #tpu.memory_space<vmem>>
    %dma_start3A_107 = arith.constant 0 : i32
    %dma_start3A_108 = arith.constant 0 : i32
    %dma_start3A_109 = tpu.memref_slice %arg3[%add3A_102, %dma_start3A_107, %dma_start3A_108] : memref<12800x1x50xi32, #tpu.memory_space<hbm>> -> memref<1x1x50xi32, #tpu.memory_space<hbm>>
    %dma_start3A_110 = tpu.memref_squeeze %dma_start3A_109 : memref<1x1x50xi32, #tpu.memory_space<hbm>> -> memref<1x50xi32, #tpu.memory_space<hbm>>
    %dma_start3A_111 = tpu.memref_slice %arg11[%dma_start3A_103] : memref<4x!tpu.dma_semaphore, #tpu.memory_space<semaphore_mem>> -> memref<1x!tpu.dma_semaphore, #tpu.memory_space<semaphore_mem>>
    %dma_start3A_112 = tpu.memref_squeeze %dma_start3A_111 : memref<1x!tpu.dma_semaphore, #tpu.memory_space<semaphore_mem>> -> memref<!tpu.dma_semaphore, #tpu.memory_space<semaphore_mem>>
    %dma_start3A_113 = arith.constant 1 : i32
    %dma_start3A_114 = arith.constant 0 : i32
    %dma_start3A_115 = tpu.memref_slice %arg7[%dma_start3A_113, %dma_start3A_114] : memref<4x50xi32, #tpu.memory_space<vmem>> -> memref<1x50xi32, #tpu.memory_space<vmem>>
    %dma_start3A_116 = arith.constant 0 : i32
    %dma_start3A_117 = arith.constant 0 : i32
    %dma_start3A_118 = tpu.memref_slice %arg3[%add3A_102, %dma_start3A_116, %dma_start3A_117] : memref<12800x1x50xi32, #tpu.memory_space<hbm>> -> memref<1x1x50xi32, #tpu.memory_space<hbm>>
    %dma_start3A_119 = tpu.memref_squeeze %dma_start3A_118 : memref<1x1x50xi32, #tpu.memory_space<hbm>> -> memref<1x50xi32, #tpu.memory_space<hbm>>
    tpu.enqueue_dma source(%dma_start3A_119 : memref<1x50xi32, #tpu.memory_space<hbm>>) target(%dma_start3A_115 : memref<1x50xi32, #tpu.memory_space<vmem>>) target_semaphore(%dma_start3A_112 : memref<!tpu.dma_semaphore, #tpu.memory_space<semaphore_mem>>)
    %add3A_120 = arith.constant 0 : i32
    %add3A_121 = arith.addi %mul3A_2, %add3A_120 : i32
    %dma_wait3A = arith.constant 0 : i32
    %dma_wait3A_122 = arith.constant 0 : i32
    %dma_wait3A_123 = arith.constant 0 : i32
    %dma_wait3A_124 = tpu.memref_slice %arg6[%dma_wait3A_122, %dma_wait3A_123] : memref<4x50xi32, #tpu.memory_space<vmem>> -> memref<1x50xi32, #tpu.memory_space<vmem>>
    %dma_wait3A_125 = arith.constant 0 : i32
    %dma_wait3A_126 = arith.constant 0 : i32
    %dma_wait3A_127 = tpu.memref_slice %arg3[%add3A_121, %dma_wait3A_125, %dma_wait3A_126] : memref<12800x1x50xi32, #tpu.memory_space<hbm>> -> memref<1x1x50xi32, #tpu.memory_space<hbm>>
    %dma_wait3A_128 = tpu.memref_squeeze %dma_wait3A_127 : memref<1x1x50xi32, #tpu.memory_space<hbm>> -> memref<1x50xi32, #tpu.memory_space<hbm>>
    %dma_wait3A_129 = tpu.memref_slice %arg10[%dma_wait3A] : memref<4x!tpu.dma_semaphore, #tpu.memory_space<semaphore_mem>> -> memref<1x!tpu.dma_semaphore, #tpu.memory_space<semaphore_mem>>
    %dma_wait3A_130 = tpu.memref_squeeze %dma_wait3A_129 : memref<1x!tpu.dma_semaphore, #tpu.memory_space<semaphore_mem>> -> memref<!tpu.dma_semaphore, #tpu.memory_space<semaphore_mem>>
    %dma_wait3A_131 = arith.constant 0 : i32
    %dma_wait3A_132 = arith.constant 0 : i32
    %dma_wait3A_133 = tpu.memref_slice %arg6[%dma_wait3A_131, %dma_wait3A_132] : memref<4x50xi32, #tpu.memory_space<vmem>> -> memref<1x50xi32, #tpu.memory_space<vmem>>
    %dma_wait3A_134 = arith.constant 0 : i32
    %dma_wait3A_135 = arith.constant 0 : i32
    %dma_wait3A_136 = tpu.memref_slice %arg3[%add3A_121, %dma_wait3A_134, %dma_wait3A_135] : memref<12800x1x50xi32, #tpu.memory_space<hbm>> -> memref<1x1x50xi32, #tpu.memory_space<hbm>>
    %dma_wait3A_137 = tpu.memref_squeeze %dma_wait3A_136 : memref<1x1x50xi32, #tpu.memory_space<hbm>> -> memref<1x50xi32, #tpu.memory_space<hbm>>
    tpu.wait_dma2 semaphore(%dma_wait3A_130 : memref<!tpu.dma_semaphore, #tpu.memory_space<semaphore_mem>>) src(%dma_wait3A_137 : memref<1x50xi32, #tpu.memory_space<hbm>>) dst(%dma_wait3A_133 : memref<1x50xi32, #tpu.memory_space<vmem>>)
    %dma_start3A_138 = arith.constant 0 : i32
    %dma_start3A_139 = arith.constant 0 : i32
    %dma_start3A_140 = arith.constant 0 : i32
    %dma_start3A_141 = arith.constant 0 : i32
    %dma_start3A_142 = arith.constant 0 : i32
    %dma_start3A_143 = tpu.memref_slice %arg8[%dma_start3A_139, %dma_start3A_141, %dma_start3A_142] : memref<4x50x128xf32, #tpu.memory_space<vmem>> -> memref<1x50x128xf32, #tpu.memory_space<vmem>>
    %dma_start3A_144 = tpu.memref_squeeze %dma_start3A_143 : memref<1x50x128xf32, #tpu.memory_space<vmem>> -> memref<50x128xf32, #tpu.memory_space<vmem>>
    %dma_start3A_145 = arith.constant 0 : i32
    %dma_start3A_146 = tpu.memref_slice %arg6[%dma_start3A_138, %dma_start3A_145] : memref<4x50xi32, #tpu.memory_space<vmem>> -> memref<1x50xi32, #tpu.memory_space<vmem>>
    %dma_start3A_147 = tpu.memref_squeeze %dma_start3A_146 : memref<1x50xi32, #tpu.memory_space<vmem>> -> memref<50xi32, #tpu.memory_space<vmem>>
    %dma_start3A_148 = arith.constant 0 : i32
    %dma_start3A_149 = arith.constant 0 : i32
    %dma_start3A_150 = tpu.memref_slice %arg2[%dma_start3A_148, %dma_start3A_149] : memref<10000x128xf32, #tpu.memory_space<hbm>> -> memref<10000x128xf32, #tpu.memory_space<hbm>>
    %dma_start3A_151 = tpu.memref_slice %arg12[%dma_start3A_140] : memref<4x!tpu.dma_semaphore, #tpu.memory_space<semaphore_mem>> -> memref<1x!tpu.dma_semaphore, #tpu.memory_space<semaphore_mem>>
    %dma_start3A_152 = tpu.memref_squeeze %dma_start3A_151 : memref<1x!tpu.dma_semaphore, #tpu.memory_space<semaphore_mem>> -> memref<!tpu.dma_semaphore, #tpu.memory_space<semaphore_mem>>
    tpu.enqueue_indirect_dma source(%dma_start3A_150 : memref<10000x128xf32, #tpu.memory_space<hbm>>) target(%dma_start3A_144 : memref<50x128xf32, #tpu.memory_space<vmem>>) offsets(%dma_start3A_147 : memref<50xi32, #tpu.memory_space<vmem>>) semaphore(%dma_start3A_152 : memref<!tpu.dma_semaphore, #tpu.memory_space<semaphore_mem>>)
    %add3A_153 = arith.constant 1 : i32
    %add3A_154 = arith.addi %mul3A_2, %add3A_153 : i32
    %dma_wait3A_155 = arith.constant 1 : i32
    %dma_wait3A_156 = arith.constant 1 : i32
    %dma_wait3A_157 = arith.constant 0 : i32
    %dma_wait3A_158 = tpu.memref_slice %arg6[%dma_wait3A_156, %dma_wait3A_157] : memref<4x50xi32, #tpu.memory_space<vmem>> -> memref<1x50xi32, #tpu.memory_space<vmem>>
    %dma_wait3A_159 = arith.constant 0 : i32
    %dma_wait3A_160 = arith.constant 0 : i32
    %dma_wait3A_161 = tpu.memref_slice %arg3[%add3A_154, %dma_wait3A_159, %dma_wait3A_160] : memref<12800x1x50xi32, #tpu.memory_space<hbm>> -> memref<1x1x50xi32, #tpu.memory_space<hbm>>
    %dma_wait3A_162 = tpu.memref_squeeze %dma_wait3A_161 : memref<1x1x50xi32, #tpu.memory_space<hbm>> -> memref<1x50xi32, #tpu.memory_space<hbm>>
    %dma_wait3A_163 = tpu.memref_slice %arg10[%dma_wait3A_155] : memref<4x!tpu.dma_semaphore, #tpu.memory_space<semaphore_mem>> -> memref<1x!tpu.dma_semaphore, #tpu.memory_space<semaphore_mem>>
    %dma_wait3A_164 = tpu.memref_squeeze %dma_wait3A_163 : memref<1x!tpu.dma_semaphore, #tpu.memory_space<semaphore_mem>> -> memref<!tpu.dma_semaphore, #tpu.memory_space<semaphore_mem>>
    %dma_wait3A_165 = arith.constant 1 : i32
    %dma_wait3A_166 = arith.constant 0 : i32
    %dma_wait3A_167 = tpu.memref_slice %arg6[%dma_wait3A_165, %dma_wait3A_166] : memref<4x50xi32, #tpu.memory_space<vmem>> -> memref<1x50xi32, #tpu.memory_space<vmem>>
    %dma_wait3A_168 = arith.constant 0 : i32
    %dma_wait3A_169 = arith.constant 0 : i32
    %dma_wait3A_170 = tpu.memref_slice %arg3[%add3A_154, %dma_wait3A_168, %dma_wait3A_169] : memref<12800x1x50xi32, #tpu.memory_space<hbm>> -> memref<1x1x50xi32, #tpu.memory_space<hbm>>
    %dma_wait3A_171 = tpu.memref_squeeze %dma_wait3A_170 : memref<1x1x50xi32, #tpu.memory_space<hbm>> -> memref<1x50xi32, #tpu.memory_space<hbm>>
    tpu.wait_dma2 semaphore(%dma_wait3A_164 : memref<!tpu.dma_semaphore, #tpu.memory_space<semaphore_mem>>) src(%dma_wait3A_171 : memref<1x50xi32, #tpu.memory_space<hbm>>) dst(%dma_wait3A_167 : memref<1x50xi32, #tpu.memory_space<vmem>>)
    %dma_start3A_172 = arith.constant 1 : i32
    %dma_start3A_173 = arith.constant 1 : i32
    %dma_start3A_174 = arith.constant 1 : i32
    %dma_start3A_175 = arith.constant 0 : i32
    %dma_start3A_176 = arith.constant 0 : i32
    %dma_start3A_177 = tpu.memref_slice %arg8[%dma_start3A_173, %dma_start3A_175, %dma_start3A_176] : memref<4x50x128xf32, #tpu.memory_space<vmem>> -> memref<1x50x128xf32, #tpu.memory_space<vmem>>
    %dma_start3A_178 = tpu.memref_squeeze %dma_start3A_177 : memref<1x50x128xf32, #tpu.memory_space<vmem>> -> memref<50x128xf32, #tpu.memory_space<vmem>>
    %dma_start3A_179 = arith.constant 0 : i32
    %dma_start3A_180 = tpu.memref_slice %arg6[%dma_start3A_172, %dma_start3A_179] : memref<4x50xi32, #tpu.memory_space<vmem>> -> memref<1x50xi32, #tpu.memory_space<vmem>>
    %dma_start3A_181 = tpu.memref_squeeze %dma_start3A_180 : memref<1x50xi32, #tpu.memory_space<vmem>> -> memref<50xi32, #tpu.memory_space<vmem>>
    %dma_start3A_182 = arith.constant 0 : i32
    %dma_start3A_183 = arith.constant 0 : i32
    %dma_start3A_184 = tpu.memref_slice %arg2[%dma_start3A_182, %dma_start3A_183] : memref<10000x128xf32, #tpu.memory_space<hbm>> -> memref<10000x128xf32, #tpu.memory_space<hbm>>
    %dma_start3A_185 = tpu.memref_slice %arg12[%dma_start3A_174] : memref<4x!tpu.dma_semaphore, #tpu.memory_space<semaphore_mem>> -> memref<1x!tpu.dma_semaphore, #tpu.memory_space<semaphore_mem>>
    %dma_start3A_186 = tpu.memref_squeeze %dma_start3A_185 : memref<1x!tpu.dma_semaphore, #tpu.memory_space<semaphore_mem>> -> memref<!tpu.dma_semaphore, #tpu.memory_space<semaphore_mem>>
    tpu.enqueue_indirect_dma source(%dma_start3A_184 : memref<10000x128xf32, #tpu.memory_space<hbm>>) target(%dma_start3A_178 : memref<50x128xf32, #tpu.memory_space<vmem>>) offsets(%dma_start3A_181 : memref<50xi32, #tpu.memory_space<vmem>>) semaphore(%dma_start3A_186 : memref<!tpu.dma_semaphore, #tpu.memory_space<semaphore_mem>>)
    %mul3A_187 = arith.constant 640 : i32
    %mul3A_188 = arith.muli %arg1, %mul3A_187 : i32
    "tpu.region"() ({
      %run_scoped3A = tpu.sem_alloc : memref<!tpu.dma_semaphore, #tpu.memory_space<semaphore_mem>>
      %dma_start3A_229 = arith.constant 0 : i32
      %dma_start3A_230 = tpu.memref_slice %arg9[%mul3A_188, %dma_start3A_229] : memref<10240x128xf32, #tpu.memory_space<vmem_shared>> -> memref<640x128xf32, #tpu.memory_space<vmem_shared>>
      tpu.enqueue_dma source(%arg4 : memref<640x128xf32, #tpu.memory_space<hbm>>) target(%dma_start3A_230 : memref<640x128xf32, #tpu.memory_space<vmem_shared>>) target_semaphore(%run_scoped3A : memref<!tpu.dma_semaphore, #tpu.memory_space<semaphore_mem>>)
      %dma_wait3A_231 = arith.constant 0 : i32
      %dma_wait3A_232 = tpu.memref_slice %arg9[%mul3A_188, %dma_wait3A_231] : memref<10240x128xf32, #tpu.memory_space<vmem_shared>> -> memref<640x128xf32, #tpu.memory_space<vmem_shared>>
      tpu.wait_dma2 semaphore(%run_scoped3A : memref<!tpu.dma_semaphore, #tpu.memory_space<semaphore_mem>>) src(%arg4 : memref<640x128xf32, #tpu.memory_space<hbm>>) dst(%dma_wait3A_232 : memref<640x128xf32, #tpu.memory_space<vmem_shared>>)
      tpu.yield
    }) : () -> ()
    %barrier3A = arith.constant 0 : index
    tpu.barrier barrier_id(%barrier3A)
    %scan3A = arith.constant 0 : i32
    %scan3A_189 = arith.constant 0 : i32
    %scan3A_190 = arith.constant 50 : i32
    %scan3A_191 = arith.addi %scan3A_189, %scan3A_190 : i32
    %scan3A_192 = arith.constant 1 : i32
    scf.for %scan3A_229 = %scan3A_189 to %scan3A_191 step %scan3A_192  : i32 {
      %mul3A_230 = arith.constant 4 : i32
      %mul3A_231 = arith.muli %mul3A_230, %scan3A_229 : i32
      %add3A_232 = arith.constant 0 : i32
      %add3A_233 = arith.addi %mul3A_231, %add3A_232 : i32
      %dma_wait3A_234 = arith.constant 0 : i32
      %dma_wait3A_235 = arith.constant 0 : i32
      %dma_wait3A_236 = arith.constant 0 : i32
      %dma_wait3A_237 = arith.constant 0 : i32
      %dma_wait3A_238 = arith.constant 0 : i32
      %dma_wait3A_239 = tpu.memref_slice %arg8[%dma_wait3A_235, %dma_wait3A_237, %dma_wait3A_238] : memref<4x50x128xf32, #tpu.memory_space<vmem>> -> memref<1x50x128xf32, #tpu.memory_space<vmem>>
      %dma_wait3A_240 = tpu.memref_squeeze %dma_wait3A_239 : memref<1x50x128xf32, #tpu.memory_space<vmem>> -> memref<50x128xf32, #tpu.memory_space<vmem>>
      %dma_wait3A_241 = arith.constant 0 : i32
      %dma_wait3A_242 = tpu.memref_slice %arg6[%dma_wait3A_234, %dma_wait3A_241] : memref<4x50xi32, #tpu.memory_space<vmem>> -> memref<1x50xi32, #tpu.memory_space<vmem>>
      %dma_wait3A_243 = tpu.memref_squeeze %dma_wait3A_242 : memref<1x50xi32, #tpu.memory_space<vmem>> -> memref<50xi32, #tpu.memory_space<vmem>>
      %dma_wait3A_244 = arith.constant 0 : i32
      %dma_wait3A_245 = arith.constant 0 : i32
      %dma_wait3A_246 = tpu.memref_slice %arg2[%dma_wait3A_244, %dma_wait3A_245] : memref<10000x128xf32, #tpu.memory_space<hbm>> -> memref<10000x128xf32, #tpu.memory_space<hbm>>
      %dma_wait3A_247 = tpu.memref_slice %arg12[%dma_wait3A_236] : memref<4x!tpu.dma_semaphore, #tpu.memory_space<semaphore_mem>> -> memref<1x!tpu.dma_semaphore, #tpu.memory_space<semaphore_mem>>
      %dma_wait3A_248 = tpu.memref_squeeze %dma_wait3A_247 : memref<1x!tpu.dma_semaphore, #tpu.memory_space<semaphore_mem>> -> memref<!tpu.dma_semaphore, #tpu.memory_space<semaphore_mem>>
      tpu.wait_indirect_dma semaphore(%dma_wait3A_248 : memref<!tpu.dma_semaphore, #tpu.memory_space<semaphore_mem>>) src(%dma_wait3A_246 : memref<10000x128xf32, #tpu.memory_space<hbm>>) dst(%dma_wait3A_240 : memref<50x128xf32, #tpu.memory_space<vmem>>)
      %add3A_249 = arith.constant 6400 : i32
      %add3A_250 = arith.addi %add3A_249, %mul3A_2 : i32
      %add3A_251 = arith.addi %add3A_250, %add3A_233 : i32
      %dma_wait3A_252 = arith.constant 0 : i32
      %dma_wait3A_253 = arith.constant 0 : i32
      %dma_wait3A_254 = arith.constant 0 : i32
      %dma_wait3A_255 = tpu.memref_slice %arg7[%dma_wait3A_253, %dma_wait3A_254] : memref<4x50xi32, #tpu.memory_space<vmem>> -> memref<1x50xi32, #tpu.memory_space<vmem>>
      %dma_wait3A_256 = arith.constant 0 : i32
      %dma_wait3A_257 = arith.constant 0 : i32
      %dma_wait3A_258 = tpu.memref_slice %arg3[%add3A_251, %dma_wait3A_256, %dma_wait3A_257] : memref<12800x1x50xi32, #tpu.memory_space<hbm>> -> memref<1x1x50xi32, #tpu.memory_space<hbm>>
      %dma_wait3A_259 = tpu.memref_squeeze %dma_wait3A_258 : memref<1x1x50xi32, #tpu.memory_space<hbm>> -> memref<1x50xi32, #tpu.memory_space<hbm>>
      %dma_wait3A_260 = tpu.memref_slice %arg11[%dma_wait3A_252] : memref<4x!tpu.dma_semaphore, #tpu.memory_space<semaphore_mem>> -> memref<1x!tpu.dma_semaphore, #tpu.memory_space<semaphore_mem>>
      %dma_wait3A_261 = tpu.memref_squeeze %dma_wait3A_260 : memref<1x!tpu.dma_semaphore, #tpu.memory_space<semaphore_mem>> -> memref<!tpu.dma_semaphore, #tpu.memory_space<semaphore_mem>>
      %dma_wait3A_262 = arith.constant 0 : i32
      %dma_wait3A_263 = arith.constant 0 : i32
      %dma_wait3A_264 = tpu.memref_slice %arg7[%dma_wait3A_262, %dma_wait3A_263] : memref<4x50xi32, #tpu.memory_space<vmem>> -> memref<1x50xi32, #tpu.memory_space<vmem>>
      %dma_wait3A_265 = arith.constant 0 : i32
      %dma_wait3A_266 = arith.constant 0 : i32
      %dma_wait3A_267 = tpu.memref_slice %arg3[%add3A_251, %dma_wait3A_265, %dma_wait3A_266] : memref<12800x1x50xi32, #tpu.memory_space<hbm>> -> memref<1x1x50xi32, #tpu.memory_space<hbm>>
      %dma_wait3A_268 = tpu.memref_squeeze %dma_wait3A_267 : memref<1x1x50xi32, #tpu.memory_space<hbm>> -> memref<1x50xi32, #tpu.memory_space<hbm>>
      tpu.wait_dma2 semaphore(%dma_wait3A_261 : memref<!tpu.dma_semaphore, #tpu.memory_space<semaphore_mem>>) src(%dma_wait3A_268 : memref<1x50xi32, #tpu.memory_space<hbm>>) dst(%dma_wait3A_264 : memref<1x50xi32, #tpu.memory_space<vmem>>)
      %dma_start3A_269 = arith.constant 0 : i32
      %dma_start3A_270 = arith.constant 0 : i32
      %dma_start3A_271 = arith.constant 0 : i32
      %dma_start3A_272 = arith.constant 0 : i32
      %dma_start3A_273 = arith.constant 0 : i32
      %dma_start3A_274 = tpu.memref_slice %arg8[%dma_start3A_269, %dma_start3A_272, %dma_start3A_273] : memref<4x50x128xf32, #tpu.memory_space<vmem>> -> memref<1x50x128xf32, #tpu.memory_space<vmem>>
      %dma_start3A_275 = tpu.memref_squeeze %dma_start3A_274 : memref<1x50x128xf32, #tpu.memory_space<vmem>> -> memref<50x128xf32, #tpu.memory_space<vmem>>
      %dma_start3A_276 = arith.constant 0 : i32
      %dma_start3A_277 = tpu.memref_slice %arg7[%dma_start3A_270, %dma_start3A_276] : memref<4x50xi32, #tpu.memory_space<vmem>> -> memref<1x50xi32, #tpu.memory_space<vmem>>
      %dma_start3A_278 = tpu.memref_squeeze %dma_start3A_277 : memref<1x50xi32, #tpu.memory_space<vmem>> -> memref<50xi32, #tpu.memory_space<vmem>>
      %dma_start3A_279 = arith.constant 0 : i32
      %dma_start3A_280 = arith.constant 0 : i32
      %dma_start3A_281 = tpu.memref_slice %arg9[%dma_start3A_279, %dma_start3A_280] : memref<10240x128xf32, #tpu.memory_space<vmem_shared>> -> memref<10240x128xf32, #tpu.memory_space<vmem_shared>>
      %dma_start3A_282 = tpu.memref_slice %arg13[%dma_start3A_271] : memref<4x!tpu.dma_semaphore, #tpu.memory_space<semaphore_mem>> -> memref<1x!tpu.dma_semaphore, #tpu.memory_space<semaphore_mem>>
      %dma_start3A_283 = tpu.memref_squeeze %dma_start3A_282 : memref<1x!tpu.dma_semaphore, #tpu.memory_space<semaphore_mem>> -> memref<!tpu.dma_semaphore, #tpu.memory_space<semaphore_mem>>
      tpu.enqueue_indirect_dma source(%dma_start3A_275 : memref<50x128xf32, #tpu.memory_space<vmem>>) target(%dma_start3A_281 : memref<10240x128xf32, #tpu.memory_space<vmem_shared>>) offsets(%dma_start3A_278 : memref<50xi32, #tpu.memory_space<vmem>>) semaphore(%dma_start3A_283 : memref<!tpu.dma_semaphore, #tpu.memory_space<semaphore_mem>>) {add = true}
      %lt3A = arith.constant 49 : i32
      %lt3A_284 = arith.cmpi slt, %scan3A_229, %lt3A : i32
      %convert_element_type3A = arith.extui %lt3A_284 : i1 to i32
      %cond3A = arith.constant 0 : i32
      %cond3A_285 = arith.cmpi ne, %convert_element_type3A, %cond3A : i32
      scf.if %cond3A_285 {
        %add3A_633 = arith.constant 4 : i32
        %add3A_634 = arith.addi %add3A_233, %add3A_633 : i32
        %add3A_635 = arith.addi %mul3A_2, %add3A_634 : i32
        %dma_start3A_636 = arith.constant 0 : i32
        %dma_start3A_637 = arith.constant 0 : i32
        %dma_start3A_638 = arith.constant 0 : i32
        %dma_start3A_639 = tpu.memref_slice %arg6[%dma_start3A_637, %dma_start3A_638] : memref<4x50xi32, #tpu.memory_space<vmem>> -> memref<1x50xi32, #tpu.memory_space<vmem>>
        %dma_start3A_640 = arith.constant 0 : i32
        %dma_start3A_641 = arith.constant 0 : i32
        %dma_start3A_642 = tpu.memref_slice %arg3[%add3A_635, %dma_start3A_640, %dma_start3A_641] : memref<12800x1x50xi32, #tpu.memory_space<hbm>> -> memref<1x1x50xi32, #tpu.memory_space<hbm>>
        %dma_start3A_643 = tpu.memref_squeeze %dma_start3A_642 : memref<1x1x50xi32, #tpu.memory_space<hbm>> -> memref<1x50xi32, #tpu.memory_space<hbm>>
        %dma_start3A_644 = tpu.memref_slice %arg10[%dma_start3A_636] : memref<4x!tpu.dma_semaphore, #tpu.memory_space<semaphore_mem>> -> memref<1x!tpu.dma_semaphore, #tpu.memory_space<semaphore_mem>>
        %dma_start3A_645 = tpu.memref_squeeze %dma_start3A_644 : memref<1x!tpu.dma_semaphore, #tpu.memory_space<semaphore_mem>> -> memref<!tpu.dma_semaphore, #tpu.memory_space<semaphore_mem>>
        %dma_start3A_646 = arith.constant 0 : i32
        %dma_start3A_647 = arith.constant 0 : i32
        %dma_start3A_648 = tpu.memref_slice %arg6[%dma_start3A_646, %dma_start3A_647] : memref<4x50xi32, #tpu.memory_space<vmem>> -> memref<1x50xi32, #tpu.memory_space<vmem>>
        %dma_start3A_649 = arith.constant 0 : i32
        %dma_start3A_650 = arith.constant 0 : i32
        %dma_start3A_651 = tpu.memref_slice %arg3[%add3A_635, %dma_start3A_649, %dma_start3A_650] : memref<12800x1x50xi32, #tpu.memory_space<hbm>> -> memref<1x1x50xi32, #tpu.memory_space<hbm>>
        %dma_start3A_652 = tpu.memref_squeeze %dma_start3A_651 : memref<1x1x50xi32, #tpu.memory_space<hbm>> -> memref<1x50xi32, #tpu.memory_space<hbm>>
        tpu.enqueue_dma source(%dma_start3A_652 : memref<1x50xi32, #tpu.memory_space<hbm>>) target(%dma_start3A_648 : memref<1x50xi32, #tpu.memory_space<vmem>>) target_semaphore(%dma_start3A_645 : memref<!tpu.dma_semaphore, #tpu.memory_space<semaphore_mem>>)
      } else {
      }
      %gt3A = arith.constant 0 : i32
      %gt3A_286 = arith.cmpi sgt, %scan3A_229, %gt3A : i32
      %convert_element_type3A_287 = arith.extui %gt3A_286 : i1 to i32
      %cond3A_288 = arith.constant 0 : i32
      %cond3A_289 = arith.cmpi ne, %convert_element_type3A_287, %cond3A_288 : i32
      scf.if %cond3A_289 {
        %sub3A_633 = arith.constant 2 : i32
        %sub3A_634 = arith.subi %add3A_233, %sub3A_633 : i32
        %dma_wait3A_635 = arith.constant 2 : i32
        %dma_wait3A_636 = arith.constant 2 : i32
        %dma_wait3A_637 = arith.constant 2 : i32
        %dma_wait3A_638 = arith.constant 0 : i32
        %dma_wait3A_639 = arith.constant 0 : i32
        %dma_wait3A_640 = tpu.memref_slice %arg8[%dma_wait3A_635, %dma_wait3A_638, %dma_wait3A_639] : memref<4x50x128xf32, #tpu.memory_space<vmem>> -> memref<1x50x128xf32, #tpu.memory_space<vmem>>
        %dma_wait3A_641 = tpu.memref_squeeze %dma_wait3A_640 : memref<1x50x128xf32, #tpu.memory_space<vmem>> -> memref<50x128xf32, #tpu.memory_space<vmem>>
        %dma_wait3A_642 = arith.constant 0 : i32
        %dma_wait3A_643 = tpu.memref_slice %arg7[%dma_wait3A_636, %dma_wait3A_642] : memref<4x50xi32, #tpu.memory_space<vmem>> -> memref<1x50xi32, #tpu.memory_space<vmem>>
        %dma_wait3A_644 = tpu.memref_squeeze %dma_wait3A_643 : memref<1x50xi32, #tpu.memory_space<vmem>> -> memref<50xi32, #tpu.memory_space<vmem>>
        %dma_wait3A_645 = arith.constant 0 : i32
        %dma_wait3A_646 = arith.constant 0 : i32
        %dma_wait3A_647 = tpu.memref_slice %arg9[%dma_wait3A_645, %dma_wait3A_646] : memref<10240x128xf32, #tpu.memory_space<vmem_shared>> -> memref<10240x128xf32, #tpu.memory_space<vmem_shared>>
        %dma_wait3A_648 = tpu.memref_slice %arg13[%dma_wait3A_637] : memref<4x!tpu.dma_semaphore, #tpu.memory_space<semaphore_mem>> -> memref<1x!tpu.dma_semaphore, #tpu.memory_space<semaphore_mem>>
        %dma_wait3A_649 = tpu.memref_squeeze %dma_wait3A_648 : memref<1x!tpu.dma_semaphore, #tpu.memory_space<semaphore_mem>> -> memref<!tpu.dma_semaphore, #tpu.memory_space<semaphore_mem>>
        tpu.wait_indirect_dma semaphore(%dma_wait3A_649 : memref<!tpu.dma_semaphore, #tpu.memory_space<semaphore_mem>>) src(%dma_wait3A_641 : memref<50x128xf32, #tpu.memory_space<vmem>>) dst(%dma_wait3A_647 : memref<10240x128xf32, #tpu.memory_space<vmem_shared>>)
      } else {
      }
      %add3A_290 = arith.constant 2 : i32
      %add3A_291 = arith.addi %add3A_233, %add3A_290 : i32
      %add3A_292 = arith.constant 6400 : i32
      %add3A_293 = arith.addi %add3A_292, %mul3A_2 : i32
      %add3A_294 = arith.addi %add3A_293, %add3A_291 : i32
      %dma_start3A_295 = arith.constant 2 : i32
      %dma_start3A_296 = arith.constant 2 : i32
      %dma_start3A_297 = arith.constant 0 : i32
      %dma_start3A_298 = tpu.memref_slice %arg7[%dma_start3A_296, %dma_start3A_297] : memref<4x50xi32, #tpu.memory_space<vmem>> -> memref<1x50xi32, #tpu.memory_space<vmem>>
      %dma_start3A_299 = arith.constant 0 : i32
      %dma_start3A_300 = arith.constant 0 : i32
      %dma_start3A_301 = tpu.memref_slice %arg3[%add3A_294, %dma_start3A_299, %dma_start3A_300] : memref<12800x1x50xi32, #tpu.memory_space<hbm>> -> memref<1x1x50xi32, #tpu.memory_space<hbm>>
      %dma_start3A_302 = tpu.memref_squeeze %dma_start3A_301 : memref<1x1x50xi32, #tpu.memory_space<hbm>> -> memref<1x50xi32, #tpu.memory_space<hbm>>
      %dma_start3A_303 = tpu.memref_slice %arg11[%dma_start3A_295] : memref<4x!tpu.dma_semaphore, #tpu.memory_space<semaphore_mem>> -> memref<1x!tpu.dma_semaphore, #tpu.memory_space<semaphore_mem>>
      %dma_start3A_304 = tpu.memref_squeeze %dma_start3A_303 : memref<1x!tpu.dma_semaphore, #tpu.memory_space<semaphore_mem>> -> memref<!tpu.dma_semaphore, #tpu.memory_space<semaphore_mem>>
      %dma_start3A_305 = arith.constant 2 : i32
      %dma_start3A_306 = arith.constant 0 : i32
      %dma_start3A_307 = tpu.memref_slice %arg7[%dma_start3A_305, %dma_start3A_306] : memref<4x50xi32, #tpu.memory_space<vmem>> -> memref<1x50xi32, #tpu.memory_space<vmem>>
      %dma_start3A_308 = arith.constant 0 : i32
      %dma_start3A_309 = arith.constant 0 : i32
      %dma_start3A_310 = tpu.memref_slice %arg3[%add3A_294, %dma_start3A_308, %dma_start3A_309] : memref<12800x1x50xi32, #tpu.memory_space<hbm>> -> memref<1x1x50xi32, #tpu.memory_space<hbm>>
      %dma_start3A_311 = tpu.memref_squeeze %dma_start3A_310 : memref<1x1x50xi32, #tpu.memory_space<hbm>> -> memref<1x50xi32, #tpu.memory_space<hbm>>
      tpu.enqueue_dma source(%dma_start3A_311 : memref<1x50xi32, #tpu.memory_space<hbm>>) target(%dma_start3A_307 : memref<1x50xi32, #tpu.memory_space<vmem>>) target_semaphore(%dma_start3A_304 : memref<!tpu.dma_semaphore, #tpu.memory_space<semaphore_mem>>)
      %add3A_312 = arith.constant 2 : i32
      %add3A_313 = arith.addi %add3A_233, %add3A_312 : i32
      %add3A_314 = arith.addi %mul3A_2, %add3A_313 : i32
      %dma_wait3A_315 = arith.constant 2 : i32
      %dma_wait3A_316 = arith.constant 2 : i32
      %dma_wait3A_317 = arith.constant 0 : i32
      %dma_wait3A_318 = tpu.memref_slice %arg6[%dma_wait3A_316, %dma_wait3A_317] : memref<4x50xi32, #tpu.memory_space<vmem>> -> memref<1x50xi32, #tpu.memory_space<vmem>>
      %dma_wait3A_319 = arith.constant 0 : i32
      %dma_wait3A_320 = arith.constant 0 : i32
      %dma_wait3A_321 = tpu.memref_slice %arg3[%add3A_314, %dma_wait3A_319, %dma_wait3A_320] : memref<12800x1x50xi32, #tpu.memory_space<hbm>> -> memref<1x1x50xi32, #tpu.memory_space<hbm>>
      %dma_wait3A_322 = tpu.memref_squeeze %dma_wait3A_321 : memref<1x1x50xi32, #tpu.memory_space<hbm>> -> memref<1x50xi32, #tpu.memory_space<hbm>>
      %dma_wait3A_323 = tpu.memref_slice %arg10[%dma_wait3A_315] : memref<4x!tpu.dma_semaphore, #tpu.memory_space<semaphore_mem>> -> memref<1x!tpu.dma_semaphore, #tpu.memory_space<semaphore_mem>>
      %dma_wait3A_324 = tpu.memref_squeeze %dma_wait3A_323 : memref<1x!tpu.dma_semaphore, #tpu.memory_space<semaphore_mem>> -> memref<!tpu.dma_semaphore, #tpu.memory_space<semaphore_mem>>
      %dma_wait3A_325 = arith.constant 2 : i32
      %dma_wait3A_326 = arith.constant 0 : i32
      %dma_wait3A_327 = tpu.memref_slice %arg6[%dma_wait3A_325, %dma_wait3A_326] : memref<4x50xi32, #tpu.memory_space<vmem>> -> memref<1x50xi32, #tpu.memory_space<vmem>>
      %dma_wait3A_328 = arith.constant 0 : i32
      %dma_wait3A_329 = arith.constant 0 : i32
      %dma_wait3A_330 = tpu.memref_slice %arg3[%add3A_314, %dma_wait3A_328, %dma_wait3A_329] : memref<12800x1x50xi32, #tpu.memory_space<hbm>> -> memref<1x1x50xi32, #tpu.memory_space<hbm>>
      %dma_wait3A_331 = tpu.memref_squeeze %dma_wait3A_330 : memref<1x1x50xi32, #tpu.memory_space<hbm>> -> memref<1x50xi32, #tpu.memory_space<hbm>>
      tpu.wait_dma2 semaphore(%dma_wait3A_324 : memref<!tpu.dma_semaphore, #tpu.memory_space<semaphore_mem>>) src(%dma_wait3A_331 : memref<1x50xi32, #tpu.memory_space<hbm>>) dst(%dma_wait3A_327 : memref<1x50xi32, #tpu.memory_space<vmem>>)
      %add3A_332 = arith.constant 2 : i32
      %add3A_333 = arith.addi %add3A_233, %add3A_332 : i32
      %dma_start3A_334 = arith.constant 2 : i32
      %dma_start3A_335 = arith.constant 2 : i32
      %dma_start3A_336 = arith.constant 2 : i32
      %dma_start3A_337 = arith.constant 0 : i32
      %dma_start3A_338 = arith.constant 0 : i32
      %dma_start3A_339 = tpu.memref_slice %arg8[%dma_start3A_335, %dma_start3A_337, %dma_start3A_338] : memref<4x50x128xf32, #tpu.memory_space<vmem>> -> memref<1x50x128xf32, #tpu.memory_space<vmem>>
      %dma_start3A_340 = tpu.memref_squeeze %dma_start3A_339 : memref<1x50x128xf32, #tpu.memory_space<vmem>> -> memref<50x128xf32, #tpu.memory_space<vmem>>
      %dma_start3A_341 = arith.constant 0 : i32
      %dma_start3A_342 = tpu.memref_slice %arg6[%dma_start3A_334, %dma_start3A_341] : memref<4x50xi32, #tpu.memory_space<vmem>> -> memref<1x50xi32, #tpu.memory_space<vmem>>
      %dma_start3A_343 = tpu.memref_squeeze %dma_start3A_342 : memref<1x50xi32, #tpu.memory_space<vmem>> -> memref<50xi32, #tpu.memory_space<vmem>>
      %dma_start3A_344 = arith.constant 0 : i32
      %dma_start3A_345 = arith.constant 0 : i32
      %dma_start3A_346 = tpu.memref_slice %arg2[%dma_start3A_344, %dma_start3A_345] : memref<10000x128xf32, #tpu.memory_space<hbm>> -> memref<10000x128xf32, #tpu.memory_space<hbm>>
      %dma_start3A_347 = tpu.memref_slice %arg12[%dma_start3A_336] : memref<4x!tpu.dma_semaphore, #tpu.memory_space<semaphore_mem>> -> memref<1x!tpu.dma_semaphore, #tpu.memory_space<semaphore_mem>>
      %dma_start3A_348 = tpu.memref_squeeze %dma_start3A_347 : memref<1x!tpu.dma_semaphore, #tpu.memory_space<semaphore_mem>> -> memref<!tpu.dma_semaphore, #tpu.memory_space<semaphore_mem>>
      tpu.enqueue_indirect_dma source(%dma_start3A_346 : memref<10000x128xf32, #tpu.memory_space<hbm>>) target(%dma_start3A_340 : memref<50x128xf32, #tpu.memory_space<vmem>>) offsets(%dma_start3A_343 : memref<50xi32, #tpu.memory_space<vmem>>) semaphore(%dma_start3A_348 : memref<!tpu.dma_semaphore, #tpu.memory_space<semaphore_mem>>)
      %mul3A_349 = arith.constant 4 : i32
      %mul3A_350 = arith.muli %mul3A_349, %scan3A_229 : i32
      %add3A_351 = arith.constant 1 : i32
      %add3A_352 = arith.addi %mul3A_350, %add3A_351 : i32
      %dma_wait3A_353 = arith.constant 1 : i32
      %dma_wait3A_354 = arith.constant 1 : i32
      %dma_wait3A_355 = arith.constant 1 : i32
      %dma_wait3A_356 = arith.constant 0 : i32
      %dma_wait3A_357 = arith.constant 0 : i32
      %dma_wait3A_358 = tpu.memref_slice %arg8[%dma_wait3A_354, %dma_wait3A_356, %dma_wait3A_357] : memref<4x50x128xf32, #tpu.memory_space<vmem>> -> memref<1x50x128xf32, #tpu.memory_space<vmem>>
      %dma_wait3A_359 = tpu.memref_squeeze %dma_wait3A_358 : memref<1x50x128xf32, #tpu.memory_space<vmem>> -> memref<50x128xf32, #tpu.memory_space<vmem>>
      %dma_wait3A_360 = arith.constant 0 : i32
      %dma_wait3A_361 = tpu.memref_slice %arg6[%dma_wait3A_353, %dma_wait3A_360] : memref<4x50xi32, #tpu.memory_space<vmem>> -> memref<1x50xi32, #tpu.memory_space<vmem>>
      %dma_wait3A_362 = tpu.memref_squeeze %dma_wait3A_361 : memref<1x50xi32, #tpu.memory_space<vmem>> -> memref<50xi32, #tpu.memory_space<vmem>>
      %dma_wait3A_363 = arith.constant 0 : i32
      %dma_wait3A_364 = arith.constant 0 : i32
      %dma_wait3A_365 = tpu.memref_slice %arg2[%dma_wait3A_363, %dma_wait3A_364] : memref<10000x128xf32, #tpu.memory_space<hbm>> -> memref<10000x128xf32, #tpu.memory_space<hbm>>
      %dma_wait3A_366 = tpu.memref_slice %arg12[%dma_wait3A_355] : memref<4x!tpu.dma_semaphore, #tpu.memory_space<semaphore_mem>> -> memref<1x!tpu.dma_semaphore, #tpu.memory_space<semaphore_mem>>
      %dma_wait3A_367 = tpu.memref_squeeze %dma_wait3A_366 : memref<1x!tpu.dma_semaphore, #tpu.memory_space<semaphore_mem>> -> memref<!tpu.dma_semaphore, #tpu.memory_space<semaphore_mem>>
      tpu.wait_indirect_dma semaphore(%dma_wait3A_367 : memref<!tpu.dma_semaphore, #tpu.memory_space<semaphore_mem>>) src(%dma_wait3A_365 : memref<10000x128xf32, #tpu.memory_space<hbm>>) dst(%dma_wait3A_359 : memref<50x128xf32, #tpu.memory_space<vmem>>)
      %add3A_368 = arith.constant 6400 : i32
      %add3A_369 = arith.addi %add3A_368, %mul3A_2 : i32
      %add3A_370 = arith.addi %add3A_369, %add3A_352 : i32
      %dma_wait3A_371 = arith.constant 1 : i32
      %dma_wait3A_372 = arith.constant 1 : i32
      %dma_wait3A_373 = arith.constant 0 : i32
      %dma_wait3A_374 = tpu.memref_slice %arg7[%dma_wait3A_372, %dma_wait3A_373] : memref<4x50xi32, #tpu.memory_space<vmem>> -> memref<1x50xi32, #tpu.memory_space<vmem>>
      %dma_wait3A_375 = arith.constant 0 : i32
      %dma_wait3A_376 = arith.constant 0 : i32
      %dma_wait3A_377 = tpu.memref_slice %arg3[%add3A_370, %dma_wait3A_375, %dma_wait3A_376] : memref<12800x1x50xi32, #tpu.memory_space<hbm>> -> memref<1x1x50xi32, #tpu.memory_space<hbm>>
      %dma_wait3A_378 = tpu.memref_squeeze %dma_wait3A_377 : memref<1x1x50xi32, #tpu.memory_space<hbm>> -> memref<1x50xi32, #tpu.memory_space<hbm>>
      %dma_wait3A_379 = tpu.memref_slice %arg11[%dma_wait3A_371] : memref<4x!tpu.dma_semaphore, #tpu.memory_space<semaphore_mem>> -> memref<1x!tpu.dma_semaphore, #tpu.memory_space<semaphore_mem>>
      %dma_wait3A_380 = tpu.memref_squeeze %dma_wait3A_379 : memref<1x!tpu.dma_semaphore, #tpu.memory_space<semaphore_mem>> -> memref<!tpu.dma_semaphore, #tpu.memory_space<semaphore_mem>>
      %dma_wait3A_381 = arith.constant 1 : i32
      %dma_wait3A_382 = arith.constant 0 : i32
      %dma_wait3A_383 = tpu.memref_slice %arg7[%dma_wait3A_381, %dma_wait3A_382] : memref<4x50xi32, #tpu.memory_space<vmem>> -> memref<1x50xi32, #tpu.memory_space<vmem>>
      %dma_wait3A_384 = arith.constant 0 : i32
      %dma_wait3A_385 = arith.constant 0 : i32
      %dma_wait3A_386 = tpu.memref_slice %arg3[%add3A_370, %dma_wait3A_384, %dma_wait3A_385] : memref<12800x1x50xi32, #tpu.memory_space<hbm>> -> memref<1x1x50xi32, #tpu.memory_space<hbm>>
      %dma_wait3A_387 = tpu.memref_squeeze %dma_wait3A_386 : memref<1x1x50xi32, #tpu.memory_space<hbm>> -> memref<1x50xi32, #tpu.memory_space<hbm>>
      tpu.wait_dma2 semaphore(%dma_wait3A_380 : memref<!tpu.dma_semaphore, #tpu.memory_space<semaphore_mem>>) src(%dma_wait3A_387 : memref<1x50xi32, #tpu.memory_space<hbm>>) dst(%dma_wait3A_383 : memref<1x50xi32, #tpu.memory_space<vmem>>)
      %dma_start3A_388 = arith.constant 1 : i32
      %dma_start3A_389 = arith.constant 1 : i32
      %dma_start3A_390 = arith.constant 1 : i32
      %dma_start3A_391 = arith.constant 0 : i32
      %dma_start3A_392 = arith.constant 0 : i32
      %dma_start3A_393 = tpu.memref_slice %arg8[%dma_start3A_388, %dma_start3A_391, %dma_start3A_392] : memref<4x50x128xf32, #tpu.memory_space<vmem>> -> memref<1x50x128xf32, #tpu.memory_space<vmem>>
      %dma_start3A_394 = tpu.memref_squeeze %dma_start3A_393 : memref<1x50x128xf32, #tpu.memory_space<vmem>> -> memref<50x128xf32, #tpu.memory_space<vmem>>
      %dma_start3A_395 = arith.constant 0 : i32
      %dma_start3A_396 = tpu.memref_slice %arg7[%dma_start3A_389, %dma_start3A_395] : memref<4x50xi32, #tpu.memory_space<vmem>> -> memref<1x50xi32, #tpu.memory_space<vmem>>
      %dma_start3A_397 = tpu.memref_squeeze %dma_start3A_396 : memref<1x50xi32, #tpu.memory_space<vmem>> -> memref<50xi32, #tpu.memory_space<vmem>>
      %dma_start3A_398 = arith.constant 0 : i32
      %dma_start3A_399 = arith.constant 0 : i32
      %dma_start3A_400 = tpu.memref_slice %arg9[%dma_start3A_398, %dma_start3A_399] : memref<10240x128xf32, #tpu.memory_space<vmem_shared>> -> memref<10240x128xf32, #tpu.memory_space<vmem_shared>>
      %dma_start3A_401 = tpu.memref_slice %arg13[%dma_start3A_390] : memref<4x!tpu.dma_semaphore, #tpu.memory_space<semaphore_mem>> -> memref<1x!tpu.dma_semaphore, #tpu.memory_space<semaphore_mem>>
      %dma_start3A_402 = tpu.memref_squeeze %dma_start3A_401 : memref<1x!tpu.dma_semaphore, #tpu.memory_space<semaphore_mem>> -> memref<!tpu.dma_semaphore, #tpu.memory_space<semaphore_mem>>
      tpu.enqueue_indirect_dma source(%dma_start3A_394 : memref<50x128xf32, #tpu.memory_space<vmem>>) target(%dma_start3A_400 : memref<10240x128xf32, #tpu.memory_space<vmem_shared>>) offsets(%dma_start3A_397 : memref<50xi32, #tpu.memory_space<vmem>>) semaphore(%dma_start3A_402 : memref<!tpu.dma_semaphore, #tpu.memory_space<semaphore_mem>>) {add = true}
      %lt3A_403 = arith.constant 49 : i32
      %lt3A_404 = arith.cmpi slt, %scan3A_229, %lt3A_403 : i32
      %convert_element_type3A_405 = arith.extui %lt3A_404 : i1 to i32
      %cond3A_406 = arith.constant 0 : i32
      %cond3A_407 = arith.cmpi ne, %convert_element_type3A_405, %cond3A_406 : i32
      scf.if %cond3A_407 {
        %add3A_633 = arith.constant 4 : i32
        %add3A_634 = arith.addi %add3A_352, %add3A_633 : i32
        %add3A_635 = arith.addi %mul3A_2, %add3A_634 : i32
        %dma_start3A_636 = arith.constant 1 : i32
        %dma_start3A_637 = arith.constant 1 : i32
        %dma_start3A_638 = arith.constant 0 : i32
        %dma_start3A_639 = tpu.memref_slice %arg6[%dma_start3A_637, %dma_start3A_638] : memref<4x50xi32, #tpu.memory_space<vmem>> -> memref<1x50xi32, #tpu.memory_space<vmem>>
        %dma_start3A_640 = arith.constant 0 : i32
        %dma_start3A_641 = arith.constant 0 : i32
        %dma_start3A_642 = tpu.memref_slice %arg3[%add3A_635, %dma_start3A_640, %dma_start3A_641] : memref<12800x1x50xi32, #tpu.memory_space<hbm>> -> memref<1x1x50xi32, #tpu.memory_space<hbm>>
        %dma_start3A_643 = tpu.memref_squeeze %dma_start3A_642 : memref<1x1x50xi32, #tpu.memory_space<hbm>> -> memref<1x50xi32, #tpu.memory_space<hbm>>
        %dma_start3A_644 = tpu.memref_slice %arg10[%dma_start3A_636] : memref<4x!tpu.dma_semaphore, #tpu.memory_space<semaphore_mem>> -> memref<1x!tpu.dma_semaphore, #tpu.memory_space<semaphore_mem>>
        %dma_start3A_645 = tpu.memref_squeeze %dma_start3A_644 : memref<1x!tpu.dma_semaphore, #tpu.memory_space<semaphore_mem>> -> memref<!tpu.dma_semaphore, #tpu.memory_space<semaphore_mem>>
        %dma_start3A_646 = arith.constant 1 : i32
        %dma_start3A_647 = arith.constant 0 : i32
        %dma_start3A_648 = tpu.memref_slice %arg6[%dma_start3A_646, %dma_start3A_647] : memref<4x50xi32, #tpu.memory_space<vmem>> -> memref<1x50xi32, #tpu.memory_space<vmem>>
        %dma_start3A_649 = arith.constant 0 : i32
        %dma_start3A_650 = arith.constant 0 : i32
        %dma_start3A_651 = tpu.memref_slice %arg3[%add3A_635, %dma_start3A_649, %dma_start3A_650] : memref<12800x1x50xi32, #tpu.memory_space<hbm>> -> memref<1x1x50xi32, #tpu.memory_space<hbm>>
        %dma_start3A_652 = tpu.memref_squeeze %dma_start3A_651 : memref<1x1x50xi32, #tpu.memory_space<hbm>> -> memref<1x50xi32, #tpu.memory_space<hbm>>
        tpu.enqueue_dma source(%dma_start3A_652 : memref<1x50xi32, #tpu.memory_space<hbm>>) target(%dma_start3A_648 : memref<1x50xi32, #tpu.memory_space<vmem>>) target_semaphore(%dma_start3A_645 : memref<!tpu.dma_semaphore, #tpu.memory_space<semaphore_mem>>)
      } else {
      }
      %gt3A_408 = arith.constant 0 : i32
      %gt3A_409 = arith.cmpi sgt, %scan3A_229, %gt3A_408 : i32
      %convert_element_type3A_410 = arith.extui %gt3A_409 : i1 to i32
      %cond3A_411 = arith.constant 0 : i32
      %cond3A_412 = arith.cmpi ne, %convert_element_type3A_410, %cond3A_411 : i32
      scf.if %cond3A_412 {
        %sub3A_633 = arith.constant 2 : i32
        %sub3A_634 = arith.subi %add3A_352, %sub3A_633 : i32
        %dma_wait3A_635 = arith.constant 3 : i32
        %dma_wait3A_636 = arith.constant 3 : i32
        %dma_wait3A_637 = arith.constant 3 : i32
        %dma_wait3A_638 = arith.constant 0 : i32
        %dma_wait3A_639 = arith.constant 0 : i32
        %dma_wait3A_640 = tpu.memref_slice %arg8[%dma_wait3A_635, %dma_wait3A_638, %dma_wait3A_639] : memref<4x50x128xf32, #tpu.memory_space<vmem>> -> memref<1x50x128xf32, #tpu.memory_space<vmem>>
        %dma_wait3A_641 = tpu.memref_squeeze %dma_wait3A_640 : memref<1x50x128xf32, #tpu.memory_space<vmem>> -> memref<50x128xf32, #tpu.memory_space<vmem>>
        %dma_wait3A_642 = arith.constant 0 : i32
        %dma_wait3A_643 = tpu.memref_slice %arg7[%dma_wait3A_636, %dma_wait3A_642] : memref<4x50xi32, #tpu.memory_space<vmem>> -> memref<1x50xi32, #tpu.memory_space<vmem>>
        %dma_wait3A_644 = tpu.memref_squeeze %dma_wait3A_643 : memref<1x50xi32, #tpu.memory_space<vmem>> -> memref<50xi32, #tpu.memory_space<vmem>>
        %dma_wait3A_645 = arith.constant 0 : i32
        %dma_wait3A_646 = arith.constant 0 : i32
        %dma_wait3A_647 = tpu.memref_slice %arg9[%dma_wait3A_645, %dma_wait3A_646] : memref<10240x128xf32, #tpu.memory_space<vmem_shared>> -> memref<10240x128xf32, #tpu.memory_space<vmem_shared>>
        %dma_wait3A_648 = tpu.memref_slice %arg13[%dma_wait3A_637] : memref<4x!tpu.dma_semaphore, #tpu.memory_space<semaphore_mem>> -> memref<1x!tpu.dma_semaphore, #tpu.memory_space<semaphore_mem>>
        %dma_wait3A_649 = tpu.memref_squeeze %dma_wait3A_648 : memref<1x!tpu.dma_semaphore, #tpu.memory_space<semaphore_mem>> -> memref<!tpu.dma_semaphore, #tpu.memory_space<semaphore_mem>>
        tpu.wait_indirect_dma semaphore(%dma_wait3A_649 : memref<!tpu.dma_semaphore, #tpu.memory_space<semaphore_mem>>) src(%dma_wait3A_641 : memref<50x128xf32, #tpu.memory_space<vmem>>) dst(%dma_wait3A_647 : memref<10240x128xf32, #tpu.memory_space<vmem_shared>>)
      } else {
      }
      %add3A_413 = arith.constant 2 : i32
      %add3A_414 = arith.addi %add3A_352, %add3A_413 : i32
      %add3A_415 = arith.constant 6400 : i32
      %add3A_416 = arith.addi %add3A_415, %mul3A_2 : i32
      %add3A_417 = arith.addi %add3A_416, %add3A_414 : i32
      %dma_start3A_418 = arith.constant 3 : i32
      %dma_start3A_419 = arith.constant 3 : i32
      %dma_start3A_420 = arith.constant 0 : i32
      %dma_start3A_421 = tpu.memref_slice %arg7[%dma_start3A_419, %dma_start3A_420] : memref<4x50xi32, #tpu.memory_space<vmem>> -> memref<1x50xi32, #tpu.memory_space<vmem>>
      %dma_start3A_422 = arith.constant 0 : i32
      %dma_start3A_423 = arith.constant 0 : i32
      %dma_start3A_424 = tpu.memref_slice %arg3[%add3A_417, %dma_start3A_422, %dma_start3A_423] : memref<12800x1x50xi32, #tpu.memory_space<hbm>> -> memref<1x1x50xi32, #tpu.memory_space<hbm>>
      %dma_start3A_425 = tpu.memref_squeeze %dma_start3A_424 : memref<1x1x50xi32, #tpu.memory_space<hbm>> -> memref<1x50xi32, #tpu.memory_space<hbm>>
      %dma_start3A_426 = tpu.memref_slice %arg11[%dma_start3A_418] : memref<4x!tpu.dma_semaphore, #tpu.memory_space<semaphore_mem>> -> memref<1x!tpu.dma_semaphore, #tpu.memory_space<semaphore_mem>>
      %dma_start3A_427 = tpu.memref_squeeze %dma_start3A_426 : memref<1x!tpu.dma_semaphore, #tpu.memory_space<semaphore_mem>> -> memref<!tpu.dma_semaphore, #tpu.memory_space<semaphore_mem>>
      %dma_start3A_428 = arith.constant 3 : i32
      %dma_start3A_429 = arith.constant 0 : i32
      %dma_start3A_430 = tpu.memref_slice %arg7[%dma_start3A_428, %dma_start3A_429] : memref<4x50xi32, #tpu.memory_space<vmem>> -> memref<1x50xi32, #tpu.memory_space<vmem>>
      %dma_start3A_431 = arith.constant 0 : i32
      %dma_start3A_432 = arith.constant 0 : i32
      %dma_start3A_433 = tpu.memref_slice %arg3[%add3A_417, %dma_start3A_431, %dma_start3A_432] : memref<12800x1x50xi32, #tpu.memory_space<hbm>> -> memref<1x1x50xi32, #tpu.memory_space<hbm>>
      %dma_start3A_434 = tpu.memref_squeeze %dma_start3A_433 : memref<1x1x50xi32, #tpu.memory_space<hbm>> -> memref<1x50xi32, #tpu.memory_space<hbm>>
      tpu.enqueue_dma source(%dma_start3A_434 : memref<1x50xi32, #tpu.memory_space<hbm>>) target(%dma_start3A_430 : memref<1x50xi32, #tpu.memory_space<vmem>>) target_semaphore(%dma_start3A_427 : memref<!tpu.dma_semaphore, #tpu.memory_space<semaphore_mem>>)
      %add3A_435 = arith.constant 2 : i32
      %add3A_436 = arith.addi %add3A_352, %add3A_435 : i32
      %add3A_437 = arith.addi %mul3A_2, %add3A_436 : i32
      %dma_wait3A_438 = arith.constant 3 : i32
      %dma_wait3A_439 = arith.constant 3 : i32
      %dma_wait3A_440 = arith.constant 0 : i32
      %dma_wait3A_441 = tpu.memref_slice %arg6[%dma_wait3A_439, %dma_wait3A_440] : memref<4x50xi32, #tpu.memory_space<vmem>> -> memref<1x50xi32, #tpu.memory_space<vmem>>
      %dma_wait3A_442 = arith.constant 0 : i32
      %dma_wait3A_443 = arith.constant 0 : i32
      %dma_wait3A_444 = tpu.memref_slice %arg3[%add3A_437, %dma_wait3A_442, %dma_wait3A_443] : memref<12800x1x50xi32, #tpu.memory_space<hbm>> -> memref<1x1x50xi32, #tpu.memory_space<hbm>>
      %dma_wait3A_445 = tpu.memref_squeeze %dma_wait3A_444 : memref<1x1x50xi32, #tpu.memory_space<hbm>> -> memref<1x50xi32, #tpu.memory_space<hbm>>
      %dma_wait3A_446 = tpu.memref_slice %arg10[%dma_wait3A_438] : memref<4x!tpu.dma_semaphore, #tpu.memory_space<semaphore_mem>> -> memref<1x!tpu.dma_semaphore, #tpu.memory_space<semaphore_mem>>
      %dma_wait3A_447 = tpu.memref_squeeze %dma_wait3A_446 : memref<1x!tpu.dma_semaphore, #tpu.memory_space<semaphore_mem>> -> memref<!tpu.dma_semaphore, #tpu.memory_space<semaphore_mem>>
      %dma_wait3A_448 = arith.constant 3 : i32
      %dma_wait3A_449 = arith.constant 0 : i32
      %dma_wait3A_450 = tpu.memref_slice %arg6[%dma_wait3A_448, %dma_wait3A_449] : memref<4x50xi32, #tpu.memory_space<vmem>> -> memref<1x50xi32, #tpu.memory_space<vmem>>
      %dma_wait3A_451 = arith.constant 0 : i32
      %dma_wait3A_452 = arith.constant 0 : i32
      %dma_wait3A_453 = tpu.memref_slice %arg3[%add3A_437, %dma_wait3A_451, %dma_wait3A_452] : memref<12800x1x50xi32, #tpu.memory_space<hbm>> -> memref<1x1x50xi32, #tpu.memory_space<hbm>>
      %dma_wait3A_454 = tpu.memref_squeeze %dma_wait3A_453 : memref<1x1x50xi32, #tpu.memory_space<hbm>> -> memref<1x50xi32, #tpu.memory_space<hbm>>
      tpu.wait_dma2 semaphore(%dma_wait3A_447 : memref<!tpu.dma_semaphore, #tpu.memory_space<semaphore_mem>>) src(%dma_wait3A_454 : memref<1x50xi32, #tpu.memory_space<hbm>>) dst(%dma_wait3A_450 : memref<1x50xi32, #tpu.memory_space<vmem>>)
      %add3A_455 = arith.constant 2 : i32
      %add3A_456 = arith.addi %add3A_352, %add3A_455 : i32
      %dma_start3A_457 = arith.constant 3 : i32
      %dma_start3A_458 = arith.constant 3 : i32
      %dma_start3A_459 = arith.constant 3 : i32
      %dma_start3A_460 = arith.constant 0 : i32
      %dma_start3A_461 = arith.constant 0 : i32
      %dma_start3A_462 = tpu.memref_slice %arg8[%dma_start3A_458, %dma_start3A_460, %dma_start3A_461] : memref<4x50x128xf32, #tpu.memory_space<vmem>> -> memref<1x50x128xf32, #tpu.memory_space<vmem>>
      %dma_start3A_463 = tpu.memref_squeeze %dma_start3A_462 : memref<1x50x128xf32, #tpu.memory_space<vmem>> -> memref<50x128xf32, #tpu.memory_space<vmem>>
      %dma_start3A_464 = arith.constant 0 : i32
      %dma_start3A_465 = tpu.memref_slice %arg6[%dma_start3A_457, %dma_start3A_464] : memref<4x50xi32, #tpu.memory_space<vmem>> -> memref<1x50xi32, #tpu.memory_space<vmem>>
      %dma_start3A_466 = tpu.memref_squeeze %dma_start3A_465 : memref<1x50xi32, #tpu.memory_space<vmem>> -> memref<50xi32, #tpu.memory_space<vmem>>
      %dma_start3A_467 = arith.constant 0 : i32
      %dma_start3A_468 = arith.constant 0 : i32
      %dma_start3A_469 = tpu.memref_slice %arg2[%dma_start3A_467, %dma_start3A_468] : memref<10000x128xf32, #tpu.memory_space<hbm>> -> memref<10000x128xf32, #tpu.memory_space<hbm>>
      %dma_start3A_470 = tpu.memref_slice %arg12[%dma_start3A_459] : memref<4x!tpu.dma_semaphore, #tpu.memory_space<semaphore_mem>> -> memref<1x!tpu.dma_semaphore, #tpu.memory_space<semaphore_mem>>
      %dma_start3A_471 = tpu.memref_squeeze %dma_start3A_470 : memref<1x!tpu.dma_semaphore, #tpu.memory_space<semaphore_mem>> -> memref<!tpu.dma_semaphore, #tpu.memory_space<semaphore_mem>>
      tpu.enqueue_indirect_dma source(%dma_start3A_469 : memref<10000x128xf32, #tpu.memory_space<hbm>>) target(%dma_start3A_463 : memref<50x128xf32, #tpu.memory_space<vmem>>) offsets(%dma_start3A_466 : memref<50xi32, #tpu.memory_space<vmem>>) semaphore(%dma_start3A_471 : memref<!tpu.dma_semaphore, #tpu.memory_space<semaphore_mem>>)
      %mul3A_472 = arith.constant 4 : i32
      %mul3A_473 = arith.muli %mul3A_472, %scan3A_229 : i32
      %add3A_474 = arith.constant 2 : i32
      %add3A_475 = arith.addi %mul3A_473, %add3A_474 : i32
      %dma_wait3A_476 = arith.constant 2 : i32
      %dma_wait3A_477 = arith.constant 2 : i32
      %dma_wait3A_478 = arith.constant 2 : i32
      %dma_wait3A_479 = arith.constant 0 : i32
      %dma_wait3A_480 = arith.constant 0 : i32
      %dma_wait3A_481 = tpu.memref_slice %arg8[%dma_wait3A_477, %dma_wait3A_479, %dma_wait3A_480] : memref<4x50x128xf32, #tpu.memory_space<vmem>> -> memref<1x50x128xf32, #tpu.memory_space<vmem>>
      %dma_wait3A_482 = tpu.memref_squeeze %dma_wait3A_481 : memref<1x50x128xf32, #tpu.memory_space<vmem>> -> memref<50x128xf32, #tpu.memory_space<vmem>>
      %dma_wait3A_483 = arith.constant 0 : i32
      %dma_wait3A_484 = tpu.memref_slice %arg6[%dma_wait3A_476, %dma_wait3A_483] : memref<4x50xi32, #tpu.memory_space<vmem>> -> memref<1x50xi32, #tpu.memory_space<vmem>>
      %dma_wait3A_485 = tpu.memref_squeeze %dma_wait3A_484 : memref<1x50xi32, #tpu.memory_space<vmem>> -> memref<50xi32, #tpu.memory_space<vmem>>
      %dma_wait3A_486 = arith.constant 0 : i32
      %dma_wait3A_487 = arith.constant 0 : i32
      %dma_wait3A_488 = tpu.memref_slice %arg2[%dma_wait3A_486, %dma_wait3A_487] : memref<10000x128xf32, #tpu.memory_space<hbm>> -> memref<10000x128xf32, #tpu.memory_space<hbm>>
      %dma_wait3A_489 = tpu.memref_slice %arg12[%dma_wait3A_478] : memref<4x!tpu.dma_semaphore, #tpu.memory_space<semaphore_mem>> -> memref<1x!tpu.dma_semaphore, #tpu.memory_space<semaphore_mem>>
      %dma_wait3A_490 = tpu.memref_squeeze %dma_wait3A_489 : memref<1x!tpu.dma_semaphore, #tpu.memory_space<semaphore_mem>> -> memref<!tpu.dma_semaphore, #tpu.memory_space<semaphore_mem>>
      tpu.wait_indirect_dma semaphore(%dma_wait3A_490 : memref<!tpu.dma_semaphore, #tpu.memory_space<semaphore_mem>>) src(%dma_wait3A_488 : memref<10000x128xf32, #tpu.memory_space<hbm>>) dst(%dma_wait3A_482 : memref<50x128xf32, #tpu.memory_space<vmem>>)
      %add3A_491 = arith.constant 6400 : i32
      %add3A_492 = arith.addi %add3A_491, %mul3A_2 : i32
      %add3A_493 = arith.addi %add3A_492, %add3A_475 : i32
      %dma_wait3A_494 = arith.constant 2 : i32
      %dma_wait3A_495 = arith.constant 2 : i32
      %dma_wait3A_496 = arith.constant 0 : i32
      %dma_wait3A_497 = tpu.memref_slice %arg7[%dma_wait3A_495, %dma_wait3A_496] : memref<4x50xi32, #tpu.memory_space<vmem>> -> memref<1x50xi32, #tpu.memory_space<vmem>>
      %dma_wait3A_498 = arith.constant 0 : i32
      %dma_wait3A_499 = arith.constant 0 : i32
      %dma_wait3A_500 = tpu.memref_slice %arg3[%add3A_493, %dma_wait3A_498, %dma_wait3A_499] : memref<12800x1x50xi32, #tpu.memory_space<hbm>> -> memref<1x1x50xi32, #tpu.memory_space<hbm>>
      %dma_wait3A_501 = tpu.memref_squeeze %dma_wait3A_500 : memref<1x1x50xi32, #tpu.memory_space<hbm>> -> memref<1x50xi32, #tpu.memory_space<hbm>>
      %dma_wait3A_502 = tpu.memref_slice %arg11[%dma_wait3A_494] : memref<4x!tpu.dma_semaphore, #tpu.memory_space<semaphore_mem>> -> memref<1x!tpu.dma_semaphore, #tpu.memory_space<semaphore_mem>>
      %dma_wait3A_503 = tpu.memref_squeeze %dma_wait3A_502 : memref<1x!tpu.dma_semaphore, #tpu.memory_space<semaphore_mem>> -> memref<!tpu.dma_semaphore, #tpu.memory_space<semaphore_mem>>
      %dma_wait3A_504 = arith.constant 2 : i32
      %dma_wait3A_505 = arith.constant 0 : i32
      %dma_wait3A_506 = tpu.memref_slice %arg7[%dma_wait3A_504, %dma_wait3A_505] : memref<4x50xi32, #tpu.memory_space<vmem>> -> memref<1x50xi32, #tpu.memory_space<vmem>>
      %dma_wait3A_507 = arith.constant 0 : i32
      %dma_wait3A_508 = arith.constant 0 : i32
      %dma_wait3A_509 = tpu.memref_slice %arg3[%add3A_493, %dma_wait3A_507, %dma_wait3A_508] : memref<12800x1x50xi32, #tpu.memory_space<hbm>> -> memref<1x1x50xi32, #tpu.memory_space<hbm>>
      %dma_wait3A_510 = tpu.memref_squeeze %dma_wait3A_509 : memref<1x1x50xi32, #tpu.memory_space<hbm>> -> memref<1x50xi32, #tpu.memory_space<hbm>>
      tpu.wait_dma2 semaphore(%dma_wait3A_503 : memref<!tpu.dma_semaphore, #tpu.memory_space<semaphore_mem>>) src(%dma_wait3A_510 : memref<1x50xi32, #tpu.memory_space<hbm>>) dst(%dma_wait3A_506 : memref<1x50xi32, #tpu.memory_space<vmem>>)
      %dma_start3A_511 = arith.constant 2 : i32
      %dma_start3A_512 = arith.constant 2 : i32
      %dma_start3A_513 = arith.constant 2 : i32
      %dma_start3A_514 = arith.constant 0 : i32
      %dma_start3A_515 = arith.constant 0 : i32
      %dma_start3A_516 = tpu.memref_slice %arg8[%dma_start3A_511, %dma_start3A_514, %dma_start3A_515] : memref<4x50x128xf32, #tpu.memory_space<vmem>> -> memref<1x50x128xf32, #tpu.memory_space<vmem>>
      %dma_start3A_517 = tpu.memref_squeeze %dma_start3A_516 : memref<1x50x128xf32, #tpu.memory_space<vmem>> -> memref<50x128xf32, #tpu.memory_space<vmem>>
      %dma_start3A_518 = arith.constant 0 : i32
      %dma_start3A_519 = tpu.memref_slice %arg7[%dma_start3A_512, %dma_start3A_518] : memref<4x50xi32, #tpu.memory_space<vmem>> -> memref<1x50xi32, #tpu.memory_space<vmem>>
      %dma_start3A_520 = tpu.memref_squeeze %dma_start3A_519 : memref<1x50xi32, #tpu.memory_space<vmem>> -> memref<50xi32, #tpu.memory_space<vmem>>
      %dma_start3A_521 = arith.constant 0 : i32
      %dma_start3A_522 = arith.constant 0 : i32
      %dma_start3A_523 = tpu.memref_slice %arg9[%dma_start3A_521, %dma_start3A_522] : memref<10240x128xf32, #tpu.memory_space<vmem_shared>> -> memref<10240x128xf32, #tpu.memory_space<vmem_shared>>
      %dma_start3A_524 = tpu.memref_slice %arg13[%dma_start3A_513] : memref<4x!tpu.dma_semaphore, #tpu.memory_space<semaphore_mem>> -> memref<1x!tpu.dma_semaphore, #tpu.memory_space<semaphore_mem>>
      %dma_start3A_525 = tpu.memref_squeeze %dma_start3A_524 : memref<1x!tpu.dma_semaphore, #tpu.memory_space<semaphore_mem>> -> memref<!tpu.dma_semaphore, #tpu.memory_space<semaphore_mem>>
      tpu.enqueue_indirect_dma source(%dma_start3A_517 : memref<50x128xf32, #tpu.memory_space<vmem>>) target(%dma_start3A_523 : memref<10240x128xf32, #tpu.memory_space<vmem_shared>>) offsets(%dma_start3A_520 : memref<50xi32, #tpu.memory_space<vmem>>) semaphore(%dma_start3A_525 : memref<!tpu.dma_semaphore, #tpu.memory_space<semaphore_mem>>) {add = true}
      %lt3A_526 = arith.constant 49 : i32
      %lt3A_527 = arith.cmpi slt, %scan3A_229, %lt3A_526 : i32
      %convert_element_type3A_528 = arith.extui %lt3A_527 : i1 to i32
      %cond3A_529 = arith.constant 0 : i32
      %cond3A_530 = arith.cmpi ne, %convert_element_type3A_528, %cond3A_529 : i32
      scf.if %cond3A_530 {
        %add3A_633 = arith.constant 4 : i32
        %add3A_634 = arith.addi %add3A_475, %add3A_633 : i32
        %add3A_635 = arith.addi %mul3A_2, %add3A_634 : i32
        %dma_start3A_636 = arith.constant 2 : i32
        %dma_start3A_637 = arith.constant 2 : i32
        %dma_start3A_638 = arith.constant 0 : i32
        %dma_start3A_639 = tpu.memref_slice %arg6[%dma_start3A_637, %dma_start3A_638] : memref<4x50xi32, #tpu.memory_space<vmem>> -> memref<1x50xi32, #tpu.memory_space<vmem>>
        %dma_start3A_640 = arith.constant 0 : i32
        %dma_start3A_641 = arith.constant 0 : i32
        %dma_start3A_642 = tpu.memref_slice %arg3[%add3A_635, %dma_start3A_640, %dma_start3A_641] : memref<12800x1x50xi32, #tpu.memory_space<hbm>> -> memref<1x1x50xi32, #tpu.memory_space<hbm>>
        %dma_start3A_643 = tpu.memref_squeeze %dma_start3A_642 : memref<1x1x50xi32, #tpu.memory_space<hbm>> -> memref<1x50xi32, #tpu.memory_space<hbm>>
        %dma_start3A_644 = tpu.memref_slice %arg10[%dma_start3A_636] : memref<4x!tpu.dma_semaphore, #tpu.memory_space<semaphore_mem>> -> memref<1x!tpu.dma_semaphore, #tpu.memory_space<semaphore_mem>>
        %dma_start3A_645 = tpu.memref_squeeze %dma_start3A_644 : memref<1x!tpu.dma_semaphore, #tpu.memory_space<semaphore_mem>> -> memref<!tpu.dma_semaphore, #tpu.memory_space<semaphore_mem>>
        %dma_start3A_646 = arith.constant 2 : i32
        %dma_start3A_647 = arith.constant 0 : i32
        %dma_start3A_648 = tpu.memref_slice %arg6[%dma_start3A_646, %dma_start3A_647] : memref<4x50xi32, #tpu.memory_space<vmem>> -> memref<1x50xi32, #tpu.memory_space<vmem>>
        %dma_start3A_649 = arith.constant 0 : i32
        %dma_start3A_650 = arith.constant 0 : i32
        %dma_start3A_651 = tpu.memref_slice %arg3[%add3A_635, %dma_start3A_649, %dma_start3A_650] : memref<12800x1x50xi32, #tpu.memory_space<hbm>> -> memref<1x1x50xi32, #tpu.memory_space<hbm>>
        %dma_start3A_652 = tpu.memref_squeeze %dma_start3A_651 : memref<1x1x50xi32, #tpu.memory_space<hbm>> -> memref<1x50xi32, #tpu.memory_space<hbm>>
        tpu.enqueue_dma source(%dma_start3A_652 : memref<1x50xi32, #tpu.memory_space<hbm>>) target(%dma_start3A_648 : memref<1x50xi32, #tpu.memory_space<vmem>>) target_semaphore(%dma_start3A_645 : memref<!tpu.dma_semaphore, #tpu.memory_space<semaphore_mem>>)
      } else {
      }
      %sub3A = arith.constant 2 : i32
      %sub3A_531 = arith.subi %add3A_475, %sub3A : i32
      %dma_wait3A_532 = arith.constant 0 : i32
      %dma_wait3A_533 = arith.constant 0 : i32
      %dma_wait3A_534 = arith.constant 0 : i32
      %dma_wait3A_535 = arith.constant 0 : i32
      %dma_wait3A_536 = arith.constant 0 : i32
      %dma_wait3A_537 = tpu.memref_slice %arg8[%dma_wait3A_532, %dma_wait3A_535, %dma_wait3A_536] : memref<4x50x128xf32, #tpu.memory_space<vmem>> -> memref<1x50x128xf32, #tpu.memory_space<vmem>>
      %dma_wait3A_538 = tpu.memref_squeeze %dma_wait3A_537 : memref<1x50x128xf32, #tpu.memory_space<vmem>> -> memref<50x128xf32, #tpu.memory_space<vmem>>
      %dma_wait3A_539 = arith.constant 0 : i32
      %dma_wait3A_540 = tpu.memref_slice %arg7[%dma_wait3A_533, %dma_wait3A_539] : memref<4x50xi32, #tpu.memory_space<vmem>> -> memref<1x50xi32, #tpu.memory_space<vmem>>
      %dma_wait3A_541 = tpu.memref_squeeze %dma_wait3A_540 : memref<1x50xi32, #tpu.memory_space<vmem>> -> memref<50xi32, #tpu.memory_space<vmem>>
      %dma_wait3A_542 = arith.constant 0 : i32
      %dma_wait3A_543 = arith.constant 0 : i32
      %dma_wait3A_544 = tpu.memref_slice %arg9[%dma_wait3A_542, %dma_wait3A_543] : memref<10240x128xf32, #tpu.memory_space<vmem_shared>> -> memref<10240x128xf32, #tpu.memory_space<vmem_shared>>
      %dma_wait3A_545 = tpu.memref_slice %arg13[%dma_wait3A_534] : memref<4x!tpu.dma_semaphore, #tpu.memory_space<semaphore_mem>> -> memref<1x!tpu.dma_semaphore, #tpu.memory_space<semaphore_mem>>
      %dma_wait3A_546 = tpu.memref_squeeze %dma_wait3A_545 : memref<1x!tpu.dma_semaphore, #tpu.memory_space<semaphore_mem>> -> memref<!tpu.dma_semaphore, #tpu.memory_space<semaphore_mem>>
      tpu.wait_indirect_dma semaphore(%dma_wait3A_546 : memref<!tpu.dma_semaphore, #tpu.memory_space<semaphore_mem>>) src(%dma_wait3A_538 : memref<50x128xf32, #tpu.memory_space<vmem>>) dst(%dma_wait3A_544 : memref<10240x128xf32, #tpu.memory_space<vmem_shared>>)
      %lt3A_547 = arith.constant 49 : i32
      %lt3A_548 = arith.cmpi slt, %scan3A_229, %lt3A_547 : i32
      %convert_element_type3A_549 = arith.extui %lt3A_548 : i1 to i32
      %cond3A_550 = arith.constant 0 : i32
      %cond3A_551 = arith.cmpi ne, %convert_element_type3A_549, %cond3A_550 : i32
      scf.if %cond3A_551 {
        %add3A_633 = arith.constant 2 : i32
        %add3A_634 = arith.addi %add3A_475, %add3A_633 : i32
        %add3A_635 = arith.constant 6400 : i32
        %add3A_636 = arith.addi %add3A_635, %mul3A_2 : i32
        %add3A_637 = arith.addi %add3A_636, %add3A_634 : i32
        %dma_start3A_638 = arith.constant 0 : i32
        %dma_start3A_639 = arith.constant 0 : i32
        %dma_start3A_640 = arith.constant 0 : i32
        %dma_start3A_641 = tpu.memref_slice %arg7[%dma_start3A_639, %dma_start3A_640] : memref<4x50xi32, #tpu.memory_space<vmem>> -> memref<1x50xi32, #tpu.memory_space<vmem>>
        %dma_start3A_642 = arith.constant 0 : i32
        %dma_start3A_643 = arith.constant 0 : i32
        %dma_start3A_644 = tpu.memref_slice %arg3[%add3A_637, %dma_start3A_642, %dma_start3A_643] : memref<12800x1x50xi32, #tpu.memory_space<hbm>> -> memref<1x1x50xi32, #tpu.memory_space<hbm>>
        %dma_start3A_645 = tpu.memref_squeeze %dma_start3A_644 : memref<1x1x50xi32, #tpu.memory_space<hbm>> -> memref<1x50xi32, #tpu.memory_space<hbm>>
        %dma_start3A_646 = tpu.memref_slice %arg11[%dma_start3A_638] : memref<4x!tpu.dma_semaphore, #tpu.memory_space<semaphore_mem>> -> memref<1x!tpu.dma_semaphore, #tpu.memory_space<semaphore_mem>>
        %dma_start3A_647 = tpu.memref_squeeze %dma_start3A_646 : memref<1x!tpu.dma_semaphore, #tpu.memory_space<semaphore_mem>> -> memref<!tpu.dma_semaphore, #tpu.memory_space<semaphore_mem>>
        %dma_start3A_648 = arith.constant 0 : i32
        %dma_start3A_649 = arith.constant 0 : i32
        %dma_start3A_650 = tpu.memref_slice %arg7[%dma_start3A_648, %dma_start3A_649] : memref<4x50xi32, #tpu.memory_space<vmem>> -> memref<1x50xi32, #tpu.memory_space<vmem>>
        %dma_start3A_651 = arith.constant 0 : i32
        %dma_start3A_652 = arith.constant 0 : i32
        %dma_start3A_653 = tpu.memref_slice %arg3[%add3A_637, %dma_start3A_651, %dma_start3A_652] : memref<12800x1x50xi32, #tpu.memory_space<hbm>> -> memref<1x1x50xi32, #tpu.memory_space<hbm>>
        %dma_start3A_654 = tpu.memref_squeeze %dma_start3A_653 : memref<1x1x50xi32, #tpu.memory_space<hbm>> -> memref<1x50xi32, #tpu.memory_space<hbm>>
        tpu.enqueue_dma source(%dma_start3A_654 : memref<1x50xi32, #tpu.memory_space<hbm>>) target(%dma_start3A_650 : memref<1x50xi32, #tpu.memory_space<vmem>>) target_semaphore(%dma_start3A_647 : memref<!tpu.dma_semaphore, #tpu.memory_space<semaphore_mem>>)
        %add3A_655 = arith.constant 2 : i32
        %add3A_656 = arith.addi %add3A_475, %add3A_655 : i32
        %add3A_657 = arith.addi %mul3A_2, %add3A_656 : i32
        %dma_wait3A_658 = arith.constant 0 : i32
        %dma_wait3A_659 = arith.constant 0 : i32
        %dma_wait3A_660 = arith.constant 0 : i32
        %dma_wait3A_661 = tpu.memref_slice %arg6[%dma_wait3A_659, %dma_wait3A_660] : memref<4x50xi32, #tpu.memory_space<vmem>> -> memref<1x50xi32, #tpu.memory_space<vmem>>
        %dma_wait3A_662 = arith.constant 0 : i32
        %dma_wait3A_663 = arith.constant 0 : i32
        %dma_wait3A_664 = tpu.memref_slice %arg3[%add3A_657, %dma_wait3A_662, %dma_wait3A_663] : memref<12800x1x50xi32, #tpu.memory_space<hbm>> -> memref<1x1x50xi32, #tpu.memory_space<hbm>>
        %dma_wait3A_665 = tpu.memref_squeeze %dma_wait3A_664 : memref<1x1x50xi32, #tpu.memory_space<hbm>> -> memref<1x50xi32, #tpu.memory_space<hbm>>
        %dma_wait3A_666 = tpu.memref_slice %arg10[%dma_wait3A_658] : memref<4x!tpu.dma_semaphore, #tpu.memory_space<semaphore_mem>> -> memref<1x!tpu.dma_semaphore, #tpu.memory_space<semaphore_mem>>
        %dma_wait3A_667 = tpu.memref_squeeze %dma_wait3A_666 : memref<1x!tpu.dma_semaphore, #tpu.memory_space<semaphore_mem>> -> memref<!tpu.dma_semaphore, #tpu.memory_space<semaphore_mem>>
        %dma_wait3A_668 = arith.constant 0 : i32
        %dma_wait3A_669 = arith.constant 0 : i32
        %dma_wait3A_670 = tpu.memref_slice %arg6[%dma_wait3A_668, %dma_wait3A_669] : memref<4x50xi32, #tpu.memory_space<vmem>> -> memref<1x50xi32, #tpu.memory_space<vmem>>
        %dma_wait3A_671 = arith.constant 0 : i32
        %dma_wait3A_672 = arith.constant 0 : i32
        %dma_wait3A_673 = tpu.memref_slice %arg3[%add3A_657, %dma_wait3A_671, %dma_wait3A_672] : memref<12800x1x50xi32, #tpu.memory_space<hbm>> -> memref<1x1x50xi32, #tpu.memory_space<hbm>>
        %dma_wait3A_674 = tpu.memref_squeeze %dma_wait3A_673 : memref<1x1x50xi32, #tpu.memory_space<hbm>> -> memref<1x50xi32, #tpu.memory_space<hbm>>
        tpu.wait_dma2 semaphore(%dma_wait3A_667 : memref<!tpu.dma_semaphore, #tpu.memory_space<semaphore_mem>>) src(%dma_wait3A_674 : memref<1x50xi32, #tpu.memory_space<hbm>>) dst(%dma_wait3A_670 : memref<1x50xi32, #tpu.memory_space<vmem>>)
        %add3A_675 = arith.constant 2 : i32
        %add3A_676 = arith.addi %add3A_475, %add3A_675 : i32
        %dma_start3A_677 = arith.constant 0 : i32
        %dma_start3A_678 = arith.constant 0 : i32
        %dma_start3A_679 = arith.constant 0 : i32
        %dma_start3A_680 = arith.constant 0 : i32
        %dma_start3A_681 = arith.constant 0 : i32
        %dma_start3A_682 = tpu.memref_slice %arg8[%dma_start3A_678, %dma_start3A_680, %dma_start3A_681] : memref<4x50x128xf32, #tpu.memory_space<vmem>> -> memref<1x50x128xf32, #tpu.memory_space<vmem>>
        %dma_start3A_683 = tpu.memref_squeeze %dma_start3A_682 : memref<1x50x128xf32, #tpu.memory_space<vmem>> -> memref<50x128xf32, #tpu.memory_space<vmem>>
        %dma_start3A_684 = arith.constant 0 : i32
        %dma_start3A_685 = tpu.memref_slice %arg6[%dma_start3A_677, %dma_start3A_684] : memref<4x50xi32, #tpu.memory_space<vmem>> -> memref<1x50xi32, #tpu.memory_space<vmem>>
        %dma_start3A_686 = tpu.memref_squeeze %dma_start3A_685 : memref<1x50xi32, #tpu.memory_space<vmem>> -> memref<50xi32, #tpu.memory_space<vmem>>
        %dma_start3A_687 = arith.constant 0 : i32
        %dma_start3A_688 = arith.constant 0 : i32
        %dma_start3A_689 = tpu.memref_slice %arg2[%dma_start3A_687, %dma_start3A_688] : memref<10000x128xf32, #tpu.memory_space<hbm>> -> memref<10000x128xf32, #tpu.memory_space<hbm>>
        %dma_start3A_690 = tpu.memref_slice %arg12[%dma_start3A_679] : memref<4x!tpu.dma_semaphore, #tpu.memory_space<semaphore_mem>> -> memref<1x!tpu.dma_semaphore, #tpu.memory_space<semaphore_mem>>
        %dma_start3A_691 = tpu.memref_squeeze %dma_start3A_690 : memref<1x!tpu.dma_semaphore, #tpu.memory_space<semaphore_mem>> -> memref<!tpu.dma_semaphore, #tpu.memory_space<semaphore_mem>>
        tpu.enqueue_indirect_dma source(%dma_start3A_689 : memref<10000x128xf32, #tpu.memory_space<hbm>>) target(%dma_start3A_683 : memref<50x128xf32, #tpu.memory_space<vmem>>) offsets(%dma_start3A_686 : memref<50xi32, #tpu.memory_space<vmem>>) semaphore(%dma_start3A_691 : memref<!tpu.dma_semaphore, #tpu.memory_space<semaphore_mem>>)
      } else {
      }
      %mul3A_552 = arith.constant 4 : i32
      %mul3A_553 = arith.muli %mul3A_552, %scan3A_229 : i32
      %add3A_554 = arith.constant 3 : i32
      %add3A_555 = arith.addi %mul3A_553, %add3A_554 : i32
      %dma_wait3A_556 = arith.constant 3 : i32
      %dma_wait3A_557 = arith.constant 3 : i32
      %dma_wait3A_558 = arith.constant 3 : i32
      %dma_wait3A_559 = arith.constant 0 : i32
      %dma_wait3A_560 = arith.constant 0 : i32
      %dma_wait3A_561 = tpu.memref_slice %arg8[%dma_wait3A_557, %dma_wait3A_559, %dma_wait3A_560] : memref<4x50x128xf32, #tpu.memory_space<vmem>> -> memref<1x50x128xf32, #tpu.memory_space<vmem>>
      %dma_wait3A_562 = tpu.memref_squeeze %dma_wait3A_561 : memref<1x50x128xf32, #tpu.memory_space<vmem>> -> memref<50x128xf32, #tpu.memory_space<vmem>>
      %dma_wait3A_563 = arith.constant 0 : i32
      %dma_wait3A_564 = tpu.memref_slice %arg6[%dma_wait3A_556, %dma_wait3A_563] : memref<4x50xi32, #tpu.memory_space<vmem>> -> memref<1x50xi32, #tpu.memory_space<vmem>>
      %dma_wait3A_565 = tpu.memref_squeeze %dma_wait3A_564 : memref<1x50xi32, #tpu.memory_space<vmem>> -> memref<50xi32, #tpu.memory_space<vmem>>
      %dma_wait3A_566 = arith.constant 0 : i32
      %dma_wait3A_567 = arith.constant 0 : i32
      %dma_wait3A_568 = tpu.memref_slice %arg2[%dma_wait3A_566, %dma_wait3A_567] : memref<10000x128xf32, #tpu.memory_space<hbm>> -> memref<10000x128xf32, #tpu.memory_space<hbm>>
      %dma_wait3A_569 = tpu.memref_slice %arg12[%dma_wait3A_558] : memref<4x!tpu.dma_semaphore, #tpu.memory_space<semaphore_mem>> -> memref<1x!tpu.dma_semaphore, #tpu.memory_space<semaphore_mem>>
      %dma_wait3A_570 = tpu.memref_squeeze %dma_wait3A_569 : memref<1x!tpu.dma_semaphore, #tpu.memory_space<semaphore_mem>> -> memref<!tpu.dma_semaphore, #tpu.memory_space<semaphore_mem>>
      tpu.wait_indirect_dma semaphore(%dma_wait3A_570 : memref<!tpu.dma_semaphore, #tpu.memory_space<semaphore_mem>>) src(%dma_wait3A_568 : memref<10000x128xf32, #tpu.memory_space<hbm>>) dst(%dma_wait3A_562 : memref<50x128xf32, #tpu.memory_space<vmem>>)
      %add3A_571 = arith.constant 6400 : i32
      %add3A_572 = arith.addi %add3A_571, %mul3A_2 : i32
      %add3A_573 = arith.addi %add3A_572, %add3A_555 : i32
      %dma_wait3A_574 = arith.constant 3 : i32
      %dma_wait3A_575 = arith.constant 3 : i32
      %dma_wait3A_576 = arith.constant 0 : i32
      %dma_wait3A_577 = tpu.memref_slice %arg7[%dma_wait3A_575, %dma_wait3A_576] : memref<4x50xi32, #tpu.memory_space<vmem>> -> memref<1x50xi32, #tpu.memory_space<vmem>>
      %dma_wait3A_578 = arith.constant 0 : i32
      %dma_wait3A_579 = arith.constant 0 : i32
      %dma_wait3A_580 = tpu.memref_slice %arg3[%add3A_573, %dma_wait3A_578, %dma_wait3A_579] : memref<12800x1x50xi32, #tpu.memory_space<hbm>> -> memref<1x1x50xi32, #tpu.memory_space<hbm>>
      %dma_wait3A_581 = tpu.memref_squeeze %dma_wait3A_580 : memref<1x1x50xi32, #tpu.memory_space<hbm>> -> memref<1x50xi32, #tpu.memory_space<hbm>>
      %dma_wait3A_582 = tpu.memref_slice %arg11[%dma_wait3A_574] : memref<4x!tpu.dma_semaphore, #tpu.memory_space<semaphore_mem>> -> memref<1x!tpu.dma_semaphore, #tpu.memory_space<semaphore_mem>>
      %dma_wait3A_583 = tpu.memref_squeeze %dma_wait3A_582 : memref<1x!tpu.dma_semaphore, #tpu.memory_space<semaphore_mem>> -> memref<!tpu.dma_semaphore, #tpu.memory_space<semaphore_mem>>
      %dma_wait3A_584 = arith.constant 3 : i32
      %dma_wait3A_585 = arith.constant 0 : i32
      %dma_wait3A_586 = tpu.memref_slice %arg7[%dma_wait3A_584, %dma_wait3A_585] : memref<4x50xi32, #tpu.memory_space<vmem>> -> memref<1x50xi32, #tpu.memory_space<vmem>>
      %dma_wait3A_587 = arith.constant 0 : i32
      %dma_wait3A_588 = arith.constant 0 : i32
      %dma_wait3A_589 = tpu.memref_slice %arg3[%add3A_573, %dma_wait3A_587, %dma_wait3A_588] : memref<12800x1x50xi32, #tpu.memory_space<hbm>> -> memref<1x1x50xi32, #tpu.memory_space<hbm>>
      %dma_wait3A_590 = tpu.memref_squeeze %dma_wait3A_589 : memref<1x1x50xi32, #tpu.memory_space<hbm>> -> memref<1x50xi32, #tpu.memory_space<hbm>>
      tpu.wait_dma2 semaphore(%dma_wait3A_583 : memref<!tpu.dma_semaphore, #tpu.memory_space<semaphore_mem>>) src(%dma_wait3A_590 : memref<1x50xi32, #tpu.memory_space<hbm>>) dst(%dma_wait3A_586 : memref<1x50xi32, #tpu.memory_space<vmem>>)
      %dma_start3A_591 = arith.constant 3 : i32
      %dma_start3A_592 = arith.constant 3 : i32
      %dma_start3A_593 = arith.constant 3 : i32
      %dma_start3A_594 = arith.constant 0 : i32
      %dma_start3A_595 = arith.constant 0 : i32
      %dma_start3A_596 = tpu.memref_slice %arg8[%dma_start3A_591, %dma_start3A_594, %dma_start3A_595] : memref<4x50x128xf32, #tpu.memory_space<vmem>> -> memref<1x50x128xf32, #tpu.memory_space<vmem>>
      %dma_start3A_597 = tpu.memref_squeeze %dma_start3A_596 : memref<1x50x128xf32, #tpu.memory_space<vmem>> -> memref<50x128xf32, #tpu.memory_space<vmem>>
      %dma_start3A_598 = arith.constant 0 : i32
      %dma_start3A_599 = tpu.memref_slice %arg7[%dma_start3A_592, %dma_start3A_598] : memref<4x50xi32, #tpu.memory_space<vmem>> -> memref<1x50xi32, #tpu.memory_space<vmem>>
      %dma_start3A_600 = tpu.memref_squeeze %dma_start3A_599 : memref<1x50xi32, #tpu.memory_space<vmem>> -> memref<50xi32, #tpu.memory_space<vmem>>
      %dma_start3A_601 = arith.constant 0 : i32
      %dma_start3A_602 = arith.constant 0 : i32
      %dma_start3A_603 = tpu.memref_slice %arg9[%dma_start3A_601, %dma_start3A_602] : memref<10240x128xf32, #tpu.memory_space<vmem_shared>> -> memref<10240x128xf32, #tpu.memory_space<vmem_shared>>
      %dma_start3A_604 = tpu.memref_slice %arg13[%dma_start3A_593] : memref<4x!tpu.dma_semaphore, #tpu.memory_space<semaphore_mem>> -> memref<1x!tpu.dma_semaphore, #tpu.memory_space<semaphore_mem>>
      %dma_start3A_605 = tpu.memref_squeeze %dma_start3A_604 : memref<1x!tpu.dma_semaphore, #tpu.memory_space<semaphore_mem>> -> memref<!tpu.dma_semaphore, #tpu.memory_space<semaphore_mem>>
      tpu.enqueue_indirect_dma source(%dma_start3A_597 : memref<50x128xf32, #tpu.memory_space<vmem>>) target(%dma_start3A_603 : memref<10240x128xf32, #tpu.memory_space<vmem_shared>>) offsets(%dma_start3A_600 : memref<50xi32, #tpu.memory_space<vmem>>) semaphore(%dma_start3A_605 : memref<!tpu.dma_semaphore, #tpu.memory_space<semaphore_mem>>) {add = true}
      %lt3A_606 = arith.constant 49 : i32
      %lt3A_607 = arith.cmpi slt, %scan3A_229, %lt3A_606 : i32
      %convert_element_type3A_608 = arith.extui %lt3A_607 : i1 to i32
      %cond3A_609 = arith.constant 0 : i32
      %cond3A_610 = arith.cmpi ne, %convert_element_type3A_608, %cond3A_609 : i32
      scf.if %cond3A_610 {
        %add3A_633 = arith.constant 4 : i32
        %add3A_634 = arith.addi %add3A_555, %add3A_633 : i32
        %add3A_635 = arith.addi %mul3A_2, %add3A_634 : i32
        %dma_start3A_636 = arith.constant 3 : i32
        %dma_start3A_637 = arith.constant 3 : i32
        %dma_start3A_638 = arith.constant 0 : i32
        %dma_start3A_639 = tpu.memref_slice %arg6[%dma_start3A_637, %dma_start3A_638] : memref<4x50xi32, #tpu.memory_space<vmem>> -> memref<1x50xi32, #tpu.memory_space<vmem>>
        %dma_start3A_640 = arith.constant 0 : i32
        %dma_start3A_641 = arith.constant 0 : i32
        %dma_start3A_642 = tpu.memref_slice %arg3[%add3A_635, %dma_start3A_640, %dma_start3A_641] : memref<12800x1x50xi32, #tpu.memory_space<hbm>> -> memref<1x1x50xi32, #tpu.memory_space<hbm>>
        %dma_start3A_643 = tpu.memref_squeeze %dma_start3A_642 : memref<1x1x50xi32, #tpu.memory_space<hbm>> -> memref<1x50xi32, #tpu.memory_space<hbm>>
        %dma_start3A_644 = tpu.memref_slice %arg10[%dma_start3A_636] : memref<4x!tpu.dma_semaphore, #tpu.memory_space<semaphore_mem>> -> memref<1x!tpu.dma_semaphore, #tpu.memory_space<semaphore_mem>>
        %dma_start3A_645 = tpu.memref_squeeze %dma_start3A_644 : memref<1x!tpu.dma_semaphore, #tpu.memory_space<semaphore_mem>> -> memref<!tpu.dma_semaphore, #tpu.memory_space<semaphore_mem>>
        %dma_start3A_646 = arith.constant 3 : i32
        %dma_start3A_647 = arith.constant 0 : i32
        %dma_start3A_648 = tpu.memref_slice %arg6[%dma_start3A_646, %dma_start3A_647] : memref<4x50xi32, #tpu.memory_space<vmem>> -> memref<1x50xi32, #tpu.memory_space<vmem>>
        %dma_start3A_649 = arith.constant 0 : i32
        %dma_start3A_650 = arith.constant 0 : i32
        %dma_start3A_651 = tpu.memref_slice %arg3[%add3A_635, %dma_start3A_649, %dma_start3A_650] : memref<12800x1x50xi32, #tpu.memory_space<hbm>> -> memref<1x1x50xi32, #tpu.memory_space<hbm>>
        %dma_start3A_652 = tpu.memref_squeeze %dma_start3A_651 : memref<1x1x50xi32, #tpu.memory_space<hbm>> -> memref<1x50xi32, #tpu.memory_space<hbm>>
        tpu.enqueue_dma source(%dma_start3A_652 : memref<1x50xi32, #tpu.memory_space<hbm>>) target(%dma_start3A_648 : memref<1x50xi32, #tpu.memory_space<vmem>>) target_semaphore(%dma_start3A_645 : memref<!tpu.dma_semaphore, #tpu.memory_space<semaphore_mem>>)
      } else {
      }
      %sub3A_611 = arith.constant 2 : i32
      %sub3A_612 = arith.subi %add3A_555, %sub3A_611 : i32
      %dma_wait3A_613 = arith.constant 1 : i32
      %dma_wait3A_614 = arith.constant 1 : i32
      %dma_wait3A_615 = arith.constant 1 : i32
      %dma_wait3A_616 = arith.constant 0 : i32
      %dma_wait3A_617 = arith.constant 0 : i32
      %dma_wait3A_618 = tpu.memref_slice %arg8[%dma_wait3A_613, %dma_wait3A_616, %dma_wait3A_617] : memref<4x50x128xf32, #tpu.memory_space<vmem>> -> memref<1x50x128xf32, #tpu.memory_space<vmem>>
      %dma_wait3A_619 = tpu.memref_squeeze %dma_wait3A_618 : memref<1x50x128xf32, #tpu.memory_space<vmem>> -> memref<50x128xf32, #tpu.memory_space<vmem>>
      %dma_wait3A_620 = arith.constant 0 : i32
      %dma_wait3A_621 = tpu.memref_slice %arg7[%dma_wait3A_614, %dma_wait3A_620] : memref<4x50xi32, #tpu.memory_space<vmem>> -> memref<1x50xi32, #tpu.memory_space<vmem>>
      %dma_wait3A_622 = tpu.memref_squeeze %dma_wait3A_621 : memref<1x50xi32, #tpu.memory_space<vmem>> -> memref<50xi32, #tpu.memory_space<vmem>>
      %dma_wait3A_623 = arith.constant 0 : i32
      %dma_wait3A_624 = arith.constant 0 : i32
      %dma_wait3A_625 = tpu.memref_slice %arg9[%dma_wait3A_623, %dma_wait3A_624] : memref<10240x128xf32, #tpu.memory_space<vmem_shared>> -> memref<10240x128xf32, #tpu.memory_space<vmem_shared>>
      %dma_wait3A_626 = tpu.memref_slice %arg13[%dma_wait3A_615] : memref<4x!tpu.dma_semaphore, #tpu.memory_space<semaphore_mem>> -> memref<1x!tpu.dma_semaphore, #tpu.memory_space<semaphore_mem>>
      %dma_wait3A_627 = tpu.memref_squeeze %dma_wait3A_626 : memref<1x!tpu.dma_semaphore, #tpu.memory_space<semaphore_mem>> -> memref<!tpu.dma_semaphore, #tpu.memory_space<semaphore_mem>>
      tpu.wait_indirect_dma semaphore(%dma_wait3A_627 : memref<!tpu.dma_semaphore, #tpu.memory_space<semaphore_mem>>) src(%dma_wait3A_619 : memref<50x128xf32, #tpu.memory_space<vmem>>) dst(%dma_wait3A_625 : memref<10240x128xf32, #tpu.memory_space<vmem_shared>>)
      %lt3A_628 = arith.constant 49 : i32
      %lt3A_629 = arith.cmpi slt, %scan3A_229, %lt3A_628 : i32
      %convert_element_type3A_630 = arith.extui %lt3A_629 : i1 to i32
      %cond3A_631 = arith.constant 0 : i32
      %cond3A_632 = arith.cmpi ne, %convert_element_type3A_630, %cond3A_631 : i32
      scf.if %cond3A_632 {
        %add3A_633 = arith.constant 2 : i32
        %add3A_634 = arith.addi %add3A_555, %add3A_633 : i32
        %add3A_635 = arith.constant 6400 : i32
        %add3A_636 = arith.addi %add3A_635, %mul3A_2 : i32
        %add3A_637 = arith.addi %add3A_636, %add3A_634 : i32
        %dma_start3A_638 = arith.constant 1 : i32
        %dma_start3A_639 = arith.constant 1 : i32
        %dma_start3A_640 = arith.constant 0 : i32
        %dma_start3A_641 = tpu.memref_slice %arg7[%dma_start3A_639, %dma_start3A_640] : memref<4x50xi32, #tpu.memory_space<vmem>> -> memref<1x50xi32, #tpu.memory_space<vmem>>
        %dma_start3A_642 = arith.constant 0 : i32
        %dma_start3A_643 = arith.constant 0 : i32
        %dma_start3A_644 = tpu.memref_slice %arg3[%add3A_637, %dma_start3A_642, %dma_start3A_643] : memref<12800x1x50xi32, #tpu.memory_space<hbm>> -> memref<1x1x50xi32, #tpu.memory_space<hbm>>
        %dma_start3A_645 = tpu.memref_squeeze %dma_start3A_644 : memref<1x1x50xi32, #tpu.memory_space<hbm>> -> memref<1x50xi32, #tpu.memory_space<hbm>>
        %dma_start3A_646 = tpu.memref_slice %arg11[%dma_start3A_638] : memref<4x!tpu.dma_semaphore, #tpu.memory_space<semaphore_mem>> -> memref<1x!tpu.dma_semaphore, #tpu.memory_space<semaphore_mem>>
        %dma_start3A_647 = tpu.memref_squeeze %dma_start3A_646 : memref<1x!tpu.dma_semaphore, #tpu.memory_space<semaphore_mem>> -> memref<!tpu.dma_semaphore, #tpu.memory_space<semaphore_mem>>
        %dma_start3A_648 = arith.constant 1 : i32
        %dma_start3A_649 = arith.constant 0 : i32
        %dma_start3A_650 = tpu.memref_slice %arg7[%dma_start3A_648, %dma_start3A_649] : memref<4x50xi32, #tpu.memory_space<vmem>> -> memref<1x50xi32, #tpu.memory_space<vmem>>
        %dma_start3A_651 = arith.constant 0 : i32
        %dma_start3A_652 = arith.constant 0 : i32
        %dma_start3A_653 = tpu.memref_slice %arg3[%add3A_637, %dma_start3A_651, %dma_start3A_652] : memref<12800x1x50xi32, #tpu.memory_space<hbm>> -> memref<1x1x50xi32, #tpu.memory_space<hbm>>
        %dma_start3A_654 = tpu.memref_squeeze %dma_start3A_653 : memref<1x1x50xi32, #tpu.memory_space<hbm>> -> memref<1x50xi32, #tpu.memory_space<hbm>>
        tpu.enqueue_dma source(%dma_start3A_654 : memref<1x50xi32, #tpu.memory_space<hbm>>) target(%dma_start3A_650 : memref<1x50xi32, #tpu.memory_space<vmem>>) target_semaphore(%dma_start3A_647 : memref<!tpu.dma_semaphore, #tpu.memory_space<semaphore_mem>>)
        %add3A_655 = arith.constant 2 : i32
        %add3A_656 = arith.addi %add3A_555, %add3A_655 : i32
        %add3A_657 = arith.addi %mul3A_2, %add3A_656 : i32
        %dma_wait3A_658 = arith.constant 1 : i32
        %dma_wait3A_659 = arith.constant 1 : i32
        %dma_wait3A_660 = arith.constant 0 : i32
        %dma_wait3A_661 = tpu.memref_slice %arg6[%dma_wait3A_659, %dma_wait3A_660] : memref<4x50xi32, #tpu.memory_space<vmem>> -> memref<1x50xi32, #tpu.memory_space<vmem>>
        %dma_wait3A_662 = arith.constant 0 : i32
        %dma_wait3A_663 = arith.constant 0 : i32
        %dma_wait3A_664 = tpu.memref_slice %arg3[%add3A_657, %dma_wait3A_662, %dma_wait3A_663] : memref<12800x1x50xi32, #tpu.memory_space<hbm>> -> memref<1x1x50xi32, #tpu.memory_space<hbm>>
        %dma_wait3A_665 = tpu.memref_squeeze %dma_wait3A_664 : memref<1x1x50xi32, #tpu.memory_space<hbm>> -> memref<1x50xi32, #tpu.memory_space<hbm>>
        %dma_wait3A_666 = tpu.memref_slice %arg10[%dma_wait3A_658] : memref<4x!tpu.dma_semaphore, #tpu.memory_space<semaphore_mem>> -> memref<1x!tpu.dma_semaphore, #tpu.memory_space<semaphore_mem>>
        %dma_wait3A_667 = tpu.memref_squeeze %dma_wait3A_666 : memref<1x!tpu.dma_semaphore, #tpu.memory_space<semaphore_mem>> -> memref<!tpu.dma_semaphore, #tpu.memory_space<semaphore_mem>>
        %dma_wait3A_668 = arith.constant 1 : i32
        %dma_wait3A_669 = arith.constant 0 : i32
        %dma_wait3A_670 = tpu.memref_slice %arg6[%dma_wait3A_668, %dma_wait3A_669] : memref<4x50xi32, #tpu.memory_space<vmem>> -> memref<1x50xi32, #tpu.memory_space<vmem>>
        %dma_wait3A_671 = arith.constant 0 : i32
        %dma_wait3A_672 = arith.constant 0 : i32
        %dma_wait3A_673 = tpu.memref_slice %arg3[%add3A_657, %dma_wait3A_671, %dma_wait3A_672] : memref<12800x1x50xi32, #tpu.memory_space<hbm>> -> memref<1x1x50xi32, #tpu.memory_space<hbm>>
        %dma_wait3A_674 = tpu.memref_squeeze %dma_wait3A_673 : memref<1x1x50xi32, #tpu.memory_space<hbm>> -> memref<1x50xi32, #tpu.memory_space<hbm>>
        tpu.wait_dma2 semaphore(%dma_wait3A_667 : memref<!tpu.dma_semaphore, #tpu.memory_space<semaphore_mem>>) src(%dma_wait3A_674 : memref<1x50xi32, #tpu.memory_space<hbm>>) dst(%dma_wait3A_670 : memref<1x50xi32, #tpu.memory_space<vmem>>)
        %add3A_675 = arith.constant 2 : i32
        %add3A_676 = arith.addi %add3A_555, %add3A_675 : i32
        %dma_start3A_677 = arith.constant 1 : i32
        %dma_start3A_678 = arith.constant 1 : i32
        %dma_start3A_679 = arith.constant 1 : i32
        %dma_start3A_680 = arith.constant 0 : i32
        %dma_start3A_681 = arith.constant 0 : i32
        %dma_start3A_682 = tpu.memref_slice %arg8[%dma_start3A_678, %dma_start3A_680, %dma_start3A_681] : memref<4x50x128xf32, #tpu.memory_space<vmem>> -> memref<1x50x128xf32, #tpu.memory_space<vmem>>
        %dma_start3A_683 = tpu.memref_squeeze %dma_start3A_682 : memref<1x50x128xf32, #tpu.memory_space<vmem>> -> memref<50x128xf32, #tpu.memory_space<vmem>>
        %dma_start3A_684 = arith.constant 0 : i32
        %dma_start3A_685 = tpu.memref_slice %arg6[%dma_start3A_677, %dma_start3A_684] : memref<4x50xi32, #tpu.memory_space<vmem>> -> memref<1x50xi32, #tpu.memory_space<vmem>>
        %dma_start3A_686 = tpu.memref_squeeze %dma_start3A_685 : memref<1x50xi32, #tpu.memory_space<vmem>> -> memref<50xi32, #tpu.memory_space<vmem>>
        %dma_start3A_687 = arith.constant 0 : i32
        %dma_start3A_688 = arith.constant 0 : i32
        %dma_start3A_689 = tpu.memref_slice %arg2[%dma_start3A_687, %dma_start3A_688] : memref<10000x128xf32, #tpu.memory_space<hbm>> -> memref<10000x128xf32, #tpu.memory_space<hbm>>
        %dma_start3A_690 = tpu.memref_slice %arg12[%dma_start3A_679] : memref<4x!tpu.dma_semaphore, #tpu.memory_space<semaphore_mem>> -> memref<1x!tpu.dma_semaphore, #tpu.memory_space<semaphore_mem>>
        %dma_start3A_691 = tpu.memref_squeeze %dma_start3A_690 : memref<1x!tpu.dma_semaphore, #tpu.memory_space<semaphore_mem>> -> memref<!tpu.dma_semaphore, #tpu.memory_space<semaphore_mem>>
        tpu.enqueue_indirect_dma source(%dma_start3A_689 : memref<10000x128xf32, #tpu.memory_space<hbm>>) target(%dma_start3A_683 : memref<50x128xf32, #tpu.memory_space<vmem>>) offsets(%dma_start3A_686 : memref<50xi32, #tpu.memory_space<vmem>>) semaphore(%dma_start3A_691 : memref<!tpu.dma_semaphore, #tpu.memory_space<semaphore_mem>>)
      } else {
      }
    }
    %scan3A_193 = arith.constant 50 : i32
    %dma_wait3A_194 = arith.constant 2 : i32
    %dma_wait3A_195 = arith.constant 2 : i32
    %dma_wait3A_196 = arith.constant 2 : i32
    %dma_wait3A_197 = arith.constant 0 : i32
    %dma_wait3A_198 = arith.constant 0 : i32
    %dma_wait3A_199 = tpu.memref_slice %arg8[%dma_wait3A_194, %dma_wait3A_197, %dma_wait3A_198] : memref<4x50x128xf32, #tpu.memory_space<vmem>> -> memref<1x50x128xf32, #tpu.memory_space<vmem>>
    %dma_wait3A_200 = tpu.memref_squeeze %dma_wait3A_199 : memref<1x50x128xf32, #tpu.memory_space<vmem>> -> memref<50x128xf32, #tpu.memory_space<vmem>>
    %dma_wait3A_201 = arith.constant 0 : i32
    %dma_wait3A_202 = tpu.memref_slice %arg7[%dma_wait3A_195, %dma_wait3A_201] : memref<4x50xi32, #tpu.memory_space<vmem>> -> memref<1x50xi32, #tpu.memory_space<vmem>>
    %dma_wait3A_203 = tpu.memref_squeeze %dma_wait3A_202 : memref<1x50xi32, #tpu.memory_space<vmem>> -> memref<50xi32, #tpu.memory_space<vmem>>
    %dma_wait3A_204 = arith.constant 0 : i32
    %dma_wait3A_205 = arith.constant 0 : i32
    %dma_wait3A_206 = tpu.memref_slice %arg9[%dma_wait3A_204, %dma_wait3A_205] : memref<10240x128xf32, #tpu.memory_space<vmem_shared>> -> memref<10240x128xf32, #tpu.memory_space<vmem_shared>>
    %dma_wait3A_207 = tpu.memref_slice %arg13[%dma_wait3A_196] : memref<4x!tpu.dma_semaphore, #tpu.memory_space<semaphore_mem>> -> memref<1x!tpu.dma_semaphore, #tpu.memory_space<semaphore_mem>>
    %dma_wait3A_208 = tpu.memref_squeeze %dma_wait3A_207 : memref<1x!tpu.dma_semaphore, #tpu.memory_space<semaphore_mem>> -> memref<!tpu.dma_semaphore, #tpu.memory_space<semaphore_mem>>
    tpu.wait_indirect_dma semaphore(%dma_wait3A_208 : memref<!tpu.dma_semaphore, #tpu.memory_space<semaphore_mem>>) src(%dma_wait3A_200 : memref<50x128xf32, #tpu.memory_space<vmem>>) dst(%dma_wait3A_206 : memref<10240x128xf32, #tpu.memory_space<vmem_shared>>)
    %dma_wait3A_209 = arith.constant 3 : i32
    %dma_wait3A_210 = arith.constant 3 : i32
    %dma_wait3A_211 = arith.constant 3 : i32
    %dma_wait3A_212 = arith.constant 0 : i32
    %dma_wait3A_213 = arith.constant 0 : i32
    %dma_wait3A_214 = tpu.memref_slice %arg8[%dma_wait3A_209, %dma_wait3A_212, %dma_wait3A_213] : memref<4x50x128xf32, #tpu.memory_space<vmem>> -> memref<1x50x128xf32, #tpu.memory_space<vmem>>
    %dma_wait3A_215 = tpu.memref_squeeze %dma_wait3A_214 : memref<1x50x128xf32, #tpu.memory_space<vmem>> -> memref<50x128xf32, #tpu.memory_space<vmem>>
    %dma_wait3A_216 = arith.constant 0 : i32
    %dma_wait3A_217 = tpu.memref_slice %arg7[%dma_wait3A_210, %dma_wait3A_216] : memref<4x50xi32, #tpu.memory_space<vmem>> -> memref<1x50xi32, #tpu.memory_space<vmem>>
    %dma_wait3A_218 = tpu.memref_squeeze %dma_wait3A_217 : memref<1x50xi32, #tpu.memory_space<vmem>> -> memref<50xi32, #tpu.memory_space<vmem>>
    %dma_wait3A_219 = arith.constant 0 : i32
    %dma_wait3A_220 = arith.constant 0 : i32
    %dma_wait3A_221 = tpu.memref_slice %arg9[%dma_wait3A_219, %dma_wait3A_220] : memref<10240x128xf32, #tpu.memory_space<vmem_shared>> -> memref<10240x128xf32, #tpu.memory_space<vmem_shared>>
    %dma_wait3A_222 = tpu.memref_slice %arg13[%dma_wait3A_211] : memref<4x!tpu.dma_semaphore, #tpu.memory_space<semaphore_mem>> -> memref<1x!tpu.dma_semaphore, #tpu.memory_space<semaphore_mem>>
    %dma_wait3A_223 = tpu.memref_squeeze %dma_wait3A_222 : memref<1x!tpu.dma_semaphore, #tpu.memory_space<semaphore_mem>> -> memref<!tpu.dma_semaphore, #tpu.memory_space<semaphore_mem>>
    tpu.wait_indirect_dma semaphore(%dma_wait3A_223 : memref<!tpu.dma_semaphore, #tpu.memory_space<semaphore_mem>>) src(%dma_wait3A_215 : memref<50x128xf32, #tpu.memory_space<vmem>>) dst(%dma_wait3A_221 : memref<10240x128xf32, #tpu.memory_space<vmem_shared>>)
    %barrier3A_224 = arith.constant 0 : index
    tpu.barrier barrier_id(%barrier3A_224)
    %mul3A_225 = arith.constant 640 : i32
    %mul3A_226 = arith.muli %arg1, %mul3A_225 : i32
    %mul3A_227 = arith.constant 640 : i32
    %mul3A_228 = arith.muli %arg1, %mul3A_227 : i32
    "tpu.region"() ({
      %run_scoped3A = tpu.sem_alloc : memref<!tpu.dma_semaphore, #tpu.memory_space<semaphore_mem>>
      %dma_start3A_229 = arith.constant 0 : i32
      %dma_start3A_230 = arith.constant 0 : i32
      %dma_start3A_231 = tpu.memref_slice %arg5[%arg0, %dma_start3A_229, %dma_start3A_230] : memref<2x10240x128xf32, #tpu.memory_space<hbm>> -> memref<1x10240x128xf32, #tpu.memory_space<hbm>>
      %dma_start3A_232 = tpu.memref_squeeze %dma_start3A_231 : memref<1x10240x128xf32, #tpu.memory_space<hbm>> -> memref<10240x128xf32, #tpu.memory_space<hbm>>
      %dma_start3A_233 = arith.constant 0 : i32
      %dma_start3A_234 = tpu.memref_slice %dma_start3A_232[%mul3A_228, %dma_start3A_233] : memref<10240x128xf32, #tpu.memory_space<hbm>> -> memref<640x128xf32, #tpu.memory_space<hbm>>
      %dma_start3A_235 = arith.constant 0 : i32
      %dma_start3A_236 = tpu.memref_slice %arg9[%mul3A_226, %dma_start3A_235] : memref<10240x128xf32, #tpu.memory_space<vmem_shared>> -> memref<640x128xf32, #tpu.memory_space<vmem_shared>>
      tpu.enqueue_dma source(%dma_start3A_236 : memref<640x128xf32, #tpu.memory_space<vmem_shared>>) target(%dma_start3A_234 : memref<640x128xf32, #tpu.memory_space<hbm>>) target_semaphore(%run_scoped3A : memref<!tpu.dma_semaphore, #tpu.memory_space<semaphore_mem>>)
      %dma_wait3A_237 = arith.constant 0 : i32
      %dma_wait3A_238 = arith.constant 0 : i32
      %dma_wait3A_239 = tpu.memref_slice %arg5[%arg0, %dma_wait3A_237, %dma_wait3A_238] : memref<2x10240x128xf32, #tpu.memory_space<hbm>> -> memref<1x10240x128xf32, #tpu.memory_space<hbm>>
      %dma_wait3A_240 = tpu.memref_squeeze %dma_wait3A_239 : memref<1x10240x128xf32, #tpu.memory_space<hbm>> -> memref<10240x128xf32, #tpu.memory_space<hbm>>
      %dma_wait3A_241 = arith.constant 0 : i32
      %dma_wait3A_242 = tpu.memref_slice %dma_wait3A_240[%mul3A_228, %dma_wait3A_241] : memref<10240x128xf32, #tpu.memory_space<hbm>> -> memref<640x128xf32, #tpu.memory_space<hbm>>
      %dma_wait3A_243 = arith.constant 0 : i32
      %dma_wait3A_244 = tpu.memref_slice %arg9[%mul3A_226, %dma_wait3A_243] : memref<10240x128xf32, #tpu.memory_space<vmem_shared>> -> memref<640x128xf32, #tpu.memory_space<vmem_shared>>
      tpu.wait_dma2 semaphore(%run_scoped3A : memref<!tpu.dma_semaphore, #tpu.memory_space<semaphore_mem>>) src(%dma_wait3A_244 : memref<640x128xf32, #tpu.memory_space<vmem_shared>>) dst(%dma_wait3A_242 : memref<640x128xf32, #tpu.memory_space<hbm>>)
      tpu.yield
    }) : () -> ()
    return
  }
}

#map = affine_map<(d0, d1) -> (0, 0)>
#map1 = affine_map<(d0, d1) -> (0, 0, 0)>
module attributes {stable_mosaic.version = 14 : i64} {
  func.func @_sc_agg_body(%arg0: i32, %arg1: i32, %arg2: memref<10000x128xf32, #tpu.memory_space<hbm>>, %arg3: memref<12800x1x50xi32, #tpu.memory_space<hbm>>, %arg4: memref<640x128xf32, #tpu.memory_space<hbm>>, %arg5: memref<2x10240x128xf32, #tpu.memory_space<hbm>>, %arg6: memref<4x50xi32, #tpu.memory_space<vmem>>, %arg7: memref<4x50xi32, #tpu.memory_space<vmem>>, %arg8: memref<4x50x128xf32, #tpu.memory_space<vmem>>, %arg9: memref<10240x128xf32, #tpu.memory_space<vmem_shared>>, %arg10: memref<4x!tpu.dma_semaphore, #tpu.memory_space<semaphore_mem>>, %arg11: memref<4x!tpu.dma_semaphore, #tpu.memory_space<semaphore_mem>>, %arg12: memref<4x!tpu.dma_semaphore, #tpu.memory_space<semaphore_mem>>, %arg13: memref<4x!tpu.dma_semaphore, #tpu.memory_space<semaphore_mem>>) attributes {dimension_semantics = [#tpu.dimension_semantics<core_parallel>, #tpu.dimension_semantics<subcore_parallel>], iteration_bounds = array<i64: 2, 16>, scalar_prefetch = 0 : i64, scratch_operands = 8 : i64, tpu.core_type = #tpu.core_type<sc_vector_subcore>, window_params = [{transform_indices = #map}, {transform_indices = #map1}, {transform_indices = #map}, {transform_indices = #map1}]} {
    %mul3A = arith.constant 16 : i32
    %mul3A_0 = arith.muli %arg0, %mul3A : i32
    %add3A = arith.addi %mul3A_0, %arg1 : i32
    %mul3A_1 = arith.constant 200 : i32
    %mul3A_2 = arith.muli %add3A, %mul3A_1 : i32
    %add3A_3 = arith.constant 0 : i32
    %add3A_4 = arith.addi %mul3A_2, %add3A_3 : i32
    %dma_start3A = arith.constant 0 : i32
    %dma_start3A_5 = arith.constant 0 : i32
    %dma_start3A_6 = arith.constant 0 : i32
    %dma_start3A_7 = tpu.memref_slice %arg6[%dma_start3A_5, %dma_start3A_6] : memref<4x50xi32, #tpu.memory_space<vmem>> -> memref<1x50xi32, #tpu.memory_space<vmem>>
    %dma_start3A_8 = arith.constant 0 : i32
    %dma_start3A_9 = arith.constant 0 : i32
    %dma_start3A_10 = tpu.memref_slice %arg3[%add3A_4, %dma_start3A_8, %dma_start3A_9] : memref<12800x1x50xi32, #tpu.memory_space<hbm>> -> memref<1x1x50xi32, #tpu.memory_space<hbm>>
    %dma_start3A_11 = tpu.memref_squeeze %dma_start3A_10 : memref<1x1x50xi32, #tpu.memory_space<hbm>> -> memref<1x50xi32, #tpu.memory_space<hbm>>
    %dma_start3A_12 = tpu.memref_slice %arg10[%dma_start3A] : memref<4x!tpu.dma_semaphore, #tpu.memory_space<semaphore_mem>> -> memref<1x!tpu.dma_semaphore, #tpu.memory_space<semaphore_mem>>
    %dma_start3A_13 = tpu.memref_squeeze %dma_start3A_12 : memref<1x!tpu.dma_semaphore, #tpu.memory_space<semaphore_mem>> -> memref<!tpu.dma_semaphore, #tpu.memory_space<semaphore_mem>>
    %dma_start3A_14 = arith.constant 0 : i32
    %dma_start3A_15 = arith.constant 0 : i32
    %dma_start3A_16 = tpu.memref_slice %arg6[%dma_start3A_14, %dma_start3A_15] : memref<4x50xi32, #tpu.memory_space<vmem>> -> memref<1x50xi32, #tpu.memory_space<vmem>>
    %dma_start3A_17 = arith.constant 0 : i32
    %dma_start3A_18 = arith.constant 0 : i32
    %dma_start3A_19 = tpu.memref_slice %arg3[%add3A_4, %dma_start3A_17, %dma_start3A_18] : memref<12800x1x50xi32, #tpu.memory_space<hbm>> -> memref<1x1x50xi32, #tpu.memory_space<hbm>>
    %dma_start3A_20 = tpu.memref_squeeze %dma_start3A_19 : memref<1x1x50xi32, #tpu.memory_space<hbm>> -> memref<1x50xi32, #tpu.memory_space<hbm>>
    tpu.enqueue_dma source(%dma_start3A_20 : memref<1x50xi32, #tpu.memory_space<hbm>>) target(%dma_start3A_16 : memref<1x50xi32, #tpu.memory_space<vmem>>) target_semaphore(%dma_start3A_13 : memref<!tpu.dma_semaphore, #tpu.memory_space<semaphore_mem>>)
    %add3A_21 = arith.constant 1 : i32
    %add3A_22 = arith.addi %mul3A_2, %add3A_21 : i32
    %dma_start3A_23 = arith.constant 1 : i32
    %dma_start3A_24 = arith.constant 1 : i32
    %dma_start3A_25 = arith.constant 0 : i32
    %dma_start3A_26 = tpu.memref_slice %arg6[%dma_start3A_24, %dma_start3A_25] : memref<4x50xi32, #tpu.memory_space<vmem>> -> memref<1x50xi32, #tpu.memory_space<vmem>>
    %dma_start3A_27 = arith.constant 0 : i32
    %dma_start3A_28 = arith.constant 0 : i32
    %dma_start3A_29 = tpu.memref_slice %arg3[%add3A_22, %dma_start3A_27, %dma_start3A_28] : memref<12800x1x50xi32, #tpu.memory_space<hbm>> -> memref<1x1x50xi32, #tpu.memory_space<hbm>>
    %dma_start3A_30 = tpu.memref_squeeze %dma_start3A_29 : memref<1x1x50xi32, #tpu.memory_space<hbm>> -> memref<1x50xi32, #tpu.memory_space<hbm>>
    %dma_start3A_31 = tpu.memref_slice %arg10[%dma_start3A_23] : memref<4x!tpu.dma_semaphore, #tpu.memory_space<semaphore_mem>> -> memref<1x!tpu.dma_semaphore, #tpu.memory_space<semaphore_mem>>
    %dma_start3A_32 = tpu.memref_squeeze %dma_start3A_31 : memref<1x!tpu.dma_semaphore, #tpu.memory_space<semaphore_mem>> -> memref<!tpu.dma_semaphore, #tpu.memory_space<semaphore_mem>>
    %dma_start3A_33 = arith.constant 1 : i32
    %dma_start3A_34 = arith.constant 0 : i32
    %dma_start3A_35 = tpu.memref_slice %arg6[%dma_start3A_33, %dma_start3A_34] : memref<4x50xi32, #tpu.memory_space<vmem>> -> memref<1x50xi32, #tpu.memory_space<vmem>>
    %dma_start3A_36 = arith.constant 0 : i32
    %dma_start3A_37 = arith.constant 0 : i32
    %dma_start3A_38 = tpu.memref_slice %arg3[%add3A_22, %dma_start3A_36, %dma_start3A_37] : memref<12800x1x50xi32, #tpu.memory_space<hbm>> -> memref<1x1x50xi32, #tpu.memory_space<hbm>>
    %dma_start3A_39 = tpu.memref_squeeze %dma_start3A_38 : memref<1x1x50xi32, #tpu.memory_space<hbm>> -> memref<1x50xi32, #tpu.memory_space<hbm>>
    tpu.enqueue_dma source(%dma_start3A_39 : memref<1x50xi32, #tpu.memory_space<hbm>>) target(%dma_start3A_35 : memref<1x50xi32, #tpu.memory_space<vmem>>) target_semaphore(%dma_start3A_32 : memref<!tpu.dma_semaphore, #tpu.memory_space<semaphore_mem>>)
    %add3A_40 = arith.constant 2 : i32
    %add3A_41 = arith.addi %mul3A_2, %add3A_40 : i32
    %dma_start3A_42 = arith.constant 2 : i32
    %dma_start3A_43 = arith.constant 2 : i32
    %dma_start3A_44 = arith.constant 0 : i32
    %dma_start3A_45 = tpu.memref_slice %arg6[%dma_start3A_43, %dma_start3A_44] : memref<4x50xi32, #tpu.memory_space<vmem>> -> memref<1x50xi32, #tpu.memory_space<vmem>>
    %dma_start3A_46 = arith.constant 0 : i32
    %dma_start3A_47 = arith.constant 0 : i32
    %dma_start3A_48 = tpu.memref_slice %arg3[%add3A_41, %dma_start3A_46, %dma_start3A_47] : memref<12800x1x50xi32, #tpu.memory_space<hbm>> -> memref<1x1x50xi32, #tpu.memory_space<hbm>>
    %dma_start3A_49 = tpu.memref_squeeze %dma_start3A_48 : memref<1x1x50xi32, #tpu.memory_space<hbm>> -> memref<1x50xi32, #tpu.memory_space<hbm>>
    %dma_start3A_50 = tpu.memref_slice %arg10[%dma_start3A_42] : memref<4x!tpu.dma_semaphore, #tpu.memory_space<semaphore_mem>> -> memref<1x!tpu.dma_semaphore, #tpu.memory_space<semaphore_mem>>
    %dma_start3A_51 = tpu.memref_squeeze %dma_start3A_50 : memref<1x!tpu.dma_semaphore, #tpu.memory_space<semaphore_mem>> -> memref<!tpu.dma_semaphore, #tpu.memory_space<semaphore_mem>>
    %dma_start3A_52 = arith.constant 2 : i32
    %dma_start3A_53 = arith.constant 0 : i32
    %dma_start3A_54 = tpu.memref_slice %arg6[%dma_start3A_52, %dma_start3A_53] : memref<4x50xi32, #tpu.memory_space<vmem>> -> memref<1x50xi32, #tpu.memory_space<vmem>>
    %dma_start3A_55 = arith.constant 0 : i32
    %dma_start3A_56 = arith.constant 0 : i32
    %dma_start3A_57 = tpu.memref_slice %arg3[%add3A_41, %dma_start3A_55, %dma_start3A_56] : memref<12800x1x50xi32, #tpu.memory_space<hbm>> -> memref<1x1x50xi32, #tpu.memory_space<hbm>>
    %dma_start3A_58 = tpu.memref_squeeze %dma_start3A_57 : memref<1x1x50xi32, #tpu.memory_space<hbm>> -> memref<1x50xi32, #tpu.memory_space<hbm>>
    tpu.enqueue_dma source(%dma_start3A_58 : memref<1x50xi32, #tpu.memory_space<hbm>>) target(%dma_start3A_54 : memref<1x50xi32, #tpu.memory_space<vmem>>) target_semaphore(%dma_start3A_51 : memref<!tpu.dma_semaphore, #tpu.memory_space<semaphore_mem>>)
    %add3A_59 = arith.constant 3 : i32
    %add3A_60 = arith.addi %mul3A_2, %add3A_59 : i32
    %dma_start3A_61 = arith.constant 3 : i32
    %dma_start3A_62 = arith.constant 3 : i32
    %dma_start3A_63 = arith.constant 0 : i32
    %dma_start3A_64 = tpu.memref_slice %arg6[%dma_start3A_62, %dma_start3A_63] : memref<4x50xi32, #tpu.memory_space<vmem>> -> memref<1x50xi32, #tpu.memory_space<vmem>>
    %dma_start3A_65 = arith.constant 0 : i32
    %dma_start3A_66 = arith.constant 0 : i32
    %dma_start3A_67 = tpu.memref_slice %arg3[%add3A_60, %dma_start3A_65, %dma_start3A_66] : memref<12800x1x50xi32, #tpu.memory_space<hbm>> -> memref<1x1x50xi32, #tpu.memory_space<hbm>>
    %dma_start3A_68 = tpu.memref_squeeze %dma_start3A_67 : memref<1x1x50xi32, #tpu.memory_space<hbm>> -> memref<1x50xi32, #tpu.memory_space<hbm>>
    %dma_start3A_69 = tpu.memref_slice %arg10[%dma_start3A_61] : memref<4x!tpu.dma_semaphore, #tpu.memory_space<semaphore_mem>> -> memref<1x!tpu.dma_semaphore, #tpu.memory_space<semaphore_mem>>
    %dma_start3A_70 = tpu.memref_squeeze %dma_start3A_69 : memref<1x!tpu.dma_semaphore, #tpu.memory_space<semaphore_mem>> -> memref<!tpu.dma_semaphore, #tpu.memory_space<semaphore_mem>>
    %dma_start3A_71 = arith.constant 3 : i32
    %dma_start3A_72 = arith.constant 0 : i32
    %dma_start3A_73 = tpu.memref_slice %arg6[%dma_start3A_71, %dma_start3A_72] : memref<4x50xi32, #tpu.memory_space<vmem>> -> memref<1x50xi32, #tpu.memory_space<vmem>>
    %dma_start3A_74 = arith.constant 0 : i32
    %dma_start3A_75 = arith.constant 0 : i32
    %dma_start3A_76 = tpu.memref_slice %arg3[%add3A_60, %dma_start3A_74, %dma_start3A_75] : memref<12800x1x50xi32, #tpu.memory_space<hbm>> -> memref<1x1x50xi32, #tpu.memory_space<hbm>>
    %dma_start3A_77 = tpu.memref_squeeze %dma_start3A_76 : memref<1x1x50xi32, #tpu.memory_space<hbm>> -> memref<1x50xi32, #tpu.memory_space<hbm>>
    tpu.enqueue_dma source(%dma_start3A_77 : memref<1x50xi32, #tpu.memory_space<hbm>>) target(%dma_start3A_73 : memref<1x50xi32, #tpu.memory_space<vmem>>) target_semaphore(%dma_start3A_70 : memref<!tpu.dma_semaphore, #tpu.memory_space<semaphore_mem>>)
    %add3A_78 = arith.constant 6400 : i32
    %add3A_79 = arith.addi %add3A_78, %mul3A_2 : i32
    %add3A_80 = arith.constant 0 : i32
    %add3A_81 = arith.addi %add3A_79, %add3A_80 : i32
    %dma_start3A_82 = arith.constant 0 : i32
    %dma_start3A_83 = arith.constant 0 : i32
    %dma_start3A_84 = arith.constant 0 : i32
    %dma_start3A_85 = tpu.memref_slice %arg7[%dma_start3A_83, %dma_start3A_84] : memref<4x50xi32, #tpu.memory_space<vmem>> -> memref<1x50xi32, #tpu.memory_space<vmem>>
    %dma_start3A_86 = arith.constant 0 : i32
    %dma_start3A_87 = arith.constant 0 : i32
    %dma_start3A_88 = tpu.memref_slice %arg3[%add3A_81, %dma_start3A_86, %dma_start3A_87] : memref<12800x1x50xi32, #tpu.memory_space<hbm>> -> memref<1x1x50xi32, #tpu.memory_space<hbm>>
    %dma_start3A_89 = tpu.memref_squeeze %dma_start3A_88 : memref<1x1x50xi32, #tpu.memory_space<hbm>> -> memref<1x50xi32, #tpu.memory_space<hbm>>
    %dma_start3A_90 = tpu.memref_slice %arg11[%dma_start3A_82] : memref<4x!tpu.dma_semaphore, #tpu.memory_space<semaphore_mem>> -> memref<1x!tpu.dma_semaphore, #tpu.memory_space<semaphore_mem>>
    %dma_start3A_91 = tpu.memref_squeeze %dma_start3A_90 : memref<1x!tpu.dma_semaphore, #tpu.memory_space<semaphore_mem>> -> memref<!tpu.dma_semaphore, #tpu.memory_space<semaphore_mem>>
    %dma_start3A_92 = arith.constant 0 : i32
    %dma_start3A_93 = arith.constant 0 : i32
    %dma_start3A_94 = tpu.memref_slice %arg7[%dma_start3A_92, %dma_start3A_93] : memref<4x50xi32, #tpu.memory_space<vmem>> -> memref<1x50xi32, #tpu.memory_space<vmem>>
    %dma_start3A_95 = arith.constant 0 : i32
    %dma_start3A_96 = arith.constant 0 : i32
    %dma_start3A_97 = tpu.memref_slice %arg3[%add3A_81, %dma_start3A_95, %dma_start3A_96] : memref<12800x1x50xi32, #tpu.memory_space<hbm>> -> memref<1x1x50xi32, #tpu.memory_space<hbm>>
    %dma_start3A_98 = tpu.memref_squeeze %dma_start3A_97 : memref<1x1x50xi32, #tpu.memory_space<hbm>> -> memref<1x50xi32, #tpu.memory_space<hbm>>
    tpu.enqueue_dma source(%dma_start3A_98 : memref<1x50xi32, #tpu.memory_space<hbm>>) target(%dma_start3A_94 : memref<1x50xi32, #tpu.memory_space<vmem>>) target_semaphore(%dma_start3A_91 : memref<!tpu.dma_semaphore, #tpu.memory_space<semaphore_mem>>)
    %add3A_99 = arith.constant 6400 : i32
    %add3A_100 = arith.addi %add3A_99, %mul3A_2 : i32
    %add3A_101 = arith.constant 1 : i32
    %add3A_102 = arith.addi %add3A_100, %add3A_101 : i32
    %dma_start3A_103 = arith.constant 1 : i32
    %dma_start3A_104 = arith.constant 1 : i32
    %dma_start3A_105 = arith.constant 0 : i32
    %dma_start3A_106 = tpu.memref_slice %arg7[%dma_start3A_104, %dma_start3A_105] : memref<4x50xi32, #tpu.memory_space<vmem>> -> memref<1x50xi32, #tpu.memory_space<vmem>>
    %dma_start3A_107 = arith.constant 0 : i32
    %dma_start3A_108 = arith.constant 0 : i32
    %dma_start3A_109 = tpu.memref_slice %arg3[%add3A_102, %dma_start3A_107, %dma_start3A_108] : memref<12800x1x50xi32, #tpu.memory_space<hbm>> -> memref<1x1x50xi32, #tpu.memory_space<hbm>>
    %dma_start3A_110 = tpu.memref_squeeze %dma_start3A_109 : memref<1x1x50xi32, #tpu.memory_space<hbm>> -> memref<1x50xi32, #tpu.memory_space<hbm>>
    %dma_start3A_111 = tpu.memref_slice %arg11[%dma_start3A_103] : memref<4x!tpu.dma_semaphore, #tpu.memory_space<semaphore_mem>> -> memref<1x!tpu.dma_semaphore, #tpu.memory_space<semaphore_mem>>
    %dma_start3A_112 = tpu.memref_squeeze %dma_start3A_111 : memref<1x!tpu.dma_semaphore, #tpu.memory_space<semaphore_mem>> -> memref<!tpu.dma_semaphore, #tpu.memory_space<semaphore_mem>>
    %dma_start3A_113 = arith.constant 1 : i32
    %dma_start3A_114 = arith.constant 0 : i32
    %dma_start3A_115 = tpu.memref_slice %arg7[%dma_start3A_113, %dma_start3A_114] : memref<4x50xi32, #tpu.memory_space<vmem>> -> memref<1x50xi32, #tpu.memory_space<vmem>>
    %dma_start3A_116 = arith.constant 0 : i32
    %dma_start3A_117 = arith.constant 0 : i32
    %dma_start3A_118 = tpu.memref_slice %arg3[%add3A_102, %dma_start3A_116, %dma_start3A_117] : memref<12800x1x50xi32, #tpu.memory_space<hbm>> -> memref<1x1x50xi32, #tpu.memory_space<hbm>>
    %dma_start3A_119 = tpu.memref_squeeze %dma_start3A_118 : memref<1x1x50xi32, #tpu.memory_space<hbm>> -> memref<1x50xi32, #tpu.memory_space<hbm>>
    tpu.enqueue_dma source(%dma_start3A_119 : memref<1x50xi32, #tpu.memory_space<hbm>>) target(%dma_start3A_115 : memref<1x50xi32, #tpu.memory_space<vmem>>) target_semaphore(%dma_start3A_112 : memref<!tpu.dma_semaphore, #tpu.memory_space<semaphore_mem>>)
    %add3A_120 = arith.constant 0 : i32
    %add3A_121 = arith.addi %mul3A_2, %add3A_120 : i32
    %dma_wait3A = arith.constant 0 : i32
    %dma_wait3A_122 = arith.constant 0 : i32
    %dma_wait3A_123 = arith.constant 0 : i32
    %dma_wait3A_124 = tpu.memref_slice %arg6[%dma_wait3A_122, %dma_wait3A_123] : memref<4x50xi32, #tpu.memory_space<vmem>> -> memref<1x50xi32, #tpu.memory_space<vmem>>
    %dma_wait3A_125 = arith.constant 0 : i32
    %dma_wait3A_126 = arith.constant 0 : i32
    %dma_wait3A_127 = tpu.memref_slice %arg3[%add3A_121, %dma_wait3A_125, %dma_wait3A_126] : memref<12800x1x50xi32, #tpu.memory_space<hbm>> -> memref<1x1x50xi32, #tpu.memory_space<hbm>>
    %dma_wait3A_128 = tpu.memref_squeeze %dma_wait3A_127 : memref<1x1x50xi32, #tpu.memory_space<hbm>> -> memref<1x50xi32, #tpu.memory_space<hbm>>
    %dma_wait3A_129 = tpu.memref_slice %arg10[%dma_wait3A] : memref<4x!tpu.dma_semaphore, #tpu.memory_space<semaphore_mem>> -> memref<1x!tpu.dma_semaphore, #tpu.memory_space<semaphore_mem>>
    %dma_wait3A_130 = tpu.memref_squeeze %dma_wait3A_129 : memref<1x!tpu.dma_semaphore, #tpu.memory_space<semaphore_mem>> -> memref<!tpu.dma_semaphore, #tpu.memory_space<semaphore_mem>>
    %dma_wait3A_131 = arith.constant 0 : i32
    %dma_wait3A_132 = arith.constant 0 : i32
    %dma_wait3A_133 = tpu.memref_slice %arg6[%dma_wait3A_131, %dma_wait3A_132] : memref<4x50xi32, #tpu.memory_space<vmem>> -> memref<1x50xi32, #tpu.memory_space<vmem>>
    %dma_wait3A_134 = arith.constant 0 : i32
    %dma_wait3A_135 = arith.constant 0 : i32
    %dma_wait3A_136 = tpu.memref_slice %arg3[%add3A_121, %dma_wait3A_134, %dma_wait3A_135] : memref<12800x1x50xi32, #tpu.memory_space<hbm>> -> memref<1x1x50xi32, #tpu.memory_space<hbm>>
    %dma_wait3A_137 = tpu.memref_squeeze %dma_wait3A_136 : memref<1x1x50xi32, #tpu.memory_space<hbm>> -> memref<1x50xi32, #tpu.memory_space<hbm>>
    tpu.wait_dma2 semaphore(%dma_wait3A_130 : memref<!tpu.dma_semaphore, #tpu.memory_space<semaphore_mem>>) src(%dma_wait3A_137 : memref<1x50xi32, #tpu.memory_space<hbm>>) dst(%dma_wait3A_133 : memref<1x50xi32, #tpu.memory_space<vmem>>)
    %dma_start3A_138 = arith.constant 0 : i32
    %dma_start3A_139 = arith.constant 0 : i32
    %dma_start3A_140 = arith.constant 0 : i32
    %dma_start3A_141 = arith.constant 0 : i32
    %dma_start3A_142 = arith.constant 0 : i32
    %dma_start3A_143 = tpu.memref_slice %arg8[%dma_start3A_139, %dma_start3A_141, %dma_start3A_142] : memref<4x50x128xf32, #tpu.memory_space<vmem>> -> memref<1x50x128xf32, #tpu.memory_space<vmem>>
    %dma_start3A_144 = tpu.memref_squeeze %dma_start3A_143 : memref<1x50x128xf32, #tpu.memory_space<vmem>> -> memref<50x128xf32, #tpu.memory_space<vmem>>
    %dma_start3A_145 = arith.constant 0 : i32
    %dma_start3A_146 = tpu.memref_slice %arg6[%dma_start3A_138, %dma_start3A_145] : memref<4x50xi32, #tpu.memory_space<vmem>> -> memref<1x50xi32, #tpu.memory_space<vmem>>
    %dma_start3A_147 = tpu.memref_squeeze %dma_start3A_146 : memref<1x50xi32, #tpu.memory_space<vmem>> -> memref<50xi32, #tpu.memory_space<vmem>>
    %dma_start3A_148 = arith.constant 0 : i32
    %dma_start3A_149 = arith.constant 0 : i32
    %dma_start3A_150 = tpu.memref_slice %arg2[%dma_start3A_148, %dma_start3A_149] : memref<10000x128xf32, #tpu.memory_space<hbm>> -> memref<10000x128xf32, #tpu.memory_space<hbm>>
    %dma_start3A_151 = tpu.memref_slice %arg12[%dma_start3A_140] : memref<4x!tpu.dma_semaphore, #tpu.memory_space<semaphore_mem>> -> memref<1x!tpu.dma_semaphore, #tpu.memory_space<semaphore_mem>>
    %dma_start3A_152 = tpu.memref_squeeze %dma_start3A_151 : memref<1x!tpu.dma_semaphore, #tpu.memory_space<semaphore_mem>> -> memref<!tpu.dma_semaphore, #tpu.memory_space<semaphore_mem>>
    tpu.enqueue_indirect_dma source(%dma_start3A_150 : memref<10000x128xf32, #tpu.memory_space<hbm>>) target(%dma_start3A_144 : memref<50x128xf32, #tpu.memory_space<vmem>>) offsets(%dma_start3A_147 : memref<50xi32, #tpu.memory_space<vmem>>) semaphore(%dma_start3A_152 : memref<!tpu.dma_semaphore, #tpu.memory_space<semaphore_mem>>)
    %add3A_153 = arith.constant 1 : i32
    %add3A_154 = arith.addi %mul3A_2, %add3A_153 : i32
    %dma_wait3A_155 = arith.constant 1 : i32
    %dma_wait3A_156 = arith.constant 1 : i32
    %dma_wait3A_157 = arith.constant 0 : i32
    %dma_wait3A_158 = tpu.memref_slice %arg6[%dma_wait3A_156, %dma_wait3A_157] : memref<4x50xi32, #tpu.memory_space<vmem>> -> memref<1x50xi32, #tpu.memory_space<vmem>>
    %dma_wait3A_159 = arith.constant 0 : i32
    %dma_wait3A_160 = arith.constant 0 : i32
    %dma_wait3A_161 = tpu.memref_slice %arg3[%add3A_154, %dma_wait3A_159, %dma_wait3A_160] : memref<12800x1x50xi32, #tpu.memory_space<hbm>> -> memref<1x1x50xi32, #tpu.memory_space<hbm>>
    %dma_wait3A_162 = tpu.memref_squeeze %dma_wait3A_161 : memref<1x1x50xi32, #tpu.memory_space<hbm>> -> memref<1x50xi32, #tpu.memory_space<hbm>>
    %dma_wait3A_163 = tpu.memref_slice %arg10[%dma_wait3A_155] : memref<4x!tpu.dma_semaphore, #tpu.memory_space<semaphore_mem>> -> memref<1x!tpu.dma_semaphore, #tpu.memory_space<semaphore_mem>>
    %dma_wait3A_164 = tpu.memref_squeeze %dma_wait3A_163 : memref<1x!tpu.dma_semaphore, #tpu.memory_space<semaphore_mem>> -> memref<!tpu.dma_semaphore, #tpu.memory_space<semaphore_mem>>
    %dma_wait3A_165 = arith.constant 1 : i32
    %dma_wait3A_166 = arith.constant 0 : i32
    %dma_wait3A_167 = tpu.memref_slice %arg6[%dma_wait3A_165, %dma_wait3A_166] : memref<4x50xi32, #tpu.memory_space<vmem>> -> memref<1x50xi32, #tpu.memory_space<vmem>>
    %dma_wait3A_168 = arith.constant 0 : i32
    %dma_wait3A_169 = arith.constant 0 : i32
    %dma_wait3A_170 = tpu.memref_slice %arg3[%add3A_154, %dma_wait3A_168, %dma_wait3A_169] : memref<12800x1x50xi32, #tpu.memory_space<hbm>> -> memref<1x1x50xi32, #tpu.memory_space<hbm>>
    %dma_wait3A_171 = tpu.memref_squeeze %dma_wait3A_170 : memref<1x1x50xi32, #tpu.memory_space<hbm>> -> memref<1x50xi32, #tpu.memory_space<hbm>>
    tpu.wait_dma2 semaphore(%dma_wait3A_164 : memref<!tpu.dma_semaphore, #tpu.memory_space<semaphore_mem>>) src(%dma_wait3A_171 : memref<1x50xi32, #tpu.memory_space<hbm>>) dst(%dma_wait3A_167 : memref<1x50xi32, #tpu.memory_space<vmem>>)
    %dma_start3A_172 = arith.constant 1 : i32
    %dma_start3A_173 = arith.constant 1 : i32
    %dma_start3A_174 = arith.constant 1 : i32
    %dma_start3A_175 = arith.constant 0 : i32
    %dma_start3A_176 = arith.constant 0 : i32
    %dma_start3A_177 = tpu.memref_slice %arg8[%dma_start3A_173, %dma_start3A_175, %dma_start3A_176] : memref<4x50x128xf32, #tpu.memory_space<vmem>> -> memref<1x50x128xf32, #tpu.memory_space<vmem>>
    %dma_start3A_178 = tpu.memref_squeeze %dma_start3A_177 : memref<1x50x128xf32, #tpu.memory_space<vmem>> -> memref<50x128xf32, #tpu.memory_space<vmem>>
    %dma_start3A_179 = arith.constant 0 : i32
    %dma_start3A_180 = tpu.memref_slice %arg6[%dma_start3A_172, %dma_start3A_179] : memref<4x50xi32, #tpu.memory_space<vmem>> -> memref<1x50xi32, #tpu.memory_space<vmem>>
    %dma_start3A_181 = tpu.memref_squeeze %dma_start3A_180 : memref<1x50xi32, #tpu.memory_space<vmem>> -> memref<50xi32, #tpu.memory_space<vmem>>
    %dma_start3A_182 = arith.constant 0 : i32
    %dma_start3A_183 = arith.constant 0 : i32
    %dma_start3A_184 = tpu.memref_slice %arg2[%dma_start3A_182, %dma_start3A_183] : memref<10000x128xf32, #tpu.memory_space<hbm>> -> memref<10000x128xf32, #tpu.memory_space<hbm>>
    %dma_start3A_185 = tpu.memref_slice %arg12[%dma_start3A_174] : memref<4x!tpu.dma_semaphore, #tpu.memory_space<semaphore_mem>> -> memref<1x!tpu.dma_semaphore, #tpu.memory_space<semaphore_mem>>
    %dma_start3A_186 = tpu.memref_squeeze %dma_start3A_185 : memref<1x!tpu.dma_semaphore, #tpu.memory_space<semaphore_mem>> -> memref<!tpu.dma_semaphore, #tpu.memory_space<semaphore_mem>>
    tpu.enqueue_indirect_dma source(%dma_start3A_184 : memref<10000x128xf32, #tpu.memory_space<hbm>>) target(%dma_start3A_178 : memref<50x128xf32, #tpu.memory_space<vmem>>) offsets(%dma_start3A_181 : memref<50xi32, #tpu.memory_space<vmem>>) semaphore(%dma_start3A_186 : memref<!tpu.dma_semaphore, #tpu.memory_space<semaphore_mem>>)
    %mul3A_187 = arith.constant 640 : i32
    %mul3A_188 = arith.muli %arg1, %mul3A_187 : i32
    "tpu.region"() ({
      %run_scoped3A = tpu.sem_alloc : memref<!tpu.dma_semaphore, #tpu.memory_space<semaphore_mem>>
      %dma_start3A_229 = arith.constant 0 : i32
      %dma_start3A_230 = tpu.memref_slice %arg9[%mul3A_188, %dma_start3A_229] : memref<10240x128xf32, #tpu.memory_space<vmem_shared>> -> memref<640x128xf32, #tpu.memory_space<vmem_shared>>
      tpu.enqueue_dma source(%arg4 : memref<640x128xf32, #tpu.memory_space<hbm>>) target(%dma_start3A_230 : memref<640x128xf32, #tpu.memory_space<vmem_shared>>) target_semaphore(%run_scoped3A : memref<!tpu.dma_semaphore, #tpu.memory_space<semaphore_mem>>)
      %dma_wait3A_231 = arith.constant 0 : i32
      %dma_wait3A_232 = tpu.memref_slice %arg9[%mul3A_188, %dma_wait3A_231] : memref<10240x128xf32, #tpu.memory_space<vmem_shared>> -> memref<640x128xf32, #tpu.memory_space<vmem_shared>>
      tpu.wait_dma2 semaphore(%run_scoped3A : memref<!tpu.dma_semaphore, #tpu.memory_space<semaphore_mem>>) src(%arg4 : memref<640x128xf32, #tpu.memory_space<hbm>>) dst(%dma_wait3A_232 : memref<640x128xf32, #tpu.memory_space<vmem_shared>>)
      tpu.yield
    }) : () -> ()
    %barrier3A = arith.constant 0 : index
    tpu.barrier barrier_id(%barrier3A)
    %scan3A = arith.constant 0 : i32
    %scan3A_189 = arith.constant 0 : i32
    %scan3A_190 = arith.constant 50 : i32
    %scan3A_191 = arith.addi %scan3A_189, %scan3A_190 : i32
    %scan3A_192 = arith.constant 1 : i32
    scf.for %scan3A_229 = %scan3A_189 to %scan3A_191 step %scan3A_192  : i32 {
      %mul3A_230 = arith.constant 4 : i32
      %mul3A_231 = arith.muli %mul3A_230, %scan3A_229 : i32
      %add3A_232 = arith.constant 0 : i32
      %add3A_233 = arith.addi %mul3A_231, %add3A_232 : i32
      %dma_wait3A_234 = arith.constant 0 : i32
      %dma_wait3A_235 = arith.constant 0 : i32
      %dma_wait3A_236 = arith.constant 0 : i32
      %dma_wait3A_237 = arith.constant 0 : i32
      %dma_wait3A_238 = arith.constant 0 : i32
      %dma_wait3A_239 = tpu.memref_slice %arg8[%dma_wait3A_235, %dma_wait3A_237, %dma_wait3A_238] : memref<4x50x128xf32, #tpu.memory_space<vmem>> -> memref<1x50x128xf32, #tpu.memory_space<vmem>>
      %dma_wait3A_240 = tpu.memref_squeeze %dma_wait3A_239 : memref<1x50x128xf32, #tpu.memory_space<vmem>> -> memref<50x128xf32, #tpu.memory_space<vmem>>
      %dma_wait3A_241 = arith.constant 0 : i32
      %dma_wait3A_242 = tpu.memref_slice %arg6[%dma_wait3A_234, %dma_wait3A_241] : memref<4x50xi32, #tpu.memory_space<vmem>> -> memref<1x50xi32, #tpu.memory_space<vmem>>
      %dma_wait3A_243 = tpu.memref_squeeze %dma_wait3A_242 : memref<1x50xi32, #tpu.memory_space<vmem>> -> memref<50xi32, #tpu.memory_space<vmem>>
      %dma_wait3A_244 = arith.constant 0 : i32
      %dma_wait3A_245 = arith.constant 0 : i32
      %dma_wait3A_246 = tpu.memref_slice %arg2[%dma_wait3A_244, %dma_wait3A_245] : memref<10000x128xf32, #tpu.memory_space<hbm>> -> memref<10000x128xf32, #tpu.memory_space<hbm>>
      %dma_wait3A_247 = tpu.memref_slice %arg12[%dma_wait3A_236] : memref<4x!tpu.dma_semaphore, #tpu.memory_space<semaphore_mem>> -> memref<1x!tpu.dma_semaphore, #tpu.memory_space<semaphore_mem>>
      %dma_wait3A_248 = tpu.memref_squeeze %dma_wait3A_247 : memref<1x!tpu.dma_semaphore, #tpu.memory_space<semaphore_mem>> -> memref<!tpu.dma_semaphore, #tpu.memory_space<semaphore_mem>>
      tpu.wait_indirect_dma semaphore(%dma_wait3A_248 : memref<!tpu.dma_semaphore, #tpu.memory_space<semaphore_mem>>) src(%dma_wait3A_246 : memref<10000x128xf32, #tpu.memory_space<hbm>>) dst(%dma_wait3A_240 : memref<50x128xf32, #tpu.memory_space<vmem>>)
      %add3A_249 = arith.constant 6400 : i32
      %add3A_250 = arith.addi %add3A_249, %mul3A_2 : i32
      %add3A_251 = arith.addi %add3A_250, %add3A_233 : i32
      %dma_wait3A_252 = arith.constant 0 : i32
      %dma_wait3A_253 = arith.constant 0 : i32
      %dma_wait3A_254 = arith.constant 0 : i32
      %dma_wait3A_255 = tpu.memref_slice %arg7[%dma_wait3A_253, %dma_wait3A_254] : memref<4x50xi32, #tpu.memory_space<vmem>> -> memref<1x50xi32, #tpu.memory_space<vmem>>
      %dma_wait3A_256 = arith.constant 0 : i32
      %dma_wait3A_257 = arith.constant 0 : i32
      %dma_wait3A_258 = tpu.memref_slice %arg3[%add3A_251, %dma_wait3A_256, %dma_wait3A_257] : memref<12800x1x50xi32, #tpu.memory_space<hbm>> -> memref<1x1x50xi32, #tpu.memory_space<hbm>>
      %dma_wait3A_259 = tpu.memref_squeeze %dma_wait3A_258 : memref<1x1x50xi32, #tpu.memory_space<hbm>> -> memref<1x50xi32, #tpu.memory_space<hbm>>
      %dma_wait3A_260 = tpu.memref_slice %arg11[%dma_wait3A_252] : memref<4x!tpu.dma_semaphore, #tpu.memory_space<semaphore_mem>> -> memref<1x!tpu.dma_semaphore, #tpu.memory_space<semaphore_mem>>
      %dma_wait3A_261 = tpu.memref_squeeze %dma_wait3A_260 : memref<1x!tpu.dma_semaphore, #tpu.memory_space<semaphore_mem>> -> memref<!tpu.dma_semaphore, #tpu.memory_space<semaphore_mem>>
      %dma_wait3A_262 = arith.constant 0 : i32
      %dma_wait3A_263 = arith.constant 0 : i32
      %dma_wait3A_264 = tpu.memref_slice %arg7[%dma_wait3A_262, %dma_wait3A_263] : memref<4x50xi32, #tpu.memory_space<vmem>> -> memref<1x50xi32, #tpu.memory_space<vmem>>
      %dma_wait3A_265 = arith.constant 0 : i32
      %dma_wait3A_266 = arith.constant 0 : i32
      %dma_wait3A_267 = tpu.memref_slice %arg3[%add3A_251, %dma_wait3A_265, %dma_wait3A_266] : memref<12800x1x50xi32, #tpu.memory_space<hbm>> -> memref<1x1x50xi32, #tpu.memory_space<hbm>>
      %dma_wait3A_268 = tpu.memref_squeeze %dma_wait3A_267 : memref<1x1x50xi32, #tpu.memory_space<hbm>> -> memref<1x50xi32, #tpu.memory_space<hbm>>
      tpu.wait_dma2 semaphore(%dma_wait3A_261 : memref<!tpu.dma_semaphore, #tpu.memory_space<semaphore_mem>>) src(%dma_wait3A_268 : memref<1x50xi32, #tpu.memory_space<hbm>>) dst(%dma_wait3A_264 : memref<1x50xi32, #tpu.memory_space<vmem>>)
      %dma_start3A_269 = arith.constant 0 : i32
      %dma_start3A_270 = arith.constant 0 : i32
      %dma_start3A_271 = arith.constant 0 : i32
      %dma_start3A_272 = arith.constant 0 : i32
      %dma_start3A_273 = arith.constant 0 : i32
      %dma_start3A_274 = tpu.memref_slice %arg8[%dma_start3A_269, %dma_start3A_272, %dma_start3A_273] : memref<4x50x128xf32, #tpu.memory_space<vmem>> -> memref<1x50x128xf32, #tpu.memory_space<vmem>>
      %dma_start3A_275 = tpu.memref_squeeze %dma_start3A_274 : memref<1x50x128xf32, #tpu.memory_space<vmem>> -> memref<50x128xf32, #tpu.memory_space<vmem>>
      %dma_start3A_276 = arith.constant 0 : i32
      %dma_start3A_277 = tpu.memref_slice %arg7[%dma_start3A_270, %dma_start3A_276] : memref<4x50xi32, #tpu.memory_space<vmem>> -> memref<1x50xi32, #tpu.memory_space<vmem>>
      %dma_start3A_278 = tpu.memref_squeeze %dma_start3A_277 : memref<1x50xi32, #tpu.memory_space<vmem>> -> memref<50xi32, #tpu.memory_space<vmem>>
      %dma_start3A_279 = arith.constant 0 : i32
      %dma_start3A_280 = arith.constant 0 : i32
      %dma_start3A_281 = tpu.memref_slice %arg9[%dma_start3A_279, %dma_start3A_280] : memref<10240x128xf32, #tpu.memory_space<vmem_shared>> -> memref<10240x128xf32, #tpu.memory_space<vmem_shared>>
      %dma_start3A_282 = tpu.memref_slice %arg13[%dma_start3A_271] : memref<4x!tpu.dma_semaphore, #tpu.memory_space<semaphore_mem>> -> memref<1x!tpu.dma_semaphore, #tpu.memory_space<semaphore_mem>>
      %dma_start3A_283 = tpu.memref_squeeze %dma_start3A_282 : memref<1x!tpu.dma_semaphore, #tpu.memory_space<semaphore_mem>> -> memref<!tpu.dma_semaphore, #tpu.memory_space<semaphore_mem>>
      tpu.enqueue_indirect_dma source(%dma_start3A_275 : memref<50x128xf32, #tpu.memory_space<vmem>>) target(%dma_start3A_281 : memref<10240x128xf32, #tpu.memory_space<vmem_shared>>) offsets(%dma_start3A_278 : memref<50xi32, #tpu.memory_space<vmem>>) semaphore(%dma_start3A_283 : memref<!tpu.dma_semaphore, #tpu.memory_space<semaphore_mem>>) {add = true}
      %lt3A = arith.constant 49 : i32
      %lt3A_284 = arith.cmpi slt, %scan3A_229, %lt3A : i32
      %convert_element_type3A = arith.extui %lt3A_284 : i1 to i32
      %cond3A = arith.constant 0 : i32
      %cond3A_285 = arith.cmpi ne, %convert_element_type3A, %cond3A : i32
      scf.if %cond3A_285 {
        %add3A_633 = arith.constant 4 : i32
        %add3A_634 = arith.addi %add3A_233, %add3A_633 : i32
        %add3A_635 = arith.addi %mul3A_2, %add3A_634 : i32
        %dma_start3A_636 = arith.constant 0 : i32
        %dma_start3A_637 = arith.constant 0 : i32
        %dma_start3A_638 = arith.constant 0 : i32
        %dma_start3A_639 = tpu.memref_slice %arg6[%dma_start3A_637, %dma_start3A_638] : memref<4x50xi32, #tpu.memory_space<vmem>> -> memref<1x50xi32, #tpu.memory_space<vmem>>
        %dma_start3A_640 = arith.constant 0 : i32
        %dma_start3A_641 = arith.constant 0 : i32
        %dma_start3A_642 = tpu.memref_slice %arg3[%add3A_635, %dma_start3A_640, %dma_start3A_641] : memref<12800x1x50xi32, #tpu.memory_space<hbm>> -> memref<1x1x50xi32, #tpu.memory_space<hbm>>
        %dma_start3A_643 = tpu.memref_squeeze %dma_start3A_642 : memref<1x1x50xi32, #tpu.memory_space<hbm>> -> memref<1x50xi32, #tpu.memory_space<hbm>>
        %dma_start3A_644 = tpu.memref_slice %arg10[%dma_start3A_636] : memref<4x!tpu.dma_semaphore, #tpu.memory_space<semaphore_mem>> -> memref<1x!tpu.dma_semaphore, #tpu.memory_space<semaphore_mem>>
        %dma_start3A_645 = tpu.memref_squeeze %dma_start3A_644 : memref<1x!tpu.dma_semaphore, #tpu.memory_space<semaphore_mem>> -> memref<!tpu.dma_semaphore, #tpu.memory_space<semaphore_mem>>
        %dma_start3A_646 = arith.constant 0 : i32
        %dma_start3A_647 = arith.constant 0 : i32
        %dma_start3A_648 = tpu.memref_slice %arg6[%dma_start3A_646, %dma_start3A_647] : memref<4x50xi32, #tpu.memory_space<vmem>> -> memref<1x50xi32, #tpu.memory_space<vmem>>
        %dma_start3A_649 = arith.constant 0 : i32
        %dma_start3A_650 = arith.constant 0 : i32
        %dma_start3A_651 = tpu.memref_slice %arg3[%add3A_635, %dma_start3A_649, %dma_start3A_650] : memref<12800x1x50xi32, #tpu.memory_space<hbm>> -> memref<1x1x50xi32, #tpu.memory_space<hbm>>
        %dma_start3A_652 = tpu.memref_squeeze %dma_start3A_651 : memref<1x1x50xi32, #tpu.memory_space<hbm>> -> memref<1x50xi32, #tpu.memory_space<hbm>>
        tpu.enqueue_dma source(%dma_start3A_652 : memref<1x50xi32, #tpu.memory_space<hbm>>) target(%dma_start3A_648 : memref<1x50xi32, #tpu.memory_space<vmem>>) target_semaphore(%dma_start3A_645 : memref<!tpu.dma_semaphore, #tpu.memory_space<semaphore_mem>>)
      } else {
      }
      %gt3A = arith.constant 0 : i32
      %gt3A_286 = arith.cmpi sgt, %scan3A_229, %gt3A : i32
      %convert_element_type3A_287 = arith.extui %gt3A_286 : i1 to i32
      %cond3A_288 = arith.constant 0 : i32
      %cond3A_289 = arith.cmpi ne, %convert_element_type3A_287, %cond3A_288 : i32
      scf.if %cond3A_289 {
        %sub3A_633 = arith.constant 2 : i32
        %sub3A_634 = arith.subi %add3A_233, %sub3A_633 : i32
        %dma_wait3A_635 = arith.constant 2 : i32
        %dma_wait3A_636 = arith.constant 2 : i32
        %dma_wait3A_637 = arith.constant 2 : i32
        %dma_wait3A_638 = arith.constant 0 : i32
        %dma_wait3A_639 = arith.constant 0 : i32
        %dma_wait3A_640 = tpu.memref_slice %arg8[%dma_wait3A_635, %dma_wait3A_638, %dma_wait3A_639] : memref<4x50x128xf32, #tpu.memory_space<vmem>> -> memref<1x50x128xf32, #tpu.memory_space<vmem>>
        %dma_wait3A_641 = tpu.memref_squeeze %dma_wait3A_640 : memref<1x50x128xf32, #tpu.memory_space<vmem>> -> memref<50x128xf32, #tpu.memory_space<vmem>>
        %dma_wait3A_642 = arith.constant 0 : i32
        %dma_wait3A_643 = tpu.memref_slice %arg7[%dma_wait3A_636, %dma_wait3A_642] : memref<4x50xi32, #tpu.memory_space<vmem>> -> memref<1x50xi32, #tpu.memory_space<vmem>>
        %dma_wait3A_644 = tpu.memref_squeeze %dma_wait3A_643 : memref<1x50xi32, #tpu.memory_space<vmem>> -> memref<50xi32, #tpu.memory_space<vmem>>
        %dma_wait3A_645 = arith.constant 0 : i32
        %dma_wait3A_646 = arith.constant 0 : i32
        %dma_wait3A_647 = tpu.memref_slice %arg9[%dma_wait3A_645, %dma_wait3A_646] : memref<10240x128xf32, #tpu.memory_space<vmem_shared>> -> memref<10240x128xf32, #tpu.memory_space<vmem_shared>>
        %dma_wait3A_648 = tpu.memref_slice %arg13[%dma_wait3A_637] : memref<4x!tpu.dma_semaphore, #tpu.memory_space<semaphore_mem>> -> memref<1x!tpu.dma_semaphore, #tpu.memory_space<semaphore_mem>>
        %dma_wait3A_649 = tpu.memref_squeeze %dma_wait3A_648 : memref<1x!tpu.dma_semaphore, #tpu.memory_space<semaphore_mem>> -> memref<!tpu.dma_semaphore, #tpu.memory_space<semaphore_mem>>
        tpu.wait_indirect_dma semaphore(%dma_wait3A_649 : memref<!tpu.dma_semaphore, #tpu.memory_space<semaphore_mem>>) src(%dma_wait3A_641 : memref<50x128xf32, #tpu.memory_space<vmem>>) dst(%dma_wait3A_647 : memref<10240x128xf32, #tpu.memory_space<vmem_shared>>)
      } else {
      }
      %add3A_290 = arith.constant 2 : i32
      %add3A_291 = arith.addi %add3A_233, %add3A_290 : i32
      %add3A_292 = arith.constant 6400 : i32
      %add3A_293 = arith.addi %add3A_292, %mul3A_2 : i32
      %add3A_294 = arith.addi %add3A_293, %add3A_291 : i32
      %dma_start3A_295 = arith.constant 2 : i32
      %dma_start3A_296 = arith.constant 2 : i32
      %dma_start3A_297 = arith.constant 0 : i32
      %dma_start3A_298 = tpu.memref_slice %arg7[%dma_start3A_296, %dma_start3A_297] : memref<4x50xi32, #tpu.memory_space<vmem>> -> memref<1x50xi32, #tpu.memory_space<vmem>>
      %dma_start3A_299 = arith.constant 0 : i32
      %dma_start3A_300 = arith.constant 0 : i32
      %dma_start3A_301 = tpu.memref_slice %arg3[%add3A_294, %dma_start3A_299, %dma_start3A_300] : memref<12800x1x50xi32, #tpu.memory_space<hbm>> -> memref<1x1x50xi32, #tpu.memory_space<hbm>>
      %dma_start3A_302 = tpu.memref_squeeze %dma_start3A_301 : memref<1x1x50xi32, #tpu.memory_space<hbm>> -> memref<1x50xi32, #tpu.memory_space<hbm>>
      %dma_start3A_303 = tpu.memref_slice %arg11[%dma_start3A_295] : memref<4x!tpu.dma_semaphore, #tpu.memory_space<semaphore_mem>> -> memref<1x!tpu.dma_semaphore, #tpu.memory_space<semaphore_mem>>
      %dma_start3A_304 = tpu.memref_squeeze %dma_start3A_303 : memref<1x!tpu.dma_semaphore, #tpu.memory_space<semaphore_mem>> -> memref<!tpu.dma_semaphore, #tpu.memory_space<semaphore_mem>>
      %dma_start3A_305 = arith.constant 2 : i32
      %dma_start3A_306 = arith.constant 0 : i32
      %dma_start3A_307 = tpu.memref_slice %arg7[%dma_start3A_305, %dma_start3A_306] : memref<4x50xi32, #tpu.memory_space<vmem>> -> memref<1x50xi32, #tpu.memory_space<vmem>>
      %dma_start3A_308 = arith.constant 0 : i32
      %dma_start3A_309 = arith.constant 0 : i32
      %dma_start3A_310 = tpu.memref_slice %arg3[%add3A_294, %dma_start3A_308, %dma_start3A_309] : memref<12800x1x50xi32, #tpu.memory_space<hbm>> -> memref<1x1x50xi32, #tpu.memory_space<hbm>>
      %dma_start3A_311 = tpu.memref_squeeze %dma_start3A_310 : memref<1x1x50xi32, #tpu.memory_space<hbm>> -> memref<1x50xi32, #tpu.memory_space<hbm>>
      tpu.enqueue_dma source(%dma_start3A_311 : memref<1x50xi32, #tpu.memory_space<hbm>>) target(%dma_start3A_307 : memref<1x50xi32, #tpu.memory_space<vmem>>) target_semaphore(%dma_start3A_304 : memref<!tpu.dma_semaphore, #tpu.memory_space<semaphore_mem>>)
      %add3A_312 = arith.constant 2 : i32
      %add3A_313 = arith.addi %add3A_233, %add3A_312 : i32
      %add3A_314 = arith.addi %mul3A_2, %add3A_313 : i32
      %dma_wait3A_315 = arith.constant 2 : i32
      %dma_wait3A_316 = arith.constant 2 : i32
      %dma_wait3A_317 = arith.constant 0 : i32
      %dma_wait3A_318 = tpu.memref_slice %arg6[%dma_wait3A_316, %dma_wait3A_317] : memref<4x50xi32, #tpu.memory_space<vmem>> -> memref<1x50xi32, #tpu.memory_space<vmem>>
      %dma_wait3A_319 = arith.constant 0 : i32
      %dma_wait3A_320 = arith.constant 0 : i32
      %dma_wait3A_321 = tpu.memref_slice %arg3[%add3A_314, %dma_wait3A_319, %dma_wait3A_320] : memref<12800x1x50xi32, #tpu.memory_space<hbm>> -> memref<1x1x50xi32, #tpu.memory_space<hbm>>
      %dma_wait3A_322 = tpu.memref_squeeze %dma_wait3A_321 : memref<1x1x50xi32, #tpu.memory_space<hbm>> -> memref<1x50xi32, #tpu.memory_space<hbm>>
      %dma_wait3A_323 = tpu.memref_slice %arg10[%dma_wait3A_315] : memref<4x!tpu.dma_semaphore, #tpu.memory_space<semaphore_mem>> -> memref<1x!tpu.dma_semaphore, #tpu.memory_space<semaphore_mem>>
      %dma_wait3A_324 = tpu.memref_squeeze %dma_wait3A_323 : memref<1x!tpu.dma_semaphore, #tpu.memory_space<semaphore_mem>> -> memref<!tpu.dma_semaphore, #tpu.memory_space<semaphore_mem>>
      %dma_wait3A_325 = arith.constant 2 : i32
      %dma_wait3A_326 = arith.constant 0 : i32
      %dma_wait3A_327 = tpu.memref_slice %arg6[%dma_wait3A_325, %dma_wait3A_326] : memref<4x50xi32, #tpu.memory_space<vmem>> -> memref<1x50xi32, #tpu.memory_space<vmem>>
      %dma_wait3A_328 = arith.constant 0 : i32
      %dma_wait3A_329 = arith.constant 0 : i32
      %dma_wait3A_330 = tpu.memref_slice %arg3[%add3A_314, %dma_wait3A_328, %dma_wait3A_329] : memref<12800x1x50xi32, #tpu.memory_space<hbm>> -> memref<1x1x50xi32, #tpu.memory_space<hbm>>
      %dma_wait3A_331 = tpu.memref_squeeze %dma_wait3A_330 : memref<1x1x50xi32, #tpu.memory_space<hbm>> -> memref<1x50xi32, #tpu.memory_space<hbm>>
      tpu.wait_dma2 semaphore(%dma_wait3A_324 : memref<!tpu.dma_semaphore, #tpu.memory_space<semaphore_mem>>) src(%dma_wait3A_331 : memref<1x50xi32, #tpu.memory_space<hbm>>) dst(%dma_wait3A_327 : memref<1x50xi32, #tpu.memory_space<vmem>>)
      %add3A_332 = arith.constant 2 : i32
      %add3A_333 = arith.addi %add3A_233, %add3A_332 : i32
      %dma_start3A_334 = arith.constant 2 : i32
      %dma_start3A_335 = arith.constant 2 : i32
      %dma_start3A_336 = arith.constant 2 : i32
      %dma_start3A_337 = arith.constant 0 : i32
      %dma_start3A_338 = arith.constant 0 : i32
      %dma_start3A_339 = tpu.memref_slice %arg8[%dma_start3A_335, %dma_start3A_337, %dma_start3A_338] : memref<4x50x128xf32, #tpu.memory_space<vmem>> -> memref<1x50x128xf32, #tpu.memory_space<vmem>>
      %dma_start3A_340 = tpu.memref_squeeze %dma_start3A_339 : memref<1x50x128xf32, #tpu.memory_space<vmem>> -> memref<50x128xf32, #tpu.memory_space<vmem>>
      %dma_start3A_341 = arith.constant 0 : i32
      %dma_start3A_342 = tpu.memref_slice %arg6[%dma_start3A_334, %dma_start3A_341] : memref<4x50xi32, #tpu.memory_space<vmem>> -> memref<1x50xi32, #tpu.memory_space<vmem>>
      %dma_start3A_343 = tpu.memref_squeeze %dma_start3A_342 : memref<1x50xi32, #tpu.memory_space<vmem>> -> memref<50xi32, #tpu.memory_space<vmem>>
      %dma_start3A_344 = arith.constant 0 : i32
      %dma_start3A_345 = arith.constant 0 : i32
      %dma_start3A_346 = tpu.memref_slice %arg2[%dma_start3A_344, %dma_start3A_345] : memref<10000x128xf32, #tpu.memory_space<hbm>> -> memref<10000x128xf32, #tpu.memory_space<hbm>>
      %dma_start3A_347 = tpu.memref_slice %arg12[%dma_start3A_336] : memref<4x!tpu.dma_semaphore, #tpu.memory_space<semaphore_mem>> -> memref<1x!tpu.dma_semaphore, #tpu.memory_space<semaphore_mem>>
      %dma_start3A_348 = tpu.memref_squeeze %dma_start3A_347 : memref<1x!tpu.dma_semaphore, #tpu.memory_space<semaphore_mem>> -> memref<!tpu.dma_semaphore, #tpu.memory_space<semaphore_mem>>
      tpu.enqueue_indirect_dma source(%dma_start3A_346 : memref<10000x128xf32, #tpu.memory_space<hbm>>) target(%dma_start3A_340 : memref<50x128xf32, #tpu.memory_space<vmem>>) offsets(%dma_start3A_343 : memref<50xi32, #tpu.memory_space<vmem>>) semaphore(%dma_start3A_348 : memref<!tpu.dma_semaphore, #tpu.memory_space<semaphore_mem>>)
      %mul3A_349 = arith.constant 4 : i32
      %mul3A_350 = arith.muli %mul3A_349, %scan3A_229 : i32
      %add3A_351 = arith.constant 1 : i32
      %add3A_352 = arith.addi %mul3A_350, %add3A_351 : i32
      %dma_wait3A_353 = arith.constant 1 : i32
      %dma_wait3A_354 = arith.constant 1 : i32
      %dma_wait3A_355 = arith.constant 1 : i32
      %dma_wait3A_356 = arith.constant 0 : i32
      %dma_wait3A_357 = arith.constant 0 : i32
      %dma_wait3A_358 = tpu.memref_slice %arg8[%dma_wait3A_354, %dma_wait3A_356, %dma_wait3A_357] : memref<4x50x128xf32, #tpu.memory_space<vmem>> -> memref<1x50x128xf32, #tpu.memory_space<vmem>>
      %dma_wait3A_359 = tpu.memref_squeeze %dma_wait3A_358 : memref<1x50x128xf32, #tpu.memory_space<vmem>> -> memref<50x128xf32, #tpu.memory_space<vmem>>
      %dma_wait3A_360 = arith.constant 0 : i32
      %dma_wait3A_361 = tpu.memref_slice %arg6[%dma_wait3A_353, %dma_wait3A_360] : memref<4x50xi32, #tpu.memory_space<vmem>> -> memref<1x50xi32, #tpu.memory_space<vmem>>
      %dma_wait3A_362 = tpu.memref_squeeze %dma_wait3A_361 : memref<1x50xi32, #tpu.memory_space<vmem>> -> memref<50xi32, #tpu.memory_space<vmem>>
      %dma_wait3A_363 = arith.constant 0 : i32
      %dma_wait3A_364 = arith.constant 0 : i32
      %dma_wait3A_365 = tpu.memref_slice %arg2[%dma_wait3A_363, %dma_wait3A_364] : memref<10000x128xf32, #tpu.memory_space<hbm>> -> memref<10000x128xf32, #tpu.memory_space<hbm>>
      %dma_wait3A_366 = tpu.memref_slice %arg12[%dma_wait3A_355] : memref<4x!tpu.dma_semaphore, #tpu.memory_space<semaphore_mem>> -> memref<1x!tpu.dma_semaphore, #tpu.memory_space<semaphore_mem>>
      %dma_wait3A_367 = tpu.memref_squeeze %dma_wait3A_366 : memref<1x!tpu.dma_semaphore, #tpu.memory_space<semaphore_mem>> -> memref<!tpu.dma_semaphore, #tpu.memory_space<semaphore_mem>>
      tpu.wait_indirect_dma semaphore(%dma_wait3A_367 : memref<!tpu.dma_semaphore, #tpu.memory_space<semaphore_mem>>) src(%dma_wait3A_365 : memref<10000x128xf32, #tpu.memory_space<hbm>>) dst(%dma_wait3A_359 : memref<50x128xf32, #tpu.memory_space<vmem>>)
      %add3A_368 = arith.constant 6400 : i32
      %add3A_369 = arith.addi %add3A_368, %mul3A_2 : i32
      %add3A_370 = arith.addi %add3A_369, %add3A_352 : i32
      %dma_wait3A_371 = arith.constant 1 : i32
      %dma_wait3A_372 = arith.constant 1 : i32
      %dma_wait3A_373 = arith.constant 0 : i32
      %dma_wait3A_374 = tpu.memref_slice %arg7[%dma_wait3A_372, %dma_wait3A_373] : memref<4x50xi32, #tpu.memory_space<vmem>> -> memref<1x50xi32, #tpu.memory_space<vmem>>
      %dma_wait3A_375 = arith.constant 0 : i32
      %dma_wait3A_376 = arith.constant 0 : i32
      %dma_wait3A_377 = tpu.memref_slice %arg3[%add3A_370, %dma_wait3A_375, %dma_wait3A_376] : memref<12800x1x50xi32, #tpu.memory_space<hbm>> -> memref<1x1x50xi32, #tpu.memory_space<hbm>>
      %dma_wait3A_378 = tpu.memref_squeeze %dma_wait3A_377 : memref<1x1x50xi32, #tpu.memory_space<hbm>> -> memref<1x50xi32, #tpu.memory_space<hbm>>
      %dma_wait3A_379 = tpu.memref_slice %arg11[%dma_wait3A_371] : memref<4x!tpu.dma_semaphore, #tpu.memory_space<semaphore_mem>> -> memref<1x!tpu.dma_semaphore, #tpu.memory_space<semaphore_mem>>
      %dma_wait3A_380 = tpu.memref_squeeze %dma_wait3A_379 : memref<1x!tpu.dma_semaphore, #tpu.memory_space<semaphore_mem>> -> memref<!tpu.dma_semaphore, #tpu.memory_space<semaphore_mem>>
      %dma_wait3A_381 = arith.constant 1 : i32
      %dma_wait3A_382 = arith.constant 0 : i32
      %dma_wait3A_383 = tpu.memref_slice %arg7[%dma_wait3A_381, %dma_wait3A_382] : memref<4x50xi32, #tpu.memory_space<vmem>> -> memref<1x50xi32, #tpu.memory_space<vmem>>
      %dma_wait3A_384 = arith.constant 0 : i32
      %dma_wait3A_385 = arith.constant 0 : i32
      %dma_wait3A_386 = tpu.memref_slice %arg3[%add3A_370, %dma_wait3A_384, %dma_wait3A_385] : memref<12800x1x50xi32, #tpu.memory_space<hbm>> -> memref<1x1x50xi32, #tpu.memory_space<hbm>>
      %dma_wait3A_387 = tpu.memref_squeeze %dma_wait3A_386 : memref<1x1x50xi32, #tpu.memory_space<hbm>> -> memref<1x50xi32, #tpu.memory_space<hbm>>
      tpu.wait_dma2 semaphore(%dma_wait3A_380 : memref<!tpu.dma_semaphore, #tpu.memory_space<semaphore_mem>>) src(%dma_wait3A_387 : memref<1x50xi32, #tpu.memory_space<hbm>>) dst(%dma_wait3A_383 : memref<1x50xi32, #tpu.memory_space<vmem>>)
      %dma_start3A_388 = arith.constant 1 : i32
      %dma_start3A_389 = arith.constant 1 : i32
      %dma_start3A_390 = arith.constant 1 : i32
      %dma_start3A_391 = arith.constant 0 : i32
      %dma_start3A_392 = arith.constant 0 : i32
      %dma_start3A_393 = tpu.memref_slice %arg8[%dma_start3A_388, %dma_start3A_391, %dma_start3A_392] : memref<4x50x128xf32, #tpu.memory_space<vmem>> -> memref<1x50x128xf32, #tpu.memory_space<vmem>>
      %dma_start3A_394 = tpu.memref_squeeze %dma_start3A_393 : memref<1x50x128xf32, #tpu.memory_space<vmem>> -> memref<50x128xf32, #tpu.memory_space<vmem>>
      %dma_start3A_395 = arith.constant 0 : i32
      %dma_start3A_396 = tpu.memref_slice %arg7[%dma_start3A_389, %dma_start3A_395] : memref<4x50xi32, #tpu.memory_space<vmem>> -> memref<1x50xi32, #tpu.memory_space<vmem>>
      %dma_start3A_397 = tpu.memref_squeeze %dma_start3A_396 : memref<1x50xi32, #tpu.memory_space<vmem>> -> memref<50xi32, #tpu.memory_space<vmem>>
      %dma_start3A_398 = arith.constant 0 : i32
      %dma_start3A_399 = arith.constant 0 : i32
      %dma_start3A_400 = tpu.memref_slice %arg9[%dma_start3A_398, %dma_start3A_399] : memref<10240x128xf32, #tpu.memory_space<vmem_shared>> -> memref<10240x128xf32, #tpu.memory_space<vmem_shared>>
      %dma_start3A_401 = tpu.memref_slice %arg13[%dma_start3A_390] : memref<4x!tpu.dma_semaphore, #tpu.memory_space<semaphore_mem>> -> memref<1x!tpu.dma_semaphore, #tpu.memory_space<semaphore_mem>>
      %dma_start3A_402 = tpu.memref_squeeze %dma_start3A_401 : memref<1x!tpu.dma_semaphore, #tpu.memory_space<semaphore_mem>> -> memref<!tpu.dma_semaphore, #tpu.memory_space<semaphore_mem>>
      tpu.enqueue_indirect_dma source(%dma_start3A_394 : memref<50x128xf32, #tpu.memory_space<vmem>>) target(%dma_start3A_400 : memref<10240x128xf32, #tpu.memory_space<vmem_shared>>) offsets(%dma_start3A_397 : memref<50xi32, #tpu.memory_space<vmem>>) semaphore(%dma_start3A_402 : memref<!tpu.dma_semaphore, #tpu.memory_space<semaphore_mem>>) {add = true}
      %lt3A_403 = arith.constant 49 : i32
      %lt3A_404 = arith.cmpi slt, %scan3A_229, %lt3A_403 : i32
      %convert_element_type3A_405 = arith.extui %lt3A_404 : i1 to i32
      %cond3A_406 = arith.constant 0 : i32
      %cond3A_407 = arith.cmpi ne, %convert_element_type3A_405, %cond3A_406 : i32
      scf.if %cond3A_407 {
        %add3A_633 = arith.constant 4 : i32
        %add3A_634 = arith.addi %add3A_352, %add3A_633 : i32
        %add3A_635 = arith.addi %mul3A_2, %add3A_634 : i32
        %dma_start3A_636 = arith.constant 1 : i32
        %dma_start3A_637 = arith.constant 1 : i32
        %dma_start3A_638 = arith.constant 0 : i32
        %dma_start3A_639 = tpu.memref_slice %arg6[%dma_start3A_637, %dma_start3A_638] : memref<4x50xi32, #tpu.memory_space<vmem>> -> memref<1x50xi32, #tpu.memory_space<vmem>>
        %dma_start3A_640 = arith.constant 0 : i32
        %dma_start3A_641 = arith.constant 0 : i32
        %dma_start3A_642 = tpu.memref_slice %arg3[%add3A_635, %dma_start3A_640, %dma_start3A_641] : memref<12800x1x50xi32, #tpu.memory_space<hbm>> -> memref<1x1x50xi32, #tpu.memory_space<hbm>>
        %dma_start3A_643 = tpu.memref_squeeze %dma_start3A_642 : memref<1x1x50xi32, #tpu.memory_space<hbm>> -> memref<1x50xi32, #tpu.memory_space<hbm>>
        %dma_start3A_644 = tpu.memref_slice %arg10[%dma_start3A_636] : memref<4x!tpu.dma_semaphore, #tpu.memory_space<semaphore_mem>> -> memref<1x!tpu.dma_semaphore, #tpu.memory_space<semaphore_mem>>
        %dma_start3A_645 = tpu.memref_squeeze %dma_start3A_644 : memref<1x!tpu.dma_semaphore, #tpu.memory_space<semaphore_mem>> -> memref<!tpu.dma_semaphore, #tpu.memory_space<semaphore_mem>>
        %dma_start3A_646 = arith.constant 1 : i32
        %dma_start3A_647 = arith.constant 0 : i32
        %dma_start3A_648 = tpu.memref_slice %arg6[%dma_start3A_646, %dma_start3A_647] : memref<4x50xi32, #tpu.memory_space<vmem>> -> memref<1x50xi32, #tpu.memory_space<vmem>>
        %dma_start3A_649 = arith.constant 0 : i32
        %dma_start3A_650 = arith.constant 0 : i32
        %dma_start3A_651 = tpu.memref_slice %arg3[%add3A_635, %dma_start3A_649, %dma_start3A_650] : memref<12800x1x50xi32, #tpu.memory_space<hbm>> -> memref<1x1x50xi32, #tpu.memory_space<hbm>>
        %dma_start3A_652 = tpu.memref_squeeze %dma_start3A_651 : memref<1x1x50xi32, #tpu.memory_space<hbm>> -> memref<1x50xi32, #tpu.memory_space<hbm>>
        tpu.enqueue_dma source(%dma_start3A_652 : memref<1x50xi32, #tpu.memory_space<hbm>>) target(%dma_start3A_648 : memref<1x50xi32, #tpu.memory_space<vmem>>) target_semaphore(%dma_start3A_645 : memref<!tpu.dma_semaphore, #tpu.memory_space<semaphore_mem>>)
      } else {
      }
      %gt3A_408 = arith.constant 0 : i32
      %gt3A_409 = arith.cmpi sgt, %scan3A_229, %gt3A_408 : i32
      %convert_element_type3A_410 = arith.extui %gt3A_409 : i1 to i32
      %cond3A_411 = arith.constant 0 : i32
      %cond3A_412 = arith.cmpi ne, %convert_element_type3A_410, %cond3A_411 : i32
      scf.if %cond3A_412 {
        %sub3A_633 = arith.constant 2 : i32
        %sub3A_634 = arith.subi %add3A_352, %sub3A_633 : i32
        %dma_wait3A_635 = arith.constant 3 : i32
        %dma_wait3A_636 = arith.constant 3 : i32
        %dma_wait3A_637 = arith.constant 3 : i32
        %dma_wait3A_638 = arith.constant 0 : i32
        %dma_wait3A_639 = arith.constant 0 : i32
        %dma_wait3A_640 = tpu.memref_slice %arg8[%dma_wait3A_635, %dma_wait3A_638, %dma_wait3A_639] : memref<4x50x128xf32, #tpu.memory_space<vmem>> -> memref<1x50x128xf32, #tpu.memory_space<vmem>>
        %dma_wait3A_641 = tpu.memref_squeeze %dma_wait3A_640 : memref<1x50x128xf32, #tpu.memory_space<vmem>> -> memref<50x128xf32, #tpu.memory_space<vmem>>
        %dma_wait3A_642 = arith.constant 0 : i32
        %dma_wait3A_643 = tpu.memref_slice %arg7[%dma_wait3A_636, %dma_wait3A_642] : memref<4x50xi32, #tpu.memory_space<vmem>> -> memref<1x50xi32, #tpu.memory_space<vmem>>
        %dma_wait3A_644 = tpu.memref_squeeze %dma_wait3A_643 : memref<1x50xi32, #tpu.memory_space<vmem>> -> memref<50xi32, #tpu.memory_space<vmem>>
        %dma_wait3A_645 = arith.constant 0 : i32
        %dma_wait3A_646 = arith.constant 0 : i32
        %dma_wait3A_647 = tpu.memref_slice %arg9[%dma_wait3A_645, %dma_wait3A_646] : memref<10240x128xf32, #tpu.memory_space<vmem_shared>> -> memref<10240x128xf32, #tpu.memory_space<vmem_shared>>
        %dma_wait3A_648 = tpu.memref_slice %arg13[%dma_wait3A_637] : memref<4x!tpu.dma_semaphore, #tpu.memory_space<semaphore_mem>> -> memref<1x!tpu.dma_semaphore, #tpu.memory_space<semaphore_mem>>
        %dma_wait3A_649 = tpu.memref_squeeze %dma_wait3A_648 : memref<1x!tpu.dma_semaphore, #tpu.memory_space<semaphore_mem>> -> memref<!tpu.dma_semaphore, #tpu.memory_space<semaphore_mem>>
        tpu.wait_indirect_dma semaphore(%dma_wait3A_649 : memref<!tpu.dma_semaphore, #tpu.memory_space<semaphore_mem>>) src(%dma_wait3A_641 : memref<50x128xf32, #tpu.memory_space<vmem>>) dst(%dma_wait3A_647 : memref<10240x128xf32, #tpu.memory_space<vmem_shared>>)
      } else {
      }
      %add3A_413 = arith.constant 2 : i32
      %add3A_414 = arith.addi %add3A_352, %add3A_413 : i32
      %add3A_415 = arith.constant 6400 : i32
      %add3A_416 = arith.addi %add3A_415, %mul3A_2 : i32
      %add3A_417 = arith.addi %add3A_416, %add3A_414 : i32
      %dma_start3A_418 = arith.constant 3 : i32
      %dma_start3A_419 = arith.constant 3 : i32
      %dma_start3A_420 = arith.constant 0 : i32
      %dma_start3A_421 = tpu.memref_slice %arg7[%dma_start3A_419, %dma_start3A_420] : memref<4x50xi32, #tpu.memory_space<vmem>> -> memref<1x50xi32, #tpu.memory_space<vmem>>
      %dma_start3A_422 = arith.constant 0 : i32
      %dma_start3A_423 = arith.constant 0 : i32
      %dma_start3A_424 = tpu.memref_slice %arg3[%add3A_417, %dma_start3A_422, %dma_start3A_423] : memref<12800x1x50xi32, #tpu.memory_space<hbm>> -> memref<1x1x50xi32, #tpu.memory_space<hbm>>
      %dma_start3A_425 = tpu.memref_squeeze %dma_start3A_424 : memref<1x1x50xi32, #tpu.memory_space<hbm>> -> memref<1x50xi32, #tpu.memory_space<hbm>>
      %dma_start3A_426 = tpu.memref_slice %arg11[%dma_start3A_418] : memref<4x!tpu.dma_semaphore, #tpu.memory_space<semaphore_mem>> -> memref<1x!tpu.dma_semaphore, #tpu.memory_space<semaphore_mem>>
      %dma_start3A_427 = tpu.memref_squeeze %dma_start3A_426 : memref<1x!tpu.dma_semaphore, #tpu.memory_space<semaphore_mem>> -> memref<!tpu.dma_semaphore, #tpu.memory_space<semaphore_mem>>
      %dma_start3A_428 = arith.constant 3 : i32
      %dma_start3A_429 = arith.constant 0 : i32
      %dma_start3A_430 = tpu.memref_slice %arg7[%dma_start3A_428, %dma_start3A_429] : memref<4x50xi32, #tpu.memory_space<vmem>> -> memref<1x50xi32, #tpu.memory_space<vmem>>
      %dma_start3A_431 = arith.constant 0 : i32
      %dma_start3A_432 = arith.constant 0 : i32
      %dma_start3A_433 = tpu.memref_slice %arg3[%add3A_417, %dma_start3A_431, %dma_start3A_432] : memref<12800x1x50xi32, #tpu.memory_space<hbm>> -> memref<1x1x50xi32, #tpu.memory_space<hbm>>
      %dma_start3A_434 = tpu.memref_squeeze %dma_start3A_433 : memref<1x1x50xi32, #tpu.memory_space<hbm>> -> memref<1x50xi32, #tpu.memory_space<hbm>>
      tpu.enqueue_dma source(%dma_start3A_434 : memref<1x50xi32, #tpu.memory_space<hbm>>) target(%dma_start3A_430 : memref<1x50xi32, #tpu.memory_space<vmem>>) target_semaphore(%dma_start3A_427 : memref<!tpu.dma_semaphore, #tpu.memory_space<semaphore_mem>>)
      %add3A_435 = arith.constant 2 : i32
      %add3A_436 = arith.addi %add3A_352, %add3A_435 : i32
      %add3A_437 = arith.addi %mul3A_2, %add3A_436 : i32
      %dma_wait3A_438 = arith.constant 3 : i32
      %dma_wait3A_439 = arith.constant 3 : i32
      %dma_wait3A_440 = arith.constant 0 : i32
      %dma_wait3A_441 = tpu.memref_slice %arg6[%dma_wait3A_439, %dma_wait3A_440] : memref<4x50xi32, #tpu.memory_space<vmem>> -> memref<1x50xi32, #tpu.memory_space<vmem>>
      %dma_wait3A_442 = arith.constant 0 : i32
      %dma_wait3A_443 = arith.constant 0 : i32
      %dma_wait3A_444 = tpu.memref_slice %arg3[%add3A_437, %dma_wait3A_442, %dma_wait3A_443] : memref<12800x1x50xi32, #tpu.memory_space<hbm>> -> memref<1x1x50xi32, #tpu.memory_space<hbm>>
      %dma_wait3A_445 = tpu.memref_squeeze %dma_wait3A_444 : memref<1x1x50xi32, #tpu.memory_space<hbm>> -> memref<1x50xi32, #tpu.memory_space<hbm>>
      %dma_wait3A_446 = tpu.memref_slice %arg10[%dma_wait3A_438] : memref<4x!tpu.dma_semaphore, #tpu.memory_space<semaphore_mem>> -> memref<1x!tpu.dma_semaphore, #tpu.memory_space<semaphore_mem>>
      %dma_wait3A_447 = tpu.memref_squeeze %dma_wait3A_446 : memref<1x!tpu.dma_semaphore, #tpu.memory_space<semaphore_mem>> -> memref<!tpu.dma_semaphore, #tpu.memory_space<semaphore_mem>>
      %dma_wait3A_448 = arith.constant 3 : i32
      %dma_wait3A_449 = arith.constant 0 : i32
      %dma_wait3A_450 = tpu.memref_slice %arg6[%dma_wait3A_448, %dma_wait3A_449] : memref<4x50xi32, #tpu.memory_space<vmem>> -> memref<1x50xi32, #tpu.memory_space<vmem>>
      %dma_wait3A_451 = arith.constant 0 : i32
      %dma_wait3A_452 = arith.constant 0 : i32
      %dma_wait3A_453 = tpu.memref_slice %arg3[%add3A_437, %dma_wait3A_451, %dma_wait3A_452] : memref<12800x1x50xi32, #tpu.memory_space<hbm>> -> memref<1x1x50xi32, #tpu.memory_space<hbm>>
      %dma_wait3A_454 = tpu.memref_squeeze %dma_wait3A_453 : memref<1x1x50xi32, #tpu.memory_space<hbm>> -> memref<1x50xi32, #tpu.memory_space<hbm>>
      tpu.wait_dma2 semaphore(%dma_wait3A_447 : memref<!tpu.dma_semaphore, #tpu.memory_space<semaphore_mem>>) src(%dma_wait3A_454 : memref<1x50xi32, #tpu.memory_space<hbm>>) dst(%dma_wait3A_450 : memref<1x50xi32, #tpu.memory_space<vmem>>)
      %add3A_455 = arith.constant 2 : i32
      %add3A_456 = arith.addi %add3A_352, %add3A_455 : i32
      %dma_start3A_457 = arith.constant 3 : i32
      %dma_start3A_458 = arith.constant 3 : i32
      %dma_start3A_459 = arith.constant 3 : i32
      %dma_start3A_460 = arith.constant 0 : i32
      %dma_start3A_461 = arith.constant 0 : i32
      %dma_start3A_462 = tpu.memref_slice %arg8[%dma_start3A_458, %dma_start3A_460, %dma_start3A_461] : memref<4x50x128xf32, #tpu.memory_space<vmem>> -> memref<1x50x128xf32, #tpu.memory_space<vmem>>
      %dma_start3A_463 = tpu.memref_squeeze %dma_start3A_462 : memref<1x50x128xf32, #tpu.memory_space<vmem>> -> memref<50x128xf32, #tpu.memory_space<vmem>>
      %dma_start3A_464 = arith.constant 0 : i32
      %dma_start3A_465 = tpu.memref_slice %arg6[%dma_start3A_457, %dma_start3A_464] : memref<4x50xi32, #tpu.memory_space<vmem>> -> memref<1x50xi32, #tpu.memory_space<vmem>>
      %dma_start3A_466 = tpu.memref_squeeze %dma_start3A_465 : memref<1x50xi32, #tpu.memory_space<vmem>> -> memref<50xi32, #tpu.memory_space<vmem>>
      %dma_start3A_467 = arith.constant 0 : i32
      %dma_start3A_468 = arith.constant 0 : i32
      %dma_start3A_469 = tpu.memref_slice %arg2[%dma_start3A_467, %dma_start3A_468] : memref<10000x128xf32, #tpu.memory_space<hbm>> -> memref<10000x128xf32, #tpu.memory_space<hbm>>
      %dma_start3A_470 = tpu.memref_slice %arg12[%dma_start3A_459] : memref<4x!tpu.dma_semaphore, #tpu.memory_space<semaphore_mem>> -> memref<1x!tpu.dma_semaphore, #tpu.memory_space<semaphore_mem>>
      %dma_start3A_471 = tpu.memref_squeeze %dma_start3A_470 : memref<1x!tpu.dma_semaphore, #tpu.memory_space<semaphore_mem>> -> memref<!tpu.dma_semaphore, #tpu.memory_space<semaphore_mem>>
      tpu.enqueue_indirect_dma source(%dma_start3A_469 : memref<10000x128xf32, #tpu.memory_space<hbm>>) target(%dma_start3A_463 : memref<50x128xf32, #tpu.memory_space<vmem>>) offsets(%dma_start3A_466 : memref<50xi32, #tpu.memory_space<vmem>>) semaphore(%dma_start3A_471 : memref<!tpu.dma_semaphore, #tpu.memory_space<semaphore_mem>>)
      %mul3A_472 = arith.constant 4 : i32
      %mul3A_473 = arith.muli %mul3A_472, %scan3A_229 : i32
      %add3A_474 = arith.constant 2 : i32
      %add3A_475 = arith.addi %mul3A_473, %add3A_474 : i32
      %dma_wait3A_476 = arith.constant 2 : i32
      %dma_wait3A_477 = arith.constant 2 : i32
      %dma_wait3A_478 = arith.constant 2 : i32
      %dma_wait3A_479 = arith.constant 0 : i32
      %dma_wait3A_480 = arith.constant 0 : i32
      %dma_wait3A_481 = tpu.memref_slice %arg8[%dma_wait3A_477, %dma_wait3A_479, %dma_wait3A_480] : memref<4x50x128xf32, #tpu.memory_space<vmem>> -> memref<1x50x128xf32, #tpu.memory_space<vmem>>
      %dma_wait3A_482 = tpu.memref_squeeze %dma_wait3A_481 : memref<1x50x128xf32, #tpu.memory_space<vmem>> -> memref<50x128xf32, #tpu.memory_space<vmem>>
      %dma_wait3A_483 = arith.constant 0 : i32
      %dma_wait3A_484 = tpu.memref_slice %arg6[%dma_wait3A_476, %dma_wait3A_483] : memref<4x50xi32, #tpu.memory_space<vmem>> -> memref<1x50xi32, #tpu.memory_space<vmem>>
      %dma_wait3A_485 = tpu.memref_squeeze %dma_wait3A_484 : memref<1x50xi32, #tpu.memory_space<vmem>> -> memref<50xi32, #tpu.memory_space<vmem>>
      %dma_wait3A_486 = arith.constant 0 : i32
      %dma_wait3A_487 = arith.constant 0 : i32
      %dma_wait3A_488 = tpu.memref_slice %arg2[%dma_wait3A_486, %dma_wait3A_487] : memref<10000x128xf32, #tpu.memory_space<hbm>> -> memref<10000x128xf32, #tpu.memory_space<hbm>>
      %dma_wait3A_489 = tpu.memref_slice %arg12[%dma_wait3A_478] : memref<4x!tpu.dma_semaphore, #tpu.memory_space<semaphore_mem>> -> memref<1x!tpu.dma_semaphore, #tpu.memory_space<semaphore_mem>>
      %dma_wait3A_490 = tpu.memref_squeeze %dma_wait3A_489 : memref<1x!tpu.dma_semaphore, #tpu.memory_space<semaphore_mem>> -> memref<!tpu.dma_semaphore, #tpu.memory_space<semaphore_mem>>
      tpu.wait_indirect_dma semaphore(%dma_wait3A_490 : memref<!tpu.dma_semaphore, #tpu.memory_space<semaphore_mem>>) src(%dma_wait3A_488 : memref<10000x128xf32, #tpu.memory_space<hbm>>) dst(%dma_wait3A_482 : memref<50x128xf32, #tpu.memory_space<vmem>>)
      %add3A_491 = arith.constant 6400 : i32
      %add3A_492 = arith.addi %add3A_491, %mul3A_2 : i32
      %add3A_493 = arith.addi %add3A_492, %add3A_475 : i32
      %dma_wait3A_494 = arith.constant 2 : i32
      %dma_wait3A_495 = arith.constant 2 : i32
      %dma_wait3A_496 = arith.constant 0 : i32
      %dma_wait3A_497 = tpu.memref_slice %arg7[%dma_wait3A_495, %dma_wait3A_496] : memref<4x50xi32, #tpu.memory_space<vmem>> -> memref<1x50xi32, #tpu.memory_space<vmem>>
      %dma_wait3A_498 = arith.constant 0 : i32
      %dma_wait3A_499 = arith.constant 0 : i32
      %dma_wait3A_500 = tpu.memref_slice %arg3[%add3A_493, %dma_wait3A_498, %dma_wait3A_499] : memref<12800x1x50xi32, #tpu.memory_space<hbm>> -> memref<1x1x50xi32, #tpu.memory_space<hbm>>
      %dma_wait3A_501 = tpu.memref_squeeze %dma_wait3A_500 : memref<1x1x50xi32, #tpu.memory_space<hbm>> -> memref<1x50xi32, #tpu.memory_space<hbm>>
      %dma_wait3A_502 = tpu.memref_slice %arg11[%dma_wait3A_494] : memref<4x!tpu.dma_semaphore, #tpu.memory_space<semaphore_mem>> -> memref<1x!tpu.dma_semaphore, #tpu.memory_space<semaphore_mem>>
      %dma_wait3A_503 = tpu.memref_squeeze %dma_wait3A_502 : memref<1x!tpu.dma_semaphore, #tpu.memory_space<semaphore_mem>> -> memref<!tpu.dma_semaphore, #tpu.memory_space<semaphore_mem>>
      %dma_wait3A_504 = arith.constant 2 : i32
      %dma_wait3A_505 = arith.constant 0 : i32
      %dma_wait3A_506 = tpu.memref_slice %arg7[%dma_wait3A_504, %dma_wait3A_505] : memref<4x50xi32, #tpu.memory_space<vmem>> -> memref<1x50xi32, #tpu.memory_space<vmem>>
      %dma_wait3A_507 = arith.constant 0 : i32
      %dma_wait3A_508 = arith.constant 0 : i32
      %dma_wait3A_509 = tpu.memref_slice %arg3[%add3A_493, %dma_wait3A_507, %dma_wait3A_508] : memref<12800x1x50xi32, #tpu.memory_space<hbm>> -> memref<1x1x50xi32, #tpu.memory_space<hbm>>
      %dma_wait3A_510 = tpu.memref_squeeze %dma_wait3A_509 : memref<1x1x50xi32, #tpu.memory_space<hbm>> -> memref<1x50xi32, #tpu.memory_space<hbm>>
      tpu.wait_dma2 semaphore(%dma_wait3A_503 : memref<!tpu.dma_semaphore, #tpu.memory_space<semaphore_mem>>) src(%dma_wait3A_510 : memref<1x50xi32, #tpu.memory_space<hbm>>) dst(%dma_wait3A_506 : memref<1x50xi32, #tpu.memory_space<vmem>>)
      %dma_start3A_511 = arith.constant 2 : i32
      %dma_start3A_512 = arith.constant 2 : i32
      %dma_start3A_513 = arith.constant 2 : i32
      %dma_start3A_514 = arith.constant 0 : i32
      %dma_start3A_515 = arith.constant 0 : i32
      %dma_start3A_516 = tpu.memref_slice %arg8[%dma_start3A_511, %dma_start3A_514, %dma_start3A_515] : memref<4x50x128xf32, #tpu.memory_space<vmem>> -> memref<1x50x128xf32, #tpu.memory_space<vmem>>
      %dma_start3A_517 = tpu.memref_squeeze %dma_start3A_516 : memref<1x50x128xf32, #tpu.memory_space<vmem>> -> memref<50x128xf32, #tpu.memory_space<vmem>>
      %dma_start3A_518 = arith.constant 0 : i32
      %dma_start3A_519 = tpu.memref_slice %arg7[%dma_start3A_512, %dma_start3A_518] : memref<4x50xi32, #tpu.memory_space<vmem>> -> memref<1x50xi32, #tpu.memory_space<vmem>>
      %dma_start3A_520 = tpu.memref_squeeze %dma_start3A_519 : memref<1x50xi32, #tpu.memory_space<vmem>> -> memref<50xi32, #tpu.memory_space<vmem>>
      %dma_start3A_521 = arith.constant 0 : i32
      %dma_start3A_522 = arith.constant 0 : i32
      %dma_start3A_523 = tpu.memref_slice %arg9[%dma_start3A_521, %dma_start3A_522] : memref<10240x128xf32, #tpu.memory_space<vmem_shared>> -> memref<10240x128xf32, #tpu.memory_space<vmem_shared>>
      %dma_start3A_524 = tpu.memref_slice %arg13[%dma_start3A_513] : memref<4x!tpu.dma_semaphore, #tpu.memory_space<semaphore_mem>> -> memref<1x!tpu.dma_semaphore, #tpu.memory_space<semaphore_mem>>
      %dma_start3A_525 = tpu.memref_squeeze %dma_start3A_524 : memref<1x!tpu.dma_semaphore, #tpu.memory_space<semaphore_mem>> -> memref<!tpu.dma_semaphore, #tpu.memory_space<semaphore_mem>>
      tpu.enqueue_indirect_dma source(%dma_start3A_517 : memref<50x128xf32, #tpu.memory_space<vmem>>) target(%dma_start3A_523 : memref<10240x128xf32, #tpu.memory_space<vmem_shared>>) offsets(%dma_start3A_520 : memref<50xi32, #tpu.memory_space<vmem>>) semaphore(%dma_start3A_525 : memref<!tpu.dma_semaphore, #tpu.memory_space<semaphore_mem>>) {add = true}
      %lt3A_526 = arith.constant 49 : i32
      %lt3A_527 = arith.cmpi slt, %scan3A_229, %lt3A_526 : i32
      %convert_element_type3A_528 = arith.extui %lt3A_527 : i1 to i32
      %cond3A_529 = arith.constant 0 : i32
      %cond3A_530 = arith.cmpi ne, %convert_element_type3A_528, %cond3A_529 : i32
      scf.if %cond3A_530 {
        %add3A_633 = arith.constant 4 : i32
        %add3A_634 = arith.addi %add3A_475, %add3A_633 : i32
        %add3A_635 = arith.addi %mul3A_2, %add3A_634 : i32
        %dma_start3A_636 = arith.constant 2 : i32
        %dma_start3A_637 = arith.constant 2 : i32
        %dma_start3A_638 = arith.constant 0 : i32
        %dma_start3A_639 = tpu.memref_slice %arg6[%dma_start3A_637, %dma_start3A_638] : memref<4x50xi32, #tpu.memory_space<vmem>> -> memref<1x50xi32, #tpu.memory_space<vmem>>
        %dma_start3A_640 = arith.constant 0 : i32
        %dma_start3A_641 = arith.constant 0 : i32
        %dma_start3A_642 = tpu.memref_slice %arg3[%add3A_635, %dma_start3A_640, %dma_start3A_641] : memref<12800x1x50xi32, #tpu.memory_space<hbm>> -> memref<1x1x50xi32, #tpu.memory_space<hbm>>
        %dma_start3A_643 = tpu.memref_squeeze %dma_start3A_642 : memref<1x1x50xi32, #tpu.memory_space<hbm>> -> memref<1x50xi32, #tpu.memory_space<hbm>>
        %dma_start3A_644 = tpu.memref_slice %arg10[%dma_start3A_636] : memref<4x!tpu.dma_semaphore, #tpu.memory_space<semaphore_mem>> -> memref<1x!tpu.dma_semaphore, #tpu.memory_space<semaphore_mem>>
        %dma_start3A_645 = tpu.memref_squeeze %dma_start3A_644 : memref<1x!tpu.dma_semaphore, #tpu.memory_space<semaphore_mem>> -> memref<!tpu.dma_semaphore, #tpu.memory_space<semaphore_mem>>
        %dma_start3A_646 = arith.constant 2 : i32
        %dma_start3A_647 = arith.constant 0 : i32
        %dma_start3A_648 = tpu.memref_slice %arg6[%dma_start3A_646, %dma_start3A_647] : memref<4x50xi32, #tpu.memory_space<vmem>> -> memref<1x50xi32, #tpu.memory_space<vmem>>
        %dma_start3A_649 = arith.constant 0 : i32
        %dma_start3A_650 = arith.constant 0 : i32
        %dma_start3A_651 = tpu.memref_slice %arg3[%add3A_635, %dma_start3A_649, %dma_start3A_650] : memref<12800x1x50xi32, #tpu.memory_space<hbm>> -> memref<1x1x50xi32, #tpu.memory_space<hbm>>
        %dma_start3A_652 = tpu.memref_squeeze %dma_start3A_651 : memref<1x1x50xi32, #tpu.memory_space<hbm>> -> memref<1x50xi32, #tpu.memory_space<hbm>>
        tpu.enqueue_dma source(%dma_start3A_652 : memref<1x50xi32, #tpu.memory_space<hbm>>) target(%dma_start3A_648 : memref<1x50xi32, #tpu.memory_space<vmem>>) target_semaphore(%dma_start3A_645 : memref<!tpu.dma_semaphore, #tpu.memory_space<semaphore_mem>>)
      } else {
      }
      %sub3A = arith.constant 2 : i32
      %sub3A_531 = arith.subi %add3A_475, %sub3A : i32
      %dma_wait3A_532 = arith.constant 0 : i32
      %dma_wait3A_533 = arith.constant 0 : i32
      %dma_wait3A_534 = arith.constant 0 : i32
      %dma_wait3A_535 = arith.constant 0 : i32
      %dma_wait3A_536 = arith.constant 0 : i32
      %dma_wait3A_537 = tpu.memref_slice %arg8[%dma_wait3A_532, %dma_wait3A_535, %dma_wait3A_536] : memref<4x50x128xf32, #tpu.memory_space<vmem>> -> memref<1x50x128xf32, #tpu.memory_space<vmem>>
      %dma_wait3A_538 = tpu.memref_squeeze %dma_wait3A_537 : memref<1x50x128xf32, #tpu.memory_space<vmem>> -> memref<50x128xf32, #tpu.memory_space<vmem>>
      %dma_wait3A_539 = arith.constant 0 : i32
      %dma_wait3A_540 = tpu.memref_slice %arg7[%dma_wait3A_533, %dma_wait3A_539] : memref<4x50xi32, #tpu.memory_space<vmem>> -> memref<1x50xi32, #tpu.memory_space<vmem>>
      %dma_wait3A_541 = tpu.memref_squeeze %dma_wait3A_540 : memref<1x50xi32, #tpu.memory_space<vmem>> -> memref<50xi32, #tpu.memory_space<vmem>>
      %dma_wait3A_542 = arith.constant 0 : i32
      %dma_wait3A_543 = arith.constant 0 : i32
      %dma_wait3A_544 = tpu.memref_slice %arg9[%dma_wait3A_542, %dma_wait3A_543] : memref<10240x128xf32, #tpu.memory_space<vmem_shared>> -> memref<10240x128xf32, #tpu.memory_space<vmem_shared>>
      %dma_wait3A_545 = tpu.memref_slice %arg13[%dma_wait3A_534] : memref<4x!tpu.dma_semaphore, #tpu.memory_space<semaphore_mem>> -> memref<1x!tpu.dma_semaphore, #tpu.memory_space<semaphore_mem>>
      %dma_wait3A_546 = tpu.memref_squeeze %dma_wait3A_545 : memref<1x!tpu.dma_semaphore, #tpu.memory_space<semaphore_mem>> -> memref<!tpu.dma_semaphore, #tpu.memory_space<semaphore_mem>>
      tpu.wait_indirect_dma semaphore(%dma_wait3A_546 : memref<!tpu.dma_semaphore, #tpu.memory_space<semaphore_mem>>) src(%dma_wait3A_538 : memref<50x128xf32, #tpu.memory_space<vmem>>) dst(%dma_wait3A_544 : memref<10240x128xf32, #tpu.memory_space<vmem_shared>>)
      %lt3A_547 = arith.constant 49 : i32
      %lt3A_548 = arith.cmpi slt, %scan3A_229, %lt3A_547 : i32
      %convert_element_type3A_549 = arith.extui %lt3A_548 : i1 to i32
      %cond3A_550 = arith.constant 0 : i32
      %cond3A_551 = arith.cmpi ne, %convert_element_type3A_549, %cond3A_550 : i32
      scf.if %cond3A_551 {
        %add3A_633 = arith.constant 2 : i32
        %add3A_634 = arith.addi %add3A_475, %add3A_633 : i32
        %add3A_635 = arith.constant 6400 : i32
        %add3A_636 = arith.addi %add3A_635, %mul3A_2 : i32
        %add3A_637 = arith.addi %add3A_636, %add3A_634 : i32
        %dma_start3A_638 = arith.constant 0 : i32
        %dma_start3A_639 = arith.constant 0 : i32
        %dma_start3A_640 = arith.constant 0 : i32
        %dma_start3A_641 = tpu.memref_slice %arg7[%dma_start3A_639, %dma_start3A_640] : memref<4x50xi32, #tpu.memory_space<vmem>> -> memref<1x50xi32, #tpu.memory_space<vmem>>
        %dma_start3A_642 = arith.constant 0 : i32
        %dma_start3A_643 = arith.constant 0 : i32
        %dma_start3A_644 = tpu.memref_slice %arg3[%add3A_637, %dma_start3A_642, %dma_start3A_643] : memref<12800x1x50xi32, #tpu.memory_space<hbm>> -> memref<1x1x50xi32, #tpu.memory_space<hbm>>
        %dma_start3A_645 = tpu.memref_squeeze %dma_start3A_644 : memref<1x1x50xi32, #tpu.memory_space<hbm>> -> memref<1x50xi32, #tpu.memory_space<hbm>>
        %dma_start3A_646 = tpu.memref_slice %arg11[%dma_start3A_638] : memref<4x!tpu.dma_semaphore, #tpu.memory_space<semaphore_mem>> -> memref<1x!tpu.dma_semaphore, #tpu.memory_space<semaphore_mem>>
        %dma_start3A_647 = tpu.memref_squeeze %dma_start3A_646 : memref<1x!tpu.dma_semaphore, #tpu.memory_space<semaphore_mem>> -> memref<!tpu.dma_semaphore, #tpu.memory_space<semaphore_mem>>
        %dma_start3A_648 = arith.constant 0 : i32
        %dma_start3A_649 = arith.constant 0 : i32
        %dma_start3A_650 = tpu.memref_slice %arg7[%dma_start3A_648, %dma_start3A_649] : memref<4x50xi32, #tpu.memory_space<vmem>> -> memref<1x50xi32, #tpu.memory_space<vmem>>
        %dma_start3A_651 = arith.constant 0 : i32
        %dma_start3A_652 = arith.constant 0 : i32
        %dma_start3A_653 = tpu.memref_slice %arg3[%add3A_637, %dma_start3A_651, %dma_start3A_652] : memref<12800x1x50xi32, #tpu.memory_space<hbm>> -> memref<1x1x50xi32, #tpu.memory_space<hbm>>
        %dma_start3A_654 = tpu.memref_squeeze %dma_start3A_653 : memref<1x1x50xi32, #tpu.memory_space<hbm>> -> memref<1x50xi32, #tpu.memory_space<hbm>>
        tpu.enqueue_dma source(%dma_start3A_654 : memref<1x50xi32, #tpu.memory_space<hbm>>) target(%dma_start3A_650 : memref<1x50xi32, #tpu.memory_space<vmem>>) target_semaphore(%dma_start3A_647 : memref<!tpu.dma_semaphore, #tpu.memory_space<semaphore_mem>>)
        %add3A_655 = arith.constant 2 : i32
        %add3A_656 = arith.addi %add3A_475, %add3A_655 : i32
        %add3A_657 = arith.addi %mul3A_2, %add3A_656 : i32
        %dma_wait3A_658 = arith.constant 0 : i32
        %dma_wait3A_659 = arith.constant 0 : i32
        %dma_wait3A_660 = arith.constant 0 : i32
        %dma_wait3A_661 = tpu.memref_slice %arg6[%dma_wait3A_659, %dma_wait3A_660] : memref<4x50xi32, #tpu.memory_space<vmem>> -> memref<1x50xi32, #tpu.memory_space<vmem>>
        %dma_wait3A_662 = arith.constant 0 : i32
        %dma_wait3A_663 = arith.constant 0 : i32
        %dma_wait3A_664 = tpu.memref_slice %arg3[%add3A_657, %dma_wait3A_662, %dma_wait3A_663] : memref<12800x1x50xi32, #tpu.memory_space<hbm>> -> memref<1x1x50xi32, #tpu.memory_space<hbm>>
        %dma_wait3A_665 = tpu.memref_squeeze %dma_wait3A_664 : memref<1x1x50xi32, #tpu.memory_space<hbm>> -> memref<1x50xi32, #tpu.memory_space<hbm>>
        %dma_wait3A_666 = tpu.memref_slice %arg10[%dma_wait3A_658] : memref<4x!tpu.dma_semaphore, #tpu.memory_space<semaphore_mem>> -> memref<1x!tpu.dma_semaphore, #tpu.memory_space<semaphore_mem>>
        %dma_wait3A_667 = tpu.memref_squeeze %dma_wait3A_666 : memref<1x!tpu.dma_semaphore, #tpu.memory_space<semaphore_mem>> -> memref<!tpu.dma_semaphore, #tpu.memory_space<semaphore_mem>>
        %dma_wait3A_668 = arith.constant 0 : i32
        %dma_wait3A_669 = arith.constant 0 : i32
        %dma_wait3A_670 = tpu.memref_slice %arg6[%dma_wait3A_668, %dma_wait3A_669] : memref<4x50xi32, #tpu.memory_space<vmem>> -> memref<1x50xi32, #tpu.memory_space<vmem>>
        %dma_wait3A_671 = arith.constant 0 : i32
        %dma_wait3A_672 = arith.constant 0 : i32
        %dma_wait3A_673 = tpu.memref_slice %arg3[%add3A_657, %dma_wait3A_671, %dma_wait3A_672] : memref<12800x1x50xi32, #tpu.memory_space<hbm>> -> memref<1x1x50xi32, #tpu.memory_space<hbm>>
        %dma_wait3A_674 = tpu.memref_squeeze %dma_wait3A_673 : memref<1x1x50xi32, #tpu.memory_space<hbm>> -> memref<1x50xi32, #tpu.memory_space<hbm>>
        tpu.wait_dma2 semaphore(%dma_wait3A_667 : memref<!tpu.dma_semaphore, #tpu.memory_space<semaphore_mem>>) src(%dma_wait3A_674 : memref<1x50xi32, #tpu.memory_space<hbm>>) dst(%dma_wait3A_670 : memref<1x50xi32, #tpu.memory_space<vmem>>)
        %add3A_675 = arith.constant 2 : i32
        %add3A_676 = arith.addi %add3A_475, %add3A_675 : i32
        %dma_start3A_677 = arith.constant 0 : i32
        %dma_start3A_678 = arith.constant 0 : i32
        %dma_start3A_679 = arith.constant 0 : i32
        %dma_start3A_680 = arith.constant 0 : i32
        %dma_start3A_681 = arith.constant 0 : i32
        %dma_start3A_682 = tpu.memref_slice %arg8[%dma_start3A_678, %dma_start3A_680, %dma_start3A_681] : memref<4x50x128xf32, #tpu.memory_space<vmem>> -> memref<1x50x128xf32, #tpu.memory_space<vmem>>
        %dma_start3A_683 = tpu.memref_squeeze %dma_start3A_682 : memref<1x50x128xf32, #tpu.memory_space<vmem>> -> memref<50x128xf32, #tpu.memory_space<vmem>>
        %dma_start3A_684 = arith.constant 0 : i32
        %dma_start3A_685 = tpu.memref_slice %arg6[%dma_start3A_677, %dma_start3A_684] : memref<4x50xi32, #tpu.memory_space<vmem>> -> memref<1x50xi32, #tpu.memory_space<vmem>>
        %dma_start3A_686 = tpu.memref_squeeze %dma_start3A_685 : memref<1x50xi32, #tpu.memory_space<vmem>> -> memref<50xi32, #tpu.memory_space<vmem>>
        %dma_start3A_687 = arith.constant 0 : i32
        %dma_start3A_688 = arith.constant 0 : i32
        %dma_start3A_689 = tpu.memref_slice %arg2[%dma_start3A_687, %dma_start3A_688] : memref<10000x128xf32, #tpu.memory_space<hbm>> -> memref<10000x128xf32, #tpu.memory_space<hbm>>
        %dma_start3A_690 = tpu.memref_slice %arg12[%dma_start3A_679] : memref<4x!tpu.dma_semaphore, #tpu.memory_space<semaphore_mem>> -> memref<1x!tpu.dma_semaphore, #tpu.memory_space<semaphore_mem>>
        %dma_start3A_691 = tpu.memref_squeeze %dma_start3A_690 : memref<1x!tpu.dma_semaphore, #tpu.memory_space<semaphore_mem>> -> memref<!tpu.dma_semaphore, #tpu.memory_space<semaphore_mem>>
        tpu.enqueue_indirect_dma source(%dma_start3A_689 : memref<10000x128xf32, #tpu.memory_space<hbm>>) target(%dma_start3A_683 : memref<50x128xf32, #tpu.memory_space<vmem>>) offsets(%dma_start3A_686 : memref<50xi32, #tpu.memory_space<vmem>>) semaphore(%dma_start3A_691 : memref<!tpu.dma_semaphore, #tpu.memory_space<semaphore_mem>>)
      } else {
      }
      %mul3A_552 = arith.constant 4 : i32
      %mul3A_553 = arith.muli %mul3A_552, %scan3A_229 : i32
      %add3A_554 = arith.constant 3 : i32
      %add3A_555 = arith.addi %mul3A_553, %add3A_554 : i32
      %dma_wait3A_556 = arith.constant 3 : i32
      %dma_wait3A_557 = arith.constant 3 : i32
      %dma_wait3A_558 = arith.constant 3 : i32
      %dma_wait3A_559 = arith.constant 0 : i32
      %dma_wait3A_560 = arith.constant 0 : i32
      %dma_wait3A_561 = tpu.memref_slice %arg8[%dma_wait3A_557, %dma_wait3A_559, %dma_wait3A_560] : memref<4x50x128xf32, #tpu.memory_space<vmem>> -> memref<1x50x128xf32, #tpu.memory_space<vmem>>
      %dma_wait3A_562 = tpu.memref_squeeze %dma_wait3A_561 : memref<1x50x128xf32, #tpu.memory_space<vmem>> -> memref<50x128xf32, #tpu.memory_space<vmem>>
      %dma_wait3A_563 = arith.constant 0 : i32
      %dma_wait3A_564 = tpu.memref_slice %arg6[%dma_wait3A_556, %dma_wait3A_563] : memref<4x50xi32, #tpu.memory_space<vmem>> -> memref<1x50xi32, #tpu.memory_space<vmem>>
      %dma_wait3A_565 = tpu.memref_squeeze %dma_wait3A_564 : memref<1x50xi32, #tpu.memory_space<vmem>> -> memref<50xi32, #tpu.memory_space<vmem>>
      %dma_wait3A_566 = arith.constant 0 : i32
      %dma_wait3A_567 = arith.constant 0 : i32
      %dma_wait3A_568 = tpu.memref_slice %arg2[%dma_wait3A_566, %dma_wait3A_567] : memref<10000x128xf32, #tpu.memory_space<hbm>> -> memref<10000x128xf32, #tpu.memory_space<hbm>>
      %dma_wait3A_569 = tpu.memref_slice %arg12[%dma_wait3A_558] : memref<4x!tpu.dma_semaphore, #tpu.memory_space<semaphore_mem>> -> memref<1x!tpu.dma_semaphore, #tpu.memory_space<semaphore_mem>>
      %dma_wait3A_570 = tpu.memref_squeeze %dma_wait3A_569 : memref<1x!tpu.dma_semaphore, #tpu.memory_space<semaphore_mem>> -> memref<!tpu.dma_semaphore, #tpu.memory_space<semaphore_mem>>
      tpu.wait_indirect_dma semaphore(%dma_wait3A_570 : memref<!tpu.dma_semaphore, #tpu.memory_space<semaphore_mem>>) src(%dma_wait3A_568 : memref<10000x128xf32, #tpu.memory_space<hbm>>) dst(%dma_wait3A_562 : memref<50x128xf32, #tpu.memory_space<vmem>>)
      %add3A_571 = arith.constant 6400 : i32
      %add3A_572 = arith.addi %add3A_571, %mul3A_2 : i32
      %add3A_573 = arith.addi %add3A_572, %add3A_555 : i32
      %dma_wait3A_574 = arith.constant 3 : i32
      %dma_wait3A_575 = arith.constant 3 : i32
      %dma_wait3A_576 = arith.constant 0 : i32
      %dma_wait3A_577 = tpu.memref_slice %arg7[%dma_wait3A_575, %dma_wait3A_576] : memref<4x50xi32, #tpu.memory_space<vmem>> -> memref<1x50xi32, #tpu.memory_space<vmem>>
      %dma_wait3A_578 = arith.constant 0 : i32
      %dma_wait3A_579 = arith.constant 0 : i32
      %dma_wait3A_580 = tpu.memref_slice %arg3[%add3A_573, %dma_wait3A_578, %dma_wait3A_579] : memref<12800x1x50xi32, #tpu.memory_space<hbm>> -> memref<1x1x50xi32, #tpu.memory_space<hbm>>
      %dma_wait3A_581 = tpu.memref_squeeze %dma_wait3A_580 : memref<1x1x50xi32, #tpu.memory_space<hbm>> -> memref<1x50xi32, #tpu.memory_space<hbm>>
      %dma_wait3A_582 = tpu.memref_slice %arg11[%dma_wait3A_574] : memref<4x!tpu.dma_semaphore, #tpu.memory_space<semaphore_mem>> -> memref<1x!tpu.dma_semaphore, #tpu.memory_space<semaphore_mem>>
      %dma_wait3A_583 = tpu.memref_squeeze %dma_wait3A_582 : memref<1x!tpu.dma_semaphore, #tpu.memory_space<semaphore_mem>> -> memref<!tpu.dma_semaphore, #tpu.memory_space<semaphore_mem>>
      %dma_wait3A_584 = arith.constant 3 : i32
      %dma_wait3A_585 = arith.constant 0 : i32
      %dma_wait3A_586 = tpu.memref_slice %arg7[%dma_wait3A_584, %dma_wait3A_585] : memref<4x50xi32, #tpu.memory_space<vmem>> -> memref<1x50xi32, #tpu.memory_space<vmem>>
      %dma_wait3A_587 = arith.constant 0 : i32
      %dma_wait3A_588 = arith.constant 0 : i32
      %dma_wait3A_589 = tpu.memref_slice %arg3[%add3A_573, %dma_wait3A_587, %dma_wait3A_588] : memref<12800x1x50xi32, #tpu.memory_space<hbm>> -> memref<1x1x50xi32, #tpu.memory_space<hbm>>
      %dma_wait3A_590 = tpu.memref_squeeze %dma_wait3A_589 : memref<1x1x50xi32, #tpu.memory_space<hbm>> -> memref<1x50xi32, #tpu.memory_space<hbm>>
      tpu.wait_dma2 semaphore(%dma_wait3A_583 : memref<!tpu.dma_semaphore, #tpu.memory_space<semaphore_mem>>) src(%dma_wait3A_590 : memref<1x50xi32, #tpu.memory_space<hbm>>) dst(%dma_wait3A_586 : memref<1x50xi32, #tpu.memory_space<vmem>>)
      %dma_start3A_591 = arith.constant 3 : i32
      %dma_start3A_592 = arith.constant 3 : i32
      %dma_start3A_593 = arith.constant 3 : i32
      %dma_start3A_594 = arith.constant 0 : i32
      %dma_start3A_595 = arith.constant 0 : i32
      %dma_start3A_596 = tpu.memref_slice %arg8[%dma_start3A_591, %dma_start3A_594, %dma_start3A_595] : memref<4x50x128xf32, #tpu.memory_space<vmem>> -> memref<1x50x128xf32, #tpu.memory_space<vmem>>
      %dma_start3A_597 = tpu.memref_squeeze %dma_start3A_596 : memref<1x50x128xf32, #tpu.memory_space<vmem>> -> memref<50x128xf32, #tpu.memory_space<vmem>>
      %dma_start3A_598 = arith.constant 0 : i32
      %dma_start3A_599 = tpu.memref_slice %arg7[%dma_start3A_592, %dma_start3A_598] : memref<4x50xi32, #tpu.memory_space<vmem>> -> memref<1x50xi32, #tpu.memory_space<vmem>>
      %dma_start3A_600 = tpu.memref_squeeze %dma_start3A_599 : memref<1x50xi32, #tpu.memory_space<vmem>> -> memref<50xi32, #tpu.memory_space<vmem>>
      %dma_start3A_601 = arith.constant 0 : i32
      %dma_start3A_602 = arith.constant 0 : i32
      %dma_start3A_603 = tpu.memref_slice %arg9[%dma_start3A_601, %dma_start3A_602] : memref<10240x128xf32, #tpu.memory_space<vmem_shared>> -> memref<10240x128xf32, #tpu.memory_space<vmem_shared>>
      %dma_start3A_604 = tpu.memref_slice %arg13[%dma_start3A_593] : memref<4x!tpu.dma_semaphore, #tpu.memory_space<semaphore_mem>> -> memref<1x!tpu.dma_semaphore, #tpu.memory_space<semaphore_mem>>
      %dma_start3A_605 = tpu.memref_squeeze %dma_start3A_604 : memref<1x!tpu.dma_semaphore, #tpu.memory_space<semaphore_mem>> -> memref<!tpu.dma_semaphore, #tpu.memory_space<semaphore_mem>>
      tpu.enqueue_indirect_dma source(%dma_start3A_597 : memref<50x128xf32, #tpu.memory_space<vmem>>) target(%dma_start3A_603 : memref<10240x128xf32, #tpu.memory_space<vmem_shared>>) offsets(%dma_start3A_600 : memref<50xi32, #tpu.memory_space<vmem>>) semaphore(%dma_start3A_605 : memref<!tpu.dma_semaphore, #tpu.memory_space<semaphore_mem>>) {add = true}
      %lt3A_606 = arith.constant 49 : i32
      %lt3A_607 = arith.cmpi slt, %scan3A_229, %lt3A_606 : i32
      %convert_element_type3A_608 = arith.extui %lt3A_607 : i1 to i32
      %cond3A_609 = arith.constant 0 : i32
      %cond3A_610 = arith.cmpi ne, %convert_element_type3A_608, %cond3A_609 : i32
      scf.if %cond3A_610 {
        %add3A_633 = arith.constant 4 : i32
        %add3A_634 = arith.addi %add3A_555, %add3A_633 : i32
        %add3A_635 = arith.addi %mul3A_2, %add3A_634 : i32
        %dma_start3A_636 = arith.constant 3 : i32
        %dma_start3A_637 = arith.constant 3 : i32
        %dma_start3A_638 = arith.constant 0 : i32
        %dma_start3A_639 = tpu.memref_slice %arg6[%dma_start3A_637, %dma_start3A_638] : memref<4x50xi32, #tpu.memory_space<vmem>> -> memref<1x50xi32, #tpu.memory_space<vmem>>
        %dma_start3A_640 = arith.constant 0 : i32
        %dma_start3A_641 = arith.constant 0 : i32
        %dma_start3A_642 = tpu.memref_slice %arg3[%add3A_635, %dma_start3A_640, %dma_start3A_641] : memref<12800x1x50xi32, #tpu.memory_space<hbm>> -> memref<1x1x50xi32, #tpu.memory_space<hbm>>
        %dma_start3A_643 = tpu.memref_squeeze %dma_start3A_642 : memref<1x1x50xi32, #tpu.memory_space<hbm>> -> memref<1x50xi32, #tpu.memory_space<hbm>>
        %dma_start3A_644 = tpu.memref_slice %arg10[%dma_start3A_636] : memref<4x!tpu.dma_semaphore, #tpu.memory_space<semaphore_mem>> -> memref<1x!tpu.dma_semaphore, #tpu.memory_space<semaphore_mem>>
        %dma_start3A_645 = tpu.memref_squeeze %dma_start3A_644 : memref<1x!tpu.dma_semaphore, #tpu.memory_space<semaphore_mem>> -> memref<!tpu.dma_semaphore, #tpu.memory_space<semaphore_mem>>
        %dma_start3A_646 = arith.constant 3 : i32
        %dma_start3A_647 = arith.constant 0 : i32
        %dma_start3A_648 = tpu.memref_slice %arg6[%dma_start3A_646, %dma_start3A_647] : memref<4x50xi32, #tpu.memory_space<vmem>> -> memref<1x50xi32, #tpu.memory_space<vmem>>
        %dma_start3A_649 = arith.constant 0 : i32
        %dma_start3A_650 = arith.constant 0 : i32
        %dma_start3A_651 = tpu.memref_slice %arg3[%add3A_635, %dma_start3A_649, %dma_start3A_650] : memref<12800x1x50xi32, #tpu.memory_space<hbm>> -> memref<1x1x50xi32, #tpu.memory_space<hbm>>
        %dma_start3A_652 = tpu.memref_squeeze %dma_start3A_651 : memref<1x1x50xi32, #tpu.memory_space<hbm>> -> memref<1x50xi32, #tpu.memory_space<hbm>>
        tpu.enqueue_dma source(%dma_start3A_652 : memref<1x50xi32, #tpu.memory_space<hbm>>) target(%dma_start3A_648 : memref<1x50xi32, #tpu.memory_space<vmem>>) target_semaphore(%dma_start3A_645 : memref<!tpu.dma_semaphore, #tpu.memory_space<semaphore_mem>>)
      } else {
      }
      %sub3A_611 = arith.constant 2 : i32
      %sub3A_612 = arith.subi %add3A_555, %sub3A_611 : i32
      %dma_wait3A_613 = arith.constant 1 : i32
      %dma_wait3A_614 = arith.constant 1 : i32
      %dma_wait3A_615 = arith.constant 1 : i32
      %dma_wait3A_616 = arith.constant 0 : i32
      %dma_wait3A_617 = arith.constant 0 : i32
      %dma_wait3A_618 = tpu.memref_slice %arg8[%dma_wait3A_613, %dma_wait3A_616, %dma_wait3A_617] : memref<4x50x128xf32, #tpu.memory_space<vmem>> -> memref<1x50x128xf32, #tpu.memory_space<vmem>>
      %dma_wait3A_619 = tpu.memref_squeeze %dma_wait3A_618 : memref<1x50x128xf32, #tpu.memory_space<vmem>> -> memref<50x128xf32, #tpu.memory_space<vmem>>
      %dma_wait3A_620 = arith.constant 0 : i32
      %dma_wait3A_621 = tpu.memref_slice %arg7[%dma_wait3A_614, %dma_wait3A_620] : memref<4x50xi32, #tpu.memory_space<vmem>> -> memref<1x50xi32, #tpu.memory_space<vmem>>
      %dma_wait3A_622 = tpu.memref_squeeze %dma_wait3A_621 : memref<1x50xi32, #tpu.memory_space<vmem>> -> memref<50xi32, #tpu.memory_space<vmem>>
      %dma_wait3A_623 = arith.constant 0 : i32
      %dma_wait3A_624 = arith.constant 0 : i32
      %dma_wait3A_625 = tpu.memref_slice %arg9[%dma_wait3A_623, %dma_wait3A_624] : memref<10240x128xf32, #tpu.memory_space<vmem_shared>> -> memref<10240x128xf32, #tpu.memory_space<vmem_shared>>
      %dma_wait3A_626 = tpu.memref_slice %arg13[%dma_wait3A_615] : memref<4x!tpu.dma_semaphore, #tpu.memory_space<semaphore_mem>> -> memref<1x!tpu.dma_semaphore, #tpu.memory_space<semaphore_mem>>
      %dma_wait3A_627 = tpu.memref_squeeze %dma_wait3A_626 : memref<1x!tpu.dma_semaphore, #tpu.memory_space<semaphore_mem>> -> memref<!tpu.dma_semaphore, #tpu.memory_space<semaphore_mem>>
      tpu.wait_indirect_dma semaphore(%dma_wait3A_627 : memref<!tpu.dma_semaphore, #tpu.memory_space<semaphore_mem>>) src(%dma_wait3A_619 : memref<50x128xf32, #tpu.memory_space<vmem>>) dst(%dma_wait3A_625 : memref<10240x128xf32, #tpu.memory_space<vmem_shared>>)
      %lt3A_628 = arith.constant 49 : i32
      %lt3A_629 = arith.cmpi slt, %scan3A_229, %lt3A_628 : i32
      %convert_element_type3A_630 = arith.extui %lt3A_629 : i1 to i32
      %cond3A_631 = arith.constant 0 : i32
      %cond3A_632 = arith.cmpi ne, %convert_element_type3A_630, %cond3A_631 : i32
      scf.if %cond3A_632 {
        %add3A_633 = arith.constant 2 : i32
        %add3A_634 = arith.addi %add3A_555, %add3A_633 : i32
        %add3A_635 = arith.constant 6400 : i32
        %add3A_636 = arith.addi %add3A_635, %mul3A_2 : i32
        %add3A_637 = arith.addi %add3A_636, %add3A_634 : i32
        %dma_start3A_638 = arith.constant 1 : i32
        %dma_start3A_639 = arith.constant 1 : i32
        %dma_start3A_640 = arith.constant 0 : i32
        %dma_start3A_641 = tpu.memref_slice %arg7[%dma_start3A_639, %dma_start3A_640] : memref<4x50xi32, #tpu.memory_space<vmem>> -> memref<1x50xi32, #tpu.memory_space<vmem>>
        %dma_start3A_642 = arith.constant 0 : i32
        %dma_start3A_643 = arith.constant 0 : i32
        %dma_start3A_644 = tpu.memref_slice %arg3[%add3A_637, %dma_start3A_642, %dma_start3A_643] : memref<12800x1x50xi32, #tpu.memory_space<hbm>> -> memref<1x1x50xi32, #tpu.memory_space<hbm>>
        %dma_start3A_645 = tpu.memref_squeeze %dma_start3A_644 : memref<1x1x50xi32, #tpu.memory_space<hbm>> -> memref<1x50xi32, #tpu.memory_space<hbm>>
        %dma_start3A_646 = tpu.memref_slice %arg11[%dma_start3A_638] : memref<4x!tpu.dma_semaphore, #tpu.memory_space<semaphore_mem>> -> memref<1x!tpu.dma_semaphore, #tpu.memory_space<semaphore_mem>>
        %dma_start3A_647 = tpu.memref_squeeze %dma_start3A_646 : memref<1x!tpu.dma_semaphore, #tpu.memory_space<semaphore_mem>> -> memref<!tpu.dma_semaphore, #tpu.memory_space<semaphore_mem>>
        %dma_start3A_648 = arith.constant 1 : i32
        %dma_start3A_649 = arith.constant 0 : i32
        %dma_start3A_650 = tpu.memref_slice %arg7[%dma_start3A_648, %dma_start3A_649] : memref<4x50xi32, #tpu.memory_space<vmem>> -> memref<1x50xi32, #tpu.memory_space<vmem>>
        %dma_start3A_651 = arith.constant 0 : i32
        %dma_start3A_652 = arith.constant 0 : i32
        %dma_start3A_653 = tpu.memref_slice %arg3[%add3A_637, %dma_start3A_651, %dma_start3A_652] : memref<12800x1x50xi32, #tpu.memory_space<hbm>> -> memref<1x1x50xi32, #tpu.memory_space<hbm>>
        %dma_start3A_654 = tpu.memref_squeeze %dma_start3A_653 : memref<1x1x50xi32, #tpu.memory_space<hbm>> -> memref<1x50xi32, #tpu.memory_space<hbm>>
        tpu.enqueue_dma source(%dma_start3A_654 : memref<1x50xi32, #tpu.memory_space<hbm>>) target(%dma_start3A_650 : memref<1x50xi32, #tpu.memory_space<vmem>>) target_semaphore(%dma_start3A_647 : memref<!tpu.dma_semaphore, #tpu.memory_space<semaphore_mem>>)
        %add3A_655 = arith.constant 2 : i32
        %add3A_656 = arith.addi %add3A_555, %add3A_655 : i32
        %add3A_657 = arith.addi %mul3A_2, %add3A_656 : i32
        %dma_wait3A_658 = arith.constant 1 : i32
        %dma_wait3A_659 = arith.constant 1 : i32
        %dma_wait3A_660 = arith.constant 0 : i32
        %dma_wait3A_661 = tpu.memref_slice %arg6[%dma_wait3A_659, %dma_wait3A_660] : memref<4x50xi32, #tpu.memory_space<vmem>> -> memref<1x50xi32, #tpu.memory_space<vmem>>
        %dma_wait3A_662 = arith.constant 0 : i32
        %dma_wait3A_663 = arith.constant 0 : i32
        %dma_wait3A_664 = tpu.memref_slice %arg3[%add3A_657, %dma_wait3A_662, %dma_wait3A_663] : memref<12800x1x50xi32, #tpu.memory_space<hbm>> -> memref<1x1x50xi32, #tpu.memory_space<hbm>>
        %dma_wait3A_665 = tpu.memref_squeeze %dma_wait3A_664 : memref<1x1x50xi32, #tpu.memory_space<hbm>> -> memref<1x50xi32, #tpu.memory_space<hbm>>
        %dma_wait3A_666 = tpu.memref_slice %arg10[%dma_wait3A_658] : memref<4x!tpu.dma_semaphore, #tpu.memory_space<semaphore_mem>> -> memref<1x!tpu.dma_semaphore, #tpu.memory_space<semaphore_mem>>
        %dma_wait3A_667 = tpu.memref_squeeze %dma_wait3A_666 : memref<1x!tpu.dma_semaphore, #tpu.memory_space<semaphore_mem>> -> memref<!tpu.dma_semaphore, #tpu.memory_space<semaphore_mem>>
        %dma_wait3A_668 = arith.constant 1 : i32
        %dma_wait3A_669 = arith.constant 0 : i32
        %dma_wait3A_670 = tpu.memref_slice %arg6[%dma_wait3A_668, %dma_wait3A_669] : memref<4x50xi32, #tpu.memory_space<vmem>> -> memref<1x50xi32, #tpu.memory_space<vmem>>
        %dma_wait3A_671 = arith.constant 0 : i32
        %dma_wait3A_672 = arith.constant 0 : i32
        %dma_wait3A_673 = tpu.memref_slice %arg3[%add3A_657, %dma_wait3A_671, %dma_wait3A_672] : memref<12800x1x50xi32, #tpu.memory_space<hbm>> -> memref<1x1x50xi32, #tpu.memory_space<hbm>>
        %dma_wait3A_674 = tpu.memref_squeeze %dma_wait3A_673 : memref<1x1x50xi32, #tpu.memory_space<hbm>> -> memref<1x50xi32, #tpu.memory_space<hbm>>
        tpu.wait_dma2 semaphore(%dma_wait3A_667 : memref<!tpu.dma_semaphore, #tpu.memory_space<semaphore_mem>>) src(%dma_wait3A_674 : memref<1x50xi32, #tpu.memory_space<hbm>>) dst(%dma_wait3A_670 : memref<1x50xi32, #tpu.memory_space<vmem>>)
        %add3A_675 = arith.constant 2 : i32
        %add3A_676 = arith.addi %add3A_555, %add3A_675 : i32
        %dma_start3A_677 = arith.constant 1 : i32
        %dma_start3A_678 = arith.constant 1 : i32
        %dma_start3A_679 = arith.constant 1 : i32
        %dma_start3A_680 = arith.constant 0 : i32
        %dma_start3A_681 = arith.constant 0 : i32
        %dma_start3A_682 = tpu.memref_slice %arg8[%dma_start3A_678, %dma_start3A_680, %dma_start3A_681] : memref<4x50x128xf32, #tpu.memory_space<vmem>> -> memref<1x50x128xf32, #tpu.memory_space<vmem>>
        %dma_start3A_683 = tpu.memref_squeeze %dma_start3A_682 : memref<1x50x128xf32, #tpu.memory_space<vmem>> -> memref<50x128xf32, #tpu.memory_space<vmem>>
        %dma_start3A_684 = arith.constant 0 : i32
        %dma_start3A_685 = tpu.memref_slice %arg6[%dma_start3A_677, %dma_start3A_684] : memref<4x50xi32, #tpu.memory_space<vmem>> -> memref<1x50xi32, #tpu.memory_space<vmem>>
        %dma_start3A_686 = tpu.memref_squeeze %dma_start3A_685 : memref<1x50xi32, #tpu.memory_space<vmem>> -> memref<50xi32, #tpu.memory_space<vmem>>
        %dma_start3A_687 = arith.constant 0 : i32
        %dma_start3A_688 = arith.constant 0 : i32
        %dma_start3A_689 = tpu.memref_slice %arg2[%dma_start3A_687, %dma_start3A_688] : memref<10000x128xf32, #tpu.memory_space<hbm>> -> memref<10000x128xf32, #tpu.memory_space<hbm>>
        %dma_start3A_690 = tpu.memref_slice %arg12[%dma_start3A_679] : memref<4x!tpu.dma_semaphore, #tpu.memory_space<semaphore_mem>> -> memref<1x!tpu.dma_semaphore, #tpu.memory_space<semaphore_mem>>
        %dma_start3A_691 = tpu.memref_squeeze %dma_start3A_690 : memref<1x!tpu.dma_semaphore, #tpu.memory_space<semaphore_mem>> -> memref<!tpu.dma_semaphore, #tpu.memory_space<semaphore_mem>>
        tpu.enqueue_indirect_dma source(%dma_start3A_689 : memref<10000x128xf32, #tpu.memory_space<hbm>>) target(%dma_start3A_683 : memref<50x128xf32, #tpu.memory_space<vmem>>) offsets(%dma_start3A_686 : memref<50xi32, #tpu.memory_space<vmem>>) semaphore(%dma_start3A_691 : memref<!tpu.dma_semaphore, #tpu.memory_space<semaphore_mem>>)
      } else {
      }
    }
    %scan3A_193 = arith.constant 50 : i32
    %dma_wait3A_194 = arith.constant 2 : i32
    %dma_wait3A_195 = arith.constant 2 : i32
    %dma_wait3A_196 = arith.constant 2 : i32
    %dma_wait3A_197 = arith.constant 0 : i32
    %dma_wait3A_198 = arith.constant 0 : i32
    %dma_wait3A_199 = tpu.memref_slice %arg8[%dma_wait3A_194, %dma_wait3A_197, %dma_wait3A_198] : memref<4x50x128xf32, #tpu.memory_space<vmem>> -> memref<1x50x128xf32, #tpu.memory_space<vmem>>
    %dma_wait3A_200 = tpu.memref_squeeze %dma_wait3A_199 : memref<1x50x128xf32, #tpu.memory_space<vmem>> -> memref<50x128xf32, #tpu.memory_space<vmem>>
    %dma_wait3A_201 = arith.constant 0 : i32
    %dma_wait3A_202 = tpu.memref_slice %arg7[%dma_wait3A_195, %dma_wait3A_201] : memref<4x50xi32, #tpu.memory_space<vmem>> -> memref<1x50xi32, #tpu.memory_space<vmem>>
    %dma_wait3A_203 = tpu.memref_squeeze %dma_wait3A_202 : memref<1x50xi32, #tpu.memory_space<vmem>> -> memref<50xi32, #tpu.memory_space<vmem>>
    %dma_wait3A_204 = arith.constant 0 : i32
    %dma_wait3A_205 = arith.constant 0 : i32
    %dma_wait3A_206 = tpu.memref_slice %arg9[%dma_wait3A_204, %dma_wait3A_205] : memref<10240x128xf32, #tpu.memory_space<vmem_shared>> -> memref<10240x128xf32, #tpu.memory_space<vmem_shared>>
    %dma_wait3A_207 = tpu.memref_slice %arg13[%dma_wait3A_196] : memref<4x!tpu.dma_semaphore, #tpu.memory_space<semaphore_mem>> -> memref<1x!tpu.dma_semaphore, #tpu.memory_space<semaphore_mem>>
    %dma_wait3A_208 = tpu.memref_squeeze %dma_wait3A_207 : memref<1x!tpu.dma_semaphore, #tpu.memory_space<semaphore_mem>> -> memref<!tpu.dma_semaphore, #tpu.memory_space<semaphore_mem>>
    tpu.wait_indirect_dma semaphore(%dma_wait3A_208 : memref<!tpu.dma_semaphore, #tpu.memory_space<semaphore_mem>>) src(%dma_wait3A_200 : memref<50x128xf32, #tpu.memory_space<vmem>>) dst(%dma_wait3A_206 : memref<10240x128xf32, #tpu.memory_space<vmem_shared>>)
    %dma_wait3A_209 = arith.constant 3 : i32
    %dma_wait3A_210 = arith.constant 3 : i32
    %dma_wait3A_211 = arith.constant 3 : i32
    %dma_wait3A_212 = arith.constant 0 : i32
    %dma_wait3A_213 = arith.constant 0 : i32
    %dma_wait3A_214 = tpu.memref_slice %arg8[%dma_wait3A_209, %dma_wait3A_212, %dma_wait3A_213] : memref<4x50x128xf32, #tpu.memory_space<vmem>> -> memref<1x50x128xf32, #tpu.memory_space<vmem>>
    %dma_wait3A_215 = tpu.memref_squeeze %dma_wait3A_214 : memref<1x50x128xf32, #tpu.memory_space<vmem>> -> memref<50x128xf32, #tpu.memory_space<vmem>>
    %dma_wait3A_216 = arith.constant 0 : i32
    %dma_wait3A_217 = tpu.memref_slice %arg7[%dma_wait3A_210, %dma_wait3A_216] : memref<4x50xi32, #tpu.memory_space<vmem>> -> memref<1x50xi32, #tpu.memory_space<vmem>>
    %dma_wait3A_218 = tpu.memref_squeeze %dma_wait3A_217 : memref<1x50xi32, #tpu.memory_space<vmem>> -> memref<50xi32, #tpu.memory_space<vmem>>
    %dma_wait3A_219 = arith.constant 0 : i32
    %dma_wait3A_220 = arith.constant 0 : i32
    %dma_wait3A_221 = tpu.memref_slice %arg9[%dma_wait3A_219, %dma_wait3A_220] : memref<10240x128xf32, #tpu.memory_space<vmem_shared>> -> memref<10240x128xf32, #tpu.memory_space<vmem_shared>>
    %dma_wait3A_222 = tpu.memref_slice %arg13[%dma_wait3A_211] : memref<4x!tpu.dma_semaphore, #tpu.memory_space<semaphore_mem>> -> memref<1x!tpu.dma_semaphore, #tpu.memory_space<semaphore_mem>>
    %dma_wait3A_223 = tpu.memref_squeeze %dma_wait3A_222 : memref<1x!tpu.dma_semaphore, #tpu.memory_space<semaphore_mem>> -> memref<!tpu.dma_semaphore, #tpu.memory_space<semaphore_mem>>
    tpu.wait_indirect_dma semaphore(%dma_wait3A_223 : memref<!tpu.dma_semaphore, #tpu.memory_space<semaphore_mem>>) src(%dma_wait3A_215 : memref<50x128xf32, #tpu.memory_space<vmem>>) dst(%dma_wait3A_221 : memref<10240x128xf32, #tpu.memory_space<vmem_shared>>)
    %barrier3A_224 = arith.constant 0 : index
    tpu.barrier barrier_id(%barrier3A_224)
    %mul3A_225 = arith.constant 640 : i32
    %mul3A_226 = arith.muli %arg1, %mul3A_225 : i32
    %mul3A_227 = arith.constant 640 : i32
    %mul3A_228 = arith.muli %arg1, %mul3A_227 : i32
    "tpu.region"() ({
      %run_scoped3A = tpu.sem_alloc : memref<!tpu.dma_semaphore, #tpu.memory_space<semaphore_mem>>
      %dma_start3A_229 = arith.constant 0 : i32
      %dma_start3A_230 = arith.constant 0 : i32
      %dma_start3A_231 = tpu.memref_slice %arg5[%arg0, %dma_start3A_229, %dma_start3A_230] : memref<2x10240x128xf32, #tpu.memory_space<hbm>> -> memref<1x10240x128xf32, #tpu.memory_space<hbm>>
      %dma_start3A_232 = tpu.memref_squeeze %dma_start3A_231 : memref<1x10240x128xf32, #tpu.memory_space<hbm>> -> memref<10240x128xf32, #tpu.memory_space<hbm>>
      %dma_start3A_233 = arith.constant 0 : i32
      %dma_start3A_234 = tpu.memref_slice %dma_start3A_232[%mul3A_228, %dma_start3A_233] : memref<10240x128xf32, #tpu.memory_space<hbm>> -> memref<640x128xf32, #tpu.memory_space<hbm>>
      %dma_start3A_235 = arith.constant 0 : i32
      %dma_start3A_236 = tpu.memref_slice %arg9[%mul3A_226, %dma_start3A_235] : memref<10240x128xf32, #tpu.memory_space<vmem_shared>> -> memref<640x128xf32, #tpu.memory_space<vmem_shared>>
      tpu.enqueue_dma source(%dma_start3A_236 : memref<640x128xf32, #tpu.memory_space<vmem_shared>>) target(%dma_start3A_234 : memref<640x128xf32, #tpu.memory_space<hbm>>) target_semaphore(%run_scoped3A : memref<!tpu.dma_semaphore, #tpu.memory_space<semaphore_mem>>)
      %dma_wait3A_237 = arith.constant 0 : i32
      %dma_wait3A_238 = arith.constant 0 : i32
      %dma_wait3A_239 = tpu.memref_slice %arg5[%arg0, %dma_wait3A_237, %dma_wait3A_238] : memref<2x10240x128xf32, #tpu.memory_space<hbm>> -> memref<1x10240x128xf32, #tpu.memory_space<hbm>>
      %dma_wait3A_240 = tpu.memref_squeeze %dma_wait3A_239 : memref<1x10240x128xf32, #tpu.memory_space<hbm>> -> memref<10240x128xf32, #tpu.memory_space<hbm>>
      %dma_wait3A_241 = arith.constant 0 : i32
      %dma_wait3A_242 = tpu.memref_slice %dma_wait3A_240[%mul3A_228, %dma_wait3A_241] : memref<10240x128xf32, #tpu.memory_space<hbm>> -> memref<640x128xf32, #tpu.memory_space<hbm>>
      %dma_wait3A_243 = arith.constant 0 : i32
      %dma_wait3A_244 = tpu.memref_slice %arg9[%mul3A_226, %dma_wait3A_243] : memref<10240x128xf32, #tpu.memory_space<vmem_shared>> -> memref<640x128xf32, #tpu.memory_space<vmem_shared>>
      tpu.wait_dma2 semaphore(%run_scoped3A : memref<!tpu.dma_semaphore, #tpu.memory_space<semaphore_mem>>) src(%dma_wait3A_244 : memref<640x128xf32, #tpu.memory_space<vmem_shared>>) dst(%dma_wait3A_242 : memref<640x128xf32, #tpu.memory_space<hbm>>)
      tpu.yield
    }) : () -> ()
    return
  }
}

module attributes {stable_mosaic.version = 14 : i64} {
  func.func @_convmlp_body(%arg0: memref<10000x128xf32, #tpu.memory_space<vmem>>, %arg1: memref<2x10240x128xf32, #tpu.memory_space<vmem>>, %arg2: memref<128x128xf32, #tpu.memory_space<vmem>>, %arg3: memref<1x128xf32, #tpu.memory_space<vmem>>, %arg4: memref<1x128xf32, #tpu.memory_space<vmem>>, %arg5: memref<1x128xf32, #tpu.memory_space<vmem>>, %arg6: memref<1x128xf32, #tpu.memory_space<vmem>>, %arg7: memref<128x128xf32, #tpu.memory_space<vmem>>, %arg8: memref<1x128xf32, #tpu.memory_space<vmem>>, %arg9: memref<10000x128xf32, #tpu.memory_space<vmem>>, %arg10: memref<10000x128xf32, #tpu.memory_space<vmem>>, %arg11: memref<4x128x128xf32, #tpu.memory_space<vmem>>, %arg12: memref<1x128xf32, #tpu.memory_space<vmem>>, %arg13: memref<1x128xf32, #tpu.memory_space<vmem>>, %arg14: memref<1x128xf32, #tpu.memory_space<vmem>>, %arg15: memref<128x128xf32, #tpu.memory_space<vmem>>, %arg16: memref<1x128xf32, #tpu.memory_space<vmem>>, %arg17: memref<10000x128xf32, #tpu.memory_space<vmem>>) attributes {dimension_semantics = [], scalar_prefetch = 0 : i64, scratch_operands = 0 : i64, tpu.core_type = #tpu.core_type<tc>} {
    %get3A = arith.constant 0 : index
    %get3A_0 = arith.constant 0 : index
    %get3A_1 = vector.load %arg0[%get3A, %get3A_0] : memref<10000x128xf32, #tpu.memory_space<vmem>>, vector<10000x128xf32>
    %get3A_2 = arith.constant 0 : index
    %get3A_3 = arith.constant 0 : index
    %get3A_4 = arith.constant 0 : index
    %get3A_5 = vector.load %arg1[%get3A_2, %get3A_3, %get3A_4] : memref<2x10240x128xf32, #tpu.memory_space<vmem>>, vector<1x10000x128xf32>
    %get3A_6 = vector.shape_cast %get3A_5 : vector<1x10000x128xf32> to vector<10000x128xf32>
    %add3A = arith.addf %get3A_1, %get3A_6 : vector<10000x128xf32>
    %get3A_7 = arith.constant 1 : index
    %get3A_8 = arith.constant 0 : index
    %get3A_9 = arith.constant 0 : index
    %get3A_10 = vector.load %arg1[%get3A_7, %get3A_8, %get3A_9] : memref<2x10240x128xf32, #tpu.memory_space<vmem>>, vector<1x10000x128xf32>
    %get3A_11 = vector.shape_cast %get3A_10 : vector<1x10000x128xf32> to vector<10000x128xf32>
    %add3A_12 = arith.addf %add3A, %get3A_11 : vector<10000x128xf32>
    %get3A_13 = arith.constant 0 : index
    %get3A_14 = arith.constant 0 : index
    %get3A_15 = vector.load %arg2[%get3A_13, %get3A_14] : memref<128x128xf32, #tpu.memory_space<vmem>>, vector<128x128xf32>
    %dot_general3A = arith.constant dense<0.000000e+00> : vector<10000x128xf32>
    %dot_general3A_16 = tpu.matmul %add3A_12, %get3A_15, %dot_general3A {dimension_numbers = #tpu.dot_dimension_numbers<[1], [0], [0], [1], [0, 0, 1, 1], [], []>, transpose_lhs_hint = false} : vector<10000x128xf32>, vector<128x128xf32>, vector<10000x128xf32> -> vector<10000x128xf32>
    %get3A_17 = arith.constant 0 : index
    %get3A_18 = arith.constant 0 : index
    %get3A_19 = vector.load %arg3[%get3A_17, %get3A_18] : memref<1x128xf32, #tpu.memory_space<vmem>>, vector<1x128xf32>
    %add3A_20 = vector.broadcast %get3A_19 : vector<1x128xf32> to vector<10000x128xf32>
    %add3A_21 = arith.addf %dot_general3A_16, %add3A_20 : vector<10000x128xf32>
    %reduce_sum3A = arith.constant dense<0.000000e+00> : vector<128xf32>
    %reduce_sum3A_22 = vector.multi_reduction <add>, %add3A_21, %reduce_sum3A [0] : vector<10000x128xf32> to vector<128xf32>
    %broadcast_in_dim3A = vector.shape_cast %reduce_sum3A_22 : vector<128xf32> to vector<1x128xf32>
    %div3A = arith.constant 1.000000e+04 : f32
    %div3A_23 = vector.broadcast %div3A : f32 to vector<1x128xf32>
    %div3A_24 = arith.divf %broadcast_in_dim3A, %div3A_23 : vector<1x128xf32>
    %get3A_25 = arith.constant 0 : index
    %get3A_26 = arith.constant 0 : index
    %get3A_27 = vector.load %arg6[%get3A_25, %get3A_26] : memref<1x128xf32, #tpu.memory_space<vmem>>, vector<1x128xf32>
    %mul3A = arith.mulf %div3A_24, %get3A_27 : vector<1x128xf32>
    %sub3A = vector.broadcast %mul3A : vector<1x128xf32> to vector<10000x128xf32>
    %sub3A_28 = arith.subf %add3A_21, %sub3A : vector<10000x128xf32>
    %mul3A_29 = arith.mulf %sub3A_28, %sub3A_28 : vector<10000x128xf32>
    %reduce_sum3A_30 = arith.constant dense<0.000000e+00> : vector<128xf32>
    %reduce_sum3A_31 = vector.multi_reduction <add>, %mul3A_29, %reduce_sum3A_30 [0] : vector<10000x128xf32> to vector<128xf32>
    %broadcast_in_dim3A_32 = vector.shape_cast %reduce_sum3A_31 : vector<128xf32> to vector<1x128xf32>
    %div3A_33 = arith.constant 1.000000e+04 : f32
    %div3A_34 = vector.broadcast %div3A_33 : f32 to vector<1x128xf32>
    %div3A_35 = arith.divf %broadcast_in_dim3A_32, %div3A_34 : vector<1x128xf32>
    %get3A_36 = arith.constant 0 : index
    %get3A_37 = arith.constant 0 : index
    %get3A_38 = vector.load %arg4[%get3A_36, %get3A_37] : memref<1x128xf32, #tpu.memory_space<vmem>>, vector<1x128xf32>
    %mul3A_39 = vector.broadcast %get3A_38 : vector<1x128xf32> to vector<10000x128xf32>
    %mul3A_40 = arith.mulf %mul3A_39, %sub3A_28 : vector<10000x128xf32>
    %add3A_41 = arith.constant 9.99999974E-6 : f32
    %add3A_42 = vector.broadcast %add3A_41 : f32 to vector<1x128xf32>
    %add3A_43 = arith.addf %div3A_35, %add3A_42 : vector<1x128xf32>
    %rsqrt3A = math.rsqrt %add3A_43 : vector<1x128xf32>
    %mul3A_44 = vector.broadcast %rsqrt3A : vector<1x128xf32> to vector<10000x128xf32>
    %mul3A_45 = arith.mulf %mul3A_40, %mul3A_44 : vector<10000x128xf32>
    %get3A_46 = arith.constant 0 : index
    %get3A_47 = arith.constant 0 : index
    %get3A_48 = vector.load %arg5[%get3A_46, %get3A_47] : memref<1x128xf32, #tpu.memory_space<vmem>>, vector<1x128xf32>
    %add3A_49 = vector.broadcast %get3A_48 : vector<1x128xf32> to vector<10000x128xf32>
    %add3A_50 = arith.addf %mul3A_45, %add3A_49 : vector<10000x128xf32>
    %max3A = arith.constant 0.000000e+00 : f32
    %max3A_51 = vector.broadcast %max3A : f32 to vector<10000x128xf32>
    %max3A_52 = arith.maximumf %add3A_50, %max3A_51 : vector<10000x128xf32>
    %get3A_53 = arith.constant 0 : index
    %get3A_54 = arith.constant 0 : index
    %get3A_55 = vector.load %arg7[%get3A_53, %get3A_54] : memref<128x128xf32, #tpu.memory_space<vmem>>, vector<128x128xf32>
    %dot_general3A_56 = arith.constant dense<0.000000e+00> : vector<10000x128xf32>
    %dot_general3A_57 = tpu.matmul %max3A_52, %get3A_55, %dot_general3A_56 {dimension_numbers = #tpu.dot_dimension_numbers<[1], [0], [0], [1], [0, 0, 1, 1], [], []>, transpose_lhs_hint = false} : vector<10000x128xf32>, vector<128x128xf32>, vector<10000x128xf32> -> vector<10000x128xf32>
    %get3A_58 = arith.constant 0 : index
    %get3A_59 = arith.constant 0 : index
    %get3A_60 = vector.load %arg8[%get3A_58, %get3A_59] : memref<1x128xf32, #tpu.memory_space<vmem>>, vector<1x128xf32>
    %add3A_61 = vector.broadcast %get3A_60 : vector<1x128xf32> to vector<10000x128xf32>
    %add3A_62 = arith.addf %dot_general3A_57, %add3A_61 : vector<10000x128xf32>
    %max3A_63 = arith.constant 0.000000e+00 : f32
    %max3A_64 = vector.broadcast %max3A_63 : f32 to vector<10000x128xf32>
    %max3A_65 = arith.maximumf %add3A_62, %max3A_64 : vector<10000x128xf32>
    %get3A_66 = arith.constant 0 : index
    %get3A_67 = arith.constant 0 : index
    %get3A_68 = vector.load %arg9[%get3A_66, %get3A_67] : memref<10000x128xf32, #tpu.memory_space<vmem>>, vector<10000x128xf32>
    %get3A_69 = arith.constant 0 : index
    %get3A_70 = arith.constant 0 : index
    %get3A_71 = arith.constant 0 : index
    %get3A_72 = vector.load %arg11[%get3A_69, %get3A_70, %get3A_71] : memref<4x128x128xf32, #tpu.memory_space<vmem>>, vector<1x128x128xf32>
    %get3A_73 = vector.shape_cast %get3A_72 : vector<1x128x128xf32> to vector<128x128xf32>
    %dot_general3A_74 = arith.constant dense<0.000000e+00> : vector<10000x128xf32>
    %dot_general3A_75 = tpu.matmul %get3A_68, %get3A_73, %dot_general3A_74 {dimension_numbers = #tpu.dot_dimension_numbers<[1], [0], [0], [1], [0, 0, 1, 1], [], []>, transpose_lhs_hint = false} : vector<10000x128xf32>, vector<128x128xf32>, vector<10000x128xf32> -> vector<10000x128xf32>
    %get3A_76 = arith.constant 0 : index
    %get3A_77 = arith.constant 0 : index
    %get3A_78 = vector.load %arg10[%get3A_76, %get3A_77] : memref<10000x128xf32, #tpu.memory_space<vmem>>, vector<10000x128xf32>
    %get3A_79 = arith.constant 1 : index
    %get3A_80 = arith.constant 0 : index
    %get3A_81 = arith.constant 0 : index
    %get3A_82 = vector.load %arg11[%get3A_79, %get3A_80, %get3A_81] : memref<4x128x128xf32, #tpu.memory_space<vmem>>, vector<1x128x128xf32>
    %get3A_83 = vector.shape_cast %get3A_82 : vector<1x128x128xf32> to vector<128x128xf32>
    %dot_general3A_84 = arith.constant dense<0.000000e+00> : vector<10000x128xf32>
    %dot_general3A_85 = tpu.matmul %get3A_78, %get3A_83, %dot_general3A_84 {dimension_numbers = #tpu.dot_dimension_numbers<[1], [0], [0], [1], [0, 0, 1, 1], [], []>, transpose_lhs_hint = false} : vector<10000x128xf32>, vector<128x128xf32>, vector<10000x128xf32> -> vector<10000x128xf32>
    %add3A_86 = arith.addf %dot_general3A_75, %dot_general3A_85 : vector<10000x128xf32>
    %get3A_87 = arith.constant 0 : index
    %get3A_88 = arith.constant 0 : index
    %get3A_89 = vector.load %arg0[%get3A_87, %get3A_88] : memref<10000x128xf32, #tpu.memory_space<vmem>>, vector<10000x128xf32>
    %get3A_90 = arith.constant 2 : index
    %get3A_91 = arith.constant 0 : index
    %get3A_92 = arith.constant 0 : index
    %get3A_93 = vector.load %arg11[%get3A_90, %get3A_91, %get3A_92] : memref<4x128x128xf32, #tpu.memory_space<vmem>>, vector<1x128x128xf32>
    %get3A_94 = vector.shape_cast %get3A_93 : vector<1x128x128xf32> to vector<128x128xf32>
    %dot_general3A_95 = arith.constant dense<0.000000e+00> : vector<10000x128xf32>
    %dot_general3A_96 = tpu.matmul %get3A_89, %get3A_94, %dot_general3A_95 {dimension_numbers = #tpu.dot_dimension_numbers<[1], [0], [0], [1], [0, 0, 1, 1], [], []>, transpose_lhs_hint = false} : vector<10000x128xf32>, vector<128x128xf32>, vector<10000x128xf32> -> vector<10000x128xf32>
    %add3A_97 = arith.addf %add3A_86, %dot_general3A_96 : vector<10000x128xf32>
    %get3A_98 = arith.constant 3 : index
    %get3A_99 = arith.constant 0 : index
    %get3A_100 = arith.constant 0 : index
    %get3A_101 = vector.load %arg11[%get3A_98, %get3A_99, %get3A_100] : memref<4x128x128xf32, #tpu.memory_space<vmem>>, vector<1x128x128xf32>
    %get3A_102 = vector.shape_cast %get3A_101 : vector<1x128x128xf32> to vector<128x128xf32>
    %dot_general3A_103 = arith.constant dense<0.000000e+00> : vector<10000x128xf32>
    %dot_general3A_104 = tpu.matmul %max3A_65, %get3A_102, %dot_general3A_103 {dimension_numbers = #tpu.dot_dimension_numbers<[1], [0], [0], [1], [0, 0, 1, 1], [], []>, transpose_lhs_hint = false} : vector<10000x128xf32>, vector<128x128xf32>, vector<10000x128xf32> -> vector<10000x128xf32>
    %add3A_105 = arith.addf %add3A_97, %dot_general3A_104 : vector<10000x128xf32>
    %get3A_106 = arith.constant 0 : index
    %get3A_107 = arith.constant 0 : index
    %get3A_108 = vector.load %arg12[%get3A_106, %get3A_107] : memref<1x128xf32, #tpu.memory_space<vmem>>, vector<1x128xf32>
    %add3A_109 = vector.broadcast %get3A_108 : vector<1x128xf32> to vector<10000x128xf32>
    %add3A_110 = arith.addf %add3A_105, %add3A_109 : vector<10000x128xf32>
    %reduce_sum3A_111 = arith.constant dense<0.000000e+00> : vector<128xf32>
    %reduce_sum3A_112 = vector.multi_reduction <add>, %add3A_110, %reduce_sum3A_111 [0] : vector<10000x128xf32> to vector<128xf32>
    %broadcast_in_dim3A_113 = vector.shape_cast %reduce_sum3A_112 : vector<128xf32> to vector<1x128xf32>
    %div3A_114 = arith.constant 1.000000e+04 : f32
    %div3A_115 = vector.broadcast %div3A_114 : f32 to vector<1x128xf32>
    %div3A_116 = arith.divf %broadcast_in_dim3A_113, %div3A_115 : vector<1x128xf32>
    %sub3A_117 = vector.broadcast %div3A_116 : vector<1x128xf32> to vector<10000x128xf32>
    %sub3A_118 = arith.subf %add3A_110, %sub3A_117 : vector<10000x128xf32>
    %mul3A_119 = arith.mulf %sub3A_118, %sub3A_118 : vector<10000x128xf32>
    %reduce_sum3A_120 = arith.constant dense<0.000000e+00> : vector<128xf32>
    %reduce_sum3A_121 = vector.multi_reduction <add>, %mul3A_119, %reduce_sum3A_120 [0] : vector<10000x128xf32> to vector<128xf32>
    %broadcast_in_dim3A_122 = vector.shape_cast %reduce_sum3A_121 : vector<128xf32> to vector<1x128xf32>
    %div3A_123 = arith.constant 1.000000e+04 : f32
    %div3A_124 = vector.broadcast %div3A_123 : f32 to vector<1x128xf32>
    %div3A_125 = arith.divf %broadcast_in_dim3A_122, %div3A_124 : vector<1x128xf32>
    %get3A_126 = arith.constant 0 : index
    %get3A_127 = arith.constant 0 : index
    %get3A_128 = vector.load %arg13[%get3A_126, %get3A_127] : memref<1x128xf32, #tpu.memory_space<vmem>>, vector<1x128xf32>
    %mul3A_129 = vector.broadcast %get3A_128 : vector<1x128xf32> to vector<10000x128xf32>
    %mul3A_130 = arith.mulf %mul3A_129, %sub3A_118 : vector<10000x128xf32>
    %add3A_131 = arith.constant 9.99999974E-6 : f32
    %add3A_132 = vector.broadcast %add3A_131 : f32 to vector<1x128xf32>
    %add3A_133 = arith.addf %div3A_125, %add3A_132 : vector<1x128xf32>
    %rsqrt3A_134 = math.rsqrt %add3A_133 : vector<1x128xf32>
    %mul3A_135 = vector.broadcast %rsqrt3A_134 : vector<1x128xf32> to vector<10000x128xf32>
    %mul3A_136 = arith.mulf %mul3A_130, %mul3A_135 : vector<10000x128xf32>
    %get3A_137 = arith.constant 0 : index
    %get3A_138 = arith.constant 0 : index
    %get3A_139 = vector.load %arg14[%get3A_137, %get3A_138] : memref<1x128xf32, #tpu.memory_space<vmem>>, vector<1x128xf32>
    %add3A_140 = vector.broadcast %get3A_139 : vector<1x128xf32> to vector<10000x128xf32>
    %add3A_141 = arith.addf %mul3A_136, %add3A_140 : vector<10000x128xf32>
    %max3A_142 = arith.constant 0.000000e+00 : f32
    %max3A_143 = vector.broadcast %max3A_142 : f32 to vector<10000x128xf32>
    %max3A_144 = arith.maximumf %add3A_141, %max3A_143 : vector<10000x128xf32>
    %get3A_145 = arith.constant 0 : index
    %get3A_146 = arith.constant 0 : index
    %get3A_147 = vector.load %arg15[%get3A_145, %get3A_146] : memref<128x128xf32, #tpu.memory_space<vmem>>, vector<128x128xf32>
    %dot_general3A_148 = arith.constant dense<0.000000e+00> : vector<10000x128xf32>
    %dot_general3A_149 = tpu.matmul %max3A_144, %get3A_147, %dot_general3A_148 {dimension_numbers = #tpu.dot_dimension_numbers<[1], [0], [0], [1], [0, 0, 1, 1], [], []>, transpose_lhs_hint = false} : vector<10000x128xf32>, vector<128x128xf32>, vector<10000x128xf32> -> vector<10000x128xf32>
    %get3A_150 = arith.constant 0 : index
    %get3A_151 = arith.constant 0 : index
    %get3A_152 = vector.load %arg16[%get3A_150, %get3A_151] : memref<1x128xf32, #tpu.memory_space<vmem>>, vector<1x128xf32>
    %add3A_153 = vector.broadcast %get3A_152 : vector<1x128xf32> to vector<10000x128xf32>
    %add3A_154 = arith.addf %dot_general3A_149, %add3A_153 : vector<10000x128xf32>
    %swap3A = arith.constant 0 : index
    %swap3A_155 = arith.constant 0 : index
    %swap3A_156 = vector.load %arg17[%swap3A, %swap3A_155] : memref<10000x128xf32, #tpu.memory_space<vmem>>, vector<10000x128xf32>
    tpu.vector_store %arg17[%swap3A, %swap3A_155], %add3A_154 {strides = array<i32>} : memref<10000x128xf32, #tpu.memory_space<vmem>>, vector<10000x128xf32>,
    return
  }
}

module attributes {stable_mosaic.version = 14 : i64} {
  func.func @_conv_body(%arg0: memref<10000x128xf32, #tpu.memory_space<vmem>>, %arg1: memref<2x10240x128xf32, #tpu.memory_space<vmem>>, %arg2: memref<128x128xf32, #tpu.memory_space<vmem>>, %arg3: memref<1x128xf32, #tpu.memory_space<vmem>>, %arg4: memref<1x128xf32, #tpu.memory_space<vmem>>, %arg5: memref<1x128xf32, #tpu.memory_space<vmem>>, %arg6: memref<1x128xf32, #tpu.memory_space<vmem>>, %arg7: memref<128x128xf32, #tpu.memory_space<vmem>>, %arg8: memref<1x128xf32, #tpu.memory_space<vmem>>, %arg9: memref<10000x128xf32, #tpu.memory_space<vmem>>) attributes {dimension_semantics = [], scalar_prefetch = 0 : i64, scratch_operands = 0 : i64, tpu.core_type = #tpu.core_type<tc>} {
    %get3A = arith.constant 0 : index
    %get3A_0 = arith.constant 0 : index
    %get3A_1 = vector.load %arg0[%get3A, %get3A_0] : memref<10000x128xf32, #tpu.memory_space<vmem>>, vector<10000x128xf32>
    %get3A_2 = arith.constant 0 : index
    %get3A_3 = arith.constant 0 : index
    %get3A_4 = arith.constant 0 : index
    %get3A_5 = vector.load %arg1[%get3A_2, %get3A_3, %get3A_4] : memref<2x10240x128xf32, #tpu.memory_space<vmem>>, vector<1x10000x128xf32>
    %get3A_6 = vector.shape_cast %get3A_5 : vector<1x10000x128xf32> to vector<10000x128xf32>
    %add3A = arith.addf %get3A_1, %get3A_6 : vector<10000x128xf32>
    %get3A_7 = arith.constant 1 : index
    %get3A_8 = arith.constant 0 : index
    %get3A_9 = arith.constant 0 : index
    %get3A_10 = vector.load %arg1[%get3A_7, %get3A_8, %get3A_9] : memref<2x10240x128xf32, #tpu.memory_space<vmem>>, vector<1x10000x128xf32>
    %get3A_11 = vector.shape_cast %get3A_10 : vector<1x10000x128xf32> to vector<10000x128xf32>
    %add3A_12 = arith.addf %add3A, %get3A_11 : vector<10000x128xf32>
    %get3A_13 = arith.constant 0 : index
    %get3A_14 = arith.constant 0 : index
    %get3A_15 = vector.load %arg2[%get3A_13, %get3A_14] : memref<128x128xf32, #tpu.memory_space<vmem>>, vector<128x128xf32>
    %dot_general3A = arith.constant dense<0.000000e+00> : vector<10000x128xf32>
    %dot_general3A_16 = tpu.matmul %add3A_12, %get3A_15, %dot_general3A {dimension_numbers = #tpu.dot_dimension_numbers<[1], [0], [0], [1], [0, 0, 1, 1], [], []>, transpose_lhs_hint = false} : vector<10000x128xf32>, vector<128x128xf32>, vector<10000x128xf32> -> vector<10000x128xf32>
    %get3A_17 = arith.constant 0 : index
    %get3A_18 = arith.constant 0 : index
    %get3A_19 = vector.load %arg3[%get3A_17, %get3A_18] : memref<1x128xf32, #tpu.memory_space<vmem>>, vector<1x128xf32>
    %add3A_20 = vector.broadcast %get3A_19 : vector<1x128xf32> to vector<10000x128xf32>
    %add3A_21 = arith.addf %dot_general3A_16, %add3A_20 : vector<10000x128xf32>
    %reduce_sum3A = arith.constant dense<0.000000e+00> : vector<128xf32>
    %reduce_sum3A_22 = vector.multi_reduction <add>, %add3A_21, %reduce_sum3A [0] : vector<10000x128xf32> to vector<128xf32>
    %broadcast_in_dim3A = vector.shape_cast %reduce_sum3A_22 : vector<128xf32> to vector<1x128xf32>
    %div3A = arith.constant 1.000000e+04 : f32
    %div3A_23 = vector.broadcast %div3A : f32 to vector<1x128xf32>
    %div3A_24 = arith.divf %broadcast_in_dim3A, %div3A_23 : vector<1x128xf32>
    %get3A_25 = arith.constant 0 : index
    %get3A_26 = arith.constant 0 : index
    %get3A_27 = vector.load %arg6[%get3A_25, %get3A_26] : memref<1x128xf32, #tpu.memory_space<vmem>>, vector<1x128xf32>
    %mul3A = arith.mulf %div3A_24, %get3A_27 : vector<1x128xf32>
    %sub3A = vector.broadcast %mul3A : vector<1x128xf32> to vector<10000x128xf32>
    %sub3A_28 = arith.subf %add3A_21, %sub3A : vector<10000x128xf32>
    %mul3A_29 = arith.mulf %sub3A_28, %sub3A_28 : vector<10000x128xf32>
    %reduce_sum3A_30 = arith.constant dense<0.000000e+00> : vector<128xf32>
    %reduce_sum3A_31 = vector.multi_reduction <add>, %mul3A_29, %reduce_sum3A_30 [0] : vector<10000x128xf32> to vector<128xf32>
    %broadcast_in_dim3A_32 = vector.shape_cast %reduce_sum3A_31 : vector<128xf32> to vector<1x128xf32>
    %div3A_33 = arith.constant 1.000000e+04 : f32
    %div3A_34 = vector.broadcast %div3A_33 : f32 to vector<1x128xf32>
    %div3A_35 = arith.divf %broadcast_in_dim3A_32, %div3A_34 : vector<1x128xf32>
    %get3A_36 = arith.constant 0 : index
    %get3A_37 = arith.constant 0 : index
    %get3A_38 = vector.load %arg4[%get3A_36, %get3A_37] : memref<1x128xf32, #tpu.memory_space<vmem>>, vector<1x128xf32>
    %mul3A_39 = vector.broadcast %get3A_38 : vector<1x128xf32> to vector<10000x128xf32>
    %mul3A_40 = arith.mulf %mul3A_39, %sub3A_28 : vector<10000x128xf32>
    %add3A_41 = arith.constant 9.99999974E-6 : f32
    %add3A_42 = vector.broadcast %add3A_41 : f32 to vector<1x128xf32>
    %add3A_43 = arith.addf %div3A_35, %add3A_42 : vector<1x128xf32>
    %rsqrt3A = math.rsqrt %add3A_43 : vector<1x128xf32>
    %mul3A_44 = vector.broadcast %rsqrt3A : vector<1x128xf32> to vector<10000x128xf32>
    %mul3A_45 = arith.mulf %mul3A_40, %mul3A_44 : vector<10000x128xf32>
    %get3A_46 = arith.constant 0 : index
    %get3A_47 = arith.constant 0 : index
    %get3A_48 = vector.load %arg5[%get3A_46, %get3A_47] : memref<1x128xf32, #tpu.memory_space<vmem>>, vector<1x128xf32>
    %add3A_49 = vector.broadcast %get3A_48 : vector<1x128xf32> to vector<10000x128xf32>
    %add3A_50 = arith.addf %mul3A_45, %add3A_49 : vector<10000x128xf32>
    %max3A = arith.constant 0.000000e+00 : f32
    %max3A_51 = vector.broadcast %max3A : f32 to vector<10000x128xf32>
    %max3A_52 = arith.maximumf %add3A_50, %max3A_51 : vector<10000x128xf32>
    %get3A_53 = arith.constant 0 : index
    %get3A_54 = arith.constant 0 : index
    %get3A_55 = vector.load %arg7[%get3A_53, %get3A_54] : memref<128x128xf32, #tpu.memory_space<vmem>>, vector<128x128xf32>
    %dot_general3A_56 = arith.constant dense<0.000000e+00> : vector<10000x128xf32>
    %dot_general3A_57 = tpu.matmul %max3A_52, %get3A_55, %dot_general3A_56 {dimension_numbers = #tpu.dot_dimension_numbers<[1], [0], [0], [1], [0, 0, 1, 1], [], []>, transpose_lhs_hint = false} : vector<10000x128xf32>, vector<128x128xf32>, vector<10000x128xf32> -> vector<10000x128xf32>
    %get3A_58 = arith.constant 0 : index
    %get3A_59 = arith.constant 0 : index
    %get3A_60 = vector.load %arg8[%get3A_58, %get3A_59] : memref<1x128xf32, #tpu.memory_space<vmem>>, vector<1x128xf32>
    %add3A_61 = vector.broadcast %get3A_60 : vector<1x128xf32> to vector<10000x128xf32>
    %add3A_62 = arith.addf %dot_general3A_57, %add3A_61 : vector<10000x128xf32>
    %max3A_63 = arith.constant 0.000000e+00 : f32
    %max3A_64 = vector.broadcast %max3A_63 : f32 to vector<10000x128xf32>
    %max3A_65 = arith.maximumf %add3A_62, %max3A_64 : vector<10000x128xf32>
    %swap3A = arith.constant 0 : index
    %swap3A_66 = arith.constant 0 : index
    %swap3A_67 = vector.load %arg9[%swap3A, %swap3A_66] : memref<10000x128xf32, #tpu.memory_space<vmem>>, vector<10000x128xf32>
    tpu.vector_store %arg9[%swap3A, %swap3A_66], %max3A_65 {strides = array<i32>} : memref<10000x128xf32, #tpu.memory_space<vmem>>, vector<10000x128xf32>,
    return
  }
}

</mosaic_0001>

<sc_bundles>
// kernel: kernel.11.cloned.1.call-start
scs
__scs_entry_jumppad:
0x0: {  	(pc) =	sbr.rel $0x88, $3  }
0x1: {  	(tag) =	ssettag $0x0;
	lr =	simm.s32 $0x1  }
0x2: {  	[smem:$0x3F84] =	sst lr;
	_ =	strace $0xD0000000  }
0x3: {  	_ = 	snop  }
0x4: {  	_ = 	snop  }
0x5: {  	_ = 	snop  }
0x6: {  	_ = 	snop  }
0x7: {  	_ = 	snop  }
__scs_overlays_trampoline_lowered:
0x8: {  	[smem:$0x3F93] =	sst s0  }
0x9: {  	[smem:$0x3F94] =	sst s1  }
0xa: {  	[smem:$0x3F95] =	sst s2  }
0xb: {  	[smem:$0x3F96] =	sst s3  }
0xc: {  	[smem:$0x3F97] =	sst s4  }
0xd: {  	[smem:$0x3F98] =	sst s5  }
0xe: {  	[smem:$0x3F99] =	sst s6  }
0xf: {  	[smem:$0x3F9A] =	sst s7  }
0x10: {  	[smem:$0x3F9B] =	sst s8  }
0x11: {  	[smem:$0x3F9C] =	sst s9;
	s0 =	simm.s32 @!p0 $0x0  }
0x12: {  	s1 =	sld [smem:$0x3F82];
	s0 =	simm.s32 @p0 $0x1  }
0x13: {  	[smem:$0x3F9D] =	sst s0;
	s0 =	simm.s32 @!p1 $0x0  }
0x14: {  	s2 =	sld [smem:$0x3F81];
	s0 =	simm.s32 @p1 $0x1  }
0x15: {  	[smem:$0x3F9E] =	sst s0;
	s0 =	simm.s32 @!p2 $0x0  }
0x16: {  	s3 =	sld [smem:$0x3FDB];
	s0 =	simm.s32 @p2 $0x1  }
0x17: {  	s4 =	simm.s32 $0x1BF5;
	[smem:$0x3FA0] =	sst s0  }
0x18: {  	s0 =	sld [smem:$0x3F83];
	_ =	swait.ge [sflag:s4], $0x0  }
0x19: {  	s7 =	sld [smem:$0x3F84]  }
0x1a: {  	s8 =	sadd.s32 $0xFFFFE003, lr  }
0x1b: {  	s9 =	sadd.s32 $0xFFFFFEF7, lr;
	s5 =	simm.s32 $0xFFFFFFFF;
	p2 =	slt.u32 s8, $0xFFFFF086  }
0x1c: {  	p1 =	slt.u32 s9, $0xF7A;
	s5 =	simm.s32 @!p2 $0x0  }
0x1d: {  	s5 =	simm.s32 @p1 $0x1;
	p0 =	seq.s32 s7, s2  }
0x1e: {  	s7 =	smul.u32 @!p0 $0xF7A, s2;
	p2 =	seq.s32 @!p0 s5, $0x0  }
0x1f: {  	s9 =	smul.u32 $0xF7A, s1;
	s8 =	simm.s32 @!p0 $0x1BF5;
	p2 =	por !p2, p0  }
0x20: {  	[sflag:s8] =	ssyncset.s32 @!p0 $0xFFFFF086;
	s6 =	sadd.s32 @!p0 s3, s7;
	s7 =	simm.s32 @!p0 $0x108  }
0x21: {  	s3 =	sadd.s32 s3, s9;
	s6 =	sadd.s32 @!p0 $0x88, s6;
	s7 =	simm.s32 @p2 $0x1082  }
0x22: {  	[simem:s7], [sflag:s8] =	dma.local @!p0 [hbm:s6], $0xF7A  }
0x23: {  	s9 =	sor.u32 $0xD0000000, s2;
	s6 =	simm.s32 $0x108;
	_ =	swait.ge @!p0 [sflag:s8], $0x0  }
0x24: {  	s3 =	sadd.s32 $0x88, s3;
	s6 =	simm.s32 @!p1 $0x1082;
	[sflag:s4] =	ssyncset.s32 $0xFFFFF086  }
0x25: {  	[simem:s6], [sflag:s4] =	dma.local [hbm:s3], $0xF7A  }
0x26: {  	[smem:$0x3F84] =	sst s1;
	(tag) =	ssettag s2;
	_ =	strace s9  }
0x27: {  	s1 =	sld [smem:$0x3F94]  }
0x28: {  	s2 =	sld [smem:$0x3F95]  }
0x29: {  	s4 =	sld [smem:$0x3F97]  }
0x2a: {  	p0 =	seq.s32 s5, $0x0;
	s5 =	sld [smem:$0x3F98]  }
0x2b: {  	s6 =	sld [smem:$0x3F99]  }
0x2c: {  	s7 =	sld [smem:$0x3F9A]  }
0x2d: {  	s3 =	simm.s32 $0x108;
	s8 =	sld [smem:$0x3F9B]  }
0x2e: {  	s3 =	simm.s32 @!p0 $0x1082;
	s9 =	sld [smem:$0x3F9C]  }
0x2f: {  	lr =	sadd.s32 s0, s3;
	s0 =	sld [smem:$0x3F93]  }
0x30: {  	s3 =	sld [smem:$0x3F96]  }
0x31: {  	[smem:$0x3F9F] =	sst s10  }
0x32: {  	s10 =	sld [smem:$0x3F9D];
	_ =	sdelay $0x3  }
0x33: {  	p0 =	seq.s32 s10, $0x1;
	s10 =	sld [smem:$0x3F9F];
	_ =	sdelay $0x3  }
0x34: {  	[smem:$0x3F9F] =	sst s10  }
0x35: {  	s10 =	sld [smem:$0x3F9E];
	_ =	sdelay $0x3  }
0x36: {  	p1 =	seq.s32 s10, $0x1;
	s10 =	sld [smem:$0x3F9F];
	_ =	sdelay $0x3  }
0x37: {  	[smem:$0x3F9F] =	sst s10  }
0x38: {  	s10 =	sld [smem:$0x3FA0]  }
0x39: {  	_ = 	snop;
	(pc) =	sbr.ind lr, $3  }
0x3a: {  	_ = 	snop  }
0x3b: {  	_ = 	snop  }
0x3c: {  	p2 =	seq.s32 s10, $0x1;
	s10 =	sld [smem:$0x3F9F]  }
0x3d: {  	_ =	shalt  }
0x3e: {  	_ =	shalt  }
0x3f: {  	_ =	shalt  }
0x40: {  	_ =	shalt  }
0x41: {  	_ =	shalt  }
0x42: {  	_ =	shalt  }
0x43: {  	_ =	shalt  }
0x44: {  	_ =	shalt  }
0x45: {  	_ =	shalt  }
0x46: {  	_ =	shalt  }
0x47: {  	_ =	shalt  }
0x48: {  	_ =	shalt  }
0x49: {  	_ =	shalt  }
0x4a: {  	_ =	shalt  }
0x4b: {  	_ =	shalt  }
0x4c: {  	_ =	shalt  }
0x4d: {  	_ =	shalt  }
0x4e: {  	_ =	shalt  }
0x4f: {  	_ =	shalt  }
0x50: {  	_ =	shalt  }
0x51: {  	_ =	shalt  }
0x52: {  	_ =	shalt  }
0x53: {  	_ =	shalt  }
0x54: {  	_ =	shalt  }
0x55: {  	_ =	shalt  }
0x56: {  	_ =	shalt  }
0x57: {  	_ =	shalt  }
0x58: {  	_ =	shalt  }
0x59: {  	_ =	shalt  }
0x5a: {  	_ =	shalt  }
0x5b: {  	_ =	shalt  }
0x5c: {  	_ =	shalt  }
0x5d: {  	_ =	shalt  }
0x5e: {  	_ =	shalt  }
0x5f: {  	_ =	shalt  }
0x60: {  	_ =	shalt  }
0x61: {  	_ =	shalt  }
0x62: {  	_ =	shalt  }
0x63: {  	_ =	shalt  }
0x64: {  	_ =	shalt  }
0x65: {  	_ =	shalt  }
0x66: {  	_ =	shalt  }
0x67: {  	_ =	shalt  }
0x68: {  	_ =	shalt  }
0x69: {  	_ =	shalt  }
0x6a: {  	_ =	shalt  }
0x6b: {  	_ =	shalt  }
0x6c: {  	_ =	shalt  }
0x6d: {  	_ =	shalt  }
0x6e: {  	_ =	shalt  }
0x6f: {  	_ =	shalt  }
0x70: {  	_ =	shalt  }
0x71: {  	_ =	shalt  }
0x72: {  	_ =	shalt  }
0x73: {  	_ =	shalt  }
0x74: {  	_ =	shalt  }
0x75: {  	_ =	shalt  }
0x76: {  	_ =	shalt  }
0x77: {  	_ =	shalt  }
0x78: {  	_ =	shalt  }
0x79: {  	_ =	shalt  }
0x7a: {  	_ =	shalt  }
0x7b: {  	_ =	shalt  }
0x7c: {  	_ =	shalt  }
0x7d: {  	_ =	shalt  }
0x7e: {  	_ =	shalt  }
0x7f: {  	_ =	shalt  }
0x80: {  	_ =	shalt  }
0x81: {  	_ =	shalt  }
0x82: {  	_ =	shalt  }
0x83: {  	_ =	shalt  }
0x84: {  	_ =	shalt  }
0x85: {  	_ =	shalt  }
0x86: {  	_ =	shalt  }
0x87: {  	_ =	shalt  }
.Lfunc_end0:
.L_simem_size_0:
called_computation.1_lowered:
.L_overlay_start_0:
0x88: {  	s2 =	sld [smem:$0x3FD9]  }
0x89: {  	s3 =	sld [smem:$0x3FFE];
	_ =	sdelay $0x1  }
0x8a: {  	s1 =	srdreg.scid  }
0x8b: {  	s0 =	sand.u32 $0x1, s1  }
0x8c: {  	s17 =	sshll.u32 s0, $0xA;
	s2 =	sadd.s32 s3, s2  }
0x8d: {  	s2 =	sadd.s32 s2, s17  }
0x8e: {  	[smem:$0x3FAB] =	sst s2  }
0x8f: {  	_ = 	snop  }
0x90: {  	s2 =	sld [smem:$0x3FD0];
	(tm) =	ssettm $0x1  }
0x91: {  	s18 =	sld [smem:$0x3FFB];
	_ =	sdelay $0x3  }
0x92: {  	_ =	strace s18  }
0x93: {  	s3 =	sld [smem:$0x3FFC];
	_ =	sdelay $0x3  }
0x94: {  	_ =	strace s3  }
0x95: {  	s3 =	sld [smem:$0x3FFD];
	_ =	sdelay $0x3  }
0x96: {  	_ =	strace s3  }
0x97: {  	_ =	strace $0x8FFFFFFF  }
0x98: {  	s19 =	sld [smem:$0x3FDB];
	_ =	sdelay $0x1  }
0x99: {  	s4 =	simm.s32 $_scs_section_size  }
0x9a: {  	s5 =	simm.s32 $_size__tile_overlayer_lowered;
	s6 =	simm.s32 $_tile_overlayer_lowered  }
0x9b: {  	s22 =	simm.s32 $0x1BFF;
	s21 =	sshll.u32 s6, $0x1;
	s3 =	sadd.s32 s4, s19  }
0x9c: {  	s7 =	simm.s32 $0x0;
	s20 =	sshll.u32 s5, $0x1;
	s5 =	sadd.s32 s21, s3  }
0x9d: {  	[timem:s7], [sflag:s22] =	dma.local [hbm:s5], s20  }
0x9e: {  	_ =	swait.ge [sflag:s22], s20  }
0x9f: {  	s4 =	ssub.s32 $0x0, s20;
	[sflag:s22] =	ssyncset.done $0x0  }
0xa0: {  	[sflag:s22] =	ssyncadd.s32 s4;
	_ =	sdelay $0x1  }
0xa1: {  	s23 =	simm.s32 $0x1B8B  }
0xa2: {  	_ =	swait.ge [sflag:s23], $0x1  }
0xa3: {  	[sflag:s23] =	ssyncset.done $0x0  }
0xa4: {  	s25 =	simm.s32 $0x1B8E;
	s24 =	sld [smem:$0x3FFE];
	[sflag:s23] =	ssyncadd.s32 $0xFFFFFFFF  }
0xa5: {  	s26 =	simm.s32 $execute0_lowered;
	[smem:$0x3FD2] =	sst s25  }
0xa6: {  	s5 =	sshll.u32 s26, $0x1;
	_ =	strace $0x80000049;
	[dreg:$0x1] =	wrdreg $0xFFFFFFFF  }
0xa7: {  	s28 =	simm.s32 $_size_execute0_lowered;
	s3 =	sadd.s32 s3, s5;
	[dreg:$0x0] =	wrdreg $0x0  }
0xa8: {  	s5 =	sshll.u32 s28, $0x1;
	[dreg:$0x2] =	wrdreg s3  }
0xa9: {  	[dreg:$0x3] =	wrdreg s5  }
0xaa: {  	[dreg:$0x4] =	wrdreg $0xC0  }
0xab: {  	_ =	task [dreg:s7], $0x5FFFF  }
0xac: {  	[dreg:$0x1] =	wrdreg $0xFFFFFFFF  }
0xad: {  	[dreg:$0x0] =	wrdreg $0x60  }
0xae: {  	[dreg:$0x2] =	wrdreg s2  }
0xaf: {  	[dreg:$0x3] =	wrdreg s24  }
0xb0: {  	[dreg:$0x4] =	wrdreg $0x74000  }
0xb1: {  	[dreg:$0x5] =	wrdreg $0x9  }
0xb2: {  	_ =	task.clear_ibuf [dreg:s7], $0x6FFFF;
	_ =	strace $0x90000049  }
0xb3: {  	s29 =	simm.s32 $0x9;
	_ =	strace $0x8000004B  }
0xb4: {  	_ =	swait.ge [sflag:s29], $0x1  }
0xb5: {  	[sflag:s29] =	ssyncadd.s32 $0xFFFFFFFF  }
0xb6: {  	_ =	strace $0x9000004B  }
0xb7: {  	_ =	sfence  }
0xb8: {  	s30 =	sld [smem:$0x0];
	_ =	sdelay $0x2  }
0xb9: {  	s31 =	sshll.u32 s1, $0xD;
	s1 =	sshrl.u32 s1, $0x2  }
0xba: {  	s3 =	sand.u32 $0x4000, s31;
	s1 =	sadd.s32 s1, s30  }
0xbb: {  	s0 =	sor.u32 s3, s0;
	s1 =	sshll.u32 s1, $0x11  }
0xbc: {  	s0 =	sor.u32 s1, s0  }
0xbd: {  	s0 =	sadd.s32 $0x8F2B, s0  }
0xbe: {  	[sflag:s0] =	ssyncadd.remote.s32 $0x1  }
0xbf: {  	_ =	sfence.sel $0xFFFF  }
0xc0: {  	[dreg:$0x0] =	wrdreg $0xFFFFFFFF;
	(pc) =	sbr.abs _section_cstart, $3  }
0xc1: {  	[dreg:$0x1] =	wrdreg $0xFFFFFFFF  }
0xc2: {  	_ =	task.clear_ibuf [dreg:s7], $0x2FFFF;
	_ =	strace $0x9FFFFFFF  }
0xc3: {  	(tm) =	ssettm $0x7FFFFFFF  }
tec
execute0_lowered:
.L_overlay_start_1:
0x0: {  	(tag) =	ssettag $0x1  }
0x1: {  	s1 =	rddreg [dreg:$0x0]  }
0x2: {  	s0 =	rddreg [dreg:$0x1]  }
0x3: {  	s2 =	rddreg [dreg:$0x2];
	s3 =	srdreg.scid;
	s4 =	simm.s32 $0x0  }
0x4: {  	s11 =	stileid.u32;
	s22 =	simm.s32 $0x180;
	s28 =	simm.s32 $0x32  }
0x5: {  	s30 =	simm.s32 $0x2;
	s31 =	simm.s32 $0x2000;
	s10 =	smul.u32 $0x50000, s11  }
0x6: {  	s3 =	sand.u32 $0x1, s3;
	[smem:$0x7FF] =	sst s4;
	s18 =	smul.u32 $0xC8, s11  }
0x7: {  	s7 =	sadd.s32 $0x5600, s0;
	s9 =	sadd.s32 $0x37600, s0;
	s21 =	smul.u32 $0x2800, s11  }
0x8: {  	s5 =	sshll.u32 s3, $0x4;
	s6 =	smul.u32 $0x28000, s3;
	_ =	strace $0x8000004A  }
0x9: {  	[dreg:$0x4] =	wrdreg s9;
	s14 =	ssub.s32 $0x2, s3;
	s3 =	smul.u32 $0xC80, s3  }
0xa: {  	s5 =	sor.u32 s11, s5;
	s15 =	sshrl.u32 s14, $0x1;
	s19 =	sshrl.u32 s10, $0x2  }
0xb: {  	s10 =	simm.s32 $0xA;
	s11 =	simm.s32 $0x6;
	s8 =	smul.u32 $0xC80, s5  }
0xc: {  	s5 =	smul.u32 $0x6400, s5;
	s0 =	sadd.s32 s6, s0;
	s6 =	ssub.s32 s14, s15  }
0xd: {  	s3 =	sadd.s32 s18, s3;
	s20 =	sadd.s32 s19, s2;
	s18 =	simm.s32 $0x11  }
0xe: {  	s14 =	simm.s32 $0x4;
	[dreg:$0xb] =	wrdreg s20;
	s3 =	sshll.u32 s3, $0x4  }
0xf: {  	s0 =	sadd.s32 $0x39E00, s0;
	s23 =	smax.u32 s6, $0x1;
	s6 =	simm.s32 $0x5800  }
0x10: {  	s20 =	simm.s32 $0x8;
	s16 =	sadd.s32 s7, s8;
	s5 =	sshrl.u32 s5, $0x3  }
0x11: {  	s13 =	sadd.s32 s3, s7;
	[dreg:$0xc] =	wrdreg s23;
	s0 =	sadd.s32 s21, s0  }
0x12: {  	s3 =	simm.s32 $0x9;
	s21 =	simm.s32 $0xE;
	[dreg:$0x5] =	wrdreg s16  }
0x13: {  	s23 =	simm.s32 $0xF;
	s8 =	sadd.s32 $0x10, s16;
	[dreg:$0x11] =	wrdreg s0  }
0x14: {  	s17 =	sadd.s32 $0x20, s16;
	s12 =	sadd.s32 $0x30, s16;
	[dreg:$0x6] =	wrdreg s8  }
0x15: {  	s9 =	sadd.s32 $0x19000, s16;
	s5 =	sadd.s32 s7, s5;
	[dreg:$0x7] =	wrdreg s17  }
0x16: {  	s24 =	sadd.s32 $0x19000, s13;
	s25 =	sadd.s32 $0x19040, s13;
	[dreg:$0x8] =	wrdreg s12  }
0x17: {  	s26 =	sadd.s32 $0x60, s13;
	s29 =	sadd.s32 $0x19020, s13;
	[dreg:$0x9] =	wrdreg s9  }
0x18: {  	s19 =	sadd.s32 $0x40, s13;
	s7 =	simm.s32 $0x300;
	[dreg:$0xd] =	wrdreg s24  }
.Ltmp0:
0x19: {  	s0 =	simm.s32 $0xC;
	[dreg:$0xe] =	wrdreg s25;
	(pc) =	sbr.rel .LBB2_1-.Ltmp0, $4  }
0x1a: {  	s16 =	simm.s32 $0x0;
	s5 =	sadd.s32 $0x19010, s5;
	[dreg:$0xf] =	wrdreg s26  }
0x1b: {  	[dreg:$0x10] =	wrdreg s29;
	s25 =	simm.s32 $0x280;
	s8 =	simm.s32 $0x3  }
0x1c: {  	s9 =	simm.s32 $0x3C00;
	s12 =	simm.s32 $0x380;
	s24 =	simm.s32 $0xB  }
0x1d: {  	s26 =	simm.s32 $0x7;
	[dreg:$0xa] =	wrdreg s5;
	s5 =	simm.s32 $0x5  }
.LBB2_7:
0x1e: {  	_ =	swait.ge [sflag:s21], $0x1900  }
0x1f: {  	[sflag:s21] =	ssyncset.done $0x0  }
0x20: {  	[sflag:s21] =	ssyncadd.s32 $0xFFFFE700  }
0x21: {  	_ =	swait.ge [sflag:s23], $0x1900  }
0x22: {  	[sflag:s23] =	ssyncset.done $0x0  }
0x23: {  	s15 =	simm.s32 $0x10;
	[sflag:s23] =	ssyncadd.s32 $0xFFFFE700  }
0x24: {  	_ =	swait.ge [sflag:s15], $0x1900  }
0x25: {  	[sflag:s15] =	ssyncset.done $0x0  }
0x26: {  	[sflag:s15] =	ssyncadd.s32 $0xFFFFE700  }
0x27: {  	[bflag:$0x0] =	sbarrier.arrive $0xFFFF  }
0x28: {  	s29 =	rddreg [dreg:$0x11]  }
0x29: {  	s16 =	rddreg [dreg:$0x13]  }
0x2a: {  	s18 =	simm.s32 $0x11;
	s17 =	rddreg [dreg:$0x14]  }
0x2b: {  	[hbm:s29], [sflag:s16] =	dma.local [spmem:s17], $0x2800  }
0x2c: {  	_ =	swait.ge [sflag:s18], $0x2800  }
0x2d: {  	s17 =	rddreg [dreg:$0x12]  }
0x2e: {  	s29 =	rddreg [dreg:$0xc];
	s16 =	sadd.s32 $0x1, s17  }
0x2f: {  	p0 =	sne.s32 s16, s29  }
.Ltmp1:
0x30: {  	_ = 	snop;
	(pc) =	sbr.rel @!p0 .LBB2_8-.Ltmp1, $3  }
0x31: {  	_ =	sdelay $0x1  }
0x32: {  	[sflag:s18] =	ssyncset.done $0x0  }
0x33: {  	[sflag:s18] =	ssyncadd.s32 $0xFFFFD800  }
.LBB2_1:
0x34: {  	[dreg:$0x12] =	wrdreg s16  }
0x35: {  	s15 =	rddreg [dreg:$0x5]  }
0x36: {  	[tilespmem:s4], [sflag:$0x1] =	stream.linear.gather [hbm4b:s15+s4], $0x80, $0x38;
	[tilespmem:$0x1B400] =	vst v63  }
0x37: {  	s17 =	rddreg [dreg:$0x6];
	s16 =	simm.s32 $0x80  }
0x38: {  	[tilespmem:s16], [sflag:$0x2] =	stream.linear.gather [hbm4b:s17+s4], $0x80, $0x38;
	[tilespmem:$0x1B400] =	vst v63  }
0x39: {  	s15 =	rddreg [dreg:$0x7];
	s17 =	simm.s32 $0x100  }
0x3a: {  	[tilespmem:s17], [sflag:$0x3] =	stream.linear.gather [hbm4b:s15+s4], $0x80, $0x38;
	[tilespmem:$0x1B400] =	vst v63  }
0x3b: {  	s17 =	rddreg [dreg:$0x8]  }
0x3c: {  	[tilespmem:s22], [sflag:$0x4] =	stream.linear.gather [hbm4b:s17+s4], $0x80, $0x38;
	[tilespmem:$0x1B400] =	vst v63  }
0x3d: {  	s15 =	rddreg [dreg:$0x9];
	s17 =	simm.s32 $0x200  }
0x3e: {  	[tilespmem:s17], [sflag:$0x5] =	stream.linear.gather [hbm4b:s15+s4], $0x80, $0x38;
	[tilespmem:$0x1B400] =	vst v63  }
0x3f: {  	s17 =	rddreg [dreg:$0xa]  }
0x40: {  	[tilespmem:s25], [sflag:$0x6] =	stream.linear.gather [hbm4b:s17+s4], $0x80, $0x38;
	[tilespmem:$0x1B400] =	vst v63  }
0x41: {  	s17 =	simm.s32 $0x1  }
0x42: {  	_ =	swait.ge [sflag:s17], $0x80  }
0x43: {  	[sflag:s17] =	ssyncset.done $0x0  }
0x44: {  	[sflag:s17] =	ssyncadd.s32 $0xFFFFFF80;
	s17 =	simm.s32 $0x400  }
0x45: {  	[tilespmem:s17], [sflag:$0x9] =	stream.indirect.gather [hbm4b:s1+s28], $0x80, s4, s28, $0xb8;
	[tilespmem:$0x1B400] =	vst v63  }
0x46: {  	_ =	swait.ge [sflag:s30], $0x80  }
0x47: {  	[sflag:s30] =	ssyncset.done $0x0  }
0x48: {  	s17 =	rddreg [dreg:$0xb];
	[sflag:s30] =	ssyncadd.s32 $0xFFFFFF80  }
0x49: {  	[tilespmem:s31], [sflag:$0xA] =	stream.indirect.gather [hbm4b:s1+s28], $0x80, s16, s28, $0xb8;
	[tilespmem:$0x1B400] =	vst v63  }
0x4a: {  	s17 =	sshrl.u32 s17, $0x3;
	s16 =	stileid.u32  }
0x4b: {  	[dreg:$0x14] =	wrdreg s17;
	s15 =	sshll.u32 s16, $0x6  }
0x4c: {  	s16 =	sor.u32 $0x1C11, s15;
	s15 =	rddreg [dreg:$0x4]  }
0x4d: {  	[dreg:$0x13] =	wrdreg s16  }
0x4e: {  	[spmem:s17], [sflag:s16] =	dma.local [hbm:s15], $0x2800  }
0x4f: {  	_ =	swait.ge [sflag:s18], $0x2800  }
0x50: {  	[sflag:s18] =	ssyncset.done $0x0  }
0x51: {  	[sflag:s18] =	ssyncadd.s32 $0xFFFFD800  }
0x52: {  	s29 =	simm.s32 $0x0;
	[bflag:$0x0] =	sbarrier.arrive $0xFFFF  }
.LBB2_2:
0x53: {  	_ =	swait.ge [sflag:s3], $0x1900  }
0x54: {  	p0 =	seq.s32 s29, $0xC40;
	[sflag:s3] =	ssyncset.done $0x0  }
0x55: {  	p1 =	seq.s32 @!p0 s29, $0x0;
	[sflag:s3] =	ssyncadd.s32 $0xFFFFE700  }
0x56: {  	p1 =	por p0, !p1;
	_ =	swait.ge [sflag:s5], $0x80  }
.Ltmp2:
0x57: {  	[sflag:s5] =	ssyncset.done $0x0;
	(pc) =	sbr.rel @!p1 .LBB2_3-.Ltmp2, $4  }
0x58: {  	s15 =	simm.s32 $0x200;
	s16 =	simm.s32 $0x400;
	[sflag:s5] =	ssyncadd.s32 $0xFFFFFF80  }
0x59: {  	[spmem:s2] =	stream.indirect.scatter.add.f32 [tilespmem:s16], [sflag:$0xD], $0x80, s15, s28, $0xb8;
	[tilespmem:$0x1B400] =	vst v63  }
0x5a: {  	s16 =	sadd.s32 @!p0 s29, s19;
	s15 =	simm.s32 @!p0 $0x0  }
0x5b: {  	[tilespmem:s15], [sflag:$0x1] =	stream.linear.gather @!p0 [hbm4b:s16+s15], $0x80, $0x38;
	[tilespmem:$0x1B400] =	vst v63  }
.Ltmp3:
0x5c: {  	(pc) =	sbr.rel .LBB2_5-.Ltmp3, $4  }
0x5d: {  	_ = 	snop  }
0x5e: {  	_ =	swait.ge [sflag:s23], $0x1900  }
0x5f: {  	[sflag:s23] =	ssyncset.done $0x0  }
0x60: {  	p1 =	por $0x0, $0x0;
	[sflag:s23] =	ssyncadd.s32 $0xFFFFE700  }
.LBB2_3:
0x61: {  	p1 =	por @!p0 $0x1, $0x1  }
.LBB2_5:
0x62: {  	s16 =	rddreg [dreg:$0x10]  }
0x63: {  	s16 =	sadd.s32 s29, s16  }
0x64: {  	[tilespmem:s7], [sflag:$0x7] =	stream.linear.gather [hbm4b:s16+s4], $0x80, $0x38;
	[tilespmem:$0x1B400] =	vst v63  }
0x65: {  	_ =	swait.ge [sflag:s8], $0x80  }
0x66: {  	[sflag:s8] =	ssyncset.done $0x0  }
0x67: {  	s17 =	simm.s32 $0x100;
	[sflag:s8] =	ssyncadd.s32 $0xFFFFFF80  }
0x68: {  	[tilespmem:s9], [sflag:$0xB] =	stream.indirect.gather [hbm4b:s1+s28], $0x80, s17, s28, $0xb8;
	[tilespmem:$0x1B400] =	vst v63  }
0x69: {  	_ =	swait.ge [sflag:s10], $0x1900  }
0x6a: {  	[sflag:s10] =	ssyncset.done $0x0  }
0x6b: {  	[sflag:s10] =	ssyncadd.s32 $0xFFFFE700  }
0x6c: {  	_ =	swait.ge [sflag:s11], $0x80  }
0x6d: {  	[sflag:s11] =	ssyncset.done $0x0  }
0x6e: {  	s16 =	sadd.s32 @!p0 s29, s13;
	[sflag:s11] =	ssyncadd.s32 $0xFFFFFF80  }
0x6f: {  	[spmem:s2] =	stream.indirect.scatter.add.f32 [tilespmem:s31], [sflag:$0xE], $0x80, s25, s28, $0xb8;
	[tilespmem:$0x1B400] =	vst v63  }
0x70: {  	s16 =	sadd.s32 @!p0 $0x50, s16;
	s17 =	simm.s32 @!p0 $0x80  }
0x71: {  	[tilespmem:s17], [sflag:$0x2] =	stream.linear.gather @!p0 [hbm4b:s16+s15], $0x80, $0x38;
	[tilespmem:$0x1B400] =	vst v63  }
0x72: {  	s17 =	simm.s32 @!p1 $0x10  }
0x73: {  	_ =	swait.ge @!p1 [sflag:s17], $0x1900  }
0x74: {  	s18 =	rddreg [dreg:$0xd]  }
0x75: {  	[sflag:s17] =	ssyncset.done @!p1 $0x0;
	s16 =	sadd.s32 s29, s18  }
0x76: {  	[sflag:s17] =	ssyncadd.s32 @!p1 $0xFFFFE700;
	s18 =	sadd.s32 $0x30, s16  }
0x77: {  	[tilespmem:s12], [sflag:$0x8] =	stream.linear.gather [hbm4b:s18+s4], $0x80, $0x38;
	[tilespmem:$0x1B400] =	vst v63  }
0x78: {  	_ =	swait.ge [sflag:s14], $0x80  }
0x79: {  	[sflag:s14] =	ssyncset.done $0x0  }
0x7a: {  	[sflag:s14] =	ssyncadd.s32 $0xFFFFFF80  }
0x7b: {  	[tilespmem:s6], [sflag:$0xC] =	stream.indirect.gather [hbm4b:s1+s28], $0x80, s22, s28, $0xb8;
	[tilespmem:$0x1B400] =	vst v63  }
0x7c: {  	_ =	swait.ge [sflag:s24], $0x1900  }
0x7d: {  	[sflag:s24] =	ssyncset.done $0x0  }
0x7e: {  	[sflag:s24] =	ssyncadd.s32 $0xFFFFE700  }
0x7f: {  	_ =	swait.ge [sflag:s26], $0x80  }
0x80: {  	[sflag:s26] =	ssyncset.done $0x0  }
0x81: {  	s17 =	simm.s32 @p0 $0xD;
	[sflag:s26] =	ssyncadd.s32 $0xFFFFFF80  }
0x82: {  	[spmem:s2] =	stream.indirect.scatter.add.f32 [tilespmem:s9], [sflag:$0xF], $0x80, s7, s28, $0xb8;
	[tilespmem:$0x1B400] =	vst v63  }
0x83: {  	_ =	swait.ge @p0 [sflag:s17], $0x1900  }
0x84: {  	[sflag:s17] =	ssyncset.done @p0 $0x0  }
0x85: {  	[sflag:s17] =	ssyncadd.s32 @p0 $0xFFFFE700;
	s17 =	rddreg [dreg:$0xf]  }
0x86: {  	s18 =	simm.s32 @!p0 $0x100;
	s17 =	sadd.s32 @!p0 s29, s17  }
0x87: {  	[tilespmem:s18], [sflag:$0x3] =	stream.linear.gather @!p0 [hbm4b:s17+s15], $0x80, $0x38;
	[tilespmem:$0x1B400] =	vst v63  }
0x88: {  	s17 =	simm.s32 @!p0 $0xD  }
0x89: {  	_ =	swait.ge @!p0 [sflag:s17], $0x1900  }
0x8a: {  	[sflag:s17] =	ssyncset.done @!p0 $0x0  }
0x8b: {  	[sflag:s17] =	ssyncadd.s32 @!p0 $0xFFFFE700;
	s17 =	rddreg [dreg:$0xe]  }
0x8c: {  	s18 =	simm.s32 @!p0 $0x200;
	s17 =	sadd.s32 @!p0 s29, s17  }
0x8d: {  	[tilespmem:s18], [sflag:$0x5] =	stream.linear.gather @!p0 [hbm4b:s17+s15], $0x80, $0x38;
	[tilespmem:$0x1B400] =	vst v63  }
0x8e: {  	s17 =	simm.s32 @!p0 $0x1  }
0x8f: {  	_ =	swait.ge @!p0 [sflag:s17], $0x80  }
0x90: {  	[sflag:s17] =	ssyncset.done @!p0 $0x0  }
0x91: {  	s18 =	simm.s32 @!p0 $0x400;
	[sflag:s17] =	ssyncadd.s32 @!p0 $0xFFFFFF80;
	s17 =	simm.s32 @!p0 $0x32  }
0x92: {  	[tilespmem:s18], [sflag:$0x9] =	stream.indirect.gather @!p0 [hbm4b:s1+s17], $0x80, s15, s17, $0xb8;
	[tilespmem:$0x1B400] =	vst v63  }
0x93: {  	_ =	swait.ge [sflag:s0], $0x1900  }
0x94: {  	[sflag:s0] =	ssyncset.done $0x0  }
.Ltmp4:
0x95: {  	[sflag:s0] =	ssyncadd.s32 $0xFFFFE700;
	(pc) =	sbr.rel @p0 .LBB2_7-.Ltmp4, $4  }
0x96: {  	_ =	swait.ge [sflag:s20], $0x80  }
0x97: {  	[sflag:s20] =	ssyncset.done $0x0  }
0x98: {  	[sflag:s20] =	ssyncadd.s32 $0xFFFFFF80  }
0x99: {  	[spmem:s2] =	stream.indirect.scatter.add.f32 [tilespmem:s6], [sflag:$0x10], $0x80, s12, s28, $0xb8;
	[tilespmem:$0x1B400] =	vst v63  }
0x9a: {  	s15 =	sadd.s32 s29, s13  }
0x9b: {  	s15 =	sadd.s32 $0x70, s15  }
0x9c: {  	[tilespmem:s22], [sflag:$0x4] =	stream.linear.gather [hbm4b:s15+s4], $0x80, $0x38;
	[tilespmem:$0x1B400] =	vst v63  }
0x9d: {  	_ =	swait.ge [sflag:s21], $0x1900  }
0x9e: {  	[sflag:s21] =	ssyncset.done $0x0  }
0x9f: {  	s17 =	sadd.s32 $0x50, s16;
	[sflag:s21] =	ssyncadd.s32 $0xFFFFE700  }
0xa0: {  	[tilespmem:s25], [sflag:$0x6] =	stream.linear.gather [hbm4b:s17+s4], $0x80, $0x38;
	[tilespmem:$0x1B400] =	vst v63  }
.Ltmp5:
0xa1: {  	_ = 	snop;
	(pc) =	sbr.rel .LBB2_2-.Ltmp5, $4  }
0xa2: {  	_ =	swait.ge [sflag:s30], $0x80  }
0xa3: {  	[sflag:s30] =	ssyncset.done $0x0  }
0xa4: {  	s18 =	simm.s32 $0x80;
	s29 =	sadd.s32 $0x40, s29;
	[sflag:s30] =	ssyncadd.s32 $0xFFFFFF80  }
0xa5: {  	[tilespmem:s31], [sflag:$0xA] =	stream.indirect.gather [hbm4b:s1+s28], $0x80, s18, s28, $0xb8;
	[tilespmem:$0x1B400] =	vst v63  }
.LBB2_8:
0xa6: {  	_ =	sfence.sel $0x180000  }
0xa7: {  	[bflag:$0x0] =	sbarrier.arrive $0xFFFF  }
0xa8: {  	_ =	strace $0x9000004A  }
0xa9: {  	s0 =	stileid.u32;
	[bflag:$0x2] =	sbarrier.arrive $0xFFFF  }
0xaa: {  	p0 =	sne.s32 s0, $0x0;
	s0 =	rddreg [dreg:$0x3]  }
0xab: {  	s0 =	sadd.s32 @!p0 $0x100000, s0  }
0xac: {  	[sflag:s0] =	ssyncadd.tile.s32 @!p0 $0x1;
	_ =	shalt  }
.Lfunc_end2:
_tile_overlayer_lowered:
.L_overlay_start_2:
0xad: {  	(tag) =	ssettag $0x2  }
0xae: {  	s0 =	rddreg [dreg:$0x0];
	s2 =	stileid.u32  }
0xaf: {  	s1 =	rddreg [dreg:$0x1];
	p0 =	sne.s32 s2, $0x0  }
0xb0: {  	s3 =	rddreg [dreg:$0x2];
	[bflag:$0x3] =	sbarrier.arrive $0xFFFF;
	s2 =	simm.s32 @!p0 $0x1C11  }
0xb1: {  	[timem:s3], [sflag:s2] =	dma.local @!p0 [hbm:s0], s1  }
0xb2: {  	s0 =	simm.s32 @!p0 $0x11  }
0xb3: {  	_ =	swait.ge @!p0 [sflag:s0], s1  }
0xb4: {  	s1 =	ssub.s32 @!p0 $0x0, s1;
	[sflag:s0] =	ssyncset.done @!p0 $0x0  }
0xb5: {  	[sflag:s0] =	ssyncadd.s32 @!p0 s1  }
0xb6: {  	[bflag:$0x3] =	sbarrier.arrive $0xFFFF  }
0xb7: {  	_ =	shalt  }

// kernel: kernel.14.cloned.1.call-start
scs
__scs_entry_jumppad:
0x0: {  	(pc) =	sbr.rel $0x88, $3  }
0x1: {  	(tag) =	ssettag $0x0;
	lr =	simm.s32 $0x1  }
0x2: {  	[smem:$0x3F84] =	sst lr;
	_ =	strace $0xD0000000  }
0x3: {  	_ = 	snop  }
0x4: {  	_ = 	snop  }
0x5: {  	_ = 	snop  }
0x6: {  	_ = 	snop  }
0x7: {  	_ = 	snop  }
__scs_overlays_trampoline_lowered:
0x8: {  	[smem:$0x3F93] =	sst s0  }
0x9: {  	[smem:$0x3F94] =	sst s1  }
0xa: {  	[smem:$0x3F95] =	sst s2  }
0xb: {  	[smem:$0x3F96] =	sst s3  }
0xc: {  	[smem:$0x3F97] =	sst s4  }
0xd: {  	[smem:$0x3F98] =	sst s5  }
0xe: {  	[smem:$0x3F99] =	sst s6  }
0xf: {  	[smem:$0x3F9A] =	sst s7  }
0x10: {  	[smem:$0x3F9B] =	sst s8  }
0x11: {  	[smem:$0x3F9C] =	sst s9;
	s0 =	simm.s32 @!p0 $0x0  }
0x12: {  	s1 =	sld [smem:$0x3F82];
	s0 =	simm.s32 @p0 $0x1  }
0x13: {  	[smem:$0x3F9D] =	sst s0;
	s0 =	simm.s32 @!p1 $0x0  }
0x14: {  	s2 =	sld [smem:$0x3F81];
	s0 =	simm.s32 @p1 $0x1  }
0x15: {  	[smem:$0x3F9E] =	sst s0;
	s0 =	simm.s32 @!p2 $0x0  }
0x16: {  	s3 =	sld [smem:$0x3FDB];
	s0 =	simm.s32 @p2 $0x1  }
0x17: {  	s4 =	simm.s32 $0x1BF5;
	[smem:$0x3FA0] =	sst s0  }
0x18: {  	s0 =	sld [smem:$0x3F83];
	_ =	swait.ge [sflag:s4], $0x0  }
0x19: {  	s7 =	sld [smem:$0x3F84]  }
0x1a: {  	s8 =	sadd.s32 $0xFFFFE003, lr  }
0x1b: {  	s9 =	sadd.s32 $0xFFFFFEF7, lr;
	s5 =	simm.s32 $0xFFFFFFFF;
	p2 =	slt.u32 s8, $0xFFFFF086  }
0x1c: {  	p1 =	slt.u32 s9, $0xF7A;
	s5 =	simm.s32 @!p2 $0x0  }
0x1d: {  	s5 =	simm.s32 @p1 $0x1;
	p0 =	seq.s32 s7, s2  }
0x1e: {  	s7 =	smul.u32 @!p0 $0xF7A, s2;
	p2 =	seq.s32 @!p0 s5, $0x0  }
0x1f: {  	s9 =	smul.u32 $0xF7A, s1;
	s8 =	simm.s32 @!p0 $0x1BF5;
	p2 =	por !p2, p0  }
0x20: {  	[sflag:s8] =	ssyncset.s32 @!p0 $0xFFFFF086;
	s6 =	sadd.s32 @!p0 s3, s7;
	s7 =	simm.s32 @!p0 $0x108  }
0x21: {  	s3 =	sadd.s32 s3, s9;
	s6 =	sadd.s32 @!p0 $0x88, s6;
	s7 =	simm.s32 @p2 $0x1082  }
0x22: {  	[simem:s7], [sflag:s8] =	dma.local @!p0 [hbm:s6], $0xF7A  }
0x23: {  	s9 =	sor.u32 $0xD0000000, s2;
	s6 =	simm.s32 $0x108;
	_ =	swait.ge @!p0 [sflag:s8], $0x0  }
0x24: {  	s3 =	sadd.s32 $0x88, s3;
	s6 =	simm.s32 @!p1 $0x1082;
	[sflag:s4] =	ssyncset.s32 $0xFFFFF086  }
0x25: {  	[simem:s6], [sflag:s4] =	dma.local [hbm:s3], $0xF7A  }
0x26: {  	[smem:$0x3F84] =	sst s1;
	(tag) =	ssettag s2;
	_ =	strace s9  }
0x27: {  	s1 =	sld [smem:$0x3F94]  }
0x28: {  	s2 =	sld [smem:$0x3F95]  }
0x29: {  	s4 =	sld [smem:$0x3F97]  }
0x2a: {  	p0 =	seq.s32 s5, $0x0;
	s5 =	sld [smem:$0x3F98]  }
0x2b: {  	s6 =	sld [smem:$0x3F99]  }
0x2c: {  	s7 =	sld [smem:$0x3F9A]  }
0x2d: {  	s3 =	simm.s32 $0x108;
	s8 =	sld [smem:$0x3F9B]  }
0x2e: {  	s3 =	simm.s32 @!p0 $0x1082;
	s9 =	sld [smem:$0x3F9C]  }
0x2f: {  	lr =	sadd.s32 s0, s3;
	s0 =	sld [smem:$0x3F93]  }
0x30: {  	s3 =	sld [smem:$0x3F96]  }
0x31: {  	[smem:$0x3F9F] =	sst s10  }
0x32: {  	s10 =	sld [smem:$0x3F9D];
	_ =	sdelay $0x3  }
0x33: {  	p0 =	seq.s32 s10, $0x1;
	s10 =	sld [smem:$0x3F9F];
	_ =	sdelay $0x3  }
0x34: {  	[smem:$0x3F9F] =	sst s10  }
0x35: {  	s10 =	sld [smem:$0x3F9E];
	_ =	sdelay $0x3  }
0x36: {  	p1 =	seq.s32 s10, $0x1;
	s10 =	sld [smem:$0x3F9F];
	_ =	sdelay $0x3  }
0x37: {  	[smem:$0x3F9F] =	sst s10  }
0x38: {  	s10 =	sld [smem:$0x3FA0]  }
0x39: {  	_ = 	snop;
	(pc) =	sbr.ind lr, $3  }
0x3a: {  	_ = 	snop  }
0x3b: {  	_ = 	snop  }
0x3c: {  	p2 =	seq.s32 s10, $0x1;
	s10 =	sld [smem:$0x3F9F]  }
0x3d: {  	_ =	shalt  }
0x3e: {  	_ =	shalt  }
0x3f: {  	_ =	shalt  }
0x40: {  	_ =	shalt  }
0x41: {  	_ =	shalt  }
0x42: {  	_ =	shalt  }
0x43: {  	_ =	shalt  }
0x44: {  	_ =	shalt  }
0x45: {  	_ =	shalt  }
0x46: {  	_ =	shalt  }
0x47: {  	_ =	shalt  }
0x48: {  	_ =	shalt  }
0x49: {  	_ =	shalt  }
0x4a: {  	_ =	shalt  }
0x4b: {  	_ =	shalt  }
0x4c: {  	_ =	shalt  }
0x4d: {  	_ =	shalt  }
0x4e: {  	_ =	shalt  }
0x4f: {  	_ =	shalt  }
0x50: {  	_ =	shalt  }
0x51: {  	_ =	shalt  }
0x52: {  	_ =	shalt  }
0x53: {  	_ =	shalt  }
0x54: {  	_ =	shalt  }
0x55: {  	_ =	shalt  }
0x56: {  	_ =	shalt  }
0x57: {  	_ =	shalt  }
0x58: {  	_ =	shalt  }
0x59: {  	_ =	shalt  }
0x5a: {  	_ =	shalt  }
0x5b: {  	_ =	shalt  }
0x5c: {  	_ =	shalt  }
0x5d: {  	_ =	shalt  }
0x5e: {  	_ =	shalt  }
0x5f: {  	_ =	shalt  }
0x60: {  	_ =	shalt  }
0x61: {  	_ =	shalt  }
0x62: {  	_ =	shalt  }
0x63: {  	_ =	shalt  }
0x64: {  	_ =	shalt  }
0x65: {  	_ =	shalt  }
0x66: {  	_ =	shalt  }
0x67: {  	_ =	shalt  }
0x68: {  	_ =	shalt  }
0x69: {  	_ =	shalt  }
0x6a: {  	_ =	shalt  }
0x6b: {  	_ =	shalt  }
0x6c: {  	_ =	shalt  }
0x6d: {  	_ =	shalt  }
0x6e: {  	_ =	shalt  }
0x6f: {  	_ =	shalt  }
0x70: {  	_ =	shalt  }
0x71: {  	_ =	shalt  }
0x72: {  	_ =	shalt  }
0x73: {  	_ =	shalt  }
0x74: {  	_ =	shalt  }
0x75: {  	_ =	shalt  }
0x76: {  	_ =	shalt  }
0x77: {  	_ =	shalt  }
0x78: {  	_ =	shalt  }
0x79: {  	_ =	shalt  }
0x7a: {  	_ =	shalt  }
0x7b: {  	_ =	shalt  }
0x7c: {  	_ =	shalt  }
0x7d: {  	_ =	shalt  }
0x7e: {  	_ =	shalt  }
0x7f: {  	_ =	shalt  }
0x80: {  	_ =	shalt  }
0x81: {  	_ =	shalt  }
0x82: {  	_ =	shalt  }
0x83: {  	_ =	shalt  }
0x84: {  	_ =	shalt  }
0x85: {  	_ =	shalt  }
0x86: {  	_ =	shalt  }
0x87: {  	_ =	shalt  }
.Lfunc_end0:
.L_simem_size_0:
called_computation.2_lowered:
.L_overlay_start_0:
0x88: {  	s2 =	sld [smem:$0x3FD9]  }
0x89: {  	s3 =	sld [smem:$0x3FFE];
	_ =	sdelay $0x1  }
0x8a: {  	s1 =	srdreg.scid  }
0x8b: {  	s0 =	sand.u32 $0x1, s1  }
0x8c: {  	s17 =	sshll.u32 s0, $0xA;
	s2 =	sadd.s32 s3, s2  }
0x8d: {  	s2 =	sadd.s32 s2, s17  }
0x8e: {  	[smem:$0x3FAB] =	sst s2  }
0x8f: {  	_ = 	snop  }
0x90: {  	s2 =	sld [smem:$0x3FD0];
	(tm) =	ssettm $0x1  }
0x91: {  	s18 =	sld [smem:$0x3FFB];
	_ =	sdelay $0x3  }
0x92: {  	_ =	strace s18  }
0x93: {  	s3 =	sld [smem:$0x3FFC];
	_ =	sdelay $0x3  }
0x94: {  	_ =	strace s3  }
0x95: {  	s3 =	sld [smem:$0x3FFD];
	_ =	sdelay $0x3  }
0x96: {  	_ =	strace s3  }
0x97: {  	_ =	strace $0x8FFFFFFF  }
0x98: {  	s19 =	sld [smem:$0x3FDB];
	_ =	sdelay $0x1  }
0x99: {  	s4 =	simm.s32 $_scs_section_size  }
0x9a: {  	s5 =	simm.s32 $_size__tile_overlayer_lowered;
	s6 =	simm.s32 $_tile_overlayer_lowered  }
0x9b: {  	s22 =	simm.s32 $0x1BFF;
	s21 =	sshll.u32 s6, $0x1;
	s3 =	sadd.s32 s4, s19  }
0x9c: {  	s7 =	simm.s32 $0x0;
	s20 =	sshll.u32 s5, $0x1;
	s5 =	sadd.s32 s21, s3  }
0x9d: {  	[timem:s7], [sflag:s22] =	dma.local [hbm:s5], s20  }
0x9e: {  	_ =	swait.ge [sflag:s22], s20  }
0x9f: {  	s4 =	ssub.s32 $0x0, s20;
	[sflag:s22] =	ssyncset.done $0x0  }
0xa0: {  	[sflag:s22] =	ssyncadd.s32 s4;
	_ =	sdelay $0x1  }
0xa1: {  	s23 =	simm.s32 $0x1B8B  }
0xa2: {  	_ =	swait.ge [sflag:s23], $0x1  }
0xa3: {  	[sflag:s23] =	ssyncset.done $0x0  }
0xa4: {  	s25 =	simm.s32 $0x1B8E;
	s24 =	sld [smem:$0x3FFE];
	[sflag:s23] =	ssyncadd.s32 $0xFFFFFFFF  }
0xa5: {  	s26 =	simm.s32 $execute0_lowered;
	[smem:$0x3FD2] =	sst s25  }
0xa6: {  	s5 =	sshll.u32 s26, $0x1;
	_ =	strace $0x8000004C;
	[dreg:$0x1] =	wrdreg $0xFFFFFFFF  }
0xa7: {  	s28 =	simm.s32 $_size_execute0_lowered;
	s3 =	sadd.s32 s3, s5;
	[dreg:$0x0] =	wrdreg $0x0  }
0xa8: {  	s5 =	sshll.u32 s28, $0x1;
	[dreg:$0x2] =	wrdreg s3  }
0xa9: {  	[dreg:$0x3] =	wrdreg s5  }
0xaa: {  	[dreg:$0x4] =	wrdreg $0xC0  }
0xab: {  	_ =	task [dreg:s7], $0x5FFFF  }
0xac: {  	[dreg:$0x1] =	wrdreg $0xFFFFFFFF  }
0xad: {  	[dreg:$0x0] =	wrdreg $0x60  }
0xae: {  	[dreg:$0x2] =	wrdreg s2  }
0xaf: {  	[dreg:$0x3] =	wrdreg s24  }
0xb0: {  	[dreg:$0x4] =	wrdreg $0x74000  }
0xb1: {  	[dreg:$0x5] =	wrdreg $0x9  }
0xb2: {  	_ =	task.clear_ibuf [dreg:s7], $0x6FFFF;
	_ =	strace $0x9000004C  }
0xb3: {  	s29 =	simm.s32 $0x9;
	_ =	strace $0x8000004E  }
0xb4: {  	_ =	swait.ge [sflag:s29], $0x1  }
0xb5: {  	[sflag:s29] =	ssyncadd.s32 $0xFFFFFFFF  }
0xb6: {  	_ =	strace $0x9000004E  }
0xb7: {  	_ =	sfence  }
0xb8: {  	s30 =	sld [smem:$0x0];
	_ =	sdelay $0x2  }
0xb9: {  	s31 =	sshll.u32 s1, $0xD;
	s1 =	sshrl.u32 s1, $0x2  }
0xba: {  	s3 =	sand.u32 $0x4000, s31;
	s1 =	sadd.s32 s1, s30  }
0xbb: {  	s0 =	sor.u32 s3, s0;
	s1 =	sshll.u32 s1, $0x11  }
0xbc: {  	s0 =	sor.u32 s1, s0  }
0xbd: {  	s0 =	sadd.s32 $0x8F2B, s0  }
0xbe: {  	[sflag:s0] =	ssyncadd.remote.s32 $0x1  }
0xbf: {  	_ =	sfence.sel $0xFFFF  }
0xc0: {  	[dreg:$0x0] =	wrdreg $0xFFFFFFFF;
	(pc) =	sbr.abs _section_cstart, $3  }
0xc1: {  	[dreg:$0x1] =	wrdreg $0xFFFFFFFF  }
0xc2: {  	_ =	task.clear_ibuf [dreg:s7], $0x2FFFF;
	_ =	strace $0x9FFFFFFF  }
0xc3: {  	(tm) =	ssettm $0x7FFFFFFF  }
tec
execute0_lowered:
.L_overlay_start_1:
0x0: {  	(tag) =	ssettag $0x1  }
0x1: {  	s1 =	rddreg [dreg:$0x0]  }
0x2: {  	s0 =	rddreg [dreg:$0x1]  }
0x3: {  	s2 =	rddreg [dreg:$0x2];
	s3 =	srdreg.scid;
	s4 =	simm.s32 $0x0  }
0x4: {  	s11 =	stileid.u32;
	s22 =	simm.s32 $0x180;
	s28 =	simm.s32 $0x32  }
0x5: {  	s30 =	simm.s32 $0x2;
	s31 =	simm.s32 $0x2000;
	s10 =	smul.u32 $0x50000, s11  }
0x6: {  	s3 =	sand.u32 $0x1, s3;
	[smem:$0x7FF] =	sst s4;
	s18 =	smul.u32 $0xC8, s11  }
0x7: {  	s7 =	sadd.s32 $0x5600, s0;
	s9 =	sadd.s32 $0x37600, s0;
	s21 =	smul.u32 $0x2800, s11  }
0x8: {  	s5 =	sshll.u32 s3, $0x4;
	s6 =	smul.u32 $0x28000, s3;
	_ =	strace $0x8000004D  }
0x9: {  	[dreg:$0x4] =	wrdreg s9;
	s14 =	ssub.s32 $0x2, s3;
	s3 =	smul.u32 $0xC80, s3  }
0xa: {  	s5 =	sor.u32 s11, s5;
	s15 =	sshrl.u32 s14, $0x1;
	s19 =	sshrl.u32 s10, $0x2  }
0xb: {  	s10 =	simm.s32 $0xA;
	s11 =	simm.s32 $0x6;
	s8 =	smul.u32 $0xC80, s5  }
0xc: {  	s5 =	smul.u32 $0x6400, s5;
	s0 =	sadd.s32 s6, s0;
	s6 =	ssub.s32 s14, s15  }
0xd: {  	s3 =	sadd.s32 s18, s3;
	s20 =	sadd.s32 s19, s2;
	s18 =	simm.s32 $0x11  }
0xe: {  	s14 =	simm.s32 $0x4;
	[dreg:$0xb] =	wrdreg s20;
	s3 =	sshll.u32 s3, $0x4  }
0xf: {  	s0 =	sadd.s32 $0x39E00, s0;
	s23 =	smax.u32 s6, $0x1;
	s6 =	simm.s32 $0x5800  }
0x10: {  	s20 =	simm.s32 $0x8;
	s16 =	sadd.s32 s7, s8;
	s5 =	sshrl.u32 s5, $0x3  }
0x11: {  	s13 =	sadd.s32 s3, s7;
	[dreg:$0xc] =	wrdreg s23;
	s0 =	sadd.s32 s21, s0  }
0x12: {  	s3 =	simm.s32 $0x9;
	s21 =	simm.s32 $0xE;
	[dreg:$0x5] =	wrdreg s16  }
0x13: {  	s23 =	simm.s32 $0xF;
	s8 =	sadd.s32 $0x10, s16;
	[dreg:$0x11] =	wrdreg s0  }
0x14: {  	s17 =	sadd.s32 $0x20, s16;
	s12 =	sadd.s32 $0x30, s16;
	[dreg:$0x6] =	wrdreg s8  }
0x15: {  	s9 =	sadd.s32 $0x19000, s16;
	s5 =	sadd.s32 s7, s5;
	[dreg:$0x7] =	wrdreg s17  }
0x16: {  	s24 =	sadd.s32 $0x19000, s13;
	s25 =	sadd.s32 $0x19040, s13;
	[dreg:$0x8] =	wrdreg s12  }
0x17: {  	s26 =	sadd.s32 $0x60, s13;
	s29 =	sadd.s32 $0x19020, s13;
	[dreg:$0x9] =	wrdreg s9  }
0x18: {  	s19 =	sadd.s32 $0x40, s13;
	s7 =	simm.s32 $0x300;
	[dreg:$0xd] =	wrdreg s24  }
.Ltmp0:
0x19: {  	s0 =	simm.s32 $0xC;
	[dreg:$0xe] =	wrdreg s25;
	(pc) =	sbr.rel .LBB2_1-.Ltmp0, $4  }
0x1a: {  	s16 =	simm.s32 $0x0;
	s5 =	sadd.s32 $0x19010, s5;
	[dreg:$0xf] =	wrdreg s26  }
0x1b: {  	[dreg:$0x10] =	wrdreg s29;
	s25 =	simm.s32 $0x280;
	s8 =	simm.s32 $0x3  }
0x1c: {  	s9 =	simm.s32 $0x3C00;
	s12 =	simm.s32 $0x380;
	s24 =	simm.s32 $0xB  }
0x1d: {  	s26 =	simm.s32 $0x7;
	[dreg:$0xa] =	wrdreg s5;
	s5 =	simm.s32 $0x5  }
.LBB2_7:
0x1e: {  	_ =	swait.ge [sflag:s21], $0x1900  }
0x1f: {  	[sflag:s21] =	ssyncset.done $0x0  }
0x20: {  	[sflag:s21] =	ssyncadd.s32 $0xFFFFE700  }
0x21: {  	_ =	swait.ge [sflag:s23], $0x1900  }
0x22: {  	[sflag:s23] =	ssyncset.done $0x0  }
0x23: {  	s15 =	simm.s32 $0x10;
	[sflag:s23] =	ssyncadd.s32 $0xFFFFE700  }
0x24: {  	_ =	swait.ge [sflag:s15], $0x1900  }
0x25: {  	[sflag:s15] =	ssyncset.done $0x0  }
0x26: {  	[sflag:s15] =	ssyncadd.s32 $0xFFFFE700  }
0x27: {  	[bflag:$0x0] =	sbarrier.arrive $0xFFFF  }
0x28: {  	s29 =	rddreg [dreg:$0x11]  }
0x29: {  	s16 =	rddreg [dreg:$0x13]  }
0x2a: {  	s18 =	simm.s32 $0x11;
	s17 =	rddreg [dreg:$0x14]  }
0x2b: {  	[hbm:s29], [sflag:s16] =	dma.local [spmem:s17], $0x2800  }
0x2c: {  	_ =	swait.ge [sflag:s18], $0x2800  }
0x2d: {  	s17 =	rddreg [dreg:$0x12]  }
0x2e: {  	s29 =	rddreg [dreg:$0xc];
	s16 =	sadd.s32 $0x1, s17  }
0x2f: {  	p0 =	sne.s32 s16, s29  }
.Ltmp1:
0x30: {  	_ = 	snop;
	(pc) =	sbr.rel @!p0 .LBB2_8-.Ltmp1, $3  }
0x31: {  	_ =	sdelay $0x1  }
0x32: {  	[sflag:s18] =	ssyncset.done $0x0  }
0x33: {  	[sflag:s18] =	ssyncadd.s32 $0xFFFFD800  }
.LBB2_1:
0x34: {  	[dreg:$0x12] =	wrdreg s16  }
0x35: {  	s15 =	rddreg [dreg:$0x5]  }
0x36: {  	[tilespmem:s4], [sflag:$0x1] =	stream.linear.gather [hbm4b:s15+s4], $0x80, $0x38;
	[tilespmem:$0x1B400] =	vst v63  }
0x37: {  	s17 =	rddreg [dreg:$0x6];
	s16 =	simm.s32 $0x80  }
0x38: {  	[tilespmem:s16], [sflag:$0x2] =	stream.linear.gather [hbm4b:s17+s4], $0x80, $0x38;
	[tilespmem:$0x1B400] =	vst v63  }
0x39: {  	s15 =	rddreg [dreg:$0x7];
	s17 =	simm.s32 $0x100  }
0x3a: {  	[tilespmem:s17], [sflag:$0x3] =	stream.linear.gather [hbm4b:s15+s4], $0x80, $0x38;
	[tilespmem:$0x1B400] =	vst v63  }
0x3b: {  	s17 =	rddreg [dreg:$0x8]  }
0x3c: {  	[tilespmem:s22], [sflag:$0x4] =	stream.linear.gather [hbm4b:s17+s4], $0x80, $0x38;
	[tilespmem:$0x1B400] =	vst v63  }
0x3d: {  	s15 =	rddreg [dreg:$0x9];
	s17 =	simm.s32 $0x200  }
0x3e: {  	[tilespmem:s17], [sflag:$0x5] =	stream.linear.gather [hbm4b:s15+s4], $0x80, $0x38;
	[tilespmem:$0x1B400] =	vst v63  }
0x3f: {  	s17 =	rddreg [dreg:$0xa]  }
0x40: {  	[tilespmem:s25], [sflag:$0x6] =	stream.linear.gather [hbm4b:s17+s4], $0x80, $0x38;
	[tilespmem:$0x1B400] =	vst v63  }
0x41: {  	s17 =	simm.s32 $0x1  }
0x42: {  	_ =	swait.ge [sflag:s17], $0x80  }
0x43: {  	[sflag:s17] =	ssyncset.done $0x0  }
0x44: {  	[sflag:s17] =	ssyncadd.s32 $0xFFFFFF80;
	s17 =	simm.s32 $0x400  }
0x45: {  	[tilespmem:s17], [sflag:$0x9] =	stream.indirect.gather [hbm4b:s1+s28], $0x80, s4, s28, $0xb8;
	[tilespmem:$0x1B400] =	vst v63  }
0x46: {  	_ =	swait.ge [sflag:s30], $0x80  }
0x47: {  	[sflag:s30] =	ssyncset.done $0x0  }
0x48: {  	s17 =	rddreg [dreg:$0xb];
	[sflag:s30] =	ssyncadd.s32 $0xFFFFFF80  }
0x49: {  	[tilespmem:s31], [sflag:$0xA] =	stream.indirect.gather [hbm4b:s1+s28], $0x80, s16, s28, $0xb8;
	[tilespmem:$0x1B400] =	vst v63  }
0x4a: {  	s17 =	sshrl.u32 s17, $0x3;
	s16 =	stileid.u32  }
0x4b: {  	[dreg:$0x14] =	wrdreg s17;
	s15 =	sshll.u32 s16, $0x6  }
0x4c: {  	s16 =	sor.u32 $0x1C11, s15;
	s15 =	rddreg [dreg:$0x4]  }
0x4d: {  	[dreg:$0x13] =	wrdreg s16  }
0x4e: {  	[spmem:s17], [sflag:s16] =	dma.local [hbm:s15], $0x2800  }
0x4f: {  	_ =	swait.ge [sflag:s18], $0x2800  }
0x50: {  	[sflag:s18] =	ssyncset.done $0x0  }
0x51: {  	[sflag:s18] =	ssyncadd.s32 $0xFFFFD800  }
0x52: {  	s29 =	simm.s32 $0x0;
	[bflag:$0x0] =	sbarrier.arrive $0xFFFF  }
.LBB2_2:
0x53: {  	_ =	swait.ge [sflag:s3], $0x1900  }
0x54: {  	p0 =	seq.s32 s29, $0xC40;
	[sflag:s3] =	ssyncset.done $0x0  }
0x55: {  	p1 =	seq.s32 @!p0 s29, $0x0;
	[sflag:s3] =	ssyncadd.s32 $0xFFFFE700  }
0x56: {  	p1 =	por p0, !p1;
	_ =	swait.ge [sflag:s5], $0x80  }
.Ltmp2:
0x57: {  	[sflag:s5] =	ssyncset.done $0x0;
	(pc) =	sbr.rel @!p1 .LBB2_3-.Ltmp2, $4  }
0x58: {  	s15 =	simm.s32 $0x200;
	s16 =	simm.s32 $0x400;
	[sflag:s5] =	ssyncadd.s32 $0xFFFFFF80  }
0x59: {  	[spmem:s2] =	stream.indirect.scatter.add.f32 [tilespmem:s16], [sflag:$0xD], $0x80, s15, s28, $0xb8;
	[tilespmem:$0x1B400] =	vst v63  }
0x5a: {  	s16 =	sadd.s32 @!p0 s29, s19;
	s15 =	simm.s32 @!p0 $0x0  }
0x5b: {  	[tilespmem:s15], [sflag:$0x1] =	stream.linear.gather @!p0 [hbm4b:s16+s15], $0x80, $0x38;
	[tilespmem:$0x1B400] =	vst v63  }
.Ltmp3:
0x5c: {  	(pc) =	sbr.rel .LBB2_5-.Ltmp3, $4  }
0x5d: {  	_ = 	snop  }
0x5e: {  	_ =	swait.ge [sflag:s23], $0x1900  }
0x5f: {  	[sflag:s23] =	ssyncset.done $0x0  }
0x60: {  	p1 =	por $0x0, $0x0;
	[sflag:s23] =	ssyncadd.s32 $0xFFFFE700  }
.LBB2_3:
0x61: {  	p1 =	por @!p0 $0x1, $0x1  }
.LBB2_5:
0x62: {  	s16 =	rddreg [dreg:$0x10]  }
0x63: {  	s16 =	sadd.s32 s29, s16  }
0x64: {  	[tilespmem:s7], [sflag:$0x7] =	stream.linear.gather [hbm4b:s16+s4], $0x80, $0x38;
	[tilespmem:$0x1B400] =	vst v63  }
0x65: {  	_ =	swait.ge [sflag:s8], $0x80  }
0x66: {  	[sflag:s8] =	ssyncset.done $0x0  }
0x67: {  	s17 =	simm.s32 $0x100;
	[sflag:s8] =	ssyncadd.s32 $0xFFFFFF80  }
0x68: {  	[tilespmem:s9], [sflag:$0xB] =	stream.indirect.gather [hbm4b:s1+s28], $0x80, s17, s28, $0xb8;
	[tilespmem:$0x1B400] =	vst v63  }
0x69: {  	_ =	swait.ge [sflag:s10], $0x1900  }
0x6a: {  	[sflag:s10] =	ssyncset.done $0x0  }
0x6b: {  	[sflag:s10] =	ssyncadd.s32 $0xFFFFE700  }
0x6c: {  	_ =	swait.ge [sflag:s11], $0x80  }
0x6d: {  	[sflag:s11] =	ssyncset.done $0x0  }
0x6e: {  	s16 =	sadd.s32 @!p0 s29, s13;
	[sflag:s11] =	ssyncadd.s32 $0xFFFFFF80  }
0x6f: {  	[spmem:s2] =	stream.indirect.scatter.add.f32 [tilespmem:s31], [sflag:$0xE], $0x80, s25, s28, $0xb8;
	[tilespmem:$0x1B400] =	vst v63  }
0x70: {  	s16 =	sadd.s32 @!p0 $0x50, s16;
	s17 =	simm.s32 @!p0 $0x80  }
0x71: {  	[tilespmem:s17], [sflag:$0x2] =	stream.linear.gather @!p0 [hbm4b:s16+s15], $0x80, $0x38;
	[tilespmem:$0x1B400] =	vst v63  }
0x72: {  	s17 =	simm.s32 @!p1 $0x10  }
0x73: {  	_ =	swait.ge @!p1 [sflag:s17], $0x1900  }
0x74: {  	s18 =	rddreg [dreg:$0xd]  }
0x75: {  	[sflag:s17] =	ssyncset.done @!p1 $0x0;
	s16 =	sadd.s32 s29, s18  }
0x76: {  	[sflag:s17] =	ssyncadd.s32 @!p1 $0xFFFFE700;
	s18 =	sadd.s32 $0x30, s16  }
0x77: {  	[tilespmem:s12], [sflag:$0x8] =	stream.linear.gather [hbm4b:s18+s4], $0x80, $0x38;
	[tilespmem:$0x1B400] =	vst v63  }
0x78: {  	_ =	swait.ge [sflag:s14], $0x80  }
0x79: {  	[sflag:s14] =	ssyncset.done $0x0  }
0x7a: {  	[sflag:s14] =	ssyncadd.s32 $0xFFFFFF80  }
0x7b: {  	[tilespmem:s6], [sflag:$0xC] =	stream.indirect.gather [hbm4b:s1+s28], $0x80, s22, s28, $0xb8;
	[tilespmem:$0x1B400] =	vst v63  }
0x7c: {  	_ =	swait.ge [sflag:s24], $0x1900  }
0x7d: {  	[sflag:s24] =	ssyncset.done $0x0  }
0x7e: {  	[sflag:s24] =	ssyncadd.s32 $0xFFFFE700  }
0x7f: {  	_ =	swait.ge [sflag:s26], $0x80  }
0x80: {  	[sflag:s26] =	ssyncset.done $0x0  }
0x81: {  	s17 =	simm.s32 @p0 $0xD;
	[sflag:s26] =	ssyncadd.s32 $0xFFFFFF80  }
0x82: {  	[spmem:s2] =	stream.indirect.scatter.add.f32 [tilespmem:s9], [sflag:$0xF], $0x80, s7, s28, $0xb8;
	[tilespmem:$0x1B400] =	vst v63  }
0x83: {  	_ =	swait.ge @p0 [sflag:s17], $0x1900  }
0x84: {  	[sflag:s17] =	ssyncset.done @p0 $0x0  }
0x85: {  	[sflag:s17] =	ssyncadd.s32 @p0 $0xFFFFE700;
	s17 =	rddreg [dreg:$0xf]  }
0x86: {  	s18 =	simm.s32 @!p0 $0x100;
	s17 =	sadd.s32 @!p0 s29, s17  }
0x87: {  	[tilespmem:s18], [sflag:$0x3] =	stream.linear.gather @!p0 [hbm4b:s17+s15], $0x80, $0x38;
	[tilespmem:$0x1B400] =	vst v63  }
0x88: {  	s17 =	simm.s32 @!p0 $0xD  }
0x89: {  	_ =	swait.ge @!p0 [sflag:s17], $0x1900  }
0x8a: {  	[sflag:s17] =	ssyncset.done @!p0 $0x0  }
0x8b: {  	[sflag:s17] =	ssyncadd.s32 @!p0 $0xFFFFE700;
	s17 =	rddreg [dreg:$0xe]  }
0x8c: {  	s18 =	simm.s32 @!p0 $0x200;
	s17 =	sadd.s32 @!p0 s29, s17  }
0x8d: {  	[tilespmem:s18], [sflag:$0x5] =	stream.linear.gather @!p0 [hbm4b:s17+s15], $0x80, $0x38;
	[tilespmem:$0x1B400] =	vst v63  }
0x8e: {  	s17 =	simm.s32 @!p0 $0x1  }
0x8f: {  	_ =	swait.ge @!p0 [sflag:s17], $0x80  }
0x90: {  	[sflag:s17] =	ssyncset.done @!p0 $0x0  }
0x91: {  	s18 =	simm.s32 @!p0 $0x400;
	[sflag:s17] =	ssyncadd.s32 @!p0 $0xFFFFFF80;
	s17 =	simm.s32 @!p0 $0x32  }
0x92: {  	[tilespmem:s18], [sflag:$0x9] =	stream.indirect.gather @!p0 [hbm4b:s1+s17], $0x80, s15, s17, $0xb8;
	[tilespmem:$0x1B400] =	vst v63  }
0x93: {  	_ =	swait.ge [sflag:s0], $0x1900  }
0x94: {  	[sflag:s0] =	ssyncset.done $0x0  }
.Ltmp4:
0x95: {  	[sflag:s0] =	ssyncadd.s32 $0xFFFFE700;
	(pc) =	sbr.rel @p0 .LBB2_7-.Ltmp4, $4  }
0x96: {  	_ =	swait.ge [sflag:s20], $0x80  }
0x97: {  	[sflag:s20] =	ssyncset.done $0x0  }
0x98: {  	[sflag:s20] =	ssyncadd.s32 $0xFFFFFF80  }
0x99: {  	[spmem:s2] =	stream.indirect.scatter.add.f32 [tilespmem:s6], [sflag:$0x10], $0x80, s12, s28, $0xb8;
	[tilespmem:$0x1B400] =	vst v63  }
0x9a: {  	s15 =	sadd.s32 s29, s13  }
0x9b: {  	s15 =	sadd.s32 $0x70, s15  }
0x9c: {  	[tilespmem:s22], [sflag:$0x4] =	stream.linear.gather [hbm4b:s15+s4], $0x80, $0x38;
	[tilespmem:$0x1B400] =	vst v63  }
0x9d: {  	_ =	swait.ge [sflag:s21], $0x1900  }
0x9e: {  	[sflag:s21] =	ssyncset.done $0x0  }
0x9f: {  	s17 =	sadd.s32 $0x50, s16;
	[sflag:s21] =	ssyncadd.s32 $0xFFFFE700  }
0xa0: {  	[tilespmem:s25], [sflag:$0x6] =	stream.linear.gather [hbm4b:s17+s4], $0x80, $0x38;
	[tilespmem:$0x1B400] =	vst v63  }
.Ltmp5:
0xa1: {  	_ = 	snop;
	(pc) =	sbr.rel .LBB2_2-.Ltmp5, $4  }
0xa2: {  	_ =	swait.ge [sflag:s30], $0x80  }
0xa3: {  	[sflag:s30] =	ssyncset.done $0x0  }
0xa4: {  	s18 =	simm.s32 $0x80;
	s29 =	sadd.s32 $0x40, s29;
	[sflag:s30] =	ssyncadd.s32 $0xFFFFFF80  }
0xa5: {  	[tilespmem:s31], [sflag:$0xA] =	stream.indirect.gather [hbm4b:s1+s28], $0x80, s18, s28, $0xb8;
	[tilespmem:$0x1B400] =	vst v63  }
.LBB2_8:
0xa6: {  	_ =	sfence.sel $0x180000  }
0xa7: {  	[bflag:$0x0] =	sbarrier.arrive $0xFFFF  }
0xa8: {  	_ =	strace $0x9000004D  }
0xa9: {  	s0 =	stileid.u32;
	[bflag:$0x2] =	sbarrier.arrive $0xFFFF  }
0xaa: {  	p0 =	sne.s32 s0, $0x0;
	s0 =	rddreg [dreg:$0x3]  }
0xab: {  	s0 =	sadd.s32 @!p0 $0x100000, s0  }
0xac: {  	[sflag:s0] =	ssyncadd.tile.s32 @!p0 $0x1;
	_ =	shalt  }
.Lfunc_end2:
_tile_overlayer_lowered:
.L_overlay_start_2:
0xad: {  	(tag) =	ssettag $0x2  }
0xae: {  	s0 =	rddreg [dreg:$0x0];
	s2 =	stileid.u32  }
0xaf: {  	s1 =	rddreg [dreg:$0x1];
	p0 =	sne.s32 s2, $0x0  }
0xb0: {  	s3 =	rddreg [dreg:$0x2];
	[bflag:$0x3] =	sbarrier.arrive $0xFFFF;
	s2 =	simm.s32 @!p0 $0x1C11  }
0xb1: {  	[timem:s3], [sflag:s2] =	dma.local @!p0 [hbm:s0], s1  }
0xb2: {  	s0 =	simm.s32 @!p0 $0x11  }
0xb3: {  	_ =	swait.ge @!p0 [sflag:s0], s1  }
0xb4: {  	s1 =	ssub.s32 @!p0 $0x0, s1;
	[sflag:s0] =	ssyncset.done @!p0 $0x0  }
0xb5: {  	[sflag:s0] =	ssyncadd.s32 @!p0 s1  }
0xb6: {  	[bflag:$0x3] =	sbarrier.arrive $0xFFFF  }
0xb7: {  	_ =	shalt  }

// kernel: kernel.8.cloned.1.call-start
scs
__scs_entry_jumppad:
0x0: {  	(pc) =	sbr.rel $0x88, $3  }
0x1: {  	(tag) =	ssettag $0x0;
	lr =	simm.s32 $0x1  }
0x2: {  	[smem:$0x3F84] =	sst lr;
	_ =	strace $0xD0000000  }
0x3: {  	_ = 	snop  }
0x4: {  	_ = 	snop  }
0x5: {  	_ = 	snop  }
0x6: {  	_ = 	snop  }
0x7: {  	_ = 	snop  }
__scs_overlays_trampoline_lowered:
0x8: {  	[smem:$0x3F93] =	sst s0  }
0x9: {  	[smem:$0x3F94] =	sst s1  }
0xa: {  	[smem:$0x3F95] =	sst s2  }
0xb: {  	[smem:$0x3F96] =	sst s3  }
0xc: {  	[smem:$0x3F97] =	sst s4  }
0xd: {  	[smem:$0x3F98] =	sst s5  }
0xe: {  	[smem:$0x3F99] =	sst s6  }
0xf: {  	[smem:$0x3F9A] =	sst s7  }
0x10: {  	[smem:$0x3F9B] =	sst s8  }
0x11: {  	[smem:$0x3F9C] =	sst s9;
	s0 =	simm.s32 @!p0 $0x0  }
0x12: {  	s1 =	sld [smem:$0x3F82];
	s0 =	simm.s32 @p0 $0x1  }
0x13: {  	[smem:$0x3F9D] =	sst s0;
	s0 =	simm.s32 @!p1 $0x0  }
0x14: {  	s2 =	sld [smem:$0x3F81];
	s0 =	simm.s32 @p1 $0x1  }
0x15: {  	[smem:$0x3F9E] =	sst s0;
	s0 =	simm.s32 @!p2 $0x0  }
0x16: {  	s3 =	sld [smem:$0x3FDB];
	s0 =	simm.s32 @p2 $0x1  }
0x17: {  	s4 =	simm.s32 $0x1BF5;
	[smem:$0x3FA0] =	sst s0  }
0x18: {  	s0 =	sld [smem:$0x3F83];
	_ =	swait.ge [sflag:s4], $0x0  }
0x19: {  	s7 =	sld [smem:$0x3F84]  }
0x1a: {  	s8 =	sadd.s32 $0xFFFFE003, lr  }
0x1b: {  	s9 =	sadd.s32 $0xFFFFFEF7, lr;
	s5 =	simm.s32 $0xFFFFFFFF;
	p2 =	slt.u32 s8, $0xFFFFF086  }
0x1c: {  	p1 =	slt.u32 s9, $0xF7A;
	s5 =	simm.s32 @!p2 $0x0  }
0x1d: {  	s5 =	simm.s32 @p1 $0x1;
	p0 =	seq.s32 s7, s2  }
0x1e: {  	s7 =	smul.u32 @!p0 $0xF7A, s2;
	p2 =	seq.s32 @!p0 s5, $0x0  }
0x1f: {  	s9 =	smul.u32 $0xF7A, s1;
	s8 =	simm.s32 @!p0 $0x1BF5;
	p2 =	por !p2, p0  }
0x20: {  	[sflag:s8] =	ssyncset.s32 @!p0 $0xFFFFF086;
	s6 =	sadd.s32 @!p0 s3, s7;
	s7 =	simm.s32 @!p0 $0x108  }
0x21: {  	s3 =	sadd.s32 s3, s9;
	s6 =	sadd.s32 @!p0 $0x88, s6;
	s7 =	simm.s32 @p2 $0x1082  }
0x22: {  	[simem:s7], [sflag:s8] =	dma.local @!p0 [hbm:s6], $0xF7A  }
0x23: {  	s9 =	sor.u32 $0xD0000000, s2;
	s6 =	simm.s32 $0x108;
	_ =	swait.ge @!p0 [sflag:s8], $0x0  }
0x24: {  	s3 =	sadd.s32 $0x88, s3;
	s6 =	simm.s32 @!p1 $0x1082;
	[sflag:s4] =	ssyncset.s32 $0xFFFFF086  }
0x25: {  	[simem:s6], [sflag:s4] =	dma.local [hbm:s3], $0xF7A  }
0x26: {  	[smem:$0x3F84] =	sst s1;
	(tag) =	ssettag s2;
	_ =	strace s9  }
0x27: {  	s1 =	sld [smem:$0x3F94]  }
0x28: {  	s2 =	sld [smem:$0x3F95]  }
0x29: {  	s4 =	sld [smem:$0x3F97]  }
0x2a: {  	p0 =	seq.s32 s5, $0x0;
	s5 =	sld [smem:$0x3F98]  }
0x2b: {  	s6 =	sld [smem:$0x3F99]  }
0x2c: {  	s7 =	sld [smem:$0x3F9A]  }
0x2d: {  	s3 =	simm.s32 $0x108;
	s8 =	sld [smem:$0x3F9B]  }
0x2e: {  	s3 =	simm.s32 @!p0 $0x1082;
	s9 =	sld [smem:$0x3F9C]  }
0x2f: {  	lr =	sadd.s32 s0, s3;
	s0 =	sld [smem:$0x3F93]  }
0x30: {  	s3 =	sld [smem:$0x3F96]  }
0x31: {  	[smem:$0x3F9F] =	sst s10  }
0x32: {  	s10 =	sld [smem:$0x3F9D];
	_ =	sdelay $0x3  }
0x33: {  	p0 =	seq.s32 s10, $0x1;
	s10 =	sld [smem:$0x3F9F];
	_ =	sdelay $0x3  }
0x34: {  	[smem:$0x3F9F] =	sst s10  }
0x35: {  	s10 =	sld [smem:$0x3F9E];
	_ =	sdelay $0x3  }
0x36: {  	p1 =	seq.s32 s10, $0x1;
	s10 =	sld [smem:$0x3F9F];
	_ =	sdelay $0x3  }
0x37: {  	[smem:$0x3F9F] =	sst s10  }
0x38: {  	s10 =	sld [smem:$0x3FA0]  }
0x39: {  	_ = 	snop;
	(pc) =	sbr.ind lr, $3  }
0x3a: {  	_ = 	snop  }
0x3b: {  	_ = 	snop  }
0x3c: {  	p2 =	seq.s32 s10, $0x1;
	s10 =	sld [smem:$0x3F9F]  }
0x3d: {  	_ =	shalt  }
0x3e: {  	_ =	shalt  }
0x3f: {  	_ =	shalt  }
0x40: {  	_ =	shalt  }
0x41: {  	_ =	shalt  }
0x42: {  	_ =	shalt  }
0x43: {  	_ =	shalt  }
0x44: {  	_ =	shalt  }
0x45: {  	_ =	shalt  }
0x46: {  	_ =	shalt  }
0x47: {  	_ =	shalt  }
0x48: {  	_ =	shalt  }
0x49: {  	_ =	shalt  }
0x4a: {  	_ =	shalt  }
0x4b: {  	_ =	shalt  }
0x4c: {  	_ =	shalt  }
0x4d: {  	_ =	shalt  }
0x4e: {  	_ =	shalt  }
0x4f: {  	_ =	shalt  }
0x50: {  	_ =	shalt  }
0x51: {  	_ =	shalt  }
0x52: {  	_ =	shalt  }
0x53: {  	_ =	shalt  }
0x54: {  	_ =	shalt  }
0x55: {  	_ =	shalt  }
0x56: {  	_ =	shalt  }
0x57: {  	_ =	shalt  }
0x58: {  	_ =	shalt  }
0x59: {  	_ =	shalt  }
0x5a: {  	_ =	shalt  }
0x5b: {  	_ =	shalt  }
0x5c: {  	_ =	shalt  }
0x5d: {  	_ =	shalt  }
0x5e: {  	_ =	shalt  }
0x5f: {  	_ =	shalt  }
0x60: {  	_ =	shalt  }
0x61: {  	_ =	shalt  }
0x62: {  	_ =	shalt  }
0x63: {  	_ =	shalt  }
0x64: {  	_ =	shalt  }
0x65: {  	_ =	shalt  }
0x66: {  	_ =	shalt  }
0x67: {  	_ =	shalt  }
0x68: {  	_ =	shalt  }
0x69: {  	_ =	shalt  }
0x6a: {  	_ =	shalt  }
0x6b: {  	_ =	shalt  }
0x6c: {  	_ =	shalt  }
0x6d: {  	_ =	shalt  }
0x6e: {  	_ =	shalt  }
0x6f: {  	_ =	shalt  }
0x70: {  	_ =	shalt  }
0x71: {  	_ =	shalt  }
0x72: {  	_ =	shalt  }
0x73: {  	_ =	shalt  }
0x74: {  	_ =	shalt  }
0x75: {  	_ =	shalt  }
0x76: {  	_ =	shalt  }
0x77: {  	_ =	shalt  }
0x78: {  	_ =	shalt  }
0x79: {  	_ =	shalt  }
0x7a: {  	_ =	shalt  }
0x7b: {  	_ =	shalt  }
0x7c: {  	_ =	shalt  }
0x7d: {  	_ =	shalt  }
0x7e: {  	_ =	shalt  }
0x7f: {  	_ =	shalt  }
0x80: {  	_ =	shalt  }
0x81: {  	_ =	shalt  }
0x82: {  	_ =	shalt  }
0x83: {  	_ =	shalt  }
0x84: {  	_ =	shalt  }
0x85: {  	_ =	shalt  }
0x86: {  	_ =	shalt  }
0x87: {  	_ =	shalt  }
.Lfunc_end0:
.L_simem_size_0:
called_computation_lowered:
.L_overlay_start_0:
0x88: {  	s2 =	sld [smem:$0x3FD9]  }
0x89: {  	s3 =	sld [smem:$0x3FFE];
	_ =	sdelay $0x1  }
0x8a: {  	s1 =	srdreg.scid  }
0x8b: {  	s0 =	sand.u32 $0x1, s1  }
0x8c: {  	s17 =	sshll.u32 s0, $0xA;
	s2 =	sadd.s32 s3, s2  }
0x8d: {  	s2 =	sadd.s32 s2, s17  }
0x8e: {  	[smem:$0x3FAB] =	sst s2  }
0x8f: {  	_ = 	snop  }
0x90: {  	s2 =	sld [smem:$0x3FC9];
	(tm) =	ssettm $0x1  }
0x91: {  	s18 =	sld [smem:$0x3FFB];
	_ =	sdelay $0x3  }
0x92: {  	_ =	strace s18  }
0x93: {  	s3 =	sld [smem:$0x3FFC];
	_ =	sdelay $0x3  }
0x94: {  	_ =	strace s3  }
0x95: {  	s3 =	sld [smem:$0x3FFD];
	_ =	sdelay $0x3  }
0x96: {  	_ =	strace s3  }
0x97: {  	_ =	strace $0x8FFFFFFF  }
0x98: {  	s19 =	sld [smem:$0x3FDB];
	_ =	sdelay $0x1  }
0x99: {  	s4 =	simm.s32 $_scs_section_size  }
0x9a: {  	s5 =	simm.s32 $_size__tile_overlayer_lowered;
	s6 =	simm.s32 $_tile_overlayer_lowered  }
0x9b: {  	s22 =	simm.s32 $0x1BFF;
	s21 =	sshll.u32 s6, $0x1;
	s3 =	sadd.s32 s4, s19  }
0x9c: {  	s7 =	simm.s32 $0x0;
	s20 =	sshll.u32 s5, $0x1;
	s5 =	sadd.s32 s21, s3  }
0x9d: {  	[timem:s7], [sflag:s22] =	dma.local [hbm:s5], s20  }
0x9e: {  	_ =	swait.ge [sflag:s22], s20  }
0x9f: {  	s4 =	ssub.s32 $0x0, s20;
	[sflag:s22] =	ssyncset.done $0x0  }
0xa0: {  	[sflag:s22] =	ssyncadd.s32 s4;
	_ =	sdelay $0x1  }
0xa1: {  	s23 =	simm.s32 $0x1B8B  }
0xa2: {  	_ =	swait.ge [sflag:s23], $0x1  }
0xa3: {  	[sflag:s23] =	ssyncset.done $0x0  }
0xa4: {  	s25 =	simm.s32 $0x1B8E;
	s24 =	sld [smem:$0x3FFE];
	[sflag:s23] =	ssyncadd.s32 $0xFFFFFFFF  }
0xa5: {  	s26 =	simm.s32 $execute0_lowered;
	[smem:$0x3FD2] =	sst s25  }
0xa6: {  	s5 =	sshll.u32 s26, $0x1;
	_ =	strace $0x80000046;
	[dreg:$0x1] =	wrdreg $0xFFFFFFFF  }
0xa7: {  	s28 =	simm.s32 $_size_execute0_lowered;
	s3 =	sadd.s32 s3, s5;
	[dreg:$0x0] =	wrdreg $0x0  }
0xa8: {  	s5 =	sshll.u32 s28, $0x1;
	[dreg:$0x2] =	wrdreg s3  }
0xa9: {  	[dreg:$0x3] =	wrdreg s5  }
0xaa: {  	[dreg:$0x4] =	wrdreg $0xC0  }
0xab: {  	_ =	task [dreg:s7], $0x5FFFF  }
0xac: {  	[dreg:$0x1] =	wrdreg $0xFFFFFFFF  }
0xad: {  	[dreg:$0x0] =	wrdreg $0x60  }
0xae: {  	[dreg:$0x2] =	wrdreg s2  }
0xaf: {  	[dreg:$0x3] =	wrdreg s24  }
0xb0: {  	[dreg:$0x4] =	wrdreg $0x74000  }
0xb1: {  	[dreg:$0x5] =	wrdreg $0x9  }
0xb2: {  	_ =	task.clear_ibuf [dreg:s7], $0x6FFFF;
	_ =	strace $0x90000046  }
0xb3: {  	s29 =	simm.s32 $0x9;
	_ =	strace $0x80000048  }
0xb4: {  	_ =	swait.ge [sflag:s29], $0x1  }
0xb5: {  	[sflag:s29] =	ssyncadd.s32 $0xFFFFFFFF  }
0xb6: {  	_ =	strace $0x90000048  }
0xb7: {  	_ =	sfence  }
0xb8: {  	s30 =	sld [smem:$0x0];
	_ =	sdelay $0x2  }
0xb9: {  	s31 =	sshll.u32 s1, $0xD;
	s1 =	sshrl.u32 s1, $0x2  }
0xba: {  	s3 =	sand.u32 $0x4000, s31;
	s1 =	sadd.s32 s1, s30  }
0xbb: {  	s0 =	sor.u32 s3, s0;
	s1 =	sshll.u32 s1, $0x11  }
0xbc: {  	s0 =	sor.u32 s1, s0  }
0xbd: {  	s0 =	sadd.s32 $0x8F2B, s0  }
0xbe: {  	[sflag:s0] =	ssyncadd.remote.s32 $0x1  }
0xbf: {  	_ =	sfence.sel $0xFFFF  }
0xc0: {  	[dreg:$0x0] =	wrdreg $0xFFFFFFFF;
	(pc) =	sbr.abs _section_cstart, $3  }
0xc1: {  	[dreg:$0x1] =	wrdreg $0xFFFFFFFF  }
0xc2: {  	_ =	task.clear_ibuf [dreg:s7], $0x2FFFF;
	_ =	strace $0x9FFFFFFF  }
0xc3: {  	(tm) =	ssettm $0x7FFFFFFF  }
tec
execute0_lowered:
.L_overlay_start_1:
0x0: {  	(tag) =	ssettag $0x1  }
0x1: {  	s1 =	rddreg [dreg:$0x0]  }
0x2: {  	s0 =	rddreg [dreg:$0x1]  }
0x3: {  	s2 =	rddreg [dreg:$0x2];
	s3 =	srdreg.scid;
	s4 =	simm.s32 $0x0  }
0x4: {  	s11 =	stileid.u32;
	s22 =	simm.s32 $0x180;
	s28 =	simm.s32 $0x32  }
0x5: {  	s30 =	simm.s32 $0x2;
	s31 =	simm.s32 $0x2000;
	s10 =	smul.u32 $0x50000, s11  }
0x6: {  	s3 =	sand.u32 $0x1, s3;
	[smem:$0x7FF] =	sst s4;
	s18 =	smul.u32 $0xC8, s11  }
0x7: {  	s7 =	sadd.s32 $0x5600, s0;
	s9 =	sadd.s32 $0x37600, s0;
	s21 =	smul.u32 $0x2800, s11  }
0x8: {  	s5 =	sshll.u32 s3, $0x4;
	s6 =	smul.u32 $0x28000, s3;
	_ =	strace $0x80000047  }
0x9: {  	[dreg:$0x4] =	wrdreg s9;
	s14 =	ssub.s32 $0x2, s3;
	s3 =	smul.u32 $0xC80, s3  }
0xa: {  	s5 =	sor.u32 s11, s5;
	s15 =	sshrl.u32 s14, $0x1;
	s19 =	sshrl.u32 s10, $0x2  }
0xb: {  	s10 =	simm.s32 $0xA;
	s11 =	simm.s32 $0x6;
	s8 =	smul.u32 $0xC80, s5  }
0xc: {  	s5 =	smul.u32 $0x6400, s5;
	s0 =	sadd.s32 s6, s0;
	s6 =	ssub.s32 s14, s15  }
0xd: {  	s3 =	sadd.s32 s18, s3;
	s20 =	sadd.s32 s19, s2;
	s18 =	simm.s32 $0x11  }
0xe: {  	s14 =	simm.s32 $0x4;
	[dreg:$0xb] =	wrdreg s20;
	s3 =	sshll.u32 s3, $0x4  }
0xf: {  	s0 =	sadd.s32 $0x39E00, s0;
	s23 =	smax.u32 s6, $0x1;
	s6 =	simm.s32 $0x5800  }
0x10: {  	s20 =	simm.s32 $0x8;
	s16 =	sadd.s32 s7, s8;
	s5 =	sshrl.u32 s5, $0x3  }
0x11: {  	s13 =	sadd.s32 s3, s7;
	[dreg:$0xc] =	wrdreg s23;
	s0 =	sadd.s32 s21, s0  }
0x12: {  	s3 =	simm.s32 $0x9;
	s21 =	simm.s32 $0xE;
	[dreg:$0x5] =	wrdreg s16  }
0x13: {  	s23 =	simm.s32 $0xF;
	s8 =	sadd.s32 $0x10, s16;
	[dreg:$0x11] =	wrdreg s0  }
0x14: {  	s17 =	sadd.s32 $0x20, s16;
	s12 =	sadd.s32 $0x30, s16;
	[dreg:$0x6] =	wrdreg s8  }
0x15: {  	s9 =	sadd.s32 $0x19000, s16;
	s5 =	sadd.s32 s7, s5;
	[dreg:$0x7] =	wrdreg s17  }
0x16: {  	s24 =	sadd.s32 $0x19000, s13;
	s25 =	sadd.s32 $0x19040, s13;
	[dreg:$0x8] =	wrdreg s12  }
0x17: {  	s26 =	sadd.s32 $0x60, s13;
	s29 =	sadd.s32 $0x19020, s13;
	[dreg:$0x9] =	wrdreg s9  }
0x18: {  	s19 =	sadd.s32 $0x40, s13;
	s7 =	simm.s32 $0x300;
	[dreg:$0xd] =	wrdreg s24  }
.Ltmp0:
0x19: {  	s0 =	simm.s32 $0xC;
	[dreg:$0xe] =	wrdreg s25;
	(pc) =	sbr.rel .LBB2_1-.Ltmp0, $4  }
0x1a: {  	s16 =	simm.s32 $0x0;
	s5 =	sadd.s32 $0x19010, s5;
	[dreg:$0xf] =	wrdreg s26  }
0x1b: {  	[dreg:$0x10] =	wrdreg s29;
	s25 =	simm.s32 $0x280;
	s8 =	simm.s32 $0x3  }
0x1c: {  	s9 =	simm.s32 $0x3C00;
	s12 =	simm.s32 $0x380;
	s24 =	simm.s32 $0xB  }
0x1d: {  	s26 =	simm.s32 $0x7;
	[dreg:$0xa] =	wrdreg s5;
	s5 =	simm.s32 $0x5  }
.LBB2_7:
0x1e: {  	_ =	swait.ge [sflag:s21], $0x1900  }
0x1f: {  	[sflag:s21] =	ssyncset.done $0x0  }
0x20: {  	[sflag:s21] =	ssyncadd.s32 $0xFFFFE700  }
0x21: {  	_ =	swait.ge [sflag:s23], $0x1900  }
0x22: {  	[sflag:s23] =	ssyncset.done $0x0  }
0x23: {  	s15 =	simm.s32 $0x10;
	[sflag:s23] =	ssyncadd.s32 $0xFFFFE700  }
0x24: {  	_ =	swait.ge [sflag:s15], $0x1900  }
0x25: {  	[sflag:s15] =	ssyncset.done $0x0  }
0x26: {  	[sflag:s15] =	ssyncadd.s32 $0xFFFFE700  }
0x27: {  	[bflag:$0x0] =	sbarrier.arrive $0xFFFF  }
0x28: {  	s29 =	rddreg [dreg:$0x11]  }
0x29: {  	s16 =	rddreg [dreg:$0x13]  }
0x2a: {  	s18 =	simm.s32 $0x11;
	s17 =	rddreg [dreg:$0x14]  }
0x2b: {  	[hbm:s29], [sflag:s16] =	dma.local [spmem:s17], $0x2800  }
0x2c: {  	_ =	swait.ge [sflag:s18], $0x2800  }
0x2d: {  	s17 =	rddreg [dreg:$0x12]  }
0x2e: {  	s29 =	rddreg [dreg:$0xc];
	s16 =	sadd.s32 $0x1, s17  }
0x2f: {  	p0 =	sne.s32 s16, s29  }
.Ltmp1:
0x30: {  	_ = 	snop;
	(pc) =	sbr.rel @!p0 .LBB2_8-.Ltmp1, $3  }
0x31: {  	_ =	sdelay $0x1  }
0x32: {  	[sflag:s18] =	ssyncset.done $0x0  }
0x33: {  	[sflag:s18] =	ssyncadd.s32 $0xFFFFD800  }
.LBB2_1:
0x34: {  	[dreg:$0x12] =	wrdreg s16  }
0x35: {  	s15 =	rddreg [dreg:$0x5]  }
0x36: {  	[tilespmem:s4], [sflag:$0x1] =	stream.linear.gather [hbm4b:s15+s4], $0x80, $0x38;
	[tilespmem:$0x1B400] =	vst v63  }
0x37: {  	s17 =	rddreg [dreg:$0x6];
	s16 =	simm.s32 $0x80  }
0x38: {  	[tilespmem:s16], [sflag:$0x2] =	stream.linear.gather [hbm4b:s17+s4], $0x80, $0x38;
	[tilespmem:$0x1B400] =	vst v63  }
0x39: {  	s15 =	rddreg [dreg:$0x7];
	s17 =	simm.s32 $0x100  }
0x3a: {  	[tilespmem:s17], [sflag:$0x3] =	stream.linear.gather [hbm4b:s15+s4], $0x80, $0x38;
	[tilespmem:$0x1B400] =	vst v63  }
0x3b: {  	s17 =	rddreg [dreg:$0x8]  }
0x3c: {  	[tilespmem:s22], [sflag:$0x4] =	stream.linear.gather [hbm4b:s17+s4], $0x80, $0x38;
	[tilespmem:$0x1B400] =	vst v63  }
0x3d: {  	s15 =	rddreg [dreg:$0x9];
	s17 =	simm.s32 $0x200  }
0x3e: {  	[tilespmem:s17], [sflag:$0x5] =	stream.linear.gather [hbm4b:s15+s4], $0x80, $0x38;
	[tilespmem:$0x1B400] =	vst v63  }
0x3f: {  	s17 =	rddreg [dreg:$0xa]  }
0x40: {  	[tilespmem:s25], [sflag:$0x6] =	stream.linear.gather [hbm4b:s17+s4], $0x80, $0x38;
	[tilespmem:$0x1B400] =	vst v63  }
0x41: {  	s17 =	simm.s32 $0x1  }
0x42: {  	_ =	swait.ge [sflag:s17], $0x80  }
0x43: {  	[sflag:s17] =	ssyncset.done $0x0  }
0x44: {  	[sflag:s17] =	ssyncadd.s32 $0xFFFFFF80;
	s17 =	simm.s32 $0x400  }
0x45: {  	[tilespmem:s17], [sflag:$0x9] =	stream.indirect.gather [hbm4b:s1+s28], $0x80, s4, s28, $0xb8;
	[tilespmem:$0x1B400] =	vst v63  }
0x46: {  	_ =	swait.ge [sflag:s30], $0x80  }
0x47: {  	[sflag:s30] =	ssyncset.done $0x0  }
0x48: {  	s17 =	rddreg [dreg:$0xb];
	[sflag:s30] =	ssyncadd.s32 $0xFFFFFF80  }
0x49: {  	[tilespmem:s31], [sflag:$0xA] =	stream.indirect.gather [hbm4b:s1+s28], $0x80, s16, s28, $0xb8;
	[tilespmem:$0x1B400] =	vst v63  }
0x4a: {  	s17 =	sshrl.u32 s17, $0x3;
	s16 =	stileid.u32  }
0x4b: {  	[dreg:$0x14] =	wrdreg s17;
	s15 =	sshll.u32 s16, $0x6  }
0x4c: {  	s16 =	sor.u32 $0x1C11, s15;
	s15 =	rddreg [dreg:$0x4]  }
0x4d: {  	[dreg:$0x13] =	wrdreg s16  }
0x4e: {  	[spmem:s17], [sflag:s16] =	dma.local [hbm:s15], $0x2800  }
0x4f: {  	_ =	swait.ge [sflag:s18], $0x2800  }
0x50: {  	[sflag:s18] =	ssyncset.done $0x0  }
0x51: {  	[sflag:s18] =	ssyncadd.s32 $0xFFFFD800  }
0x52: {  	s29 =	simm.s32 $0x0;
	[bflag:$0x0] =	sbarrier.arrive $0xFFFF  }
.LBB2_2:
0x53: {  	_ =	swait.ge [sflag:s3], $0x1900  }
0x54: {  	p0 =	seq.s32 s29, $0xC40;
	[sflag:s3] =	ssyncset.done $0x0  }
0x55: {  	p1 =	seq.s32 @!p0 s29, $0x0;
	[sflag:s3] =	ssyncadd.s32 $0xFFFFE700  }
0x56: {  	p1 =	por p0, !p1;
	_ =	swait.ge [sflag:s5], $0x80  }
.Ltmp2:
0x57: {  	[sflag:s5] =	ssyncset.done $0x0;
	(pc) =	sbr.rel @!p1 .LBB2_3-.Ltmp2, $4  }
0x58: {  	s15 =	simm.s32 $0x200;
	s16 =	simm.s32 $0x400;
	[sflag:s5] =	ssyncadd.s32 $0xFFFFFF80  }
0x59: {  	[spmem:s2] =	stream.indirect.scatter.add.f32 [tilespmem:s16], [sflag:$0xD], $0x80, s15, s28, $0xb8;
	[tilespmem:$0x1B400] =	vst v63  }
0x5a: {  	s16 =	sadd.s32 @!p0 s29, s19;
	s15 =	simm.s32 @!p0 $0x0  }
0x5b: {  	[tilespmem:s15], [sflag:$0x1] =	stream.linear.gather @!p0 [hbm4b:s16+s15], $0x80, $0x38;
	[tilespmem:$0x1B400] =	vst v63  }
.Ltmp3:
0x5c: {  	(pc) =	sbr.rel .LBB2_5-.Ltmp3, $4  }
0x5d: {  	_ = 	snop  }
0x5e: {  	_ =	swait.ge [sflag:s23], $0x1900  }
0x5f: {  	[sflag:s23] =	ssyncset.done $0x0  }
0x60: {  	p1 =	por $0x0, $0x0;
	[sflag:s23] =	ssyncadd.s32 $0xFFFFE700  }
.LBB2_3:
0x61: {  	p1 =	por @!p0 $0x1, $0x1  }
.LBB2_5:
0x62: {  	s16 =	rddreg [dreg:$0x10]  }
0x63: {  	s16 =	sadd.s32 s29, s16  }
0x64: {  	[tilespmem:s7], [sflag:$0x7] =	stream.linear.gather [hbm4b:s16+s4], $0x80, $0x38;
	[tilespmem:$0x1B400] =	vst v63  }
0x65: {  	_ =	swait.ge [sflag:s8], $0x80  }
0x66: {  	[sflag:s8] =	ssyncset.done $0x0  }
0x67: {  	s17 =	simm.s32 $0x100;
	[sflag:s8] =	ssyncadd.s32 $0xFFFFFF80  }
0x68: {  	[tilespmem:s9], [sflag:$0xB] =	stream.indirect.gather [hbm4b:s1+s28], $0x80, s17, s28, $0xb8;
	[tilespmem:$0x1B400] =	vst v63  }
0x69: {  	_ =	swait.ge [sflag:s10], $0x1900  }
0x6a: {  	[sflag:s10] =	ssyncset.done $0x0  }
0x6b: {  	[sflag:s10] =	ssyncadd.s32 $0xFFFFE700  }
0x6c: {  	_ =	swait.ge [sflag:s11], $0x80  }
0x6d: {  	[sflag:s11] =	ssyncset.done $0x0  }
0x6e: {  	s16 =	sadd.s32 @!p0 s29, s13;
	[sflag:s11] =	ssyncadd.s32 $0xFFFFFF80  }
0x6f: {  	[spmem:s2] =	stream.indirect.scatter.add.f32 [tilespmem:s31], [sflag:$0xE], $0x80, s25, s28, $0xb8;
	[tilespmem:$0x1B400] =	vst v63  }
0x70: {  	s16 =	sadd.s32 @!p0 $0x50, s16;
	s17 =	simm.s32 @!p0 $0x80  }
0x71: {  	[tilespmem:s17], [sflag:$0x2] =	stream.linear.gather @!p0 [hbm4b:s16+s15], $0x80, $0x38;
	[tilespmem:$0x1B400] =	vst v63  }
0x72: {  	s17 =	simm.s32 @!p1 $0x10  }
0x73: {  	_ =	swait.ge @!p1 [sflag:s17], $0x1900  }
0x74: {  	s18 =	rddreg [dreg:$0xd]  }
0x75: {  	[sflag:s17] =	ssyncset.done @!p1 $0x0;
	s16 =	sadd.s32 s29, s18  }
0x76: {  	[sflag:s17] =	ssyncadd.s32 @!p1 $0xFFFFE700;
	s18 =	sadd.s32 $0x30, s16  }
0x77: {  	[tilespmem:s12], [sflag:$0x8] =	stream.linear.gather [hbm4b:s18+s4], $0x80, $0x38;
	[tilespmem:$0x1B400] =	vst v63  }
0x78: {  	_ =	swait.ge [sflag:s14], $0x80  }
0x79: {  	[sflag:s14] =	ssyncset.done $0x0  }
0x7a: {  	[sflag:s14] =	ssyncadd.s32 $0xFFFFFF80  }
0x7b: {  	[tilespmem:s6], [sflag:$0xC] =	stream.indirect.gather [hbm4b:s1+s28], $0x80, s22, s28, $0xb8;
	[tilespmem:$0x1B400] =	vst v63  }
0x7c: {  	_ =	swait.ge [sflag:s24], $0x1900  }
0x7d: {  	[sflag:s24] =	ssyncset.done $0x0  }
0x7e: {  	[sflag:s24] =	ssyncadd.s32 $0xFFFFE700  }
0x7f: {  	_ =	swait.ge [sflag:s26], $0x80  }
0x80: {  	[sflag:s26] =	ssyncset.done $0x0  }
0x81: {  	s17 =	simm.s32 @p0 $0xD;
	[sflag:s26] =	ssyncadd.s32 $0xFFFFFF80  }
0x82: {  	[spmem:s2] =	stream.indirect.scatter.add.f32 [tilespmem:s9], [sflag:$0xF], $0x80, s7, s28, $0xb8;
	[tilespmem:$0x1B400] =	vst v63  }
0x83: {  	_ =	swait.ge @p0 [sflag:s17], $0x1900  }
0x84: {  	[sflag:s17] =	ssyncset.done @p0 $0x0  }
0x85: {  	[sflag:s17] =	ssyncadd.s32 @p0 $0xFFFFE700;
	s17 =	rddreg [dreg:$0xf]  }
0x86: {  	s18 =	simm.s32 @!p0 $0x100;
	s17 =	sadd.s32 @!p0 s29, s17  }
0x87: {  	[tilespmem:s18], [sflag:$0x3] =	stream.linear.gather @!p0 [hbm4b:s17+s15], $0x80, $0x38;
	[tilespmem:$0x1B400] =	vst v63  }
0x88: {  	s17 =	simm.s32 @!p0 $0xD  }
0x89: {  	_ =	swait.ge @!p0 [sflag:s17], $0x1900  }
0x8a: {  	[sflag:s17] =	ssyncset.done @!p0 $0x0  }
0x8b: {  	[sflag:s17] =	ssyncadd.s32 @!p0 $0xFFFFE700;
	s17 =	rddreg [dreg:$0xe]  }
0x8c: {  	s18 =	simm.s32 @!p0 $0x200;
	s17 =	sadd.s32 @!p0 s29, s17  }
0x8d: {  	[tilespmem:s18], [sflag:$0x5] =	stream.linear.gather @!p0 [hbm4b:s17+s15], $0x80, $0x38;
	[tilespmem:$0x1B400] =	vst v63  }
0x8e: {  	s17 =	simm.s32 @!p0 $0x1  }
0x8f: {  	_ =	swait.ge @!p0 [sflag:s17], $0x80  }
0x90: {  	[sflag:s17] =	ssyncset.done @!p0 $0x0  }
0x91: {  	s18 =	simm.s32 @!p0 $0x400;
	[sflag:s17] =	ssyncadd.s32 @!p0 $0xFFFFFF80;
	s17 =	simm.s32 @!p0 $0x32  }
0x92: {  	[tilespmem:s18], [sflag:$0x9] =	stream.indirect.gather @!p0 [hbm4b:s1+s17], $0x80, s15, s17, $0xb8;
	[tilespmem:$0x1B400] =	vst v63  }
0x93: {  	_ =	swait.ge [sflag:s0], $0x1900  }
0x94: {  	[sflag:s0] =	ssyncset.done $0x0  }
.Ltmp4:
0x95: {  	[sflag:s0] =	ssyncadd.s32 $0xFFFFE700;
	(pc) =	sbr.rel @p0 .LBB2_7-.Ltmp4, $4  }
0x96: {  	_ =	swait.ge [sflag:s20], $0x80  }
0x97: {  	[sflag:s20] =	ssyncset.done $0x0  }
0x98: {  	[sflag:s20] =	ssyncadd.s32 $0xFFFFFF80  }
0x99: {  	[spmem:s2] =	stream.indirect.scatter.add.f32 [tilespmem:s6], [sflag:$0x10], $0x80, s12, s28, $0xb8;
	[tilespmem:$0x1B400] =	vst v63  }
0x9a: {  	s15 =	sadd.s32 s29, s13  }
0x9b: {  	s15 =	sadd.s32 $0x70, s15  }
0x9c: {  	[tilespmem:s22], [sflag:$0x4] =	stream.linear.gather [hbm4b:s15+s4], $0x80, $0x38;
	[tilespmem:$0x1B400] =	vst v63  }
0x9d: {  	_ =	swait.ge [sflag:s21], $0x1900  }
0x9e: {  	[sflag:s21] =	ssyncset.done $0x0  }
0x9f: {  	s17 =	sadd.s32 $0x50, s16;
	[sflag:s21] =	ssyncadd.s32 $0xFFFFE700  }
0xa0: {  	[tilespmem:s25], [sflag:$0x6] =	stream.linear.gather [hbm4b:s17+s4], $0x80, $0x38;
	[tilespmem:$0x1B400] =	vst v63  }
.Ltmp5:
0xa1: {  	_ = 	snop;
	(pc) =	sbr.rel .LBB2_2-.Ltmp5, $4  }
0xa2: {  	_ =	swait.ge [sflag:s30], $0x80  }
0xa3: {  	[sflag:s30] =	ssyncset.done $0x0  }
0xa4: {  	s18 =	simm.s32 $0x80;
	s29 =	sadd.s32 $0x40, s29;
	[sflag:s30] =	ssyncadd.s32 $0xFFFFFF80  }
0xa5: {  	[tilespmem:s31], [sflag:$0xA] =	stream.indirect.gather [hbm4b:s1+s28], $0x80, s18, s28, $0xb8;
	[tilespmem:$0x1B400] =	vst v63  }
.LBB2_8:
0xa6: {  	_ =	sfence.sel $0x180000  }
0xa7: {  	[bflag:$0x0] =	sbarrier.arrive $0xFFFF  }
0xa8: {  	_ =	strace $0x90000047  }
0xa9: {  	s0 =	stileid.u32;
	[bflag:$0x2] =	sbarrier.arrive $0xFFFF  }
0xaa: {  	p0 =	sne.s32 s0, $0x0;
	s0 =	rddreg [dreg:$0x3]  }
0xab: {  	s0 =	sadd.s32 @!p0 $0x100000, s0  }
0xac: {  	[sflag:s0] =	ssyncadd.tile.s32 @!p0 $0x1;
	_ =	shalt  }
.Lfunc_end2:
_tile_overlayer_lowered:
.L_overlay_start_2:
0xad: {  	(tag) =	ssettag $0x2  }
0xae: {  	s0 =	rddreg [dreg:$0x0];
	s2 =	stileid.u32  }
0xaf: {  	s1 =	rddreg [dreg:$0x1];
	p0 =	sne.s32 s2, $0x0  }
0xb0: {  	s3 =	rddreg [dreg:$0x2];
	[bflag:$0x3] =	sbarrier.arrive $0xFFFF;
	s2 =	simm.s32 @!p0 $0x1C11  }
0xb1: {  	[timem:s3], [sflag:s2] =	dma.local @!p0 [hbm:s0], s1  }
0xb2: {  	s0 =	simm.s32 @!p0 $0x11  }
0xb3: {  	_ =	swait.ge @!p0 [sflag:s0], s1  }
0xb4: {  	s1 =	ssub.s32 @!p0 $0x0, s1;
	[sflag:s0] =	ssyncset.done @!p0 $0x0  }
0xb5: {  	[sflag:s0] =	ssyncadd.s32 @!p0 s1  }
0xb6: {  	[bflag:$0x3] =	sbarrier.arrive $0xFFFF  }
0xb7: {  	_ =	shalt  }

</sc_bundles>
